<compile_context>
chip_gen: v7x
topology: tpu7x:2x2x1
jax: 0.10.2.dev20260603
libtpu: 0.0.44.dev20260713+nightly
codegen_flags: <defaults>
</compile_context>

<pallas_src>
import functools

import jax
import jax.numpy as jnp
from jax import lax
from jax.experimental import pallas as pl
from jax.experimental.pallas import tpu as pltpu
from jax.experimental.pallas import tpu_sc as plsc

N = 10000
E = 320000
D = 128
H = D // 2
NC = 2
NS = 16
L = 16
K = 48
EPT = E // NS
CHUNKS = 416
HALF = CHUNKS // 2
TK = EPT - CHUNKS * K
ROWS_PT = 624
TAIL_ROWS = N - NS * ROWS_PT



def _xmm_body(x_ref, w_ref, b_ref, ax_ref, db_ref, ex_ref):
    xz = jnp.dot(x_ref[...], w_ref[...], preferred_element_type=jnp.float32)
    xz = xz + b_ref[...]
    ax_ref[...] = xz[:, 0 * D:1 * D]
    db_ref[0:N] = jnp.concatenate(
        [-xz[:, 2 * D:2 * D + H], xz[:, 1 * D:1 * D + H]], axis=1)
    db_ref[N:2 * N] = jnp.concatenate(
        [-xz[:, 2 * D + H:3 * D], xz[:, 1 * D + H:2 * D]], axis=1)
    ex_ref[...] = -xz[:, 3 * D:4 * D]


def _x_matmuls(x, W, b):
    return pl.pallas_call(
        _xmm_body,
        out_shape=(
            jax.ShapeDtypeStruct((N, D), jnp.float32),
            jax.ShapeDtypeStruct((2 * N, D), jnp.float32),
            jax.ShapeDtypeStruct((N, D), jnp.float32),
        ),
    )(x, W, b)



def _ce_body(e_ref, w_ref, b_ref, out_ref):
    ce = jnp.dot(e_ref[...], w_ref[...], preferred_element_type=jnp.float32)
    ce = -(ce + b_ref[...])
    out_ref[0] = ce[:, :H]
    out_ref[1] = ce[:, H:]


def _ce_matmul(e, W_C, b_C):
    BLK = 8000
    return pl.pallas_call(
        _ce_body,
        grid=(E // BLK,),
        in_specs=[
            pl.BlockSpec((BLK, D), lambda i: (i, 0)),
            pl.BlockSpec((D, D), lambda i: (0, 0)),
            pl.BlockSpec((1, D), lambda i: (0, 0)),
        ],
        out_specs=pl.BlockSpec((2, BLK, H), lambda i: (0, i, 0)),
        out_shape=jax.ShapeDtypeStruct((2, E, H), jnp.float32),
    )(e, W_C, b_C)



def _sc_body(db_tab, ex_tab, ce_st, src, dst,
             o_sigma, o_acc, o_ssq,
             srcv0, srcv1, dstv0, dstv1, dsts0, dsts1, dstt,
             gdb0, gdb1, gex0, gex1, cs0, cs1, ms0, ms1, ssqb,
             acc_sh,
             gd0, gd1, ge0, ge1, gc0, gc1, is0, is1, sg0, sg1, st0, st1):
    c = lax.axis_index("c")
    s = lax.axis_index("s")
    row0 = s * ROWS_PT
    coff = c * N
    tb = s * EPT
    cH = c * H

    srcv = (srcv0, srcv1)
    dstv = (dstv0, dstv1)
    dsts = (dsts0, dsts1)
    gdb = (gdb0, gdb1)
    gex = (gex0, gex1)
    cs = (cs0, cs1)
    ms = (ms0, ms1)
    gsd = (gd0, gd1)
    gse = (ge0, ge1)
    gsc = (gc0, gc1)
    isem = (is0, is1)
    sig = (sg0, sg1)
    sct = (st0, st1)

    zero = jnp.zeros((L,), jnp.float32)
    nfull = ROWS_PT // K
    rem = ROWS_PT - nfull * K
    for j in range(H // L):
        ssqb[pl.ds(j * L, L)] = zero

    def zrow(r, _):
        for j in range(D // L):
            gdb0[r, pl.ds(j * L, L)] = zero
        return 0

    lax.fori_loop(0, K, zrow, 0)
    for i in range(nfull):
        pltpu.sync_copy(gdb0, acc_sh.at[pl.ds(row0 + i * K, K)])
    if rem:
        pltpu.sync_copy(gdb0.at[pl.ds(0, rem)],
                        acc_sh.at[pl.ds(row0 + nfull * K, rem)])

    @pl.when(s == 0)
    def _zero_tail():
        pltpu.sync_copy(gdb0.at[pl.ds(0, TAIL_ROWS)],
                        acc_sh.at[pl.ds(NS * ROWS_PT, TAIL_ROWS)])

    plsc.subcore_barrier()

    def adjust(ref, n):
        for j in range(n // L):
            sl = pl.ds(j * L, L)
            ref[sl] = ref[sl] + coff

    def issue_idx(b, ch):
        base = tb + ch * K
        pltpu.async_copy(src.at[pl.ds(base, K)], srcv[b], isem[b])
        pltpu.async_copy(dst.at[pl.ds(base, K)], dstv[b], isem[b])

    def wait_idx(b):
        pltpu.make_async_copy(src.at[pl.ds(0, K)], srcv[b], isem[b]).wait()
        pltpu.make_async_copy(dst.at[pl.ds(0, K)], dstv[b], isem[b]).wait()

    def issue_gathers(b, ch):
        base = tb + ch * K
        adjust(srcv[b], K)
        pltpu.async_copy(db_tab.at[srcv[b]], gdb[b], gsd[b])
        pltpu.async_copy(ex_tab.at[dstv[b]], gex[b], gse[b])
        pltpu.async_copy(ce_st.at[c, pl.ds(base, K)], cs[b], gsc[b])

    def wait_gathers(b):
        pltpu.make_async_copy(db_tab.at[srcv[b]], gdb[b], gsd[b]).wait()
        pltpu.make_async_copy(ex_tab.at[dstv[b]], gex[b], gse[b]).wait()
        pltpu.make_async_copy(ce_st.at[c, pl.ds(0, K)], cs[b], gsc[b]).wait()

    def snap_idx(b):
        for j in range(K // L):
            sl = pl.ds(j * L, L)
            dsts[b][sl] = dstv[b][sl]

    def issue_writes(b, ch):
        base = tb + ch * K
        pltpu.async_copy(cs[b], o_sigma.at[c, pl.ds(base, K)], sig[b])
        pltpu.async_copy(ms[b], acc_sh.at[dsts[b]], sct[b], add=True)

    def wait_sig(b):
        pltpu.make_async_copy(cs[b], o_sigma.at[c, pl.ds(0, K)],
                              sig[b]).wait()

    def wait_sct(b):
        pltpu.make_async_copy(ms[b], acc_sh.at[dsts[b]], sct[b]).wait()

    def compute(gdbx, gexx, csx, msx, nrows):
        def row_body(r, carry):
            xs = []
            for j in range(H // L):
                sl = pl.ds(j * L, L)
                xs.append(gdbx[r, sl] + gexx[r, pl.ds(cH + j * L, L)]
                          + csx[r, sl])
            es = [jnp.exp(x) for x in xs]
            svs = [1.0 / (1.0 + e) for e in es]
            for j in range(H // L):
                sl = pl.ds(j * L, L)
                sv = svs[j]
                bv = gdbx[r, pl.ds(H + j * L, L)]
                csx[r, sl] = sv
                msx[r, sl] = sv * bv
                msx[r, pl.ds(H + j * L, L)] = sv
                plsc.addupdate(ssqb.at[sl], sv * sv)
            return carry

        return lax.fori_loop(0, nrows, row_body, 0)

    pltpu.sync_copy(src.at[pl.ds(tb, K)], srcv0)
    pltpu.sync_copy(dst.at[pl.ds(tb, K)], dstv0)
    issue_gathers(0, 0)
    issue_idx(1, 1)

    def pair_body(i, ssq):
        for b in (0, 1):
            ch = 2 * i + b
            o = 1 - b
            if b == 0:
                wait_idx(o)

                @pl.when(i >= 1)
                def _wr():
                    wait_sig(o)

                issue_gathers(o, ch + 1)
            else:
                @pl.when(i < HALF - 1)
                def _pf():
                    wait_idx(o)
                    wait_sig(o)
                    issue_gathers(o, ch + 1)

            wait_gathers(b)
            snap_idx(b)

            @pl.when(i < HALF - 1)
            def _rf():
                issue_idx(b, ch + 2)

            @pl.when(i >= 1)
            def _ws():
                wait_sct(b)

            compute(gdb[b], gex[b], cs[b], ms[b], K)
            issue_writes(b, ch)
        return ssq

    lax.fori_loop(0, HALF, pair_body, 0)
    wait_sig(0)
    wait_sig(1)
    wait_sct(0)
    wait_sct(1)

    tbase = tb + CHUNKS * K
    pltpu.sync_copy(src.at[pl.ds(tbase, TK)], srcv0.at[pl.ds(0, TK)])
    pltpu.sync_copy(dst.at[pl.ds(tbase, TK)], dstt)
    for j in range(TK // L):
        sl = pl.ds(j * L, L)
        srcv0[sl] = srcv0[sl] + coff
    pltpu.async_copy(db_tab.at[srcv0.at[pl.ds(0, TK)]],
                     gdb0.at[pl.ds(0, TK)], gd0).wait()
    pltpu.async_copy(ex_tab.at[dstt], gex0.at[pl.ds(0, TK)], ge0).wait()
    pltpu.async_copy(ce_st.at[c, pl.ds(tbase, TK)],
                     cs0.at[pl.ds(0, TK)], gc0).wait()
    compute(gdb0, gex0, cs0, ms0, TK)
    pltpu.sync_copy(cs0.at[pl.ds(0, TK)], o_sigma.at[c, pl.ds(tbase, TK)])
    pltpu.async_copy(ms0.at[pl.ds(0, TK)], acc_sh.at[dstt],
                     st0, add=True).wait()

    plsc.subcore_barrier()

    for i in range(nfull):
        rr = row0 + i * K
        pltpu.sync_copy(acc_sh.at[pl.ds(rr, K)], gdb0)
        pltpu.sync_copy(gdb0, o_acc.at[c, pl.ds(rr, K)])
    if rem:
        rr2 = row0 + nfull * K
        pltpu.sync_copy(acc_sh.at[pl.ds(rr2, rem)], gdb0.at[pl.ds(0, rem)])
        pltpu.sync_copy(gdb0.at[pl.ds(0, rem)],
                        o_acc.at[c, pl.ds(rr2, rem)])

    @pl.when(s == 0)
    def _dump_tail():
        tl = gdb1.at[pl.ds(0, TAIL_ROWS)]
        pltpu.sync_copy(acc_sh.at[pl.ds(NS * ROWS_PT, TAIL_ROWS)], tl)
        pltpu.sync_copy(tl, o_acc.at[c, pl.ds(NS * ROWS_PT, TAIL_ROWS)])

    pltpu.sync_copy(ssqb, o_ssq.at[pl.ds((c * NS + s) * H, H)])


def _sc_edge(db_tab, ex_tab, ce_st, src, dst):
    fn = pl.kernel(
        _sc_body,
        out_type=(
            jax.ShapeDtypeStruct((2, E, H), jnp.float32),
            jax.ShapeDtypeStruct((2, N, D), jnp.float32),
            jax.ShapeDtypeStruct((2 * NS * H,), jnp.float32),
        ),
        mesh=plsc.VectorSubcoreMesh(core_axis_name="c", subcore_axis_name="s"),
        scratch_types=[
            pltpu.VMEM((K,), jnp.int32),
            pltpu.VMEM((K,), jnp.int32),
            pltpu.VMEM((K,), jnp.int32),
            pltpu.VMEM((K,), jnp.int32),
            pltpu.VMEM((K,), jnp.int32),
            pltpu.VMEM((K,), jnp.int32),
            pltpu.VMEM((TK,), jnp.int32),
            pltpu.VMEM((K, D), jnp.float32),
            pltpu.VMEM((K, D), jnp.float32),
            pltpu.VMEM((K, D), jnp.float32),
            pltpu.VMEM((K, D), jnp.float32),
            pltpu.VMEM((K, H), jnp.float32),
            pltpu.VMEM((K, H), jnp.float32),
            pltpu.VMEM((K, D), jnp.float32),
            pltpu.VMEM((K, D), jnp.float32),
            pltpu.VMEM((H,), jnp.float32),
            pltpu.VMEM_SHARED((N, D), jnp.float32),
        ] + [pltpu.SemaphoreType.DMA] * 12,
    )
    return fn(db_tab, ex_tab, ce_st, src, dst)



def _xfin_body(x_ref, ax_ref, acc_ref, ssq_ref, gx_ref, bx_ref,
               ge_ref, be_ref, xout_ref, scale_ref, shift_ref):
    num = jnp.concatenate([acc_ref[0, :, :H], acc_ref[1, :, :H]], axis=-1)
    den = jnp.concatenate([acc_ref[0, :, H:], acc_ref[1, :, H:]], axis=-1)
    x_new = ax_ref[...] + num / (den + 1e-6)
    mean = jnp.mean(x_new, axis=0, keepdims=True)
    var = jnp.mean((x_new - mean) ** 2, axis=0, keepdims=True)
    xn = (x_new - mean) / jnp.sqrt(var + 1e-5) * gx_ref[...] + bx_ref[...]
    xout_ref[...] = x_ref[...] + jnp.maximum(xn, 0.0)

    ssum = jnp.sum(den, axis=0, keepdims=True)
    ssq = jnp.concatenate([jnp.sum(ssq_ref[0], axis=0, keepdims=True),
                           jnp.sum(ssq_ref[1], axis=0, keepdims=True)],
                          axis=-1)
    mean_e = ssum / E
    var_e = ssq / E - mean_e * mean_e
    scale = ge_ref[...] / jnp.sqrt(var_e + 1e-5)
    scale_ref[...] = scale
    shift_ref[...] = be_ref[...] - mean_e * scale


def _x_finalize(x, ax, acc, ssq, gx, bx, ge, be):
    return pl.pallas_call(
        _xfin_body,
        out_shape=(
            jax.ShapeDtypeStruct((N, D), jnp.float32),
            jax.ShapeDtypeStruct((1, D), jnp.float32),
            jax.ShapeDtypeStruct((1, D), jnp.float32),
        ),
    )(x, ax, acc, ssq, gx, bx, ge, be)



def _efin_body(sg_ref, e_ref, scale_ref, shift_ref, out_ref):
    sg = jnp.concatenate([sg_ref[0], sg_ref[1]], axis=-1)
    v = sg * scale_ref[...] + shift_ref[...]
    out_ref[...] = e_ref[...] + jnp.maximum(v, 0.0)


def _e_finalize(sigma, e, scale, shift):
    BLK = 8000
    return pl.pallas_call(
        _efin_body,
        grid=(E // BLK,),
        in_specs=[
            pl.BlockSpec((2, BLK, H), lambda i: (0, i, 0)),
            pl.BlockSpec((BLK, D), lambda i: (i, 0)),
            pl.BlockSpec((1, D), lambda i: (0, 0)),
            pl.BlockSpec((1, D), lambda i: (0, 0)),
        ],
        out_specs=pl.BlockSpec((BLK, D), lambda i: (i, 0)),
        out_shape=jax.ShapeDtypeStruct((E, D), jnp.float32),
    )(sigma, e, scale, shift)



def kernel(x, e, edge_index, W_A, b_A, W_B, b_B, W_C, b_C, W_D, b_D,
           W_E, b_E, gamma_x, beta_x, gamma_e, beta_e):
    W_abde = jnp.concatenate([W_A, W_B, W_D, W_E], axis=1)
    b_abde = jnp.concatenate([b_A, b_B, b_D, b_E])[None, :]
    ax, db_tab, ex_tab = _x_matmuls(x, W_abde, b_abde)
    ce_st = _ce_matmul(e, W_C, b_C[None, :])

    sigma, acc, ssq = _sc_edge(db_tab, ex_tab, ce_st,
                               edge_index[0], edge_index[1])

    x_out, scale, shift = _x_finalize(
        x, ax, acc, ssq.reshape(2, NS, H),
        gamma_x[None, :], beta_x[None, :], gamma_e[None, :], beta_e[None, :])
    e_out = _e_finalize(sigma, e, scale, shift)
    return (x_out, e_out)

# --- scband reference (transcript-rebuilt; emitter-appended) ---
"""Pipeline reference for scband-gated-gcnlayer-23759759082192 (READ-ONLY COPY).

The authoritative reference and input builder live on the scoring server;
editing this copy changes nothing except your own understanding.
"""

import jax, jax.numpy as jnp
import numpy as np

N = 10000
E = 320000
D = 128


def _lin_init(key, din, dout):
    k1, k2 = jax.random.split(key)
    lim = 1.0 / np.sqrt(din)
    W = jax.random.uniform(k1, (din, dout), jnp.float32, -lim, lim)
    b = jax.random.uniform(k2, (dout,), jnp.float32, -lim, lim)
    return W, b


def setup_inputs(seed: int = 0) -> dict:
    key = jax.random.key(seed)
    ks = jax.random.split(key, 8)
    x = jax.random.normal(ks[0], (N, D), jnp.float32)
    e = jax.random.normal(ks[1], (E, D), jnp.float32)
    edge_index = jax.random.randint(ks[2], (2, E), 0, N, dtype=jnp.int32)
    W_A, b_A = _lin_init(ks[3], D, D)
    W_B, b_B = _lin_init(ks[4], D, D)
    W_C, b_C = _lin_init(ks[5], D, D)
    W_D, b_D = _lin_init(ks[6], D, D)
    W_E, b_E = _lin_init(ks[7], D, D)
    gamma_x = jnp.ones((D,), jnp.float32)
    beta_x = jnp.zeros((D,), jnp.float32)
    gamma_e = jnp.ones((D,), jnp.float32)
    beta_e = jnp.zeros((D,), jnp.float32)
    return {"x": x, "e": e, "edge_index": edge_index,
            "W_A": W_A, "b_A": b_A, "W_B": W_B, "b_B": b_B,
            "W_C": W_C, "b_C": b_C, "W_D": W_D, "b_D": b_D,
            "W_E": W_E, "b_E": b_E,
            "gamma_x": gamma_x, "beta_x": beta_x,
            "gamma_e": gamma_e, "beta_e": beta_e}


def _bn(v, gamma, beta):
    # BatchNorm1d in training mode: biased batch statistics, eps=1e-5
    mean = jnp.mean(v, axis=0)
    var = jnp.var(v, axis=0)
    return (v - mean) / jnp.sqrt(var + 1e-5) * gamma + beta


def reference(x, e, edge_index, W_A, b_A, W_B, b_B, W_C, b_C, W_D, b_D,
              W_E, b_E, gamma_x, beta_x, gamma_e, beta_e):
    src = edge_index[0]
    dst = edge_index[1]
    Ax = x @ W_A + b_A
    Bx = x @ W_B + b_B
    Ce = e @ W_C + b_C
    Dx = x @ W_D + b_D
    Ex = x @ W_E + b_E
    # message: e_ij = Dx[src] + Ex[dst] + Ce; sigma_ij = sigmoid(e_ij)
    e_ij = Dx[src] + Ex[dst] + Ce
    sigma = jax.nn.sigmoid(e_ij)
    # reduce at destination nodes (mailbox aggregation)
    num = jax.ops.segment_sum(sigma * Bx[src], dst, num_segments=N)
    den = jax.ops.segment_sum(sigma, dst, num_segments=N) + 1e-6
    x_new = Ax + num / den
    e_new = sigma
    x_out = jax.nn.relu(_bn(x_new, gamma_x, beta_x))
    e_out = jax.nn.relu(_bn(e_new, gamma_e, beta_e))
    # dropout p=0 is identity; residual=True
    x_out = x + x_out
    e_out = e + e_out
    return (x_out, e_out)

if __name__ == "__main__":
    import jax
    _d = setup_inputs()
    print(jax.jit(kernel)(*tuple(_d.values())))

</pallas_src>

<mosaic_0001>
#map = affine_map<(d0, d1) -> (0, 0)>
#map1 = affine_map<(d0, d1) -> (0, 0, 0)>
#map2 = affine_map<(d0, d1) -> (0)>
module attributes {stable_mosaic.version = 14 : i64} {
  func.func @_sc_body(%arg0: i32, %arg1: i32, %arg2: memref<20000x128xf32, #tpu.memory_space<hbm>>, %arg3: memref<10000x128xf32, #tpu.memory_space<hbm>>, %arg4: memref<2x320000x64xf32, #tpu.memory_space<hbm>>, %arg5: memref<320000xi32, #tpu.memory_space<hbm>>, %arg6: memref<320000xi32, #tpu.memory_space<hbm>>, %arg7: memref<2x320000x64xf32, #tpu.memory_space<hbm>>, %arg8: memref<2x10000x128xf32, #tpu.memory_space<hbm>>, %arg9: memref<2048xf32, #tpu.memory_space<hbm>>, %arg10: memref<48xi32, #tpu.memory_space<vmem>>, %arg11: memref<48xi32, #tpu.memory_space<vmem>>, %arg12: memref<48xi32, #tpu.memory_space<vmem>>, %arg13: memref<48xi32, #tpu.memory_space<vmem>>, %arg14: memref<48xi32, #tpu.memory_space<vmem>>, %arg15: memref<48xi32, #tpu.memory_space<vmem>>, %arg16: memref<32xi32, #tpu.memory_space<vmem>>, %arg17: memref<48x128xf32, #tpu.memory_space<vmem>>, %arg18: memref<48x128xf32, #tpu.memory_space<vmem>>, %arg19: memref<48x128xf32, #tpu.memory_space<vmem>>, %arg20: memref<48x128xf32, #tpu.memory_space<vmem>>, %arg21: memref<48x64xf32, #tpu.memory_space<vmem>>, %arg22: memref<48x64xf32, #tpu.memory_space<vmem>>, %arg23: memref<48x128xf32, #tpu.memory_space<vmem>>, %arg24: memref<48x128xf32, #tpu.memory_space<vmem>>, %arg25: memref<64xf32, #tpu.memory_space<vmem>>, %arg26: memref<10000x128xf32, #tpu.memory_space<vmem_shared>>, %arg27: memref<!tpu.dma_semaphore, #tpu.memory_space<semaphore_mem>>, %arg28: memref<!tpu.dma_semaphore, #tpu.memory_space<semaphore_mem>>, %arg29: memref<!tpu.dma_semaphore, #tpu.memory_space<semaphore_mem>>, %arg30: memref<!tpu.dma_semaphore, #tpu.memory_space<semaphore_mem>>, %arg31: memref<!tpu.dma_semaphore, #tpu.memory_space<semaphore_mem>>, %arg32: memref<!tpu.dma_semaphore, #tpu.memory_space<semaphore_mem>>, %arg33: memref<!tpu.dma_semaphore, #tpu.memory_space<semaphore_mem>>, %arg34: memref<!tpu.dma_semaphore, #tpu.memory_space<semaphore_mem>>, %arg35: memref<!tpu.dma_semaphore, #tpu.memory_space<semaphore_mem>>, %arg36: memref<!tpu.dma_semaphore, #tpu.memory_space<semaphore_mem>>, %arg37: memref<!tpu.dma_semaphore, #tpu.memory_space<semaphore_mem>>, %arg38: memref<!tpu.dma_semaphore, #tpu.memory_space<semaphore_mem>>) attributes {dimension_semantics = [#tpu.dimension_semantics<core_parallel>, #tpu.dimension_semantics<subcore_parallel>], iteration_bounds = array<i64: 2, 16>, scalar_prefetch = 0 : i64, scratch_operands = 29 : i64, tpu.core_type = #tpu.core_type<sc_vector_subcore>, window_params = [{transform_indices = #map}, {transform_indices = #map}, {transform_indices = #map1}, {transform_indices = #map2}, {transform_indices = #map2}, {transform_indices = #map1}, {transform_indices = #map1}, {transform_indices = #map2}]} {
    %mul3A = arith.constant 624 : i32
    %mul3A_0 = arith.muli %arg1, %mul3A : i32
    %mul3A_1 = arith.constant 10000 : i32
    %mul3A_2 = arith.muli %arg0, %mul3A_1 : i32
    %mul3A_3 = arith.constant 20000 : i32
    %mul3A_4 = arith.muli %arg1, %mul3A_3 : i32
    %mul3A_5 = arith.constant 64 : i32
    %mul3A_6 = arith.muli %arg0, %mul3A_5 : i32
    %broadcast_in_dim3A = arith.constant 0.000000e+00 : f32
    %broadcast_in_dim3A_7 = vector.broadcast %broadcast_in_dim3A : f32 to vector<16xf32>
    %swap3A = arith.constant 0 : index
    %swap3A_8 = tpu.vector_load %arg25[%swap3A] {strides = array<i32>} : memref<64xf32, #tpu.memory_space<vmem>>, vector<16xf32>,
    %swap3A_9 = vector.shape_cast %swap3A_8 : vector<16xf32> to vector<16xf32>
    %swap3A_10 = vector.shape_cast %broadcast_in_dim3A_7 : vector<16xf32> to vector<16xf32>
    tpu.vector_store %arg25[%swap3A], %swap3A_10 {strides = array<i32>} : memref<64xf32, #tpu.memory_space<vmem>>, vector<16xf32>,
    %swap3A_11 = arith.constant 16 : index
    %swap3A_12 = tpu.vector_load %arg25[%swap3A_11] {strides = array<i32>} : memref<64xf32, #tpu.memory_space<vmem>>, vector<16xf32>,
    %swap3A_13 = vector.shape_cast %swap3A_12 : vector<16xf32> to vector<16xf32>
    %swap3A_14 = vector.shape_cast %broadcast_in_dim3A_7 : vector<16xf32> to vector<16xf32>
    tpu.vector_store %arg25[%swap3A_11], %swap3A_14 {strides = array<i32>} : memref<64xf32, #tpu.memory_space<vmem>>, vector<16xf32>,
    %swap3A_15 = arith.constant 32 : index
    %swap3A_16 = tpu.vector_load %arg25[%swap3A_15] {strides = array<i32>} : memref<64xf32, #tpu.memory_space<vmem>>, vector<16xf32>,
    %swap3A_17 = vector.shape_cast %swap3A_16 : vector<16xf32> to vector<16xf32>
    %swap3A_18 = vector.shape_cast %broadcast_in_dim3A_7 : vector<16xf32> to vector<16xf32>
    tpu.vector_store %arg25[%swap3A_15], %swap3A_18 {strides = array<i32>} : memref<64xf32, #tpu.memory_space<vmem>>, vector<16xf32>,
    %swap3A_19 = arith.constant 48 : index
    %swap3A_20 = tpu.vector_load %arg25[%swap3A_19] {strides = array<i32>} : memref<64xf32, #tpu.memory_space<vmem>>, vector<16xf32>,
    %swap3A_21 = vector.shape_cast %swap3A_20 : vector<16xf32> to vector<16xf32>
    %swap3A_22 = vector.shape_cast %broadcast_in_dim3A_7 : vector<16xf32> to vector<16xf32>
    tpu.vector_store %arg25[%swap3A_19], %swap3A_22 {strides = array<i32>} : memref<64xf32, #tpu.memory_space<vmem>>, vector<16xf32>,
    %scan3A = arith.constant 0 : i32
    %scan3A_23 = arith.constant 0 : i32
    %scan3A_24 = arith.constant 48 : i32
    %scan3A_25 = arith.addi %scan3A_23, %scan3A_24 : i32
    %scan3A_26 = arith.constant 1 : i32
    %scan3A_27 = scf.for %scan3A_255 = %scan3A_23 to %scan3A_25 step %scan3A_26 iter_args(%scan3A_256 = %scan3A) -> (i32)  : i32 {
      %swap3A_257 = arith.index_cast %scan3A_255 : i32 to index
      %swap3A_258 = arith.constant 0 : index
      %swap3A_259 = tpu.vector_load %arg17[%swap3A_257, %swap3A_258] {strides = array<i32>} : memref<48x128xf32, #tpu.memory_space<vmem>>, vector<1x16xf32>,
      %swap3A_260 = vector.shape_cast %swap3A_259 : vector<1x16xf32> to vector<16xf32>
      %swap3A_261 = vector.shape_cast %broadcast_in_dim3A_7 : vector<16xf32> to vector<1x16xf32>
      tpu.vector_store %arg17[%swap3A_257, %swap3A_258], %swap3A_261 {strides = array<i32>} : memref<48x128xf32, #tpu.memory_space<vmem>>, vector<1x16xf32>,
      %swap3A_262 = arith.index_cast %scan3A_255 : i32 to index
      %swap3A_263 = arith.constant 16 : index
      %swap3A_264 = tpu.vector_load %arg17[%swap3A_262, %swap3A_263] {strides = array<i32>} : memref<48x128xf32, #tpu.memory_space<vmem>>, vector<1x16xf32>,
      %swap3A_265 = vector.shape_cast %swap3A_264 : vector<1x16xf32> to vector<16xf32>
      %swap3A_266 = vector.shape_cast %broadcast_in_dim3A_7 : vector<16xf32> to vector<1x16xf32>
      tpu.vector_store %arg17[%swap3A_262, %swap3A_263], %swap3A_266 {strides = array<i32>} : memref<48x128xf32, #tpu.memory_space<vmem>>, vector<1x16xf32>,
      %swap3A_267 = arith.index_cast %scan3A_255 : i32 to index
      %swap3A_268 = arith.constant 32 : index
      %swap3A_269 = tpu.vector_load %arg17[%swap3A_267, %swap3A_268] {strides = array<i32>} : memref<48x128xf32, #tpu.memory_space<vmem>>, vector<1x16xf32>,
      %swap3A_270 = vector.shape_cast %swap3A_269 : vector<1x16xf32> to vector<16xf32>
      %swap3A_271 = vector.shape_cast %broadcast_in_dim3A_7 : vector<16xf32> to vector<1x16xf32>
      tpu.vector_store %arg17[%swap3A_267, %swap3A_268], %swap3A_271 {strides = array<i32>} : memref<48x128xf32, #tpu.memory_space<vmem>>, vector<1x16xf32>,
      %swap3A_272 = arith.index_cast %scan3A_255 : i32 to index
      %swap3A_273 = arith.constant 48 : index
      %swap3A_274 = tpu.vector_load %arg17[%swap3A_272, %swap3A_273] {strides = array<i32>} : memref<48x128xf32, #tpu.memory_space<vmem>>, vector<1x16xf32>,
      %swap3A_275 = vector.shape_cast %swap3A_274 : vector<1x16xf32> to vector<16xf32>
      %swap3A_276 = vector.shape_cast %broadcast_in_dim3A_7 : vector<16xf32> to vector<1x16xf32>
      tpu.vector_store %arg17[%swap3A_272, %swap3A_273], %swap3A_276 {strides = array<i32>} : memref<48x128xf32, #tpu.memory_space<vmem>>, vector<1x16xf32>,
      %swap3A_277 = arith.index_cast %scan3A_255 : i32 to index
      %swap3A_278 = arith.constant 64 : index
      %swap3A_279 = tpu.vector_load %arg17[%swap3A_277, %swap3A_278] {strides = array<i32>} : memref<48x128xf32, #tpu.memory_space<vmem>>, vector<1x16xf32>,
      %swap3A_280 = vector.shape_cast %swap3A_279 : vector<1x16xf32> to vector<16xf32>
      %swap3A_281 = vector.shape_cast %broadcast_in_dim3A_7 : vector<16xf32> to vector<1x16xf32>
      tpu.vector_store %arg17[%swap3A_277, %swap3A_278], %swap3A_281 {strides = array<i32>} : memref<48x128xf32, #tpu.memory_space<vmem>>, vector<1x16xf32>,
      %swap3A_282 = arith.index_cast %scan3A_255 : i32 to index
      %swap3A_283 = arith.constant 80 : index
      %swap3A_284 = tpu.vector_load %arg17[%swap3A_282, %swap3A_283] {strides = array<i32>} : memref<48x128xf32, #tpu.memory_space<vmem>>, vector<1x16xf32>,
      %swap3A_285 = vector.shape_cast %swap3A_284 : vector<1x16xf32> to vector<16xf32>
      %swap3A_286 = vector.shape_cast %broadcast_in_dim3A_7 : vector<16xf32> to vector<1x16xf32>
      tpu.vector_store %arg17[%swap3A_282, %swap3A_283], %swap3A_286 {strides = array<i32>} : memref<48x128xf32, #tpu.memory_space<vmem>>, vector<1x16xf32>,
      %swap3A_287 = arith.index_cast %scan3A_255 : i32 to index
      %swap3A_288 = arith.constant 96 : index
      %swap3A_289 = tpu.vector_load %arg17[%swap3A_287, %swap3A_288] {strides = array<i32>} : memref<48x128xf32, #tpu.memory_space<vmem>>, vector<1x16xf32>,
      %swap3A_290 = vector.shape_cast %swap3A_289 : vector<1x16xf32> to vector<16xf32>
      %swap3A_291 = vector.shape_cast %broadcast_in_dim3A_7 : vector<16xf32> to vector<1x16xf32>
      tpu.vector_store %arg17[%swap3A_287, %swap3A_288], %swap3A_291 {strides = array<i32>} : memref<48x128xf32, #tpu.memory_space<vmem>>, vector<1x16xf32>,
      %swap3A_292 = arith.index_cast %scan3A_255 : i32 to index
      %swap3A_293 = arith.constant 112 : index
      %swap3A_294 = tpu.vector_load %arg17[%swap3A_292, %swap3A_293] {strides = array<i32>} : memref<48x128xf32, #tpu.memory_space<vmem>>, vector<1x16xf32>,
      %swap3A_295 = vector.shape_cast %swap3A_294 : vector<1x16xf32> to vector<16xf32>
      %swap3A_296 = vector.shape_cast %broadcast_in_dim3A_7 : vector<16xf32> to vector<1x16xf32>
      tpu.vector_store %arg17[%swap3A_292, %swap3A_293], %swap3A_296 {strides = array<i32>} : memref<48x128xf32, #tpu.memory_space<vmem>>, vector<1x16xf32>,
      %scan3A_297 = arith.constant 0 : i32
      scf.yield %scan3A_297 : i32
    }
    %scan3A_28 = arith.constant 48 : i32
    %add3A = arith.constant 0 : i32
    %add3A_29 = arith.addi %mul3A_0, %add3A : i32
    "tpu.region"() ({
      %run_scoped3A = tpu.sem_alloc : memref<!tpu.dma_semaphore, #tpu.memory_space<semaphore_mem>>
      %dma_start3A_255 = arith.constant 0 : i32
      %dma_start3A_256 = tpu.memref_slice %arg26[%add3A_29, %dma_start3A_255] : memref<10000x128xf32, #tpu.memory_space<vmem_shared>> -> memref<48x128xf32, #tpu.memory_space<vmem_shared>>
      %dma_start3A_257 = arith.constant 0 : i32
      %dma_start3A_258 = tpu.memref_slice %arg26[%add3A_29, %dma_start3A_257] : memref<10000x128xf32, #tpu.memory_space<vmem_shared>> -> memref<48x128xf32, #tpu.memory_space<vmem_shared>>
      tpu.enqueue_dma source(%arg17 : memref<48x128xf32, #tpu.memory_space<vmem>>) target(%dma_start3A_258 : memref<48x128xf32, #tpu.memory_space<vmem_shared>>) target_semaphore(%run_scoped3A : memref<!tpu.dma_semaphore, #tpu.memory_space<semaphore_mem>>)
      %dma_wait3A_259 = arith.constant 0 : i32
      %dma_wait3A_260 = tpu.memref_slice %arg26[%add3A_29, %dma_wait3A_259] : memref<10000x128xf32, #tpu.memory_space<vmem_shared>> -> memref<48x128xf32, #tpu.memory_space<vmem_shared>>
      %dma_wait3A_261 = arith.constant 0 : i32
      %dma_wait3A_262 = tpu.memref_slice %arg26[%add3A_29, %dma_wait3A_261] : memref<10000x128xf32, #tpu.memory_space<vmem_shared>> -> memref<48x128xf32, #tpu.memory_space<vmem_shared>>
      tpu.wait_dma2 semaphore(%run_scoped3A : memref<!tpu.dma_semaphore, #tpu.memory_space<semaphore_mem>>) src(%arg17 : memref<48x128xf32, #tpu.memory_space<vmem>>) dst(%dma_wait3A_262 : memref<48x128xf32, #tpu.memory_space<vmem_shared>>)
      tpu.yield
    }) : () -> ()
    %add3A_30 = arith.constant 48 : i32
    %add3A_31 = arith.addi %mul3A_0, %add3A_30 : i32
    "tpu.region"() ({
      %run_scoped3A = tpu.sem_alloc : memref<!tpu.dma_semaphore, #tpu.memory_space<semaphore_mem>>
      %dma_start3A_255 = arith.constant 0 : i32
      %dma_start3A_256 = tpu.memref_slice %arg26[%add3A_31, %dma_start3A_255] : memref<10000x128xf32, #tpu.memory_space<vmem_shared>> -> memref<48x128xf32, #tpu.memory_space<vmem_shared>>
      %dma_start3A_257 = arith.constant 0 : i32
      %dma_start3A_258 = tpu.memref_slice %arg26[%add3A_31, %dma_start3A_257] : memref<10000x128xf32, #tpu.memory_space<vmem_shared>> -> memref<48x128xf32, #tpu.memory_space<vmem_shared>>
      tpu.enqueue_dma source(%arg17 : memref<48x128xf32, #tpu.memory_space<vmem>>) target(%dma_start3A_258 : memref<48x128xf32, #tpu.memory_space<vmem_shared>>) target_semaphore(%run_scoped3A : memref<!tpu.dma_semaphore, #tpu.memory_space<semaphore_mem>>)
      %dma_wait3A_259 = arith.constant 0 : i32
      %dma_wait3A_260 = tpu.memref_slice %arg26[%add3A_31, %dma_wait3A_259] : memref<10000x128xf32, #tpu.memory_space<vmem_shared>> -> memref<48x128xf32, #tpu.memory_space<vmem_shared>>
      %dma_wait3A_261 = arith.constant 0 : i32
      %dma_wait3A_262 = tpu.memref_slice %arg26[%add3A_31, %dma_wait3A_261] : memref<10000x128xf32, #tpu.memory_space<vmem_shared>> -> memref<48x128xf32, #tpu.memory_space<vmem_shared>>
      tpu.wait_dma2 semaphore(%run_scoped3A : memref<!tpu.dma_semaphore, #tpu.memory_space<semaphore_mem>>) src(%arg17 : memref<48x128xf32, #tpu.memory_space<vmem>>) dst(%dma_wait3A_262 : memref<48x128xf32, #tpu.memory_space<vmem_shared>>)
      tpu.yield
    }) : () -> ()
    %add3A_32 = arith.constant 96 : i32
    %add3A_33 = arith.addi %mul3A_0, %add3A_32 : i32
    "tpu.region"() ({
      %run_scoped3A = tpu.sem_alloc : memref<!tpu.dma_semaphore, #tpu.memory_space<semaphore_mem>>
      %dma_start3A_255 = arith.constant 0 : i32
      %dma_start3A_256 = tpu.memref_slice %arg26[%add3A_33, %dma_start3A_255] : memref<10000x128xf32, #tpu.memory_space<vmem_shared>> -> memref<48x128xf32, #tpu.memory_space<vmem_shared>>
      %dma_start3A_257 = arith.constant 0 : i32
      %dma_start3A_258 = tpu.memref_slice %arg26[%add3A_33, %dma_start3A_257] : memref<10000x128xf32, #tpu.memory_space<vmem_shared>> -> memref<48x128xf32, #tpu.memory_space<vmem_shared>>
      tpu.enqueue_dma source(%arg17 : memref<48x128xf32, #tpu.memory_space<vmem>>) target(%dma_start3A_258 : memref<48x128xf32, #tpu.memory_space<vmem_shared>>) target_semaphore(%run_scoped3A : memref<!tpu.dma_semaphore, #tpu.memory_space<semaphore_mem>>)
      %dma_wait3A_259 = arith.constant 0 : i32
      %dma_wait3A_260 = tpu.memref_slice %arg26[%add3A_33, %dma_wait3A_259] : memref<10000x128xf32, #tpu.memory_space<vmem_shared>> -> memref<48x128xf32, #tpu.memory_space<vmem_shared>>
      %dma_wait3A_261 = arith.constant 0 : i32
      %dma_wait3A_262 = tpu.memref_slice %arg26[%add3A_33, %dma_wait3A_261] : memref<10000x128xf32, #tpu.memory_space<vmem_shared>> -> memref<48x128xf32, #tpu.memory_space<vmem_shared>>
      tpu.wait_dma2 semaphore(%run_scoped3A : memref<!tpu.dma_semaphore, #tpu.memory_space<semaphore_mem>>) src(%arg17 : memref<48x128xf32, #tpu.memory_space<vmem>>) dst(%dma_wait3A_262 : memref<48x128xf32, #tpu.memory_space<vmem_shared>>)
      tpu.yield
    }) : () -> ()
    %add3A_34 = arith.constant 144 : i32
    %add3A_35 = arith.addi %mul3A_0, %add3A_34 : i32
    "tpu.region"() ({
      %run_scoped3A = tpu.sem_alloc : memref<!tpu.dma_semaphore, #tpu.memory_space<semaphore_mem>>
      %dma_start3A_255 = arith.constant 0 : i32
      %dma_start3A_256 = tpu.memref_slice %arg26[%add3A_35, %dma_start3A_255] : memref<10000x128xf32, #tpu.memory_space<vmem_shared>> -> memref<48x128xf32, #tpu.memory_space<vmem_shared>>
      %dma_start3A_257 = arith.constant 0 : i32
      %dma_start3A_258 = tpu.memref_slice %arg26[%add3A_35, %dma_start3A_257] : memref<10000x128xf32, #tpu.memory_space<vmem_shared>> -> memref<48x128xf32, #tpu.memory_space<vmem_shared>>
      tpu.enqueue_dma source(%arg17 : memref<48x128xf32, #tpu.memory_space<vmem>>) target(%dma_start3A_258 : memref<48x128xf32, #tpu.memory_space<vmem_shared>>) target_semaphore(%run_scoped3A : memref<!tpu.dma_semaphore, #tpu.memory_space<semaphore_mem>>)
      %dma_wait3A_259 = arith.constant 0 : i32
      %dma_wait3A_260 = tpu.memref_slice %arg26[%add3A_35, %dma_wait3A_259] : memref<10000x128xf32, #tpu.memory_space<vmem_shared>> -> memref<48x128xf32, #tpu.memory_space<vmem_shared>>
      %dma_wait3A_261 = arith.constant 0 : i32
      %dma_wait3A_262 = tpu.memref_slice %arg26[%add3A_35, %dma_wait3A_261] : memref<10000x128xf32, #tpu.memory_space<vmem_shared>> -> memref<48x128xf32, #tpu.memory_space<vmem_shared>>
      tpu.wait_dma2 semaphore(%run_scoped3A : memref<!tpu.dma_semaphore, #tpu.memory_space<semaphore_mem>>) src(%arg17 : memref<48x128xf32, #tpu.memory_space<vmem>>) dst(%dma_wait3A_262 : memref<48x128xf32, #tpu.memory_space<vmem_shared>>)
      tpu.yield
    }) : () -> ()
    %add3A_36 = arith.constant 192 : i32
    %add3A_37 = arith.addi %mul3A_0, %add3A_36 : i32
    "tpu.region"() ({
      %run_scoped3A = tpu.sem_alloc : memref<!tpu.dma_semaphore, #tpu.memory_space<semaphore_mem>>
      %dma_start3A_255 = arith.constant 0 : i32
      %dma_start3A_256 = tpu.memref_slice %arg26[%add3A_37, %dma_start3A_255] : memref<10000x128xf32, #tpu.memory_space<vmem_shared>> -> memref<48x128xf32, #tpu.memory_space<vmem_shared>>
      %dma_start3A_257 = arith.constant 0 : i32
      %dma_start3A_258 = tpu.memref_slice %arg26[%add3A_37, %dma_start3A_257] : memref<10000x128xf32, #tpu.memory_space<vmem_shared>> -> memref<48x128xf32, #tpu.memory_space<vmem_shared>>
      tpu.enqueue_dma source(%arg17 : memref<48x128xf32, #tpu.memory_space<vmem>>) target(%dma_start3A_258 : memref<48x128xf32, #tpu.memory_space<vmem_shared>>) target_semaphore(%run_scoped3A : memref<!tpu.dma_semaphore, #tpu.memory_space<semaphore_mem>>)
      %dma_wait3A_259 = arith.constant 0 : i32
      %dma_wait3A_260 = tpu.memref_slice %arg26[%add3A_37, %dma_wait3A_259] : memref<10000x128xf32, #tpu.memory_space<vmem_shared>> -> memref<48x128xf32, #tpu.memory_space<vmem_shared>>
      %dma_wait3A_261 = arith.constant 0 : i32
      %dma_wait3A_262 = tpu.memref_slice %arg26[%add3A_37, %dma_wait3A_261] : memref<10000x128xf32, #tpu.memory_space<vmem_shared>> -> memref<48x128xf32, #tpu.memory_space<vmem_shared>>
      tpu.wait_dma2 semaphore(%run_scoped3A : memref<!tpu.dma_semaphore, #tpu.memory_space<semaphore_mem>>) src(%arg17 : memref<48x128xf32, #tpu.memory_space<vmem>>) dst(%dma_wait3A_262 : memref<48x128xf32, #tpu.memory_space<vmem_shared>>)
      tpu.yield
    }) : () -> ()
    %add3A_38 = arith.constant 240 : i32
    %add3A_39 = arith.addi %mul3A_0, %add3A_38 : i32
    "tpu.region"() ({
      %run_scoped3A = tpu.sem_alloc : memref<!tpu.dma_semaphore, #tpu.memory_space<semaphore_mem>>
      %dma_start3A_255 = arith.constant 0 : i32
      %dma_start3A_256 = tpu.memref_slice %arg26[%add3A_39, %dma_start3A_255] : memref<10000x128xf32, #tpu.memory_space<vmem_shared>> -> memref<48x128xf32, #tpu.memory_space<vmem_shared>>
      %dma_start3A_257 = arith.constant 0 : i32
      %dma_start3A_258 = tpu.memref_slice %arg26[%add3A_39, %dma_start3A_257] : memref<10000x128xf32, #tpu.memory_space<vmem_shared>> -> memref<48x128xf32, #tpu.memory_space<vmem_shared>>
      tpu.enqueue_dma source(%arg17 : memref<48x128xf32, #tpu.memory_space<vmem>>) target(%dma_start3A_258 : memref<48x128xf32, #tpu.memory_space<vmem_shared>>) target_semaphore(%run_scoped3A : memref<!tpu.dma_semaphore, #tpu.memory_space<semaphore_mem>>)
      %dma_wait3A_259 = arith.constant 0 : i32
      %dma_wait3A_260 = tpu.memref_slice %arg26[%add3A_39, %dma_wait3A_259] : memref<10000x128xf32, #tpu.memory_space<vmem_shared>> -> memref<48x128xf32, #tpu.memory_space<vmem_shared>>
      %dma_wait3A_261 = arith.constant 0 : i32
      %dma_wait3A_262 = tpu.memref_slice %arg26[%add3A_39, %dma_wait3A_261] : memref<10000x128xf32, #tpu.memory_space<vmem_shared>> -> memref<48x128xf32, #tpu.memory_space<vmem_shared>>
      tpu.wait_dma2 semaphore(%run_scoped3A : memref<!tpu.dma_semaphore, #tpu.memory_space<semaphore_mem>>) src(%arg17 : memref<48x128xf32, #tpu.memory_space<vmem>>) dst(%dma_wait3A_262 : memref<48x128xf32, #tpu.memory_space<vmem_shared>>)
      tpu.yield
    }) : () -> ()
    %add3A_40 = arith.constant 288 : i32
    %add3A_41 = arith.addi %mul3A_0, %add3A_40 : i32
    "tpu.region"() ({
      %run_scoped3A = tpu.sem_alloc : memref<!tpu.dma_semaphore, #tpu.memory_space<semaphore_mem>>
      %dma_start3A_255 = arith.constant 0 : i32
      %dma_start3A_256 = tpu.memref_slice %arg26[%add3A_41, %dma_start3A_255] : memref<10000x128xf32, #tpu.memory_space<vmem_shared>> -> memref<48x128xf32, #tpu.memory_space<vmem_shared>>
      %dma_start3A_257 = arith.constant 0 : i32
      %dma_start3A_258 = tpu.memref_slice %arg26[%add3A_41, %dma_start3A_257] : memref<10000x128xf32, #tpu.memory_space<vmem_shared>> -> memref<48x128xf32, #tpu.memory_space<vmem_shared>>
      tpu.enqueue_dma source(%arg17 : memref<48x128xf32, #tpu.memory_space<vmem>>) target(%dma_start3A_258 : memref<48x128xf32, #tpu.memory_space<vmem_shared>>) target_semaphore(%run_scoped3A : memref<!tpu.dma_semaphore, #tpu.memory_space<semaphore_mem>>)
      %dma_wait3A_259 = arith.constant 0 : i32
      %dma_wait3A_260 = tpu.memref_slice %arg26[%add3A_41, %dma_wait3A_259] : memref<10000x128xf32, #tpu.memory_space<vmem_shared>> -> memref<48x128xf32, #tpu.memory_space<vmem_shared>>
      %dma_wait3A_261 = arith.constant 0 : i32
      %dma_wait3A_262 = tpu.memref_slice %arg26[%add3A_41, %dma_wait3A_261] : memref<10000x128xf32, #tpu.memory_space<vmem_shared>> -> memref<48x128xf32, #tpu.memory_space<vmem_shared>>
      tpu.wait_dma2 semaphore(%run_scoped3A : memref<!tpu.dma_semaphore, #tpu.memory_space<semaphore_mem>>) src(%arg17 : memref<48x128xf32, #tpu.memory_space<vmem>>) dst(%dma_wait3A_262 : memref<48x128xf32, #tpu.memory_space<vmem_shared>>)
      tpu.yield
    }) : () -> ()
    %add3A_42 = arith.constant 336 : i32
    %add3A_43 = arith.addi %mul3A_0, %add3A_42 : i32
    "tpu.region"() ({
      %run_scoped3A = tpu.sem_alloc : memref<!tpu.dma_semaphore, #tpu.memory_space<semaphore_mem>>
      %dma_start3A_255 = arith.constant 0 : i32
      %dma_start3A_256 = tpu.memref_slice %arg26[%add3A_43, %dma_start3A_255] : memref<10000x128xf32, #tpu.memory_space<vmem_shared>> -> memref<48x128xf32, #tpu.memory_space<vmem_shared>>
      %dma_start3A_257 = arith.constant 0 : i32
      %dma_start3A_258 = tpu.memref_slice %arg26[%add3A_43, %dma_start3A_257] : memref<10000x128xf32, #tpu.memory_space<vmem_shared>> -> memref<48x128xf32, #tpu.memory_space<vmem_shared>>
      tpu.enqueue_dma source(%arg17 : memref<48x128xf32, #tpu.memory_space<vmem>>) target(%dma_start3A_258 : memref<48x128xf32, #tpu.memory_space<vmem_shared>>) target_semaphore(%run_scoped3A : memref<!tpu.dma_semaphore, #tpu.memory_space<semaphore_mem>>)
      %dma_wait3A_259 = arith.constant 0 : i32
      %dma_wait3A_260 = tpu.memref_slice %arg26[%add3A_43, %dma_wait3A_259] : memref<10000x128xf32, #tpu.memory_space<vmem_shared>> -> memref<48x128xf32, #tpu.memory_space<vmem_shared>>
      %dma_wait3A_261 = arith.constant 0 : i32
      %dma_wait3A_262 = tpu.memref_slice %arg26[%add3A_43, %dma_wait3A_261] : memref<10000x128xf32, #tpu.memory_space<vmem_shared>> -> memref<48x128xf32, #tpu.memory_space<vmem_shared>>
      tpu.wait_dma2 semaphore(%run_scoped3A : memref<!tpu.dma_semaphore, #tpu.memory_space<semaphore_mem>>) src(%arg17 : memref<48x128xf32, #tpu.memory_space<vmem>>) dst(%dma_wait3A_262 : memref<48x128xf32, #tpu.memory_space<vmem_shared>>)
      tpu.yield
    }) : () -> ()
    %add3A_44 = arith.constant 384 : i32
    %add3A_45 = arith.addi %mul3A_0, %add3A_44 : i32
    "tpu.region"() ({
      %run_scoped3A = tpu.sem_alloc : memref<!tpu.dma_semaphore, #tpu.memory_space<semaphore_mem>>
      %dma_start3A_255 = arith.constant 0 : i32
      %dma_start3A_256 = tpu.memref_slice %arg26[%add3A_45, %dma_start3A_255] : memref<10000x128xf32, #tpu.memory_space<vmem_shared>> -> memref<48x128xf32, #tpu.memory_space<vmem_shared>>
      %dma_start3A_257 = arith.constant 0 : i32
      %dma_start3A_258 = tpu.memref_slice %arg26[%add3A_45, %dma_start3A_257] : memref<10000x128xf32, #tpu.memory_space<vmem_shared>> -> memref<48x128xf32, #tpu.memory_space<vmem_shared>>
      tpu.enqueue_dma source(%arg17 : memref<48x128xf32, #tpu.memory_space<vmem>>) target(%dma_start3A_258 : memref<48x128xf32, #tpu.memory_space<vmem_shared>>) target_semaphore(%run_scoped3A : memref<!tpu.dma_semaphore, #tpu.memory_space<semaphore_mem>>)
      %dma_wait3A_259 = arith.constant 0 : i32
      %dma_wait3A_260 = tpu.memref_slice %arg26[%add3A_45, %dma_wait3A_259] : memref<10000x128xf32, #tpu.memory_space<vmem_shared>> -> memref<48x128xf32, #tpu.memory_space<vmem_shared>>
      %dma_wait3A_261 = arith.constant 0 : i32
      %dma_wait3A_262 = tpu.memref_slice %arg26[%add3A_45, %dma_wait3A_261] : memref<10000x128xf32, #tpu.memory_space<vmem_shared>> -> memref<48x128xf32, #tpu.memory_space<vmem_shared>>
      tpu.wait_dma2 semaphore(%run_scoped3A : memref<!tpu.dma_semaphore, #tpu.memory_space<semaphore_mem>>) src(%arg17 : memref<48x128xf32, #tpu.memory_space<vmem>>) dst(%dma_wait3A_262 : memref<48x128xf32, #tpu.memory_space<vmem_shared>>)
      tpu.yield
    }) : () -> ()
    %add3A_46 = arith.constant 432 : i32
    %add3A_47 = arith.addi %mul3A_0, %add3A_46 : i32
    "tpu.region"() ({
      %run_scoped3A = tpu.sem_alloc : memref<!tpu.dma_semaphore, #tpu.memory_space<semaphore_mem>>
      %dma_start3A_255 = arith.constant 0 : i32
      %dma_start3A_256 = tpu.memref_slice %arg26[%add3A_47, %dma_start3A_255] : memref<10000x128xf32, #tpu.memory_space<vmem_shared>> -> memref<48x128xf32, #tpu.memory_space<vmem_shared>>
      %dma_start3A_257 = arith.constant 0 : i32
      %dma_start3A_258 = tpu.memref_slice %arg26[%add3A_47, %dma_start3A_257] : memref<10000x128xf32, #tpu.memory_space<vmem_shared>> -> memref<48x128xf32, #tpu.memory_space<vmem_shared>>
      tpu.enqueue_dma source(%arg17 : memref<48x128xf32, #tpu.memory_space<vmem>>) target(%dma_start3A_258 : memref<48x128xf32, #tpu.memory_space<vmem_shared>>) target_semaphore(%run_scoped3A : memref<!tpu.dma_semaphore, #tpu.memory_space<semaphore_mem>>)
      %dma_wait3A_259 = arith.constant 0 : i32
      %dma_wait3A_260 = tpu.memref_slice %arg26[%add3A_47, %dma_wait3A_259] : memref<10000x128xf32, #tpu.memory_space<vmem_shared>> -> memref<48x128xf32, #tpu.memory_space<vmem_shared>>
      %dma_wait3A_261 = arith.constant 0 : i32
      %dma_wait3A_262 = tpu.memref_slice %arg26[%add3A_47, %dma_wait3A_261] : memref<10000x128xf32, #tpu.memory_space<vmem_shared>> -> memref<48x128xf32, #tpu.memory_space<vmem_shared>>
      tpu.wait_dma2 semaphore(%run_scoped3A : memref<!tpu.dma_semaphore, #tpu.memory_space<semaphore_mem>>) src(%arg17 : memref<48x128xf32, #tpu.memory_space<vmem>>) dst(%dma_wait3A_262 : memref<48x128xf32, #tpu.memory_space<vmem_shared>>)
      tpu.yield
    }) : () -> ()
    %add3A_48 = arith.constant 480 : i32
    %add3A_49 = arith.addi %mul3A_0, %add3A_48 : i32
    "tpu.region"() ({
      %run_scoped3A = tpu.sem_alloc : memref<!tpu.dma_semaphore, #tpu.memory_space<semaphore_mem>>
      %dma_start3A_255 = arith.constant 0 : i32
      %dma_start3A_256 = tpu.memref_slice %arg26[%add3A_49, %dma_start3A_255] : memref<10000x128xf32, #tpu.memory_space<vmem_shared>> -> memref<48x128xf32, #tpu.memory_space<vmem_shared>>
      %dma_start3A_257 = arith.constant 0 : i32
      %dma_start3A_258 = tpu.memref_slice %arg26[%add3A_49, %dma_start3A_257] : memref<10000x128xf32, #tpu.memory_space<vmem_shared>> -> memref<48x128xf32, #tpu.memory_space<vmem_shared>>
      tpu.enqueue_dma source(%arg17 : memref<48x128xf32, #tpu.memory_space<vmem>>) target(%dma_start3A_258 : memref<48x128xf32, #tpu.memory_space<vmem_shared>>) target_semaphore(%run_scoped3A : memref<!tpu.dma_semaphore, #tpu.memory_space<semaphore_mem>>)
      %dma_wait3A_259 = arith.constant 0 : i32
      %dma_wait3A_260 = tpu.memref_slice %arg26[%add3A_49, %dma_wait3A_259] : memref<10000x128xf32, #tpu.memory_space<vmem_shared>> -> memref<48x128xf32, #tpu.memory_space<vmem_shared>>
      %dma_wait3A_261 = arith.constant 0 : i32
      %dma_wait3A_262 = tpu.memref_slice %arg26[%add3A_49, %dma_wait3A_261] : memref<10000x128xf32, #tpu.memory_space<vmem_shared>> -> memref<48x128xf32, #tpu.memory_space<vmem_shared>>
      tpu.wait_dma2 semaphore(%run_scoped3A : memref<!tpu.dma_semaphore, #tpu.memory_space<semaphore_mem>>) src(%arg17 : memref<48x128xf32, #tpu.memory_space<vmem>>) dst(%dma_wait3A_262 : memref<48x128xf32, #tpu.memory_space<vmem_shared>>)
      tpu.yield
    }) : () -> ()
    %add3A_50 = arith.constant 528 : i32
    %add3A_51 = arith.addi %mul3A_0, %add3A_50 : i32
    "tpu.region"() ({
      %run_scoped3A = tpu.sem_alloc : memref<!tpu.dma_semaphore, #tpu.memory_space<semaphore_mem>>
      %dma_start3A_255 = arith.constant 0 : i32
      %dma_start3A_256 = tpu.memref_slice %arg26[%add3A_51, %dma_start3A_255] : memref<10000x128xf32, #tpu.memory_space<vmem_shared>> -> memref<48x128xf32, #tpu.memory_space<vmem_shared>>
      %dma_start3A_257 = arith.constant 0 : i32
      %dma_start3A_258 = tpu.memref_slice %arg26[%add3A_51, %dma_start3A_257] : memref<10000x128xf32, #tpu.memory_space<vmem_shared>> -> memref<48x128xf32, #tpu.memory_space<vmem_shared>>
      tpu.enqueue_dma source(%arg17 : memref<48x128xf32, #tpu.memory_space<vmem>>) target(%dma_start3A_258 : memref<48x128xf32, #tpu.memory_space<vmem_shared>>) target_semaphore(%run_scoped3A : memref<!tpu.dma_semaphore, #tpu.memory_space<semaphore_mem>>)
      %dma_wait3A_259 = arith.constant 0 : i32
      %dma_wait3A_260 = tpu.memref_slice %arg26[%add3A_51, %dma_wait3A_259] : memref<10000x128xf32, #tpu.memory_space<vmem_shared>> -> memref<48x128xf32, #tpu.memory_space<vmem_shared>>
      %dma_wait3A_261 = arith.constant 0 : i32
      %dma_wait3A_262 = tpu.memref_slice %arg26[%add3A_51, %dma_wait3A_261] : memref<10000x128xf32, #tpu.memory_space<vmem_shared>> -> memref<48x128xf32, #tpu.memory_space<vmem_shared>>
      tpu.wait_dma2 semaphore(%run_scoped3A : memref<!tpu.dma_semaphore, #tpu.memory_space<semaphore_mem>>) src(%arg17 : memref<48x128xf32, #tpu.memory_space<vmem>>) dst(%dma_wait3A_262 : memref<48x128xf32, #tpu.memory_space<vmem_shared>>)
      tpu.yield
    }) : () -> ()
    %add3A_52 = arith.constant 576 : i32
    %add3A_53 = arith.addi %mul3A_0, %add3A_52 : i32
    "tpu.region"() ({
      %run_scoped3A = tpu.sem_alloc : memref<!tpu.dma_semaphore, #tpu.memory_space<semaphore_mem>>
      %dma_start3A_255 = arith.constant 0 : i32
      %dma_start3A_256 = tpu.memref_slice %arg26[%add3A_53, %dma_start3A_255] : memref<10000x128xf32, #tpu.memory_space<vmem_shared>> -> memref<48x128xf32, #tpu.memory_space<vmem_shared>>
      %dma_start3A_257 = arith.constant 0 : i32
      %dma_start3A_258 = tpu.memref_slice %arg26[%add3A_53, %dma_start3A_257] : memref<10000x128xf32, #tpu.memory_space<vmem_shared>> -> memref<48x128xf32, #tpu.memory_space<vmem_shared>>
      tpu.enqueue_dma source(%arg17 : memref<48x128xf32, #tpu.memory_space<vmem>>) target(%dma_start3A_258 : memref<48x128xf32, #tpu.memory_space<vmem_shared>>) target_semaphore(%run_scoped3A : memref<!tpu.dma_semaphore, #tpu.memory_space<semaphore_mem>>)
      %dma_wait3A_259 = arith.constant 0 : i32
      %dma_wait3A_260 = tpu.memref_slice %arg26[%add3A_53, %dma_wait3A_259] : memref<10000x128xf32, #tpu.memory_space<vmem_shared>> -> memref<48x128xf32, #tpu.memory_space<vmem_shared>>
      %dma_wait3A_261 = arith.constant 0 : i32
      %dma_wait3A_262 = tpu.memref_slice %arg26[%add3A_53, %dma_wait3A_261] : memref<10000x128xf32, #tpu.memory_space<vmem_shared>> -> memref<48x128xf32, #tpu.memory_space<vmem_shared>>
      tpu.wait_dma2 semaphore(%run_scoped3A : memref<!tpu.dma_semaphore, #tpu.memory_space<semaphore_mem>>) src(%arg17 : memref<48x128xf32, #tpu.memory_space<vmem>>) dst(%dma_wait3A_262 : memref<48x128xf32, #tpu.memory_space<vmem_shared>>)
      tpu.yield
    }) : () -> ()
    %eq3A = arith.constant 0 : i32
    %eq3A_54 = arith.cmpi eq, %arg1, %eq3A : i32
    %convert_element_type3A = arith.extui %eq3A_54 : i1 to i32
    %cond3A = arith.constant 0 : i32
    %cond3A_55 = arith.cmpi ne, %convert_element_type3A, %cond3A : i32
    scf.if %cond3A_55 {
      "tpu.region"() ({
        %run_scoped3A = tpu.sem_alloc : memref<!tpu.dma_semaphore, #tpu.memory_space<semaphore_mem>>
        %dma_start3A_255 = arith.constant 0 : i32
        %dma_start3A_256 = arith.constant 0 : i32
        %dma_start3A_257 = tpu.memref_slice %arg17[%dma_start3A_255, %dma_start3A_256] : memref<48x128xf32, #tpu.memory_space<vmem>> -> memref<16x128xf32, #tpu.memory_space<vmem>>
        %dma_start3A_258 = arith.constant 9984 : i32
        %dma_start3A_259 = arith.constant 0 : i32
        %dma_start3A_260 = tpu.memref_slice %arg26[%dma_start3A_258, %dma_start3A_259] : memref<10000x128xf32, #tpu.memory_space<vmem_shared>> -> memref<16x128xf32, #tpu.memory_space<vmem_shared>>
        %dma_start3A_261 = arith.constant 9984 : i32
        %dma_start3A_262 = arith.constant 0 : i32
        %dma_start3A_263 = tpu.memref_slice %arg26[%dma_start3A_261, %dma_start3A_262] : memref<10000x128xf32, #tpu.memory_space<vmem_shared>> -> memref<16x128xf32, #tpu.memory_space<vmem_shared>>
        %dma_start3A_264 = arith.constant 0 : i32
        %dma_start3A_265 = arith.constant 0 : i32
        %dma_start3A_266 = tpu.memref_slice %arg17[%dma_start3A_264, %dma_start3A_265] : memref<48x128xf32, #tpu.memory_space<vmem>> -> memref<16x128xf32, #tpu.memory_space<vmem>>
        tpu.enqueue_dma source(%dma_start3A_266 : memref<16x128xf32, #tpu.memory_space<vmem>>) target(%dma_start3A_263 : memref<16x128xf32, #tpu.memory_space<vmem_shared>>) target_semaphore(%run_scoped3A : memref<!tpu.dma_semaphore, #tpu.memory_space<semaphore_mem>>)
        %dma_wait3A_267 = arith.constant 0 : i32
        %dma_wait3A_268 = arith.constant 0 : i32
        %dma_wait3A_269 = tpu.memref_slice %arg17[%dma_wait3A_267, %dma_wait3A_268] : memref<48x128xf32, #tpu.memory_space<vmem>> -> memref<16x128xf32, #tpu.memory_space<vmem>>
        %dma_wait3A_270 = arith.constant 9984 : i32
        %dma_wait3A_271 = arith.constant 0 : i32
        %dma_wait3A_272 = tpu.memref_slice %arg26[%dma_wait3A_270, %dma_wait3A_271] : memref<10000x128xf32, #tpu.memory_space<vmem_shared>> -> memref<16x128xf32, #tpu.memory_space<vmem_shared>>
        %dma_wait3A_273 = arith.constant 9984 : i32
        %dma_wait3A_274 = arith.constant 0 : i32
        %dma_wait3A_275 = tpu.memref_slice %arg26[%dma_wait3A_273, %dma_wait3A_274] : memref<10000x128xf32, #tpu.memory_space<vmem_shared>> -> memref<16x128xf32, #tpu.memory_space<vmem_shared>>
        %dma_wait3A_276 = arith.constant 0 : i32
        %dma_wait3A_277 = arith.constant 0 : i32
        %dma_wait3A_278 = tpu.memref_slice %arg17[%dma_wait3A_276, %dma_wait3A_277] : memref<48x128xf32, #tpu.memory_space<vmem>> -> memref<16x128xf32, #tpu.memory_space<vmem>>
        tpu.wait_dma2 semaphore(%run_scoped3A : memref<!tpu.dma_semaphore, #tpu.memory_space<semaphore_mem>>) src(%dma_wait3A_278 : memref<16x128xf32, #tpu.memory_space<vmem>>) dst(%dma_wait3A_275 : memref<16x128xf32, #tpu.memory_space<vmem_shared>>)
        tpu.yield
      }) : () -> ()
    } else {
    }
    %barrier3A = arith.constant 0 : index
    tpu.barrier barrier_id(%barrier3A)
    "tpu.region"() ({
      %run_scoped3A = tpu.sem_alloc : memref<!tpu.dma_semaphore, #tpu.memory_space<semaphore_mem>>
      %dma_start3A_255 = tpu.memref_slice %arg5[%mul3A_4] : memref<320000xi32, #tpu.memory_space<hbm>> -> memref<48xi32, #tpu.memory_space<hbm>>
      %dma_start3A_256 = tpu.memref_slice %arg5[%mul3A_4] : memref<320000xi32, #tpu.memory_space<hbm>> -> memref<48xi32, #tpu.memory_space<hbm>>
      tpu.enqueue_dma source(%dma_start3A_256 : memref<48xi32, #tpu.memory_space<hbm>>) target(%arg10 : memref<48xi32, #tpu.memory_space<vmem>>) target_semaphore(%run_scoped3A : memref<!tpu.dma_semaphore, #tpu.memory_space<semaphore_mem>>)
      %dma_wait3A_257 = tpu.memref_slice %arg5[%mul3A_4] : memref<320000xi32, #tpu.memory_space<hbm>> -> memref<48xi32, #tpu.memory_space<hbm>>
      %dma_wait3A_258 = tpu.memref_slice %arg5[%mul3A_4] : memref<320000xi32, #tpu.memory_space<hbm>> -> memref<48xi32, #tpu.memory_space<hbm>>
      tpu.wait_dma2 semaphore(%run_scoped3A : memref<!tpu.dma_semaphore, #tpu.memory_space<semaphore_mem>>) src(%dma_wait3A_258 : memref<48xi32, #tpu.memory_space<hbm>>) dst(%arg10 : memref<48xi32, #tpu.memory_space<vmem>>)
      tpu.yield
    }) : () -> ()
    "tpu.region"() ({
      %run_scoped3A = tpu.sem_alloc : memref<!tpu.dma_semaphore, #tpu.memory_space<semaphore_mem>>
      %dma_start3A_255 = tpu.memref_slice %arg6[%mul3A_4] : memref<320000xi32, #tpu.memory_space<hbm>> -> memref<48xi32, #tpu.memory_space<hbm>>
      %dma_start3A_256 = tpu.memref_slice %arg6[%mul3A_4] : memref<320000xi32, #tpu.memory_space<hbm>> -> memref<48xi32, #tpu.memory_space<hbm>>
      tpu.enqueue_dma source(%dma_start3A_256 : memref<48xi32, #tpu.memory_space<hbm>>) target(%arg12 : memref<48xi32, #tpu.memory_space<vmem>>) target_semaphore(%run_scoped3A : memref<!tpu.dma_semaphore, #tpu.memory_space<semaphore_mem>>)
      %dma_wait3A_257 = tpu.memref_slice %arg6[%mul3A_4] : memref<320000xi32, #tpu.memory_space<hbm>> -> memref<48xi32, #tpu.memory_space<hbm>>
      %dma_wait3A_258 = tpu.memref_slice %arg6[%mul3A_4] : memref<320000xi32, #tpu.memory_space<hbm>> -> memref<48xi32, #tpu.memory_space<hbm>>
      tpu.wait_dma2 semaphore(%run_scoped3A : memref<!tpu.dma_semaphore, #tpu.memory_space<semaphore_mem>>) src(%dma_wait3A_258 : memref<48xi32, #tpu.memory_space<hbm>>) dst(%arg12 : memref<48xi32, #tpu.memory_space<vmem>>)
      tpu.yield
    }) : () -> ()
    %add3A_56 = arith.constant 0 : i32
    %add3A_57 = arith.addi %mul3A_4, %add3A_56 : i32
    %get3A = arith.constant 0 : index
    %get3A_58 = tpu.vector_load %arg10[%get3A] {strides = array<i32>} : memref<48xi32, #tpu.memory_space<vmem>>, vector<16xi32>,
    %get3A_59 = vector.shape_cast %get3A_58 : vector<16xi32> to vector<16xi32>
    %add3A_60 = vector.broadcast %mul3A_2 : i32 to vector<16xi32>
    %add3A_61 = arith.addi %get3A_59, %add3A_60 : vector<16xi32>
    %swap3A_62 = arith.constant 0 : index
    %swap3A_63 = tpu.vector_load %arg10[%swap3A_62] {strides = array<i32>} : memref<48xi32, #tpu.memory_space<vmem>>, vector<16xi32>,
    %swap3A_64 = vector.shape_cast %swap3A_63 : vector<16xi32> to vector<16xi32>
    %swap3A_65 = vector.shape_cast %add3A_61 : vector<16xi32> to vector<16xi32>
    tpu.vector_store %arg10[%swap3A_62], %swap3A_65 {strides = array<i32>} : memref<48xi32, #tpu.memory_space<vmem>>, vector<16xi32>,
    %get3A_66 = arith.constant 16 : index
    %get3A_67 = tpu.vector_load %arg10[%get3A_66] {strides = array<i32>} : memref<48xi32, #tpu.memory_space<vmem>>, vector<16xi32>,
    %get3A_68 = vector.shape_cast %get3A_67 : vector<16xi32> to vector<16xi32>
    %add3A_69 = vector.broadcast %mul3A_2 : i32 to vector<16xi32>
    %add3A_70 = arith.addi %get3A_68, %add3A_69 : vector<16xi32>
    %swap3A_71 = arith.constant 16 : index
    %swap3A_72 = tpu.vector_load %arg10[%swap3A_71] {strides = array<i32>} : memref<48xi32, #tpu.memory_space<vmem>>, vector<16xi32>,
    %swap3A_73 = vector.shape_cast %swap3A_72 : vector<16xi32> to vector<16xi32>
    %swap3A_74 = vector.shape_cast %add3A_70 : vector<16xi32> to vector<16xi32>
    tpu.vector_store %arg10[%swap3A_71], %swap3A_74 {strides = array<i32>} : memref<48xi32, #tpu.memory_space<vmem>>, vector<16xi32>,
    %get3A_75 = arith.constant 32 : index
    %get3A_76 = tpu.vector_load %arg10[%get3A_75] {strides = array<i32>} : memref<48xi32, #tpu.memory_space<vmem>>, vector<16xi32>,
    %get3A_77 = vector.shape_cast %get3A_76 : vector<16xi32> to vector<16xi32>
    %add3A_78 = vector.broadcast %mul3A_2 : i32 to vector<16xi32>
    %add3A_79 = arith.addi %get3A_77, %add3A_78 : vector<16xi32>
    %swap3A_80 = arith.constant 32 : index
    %swap3A_81 = tpu.vector_load %arg10[%swap3A_80] {strides = array<i32>} : memref<48xi32, #tpu.memory_space<vmem>>, vector<16xi32>,
    %swap3A_82 = vector.shape_cast %swap3A_81 : vector<16xi32> to vector<16xi32>
    %swap3A_83 = vector.shape_cast %add3A_79 : vector<16xi32> to vector<16xi32>
    tpu.vector_store %arg10[%swap3A_80], %swap3A_83 {strides = array<i32>} : memref<48xi32, #tpu.memory_space<vmem>>, vector<16xi32>,
    %dma_start3A = arith.constant 0 : i32
    %dma_start3A_84 = arith.constant 0 : i32
    %dma_start3A_85 = tpu.memref_slice %arg2[%dma_start3A, %dma_start3A_84] : memref<20000x128xf32, #tpu.memory_space<hbm>> -> memref<20000x128xf32, #tpu.memory_space<hbm>>
    tpu.enqueue_indirect_dma source(%dma_start3A_85 : memref<20000x128xf32, #tpu.memory_space<hbm>>) target(%arg17 : memref<48x128xf32, #tpu.memory_space<vmem>>) offsets(%arg10 : memref<48xi32, #tpu.memory_space<vmem>>) semaphore(%arg27 : memref<!tpu.dma_semaphore, #tpu.memory_space<semaphore_mem>>)
    %dma_start3A_86 = arith.constant 0 : i32
    %dma_start3A_87 = arith.constant 0 : i32
    %dma_start3A_88 = tpu.memref_slice %arg3[%dma_start3A_86, %dma_start3A_87] : memref<10000x128xf32, #tpu.memory_space<hbm>> -> memref<10000x128xf32, #tpu.memory_space<hbm>>
    tpu.enqueue_indirect_dma source(%dma_start3A_88 : memref<10000x128xf32, #tpu.memory_space<hbm>>) target(%arg19 : memref<48x128xf32, #tpu.memory_space<vmem>>) offsets(%arg12 : memref<48xi32, #tpu.memory_space<vmem>>) semaphore(%arg29 : memref<!tpu.dma_semaphore, #tpu.memory_space<semaphore_mem>>)
    %dma_start3A_89 = arith.constant 0 : i32
    %dma_start3A_90 = tpu.memref_slice %arg4[%arg0, %add3A_57, %dma_start3A_89] : memref<2x320000x64xf32, #tpu.memory_space<hbm>> -> memref<1x48x64xf32, #tpu.memory_space<hbm>>
    %dma_start3A_91 = tpu.memref_squeeze %dma_start3A_90 : memref<1x48x64xf32, #tpu.memory_space<hbm>> -> memref<48x64xf32, #tpu.memory_space<hbm>>
    %dma_start3A_92 = arith.constant 0 : i32
    %dma_start3A_93 = tpu.memref_slice %arg4[%arg0, %add3A_57, %dma_start3A_92] : memref<2x320000x64xf32, #tpu.memory_space<hbm>> -> memref<1x48x64xf32, #tpu.memory_space<hbm>>
    %dma_start3A_94 = tpu.memref_squeeze %dma_start3A_93 : memref<1x48x64xf32, #tpu.memory_space<hbm>> -> memref<48x64xf32, #tpu.memory_space<hbm>>
    tpu.enqueue_dma source(%dma_start3A_94 : memref<48x64xf32, #tpu.memory_space<hbm>>) target(%arg21 : memref<48x64xf32, #tpu.memory_space<vmem>>) target_semaphore(%arg31 : memref<!tpu.dma_semaphore, #tpu.memory_space<semaphore_mem>>)
    %add3A_95 = arith.constant 48 : i32
    %add3A_96 = arith.addi %mul3A_4, %add3A_95 : i32
    %dma_start3A_97 = tpu.memref_slice %arg5[%add3A_96] : memref<320000xi32, #tpu.memory_space<hbm>> -> memref<48xi32, #tpu.memory_space<hbm>>
    %dma_start3A_98 = tpu.memref_slice %arg5[%add3A_96] : memref<320000xi32, #tpu.memory_space<hbm>> -> memref<48xi32, #tpu.memory_space<hbm>>
    tpu.enqueue_dma source(%dma_start3A_98 : memref<48xi32, #tpu.memory_space<hbm>>) target(%arg11 : memref<48xi32, #tpu.memory_space<vmem>>) target_semaphore(%arg34 : memref<!tpu.dma_semaphore, #tpu.memory_space<semaphore_mem>>)
    %dma_start3A_99 = tpu.memref_slice %arg6[%add3A_96] : memref<320000xi32, #tpu.memory_space<hbm>> -> memref<48xi32, #tpu.memory_space<hbm>>
    %dma_start3A_100 = tpu.memref_slice %arg6[%add3A_96] : memref<320000xi32, #tpu.memory_space<hbm>> -> memref<48xi32, #tpu.memory_space<hbm>>
    tpu.enqueue_dma source(%dma_start3A_100 : memref<48xi32, #tpu.memory_space<hbm>>) target(%arg13 : memref<48xi32, #tpu.memory_space<vmem>>) target_semaphore(%arg34 : memref<!tpu.dma_semaphore, #tpu.memory_space<semaphore_mem>>)
    %scan3A_101 = arith.constant 0 : i32
    %scan3A_102 = arith.constant 0 : i32
    %scan3A_103 = arith.constant 208 : i32
    %scan3A_104 = arith.addi %scan3A_102, %scan3A_103 : i32
    %scan3A_105 = arith.constant 1 : i32
    scf.for %scan3A_255 = %scan3A_102 to %scan3A_104 step %scan3A_105  : i32 {
      %mul3A_256 = arith.constant 2 : i32
      %mul3A_257 = arith.muli %mul3A_256, %scan3A_255 : i32
      %add3A_258 = arith.constant 0 : i32
      %add3A_259 = arith.addi %mul3A_257, %add3A_258 : i32
      %dma_wait3A_260 = arith.constant 0 : i32
      %dma_wait3A_261 = tpu.memref_slice %arg5[%dma_wait3A_260] : memref<320000xi32, #tpu.memory_space<hbm>> -> memref<48xi32, #tpu.memory_space<hbm>>
      %dma_wait3A_262 = arith.constant 0 : i32
      %dma_wait3A_263 = tpu.memref_slice %arg5[%dma_wait3A_262] : memref<320000xi32, #tpu.memory_space<hbm>> -> memref<48xi32, #tpu.memory_space<hbm>>
      tpu.wait_dma2 semaphore(%arg34 : memref<!tpu.dma_semaphore, #tpu.memory_space<semaphore_mem>>) src(%dma_wait3A_263 : memref<48xi32, #tpu.memory_space<hbm>>) dst(%arg11 : memref<48xi32, #tpu.memory_space<vmem>>)
      %dma_wait3A_264 = arith.constant 0 : i32
      %dma_wait3A_265 = tpu.memref_slice %arg6[%dma_wait3A_264] : memref<320000xi32, #tpu.memory_space<hbm>> -> memref<48xi32, #tpu.memory_space<hbm>>
      %dma_wait3A_266 = arith.constant 0 : i32
      %dma_wait3A_267 = tpu.memref_slice %arg6[%dma_wait3A_266] : memref<320000xi32, #tpu.memory_space<hbm>> -> memref<48xi32, #tpu.memory_space<hbm>>
      tpu.wait_dma2 semaphore(%arg34 : memref<!tpu.dma_semaphore, #tpu.memory_space<semaphore_mem>>) src(%dma_wait3A_267 : memref<48xi32, #tpu.memory_space<hbm>>) dst(%arg13 : memref<48xi32, #tpu.memory_space<vmem>>)
      %ge3A = arith.constant 1 : i32
      %ge3A_268 = arith.cmpi sge, %scan3A_255, %ge3A : i32
      %convert_element_type3A_269 = arith.extui %ge3A_268 : i1 to i32
      %cond3A_270 = arith.constant 0 : i32
      %cond3A_271 = arith.cmpi ne, %convert_element_type3A_269, %cond3A_270 : i32
      scf.if %cond3A_271 {
        %dma_wait3A_450 = arith.constant 0 : i32
        %dma_wait3A_451 = arith.constant 0 : i32
        %dma_wait3A_452 = tpu.memref_slice %arg7[%arg0, %dma_wait3A_450, %dma_wait3A_451] : memref<2x320000x64xf32, #tpu.memory_space<hbm>> -> memref<1x48x64xf32, #tpu.memory_space<hbm>>
        %dma_wait3A_453 = tpu.memref_squeeze %dma_wait3A_452 : memref<1x48x64xf32, #tpu.memory_space<hbm>> -> memref<48x64xf32, #tpu.memory_space<hbm>>
        %dma_wait3A_454 = arith.constant 0 : i32
        %dma_wait3A_455 = arith.constant 0 : i32
        %dma_wait3A_456 = tpu.memref_slice %arg7[%arg0, %dma_wait3A_454, %dma_wait3A_455] : memref<2x320000x64xf32, #tpu.memory_space<hbm>> -> memref<1x48x64xf32, #tpu.memory_space<hbm>>
        %dma_wait3A_457 = tpu.memref_squeeze %dma_wait3A_456 : memref<1x48x64xf32, #tpu.memory_space<hbm>> -> memref<48x64xf32, #tpu.memory_space<hbm>>
        tpu.wait_dma2 semaphore(%arg36 : memref<!tpu.dma_semaphore, #tpu.memory_space<semaphore_mem>>) src(%arg22 : memref<48x64xf32, #tpu.memory_space<vmem>>) dst(%dma_wait3A_457 : memref<48x64xf32, #tpu.memory_space<hbm>>)
      } else {
      }
      %add3A_272 = arith.constant 1 : i32
      %add3A_273 = arith.addi %add3A_259, %add3A_272 : i32
      %mul3A_274 = arith.constant 48 : i32
      %mul3A_275 = arith.muli %add3A_273, %mul3A_274 : i32
      %add3A_276 = arith.addi %mul3A_4, %mul3A_275 : i32
      %get3A_277 = arith.constant 0 : index
      %get3A_278 = tpu.vector_load %arg11[%get3A_277] {strides = array<i32>} : memref<48xi32, #tpu.memory_space<vmem>>, vector<16xi32>,
      %get3A_279 = vector.shape_cast %get3A_278 : vector<16xi32> to vector<16xi32>
      %add3A_280 = vector.broadcast %mul3A_2 : i32 to vector<16xi32>
      %add3A_281 = arith.addi %get3A_279, %add3A_280 : vector<16xi32>
      %swap3A_282 = arith.constant 0 : index
      %swap3A_283 = tpu.vector_load %arg11[%swap3A_282] {strides = array<i32>} : memref<48xi32, #tpu.memory_space<vmem>>, vector<16xi32>,
      %swap3A_284 = vector.shape_cast %swap3A_283 : vector<16xi32> to vector<16xi32>
      %swap3A_285 = vector.shape_cast %add3A_281 : vector<16xi32> to vector<16xi32>
      tpu.vector_store %arg11[%swap3A_282], %swap3A_285 {strides = array<i32>} : memref<48xi32, #tpu.memory_space<vmem>>, vector<16xi32>,
      %get3A_286 = arith.constant 16 : index
      %get3A_287 = tpu.vector_load %arg11[%get3A_286] {strides = array<i32>} : memref<48xi32, #tpu.memory_space<vmem>>, vector<16xi32>,
      %get3A_288 = vector.shape_cast %get3A_287 : vector<16xi32> to vector<16xi32>
      %add3A_289 = vector.broadcast %mul3A_2 : i32 to vector<16xi32>
      %add3A_290 = arith.addi %get3A_288, %add3A_289 : vector<16xi32>
      %swap3A_291 = arith.constant 16 : index
      %swap3A_292 = tpu.vector_load %arg11[%swap3A_291] {strides = array<i32>} : memref<48xi32, #tpu.memory_space<vmem>>, vector<16xi32>,
      %swap3A_293 = vector.shape_cast %swap3A_292 : vector<16xi32> to vector<16xi32>
      %swap3A_294 = vector.shape_cast %add3A_290 : vector<16xi32> to vector<16xi32>
      tpu.vector_store %arg11[%swap3A_291], %swap3A_294 {strides = array<i32>} : memref<48xi32, #tpu.memory_space<vmem>>, vector<16xi32>,
      %get3A_295 = arith.constant 32 : index
      %get3A_296 = tpu.vector_load %arg11[%get3A_295] {strides = array<i32>} : memref<48xi32, #tpu.memory_space<vmem>>, vector<16xi32>,
      %get3A_297 = vector.shape_cast %get3A_296 : vector<16xi32> to vector<16xi32>
      %add3A_298 = vector.broadcast %mul3A_2 : i32 to vector<16xi32>
      %add3A_299 = arith.addi %get3A_297, %add3A_298 : vector<16xi32>
      %swap3A_300 = arith.constant 32 : index
      %swap3A_301 = tpu.vector_load %arg11[%swap3A_300] {strides = array<i32>} : memref<48xi32, #tpu.memory_space<vmem>>, vector<16xi32>,
      %swap3A_302 = vector.shape_cast %swap3A_301 : vector<16xi32> to vector<16xi32>
      %swap3A_303 = vector.shape_cast %add3A_299 : vector<16xi32> to vector<16xi32>
      tpu.vector_store %arg11[%swap3A_300], %swap3A_303 {strides = array<i32>} : memref<48xi32, #tpu.memory_space<vmem>>, vector<16xi32>,
      %dma_start3A_304 = arith.constant 0 : i32
      %dma_start3A_305 = arith.constant 0 : i32
      %dma_start3A_306 = tpu.memref_slice %arg2[%dma_start3A_304, %dma_start3A_305] : memref<20000x128xf32, #tpu.memory_space<hbm>> -> memref<20000x128xf32, #tpu.memory_space<hbm>>
      tpu.enqueue_indirect_dma source(%dma_start3A_306 : memref<20000x128xf32, #tpu.memory_space<hbm>>) target(%arg18 : memref<48x128xf32, #tpu.memory_space<vmem>>) offsets(%arg11 : memref<48xi32, #tpu.memory_space<vmem>>) semaphore(%arg28 : memref<!tpu.dma_semaphore, #tpu.memory_space<semaphore_mem>>)
      %dma_start3A_307 = arith.constant 0 : i32
      %dma_start3A_308 = arith.constant 0 : i32
      %dma_start3A_309 = tpu.memref_slice %arg3[%dma_start3A_307, %dma_start3A_308] : memref<10000x128xf32, #tpu.memory_space<hbm>> -> memref<10000x128xf32, #tpu.memory_space<hbm>>
      tpu.enqueue_indirect_dma source(%dma_start3A_309 : memref<10000x128xf32, #tpu.memory_space<hbm>>) target(%arg20 : memref<48x128xf32, #tpu.memory_space<vmem>>) offsets(%arg13 : memref<48xi32, #tpu.memory_space<vmem>>) semaphore(%arg30 : memref<!tpu.dma_semaphore, #tpu.memory_space<semaphore_mem>>)
      %dma_start3A_310 = arith.constant 0 : i32
      %dma_start3A_311 = tpu.memref_slice %arg4[%arg0, %add3A_276, %dma_start3A_310] : memref<2x320000x64xf32, #tpu.memory_space<hbm>> -> memref<1x48x64xf32, #tpu.memory_space<hbm>>
      %dma_start3A_312 = tpu.memref_squeeze %dma_start3A_311 : memref<1x48x64xf32, #tpu.memory_space<hbm>> -> memref<48x64xf32, #tpu.memory_space<hbm>>
      %dma_start3A_313 = arith.constant 0 : i32
      %dma_start3A_314 = tpu.memref_slice %arg4[%arg0, %add3A_276, %dma_start3A_313] : memref<2x320000x64xf32, #tpu.memory_space<hbm>> -> memref<1x48x64xf32, #tpu.memory_space<hbm>>
      %dma_start3A_315 = tpu.memref_squeeze %dma_start3A_314 : memref<1x48x64xf32, #tpu.memory_space<hbm>> -> memref<48x64xf32, #tpu.memory_space<hbm>>
      tpu.enqueue_dma source(%dma_start3A_315 : memref<48x64xf32, #tpu.memory_space<hbm>>) target(%arg22 : memref<48x64xf32, #tpu.memory_space<vmem>>) target_semaphore(%arg32 : memref<!tpu.dma_semaphore, #tpu.memory_space<semaphore_mem>>)
      %dma_wait3A_316 = arith.constant 0 : i32
      %dma_wait3A_317 = arith.constant 0 : i32
      %dma_wait3A_318 = tpu.memref_slice %arg2[%dma_wait3A_316, %dma_wait3A_317] : memref<20000x128xf32, #tpu.memory_space<hbm>> -> memref<20000x128xf32, #tpu.memory_space<hbm>>
      tpu.wait_indirect_dma semaphore(%arg27 : memref<!tpu.dma_semaphore, #tpu.memory_space<semaphore_mem>>) src(%dma_wait3A_318 : memref<20000x128xf32, #tpu.memory_space<hbm>>) dst(%arg17 : memref<48x128xf32, #tpu.memory_space<vmem>>)
      %dma_wait3A_319 = arith.constant 0 : i32
      %dma_wait3A_320 = arith.constant 0 : i32
      %dma_wait3A_321 = tpu.memref_slice %arg3[%dma_wait3A_319, %dma_wait3A_320] : memref<10000x128xf32, #tpu.memory_space<hbm>> -> memref<10000x128xf32, #tpu.memory_space<hbm>>
      tpu.wait_indirect_dma semaphore(%arg29 : memref<!tpu.dma_semaphore, #tpu.memory_space<semaphore_mem>>) src(%dma_wait3A_321 : memref<10000x128xf32, #tpu.memory_space<hbm>>) dst(%arg19 : memref<48x128xf32, #tpu.memory_space<vmem>>)
      %dma_wait3A_322 = arith.constant 0 : i32
      %dma_wait3A_323 = arith.constant 0 : i32
      %dma_wait3A_324 = tpu.memref_slice %arg4[%arg0, %dma_wait3A_322, %dma_wait3A_323] : memref<2x320000x64xf32, #tpu.memory_space<hbm>> -> memref<1x48x64xf32, #tpu.memory_space<hbm>>
      %dma_wait3A_325 = tpu.memref_squeeze %dma_wait3A_324 : memref<1x48x64xf32, #tpu.memory_space<hbm>> -> memref<48x64xf32, #tpu.memory_space<hbm>>
      %dma_wait3A_326 = arith.constant 0 : i32
      %dma_wait3A_327 = arith.constant 0 : i32
      %dma_wait3A_328 = tpu.memref_slice %arg4[%arg0, %dma_wait3A_326, %dma_wait3A_327] : memref<2x320000x64xf32, #tpu.memory_space<hbm>> -> memref<1x48x64xf32, #tpu.memory_space<hbm>>
      %dma_wait3A_329 = tpu.memref_squeeze %dma_wait3A_328 : memref<1x48x64xf32, #tpu.memory_space<hbm>> -> memref<48x64xf32, #tpu.memory_space<hbm>>
      tpu.wait_dma2 semaphore(%arg31 : memref<!tpu.dma_semaphore, #tpu.memory_space<semaphore_mem>>) src(%dma_wait3A_329 : memref<48x64xf32, #tpu.memory_space<hbm>>) dst(%arg21 : memref<48x64xf32, #tpu.memory_space<vmem>>)
      %get3A_330 = arith.constant 0 : index
      %get3A_331 = tpu.vector_load %arg12[%get3A_330] {strides = array<i32>} : memref<48xi32, #tpu.memory_space<vmem>>, vector<16xi32>,
      %get3A_332 = vector.shape_cast %get3A_331 : vector<16xi32> to vector<16xi32>
      %swap3A_333 = arith.constant 0 : index
      %swap3A_334 = tpu.vector_load %arg14[%swap3A_333] {strides = array<i32>} : memref<48xi32, #tpu.memory_space<vmem>>, vector<16xi32>,
      %swap3A_335 = vector.shape_cast %swap3A_334 : vector<16xi32> to vector<16xi32>
      %swap3A_336 = vector.shape_cast %get3A_332 : vector<16xi32> to vector<16xi32>
      tpu.vector_store %arg14[%swap3A_333], %swap3A_336 {strides = array<i32>} : memref<48xi32, #tpu.memory_space<vmem>>, vector<16xi32>,
      %get3A_337 = arith.constant 16 : index
      %get3A_338 = tpu.vector_load %arg12[%get3A_337] {strides = array<i32>} : memref<48xi32, #tpu.memory_space<vmem>>, vector<16xi32>,
      %get3A_339 = vector.shape_cast %get3A_338 : vector<16xi32> to vector<16xi32>
      %swap3A_340 = arith.constant 16 : index
      %swap3A_341 = tpu.vector_load %arg14[%swap3A_340] {strides = array<i32>} : memref<48xi32, #tpu.memory_space<vmem>>, vector<16xi32>,
      %swap3A_342 = vector.shape_cast %swap3A_341 : vector<16xi32> to vector<16xi32>
      %swap3A_343 = vector.shape_cast %get3A_339 : vector<16xi32> to vector<16xi32>
      tpu.vector_store %arg14[%swap3A_340], %swap3A_343 {strides = array<i32>} : memref<48xi32, #tpu.memory_space<vmem>>, vector<16xi32>,
      %get3A_344 = arith.constant 32 : index
      %get3A_345 = tpu.vector_load %arg12[%get3A_344] {strides = array<i32>} : memref<48xi32, #tpu.memory_space<vmem>>, vector<16xi32>,
      %get3A_346 = vector.shape_cast %get3A_345 : vector<16xi32> to vector<16xi32>
      %swap3A_347 = arith.constant 32 : index
      %swap3A_348 = tpu.vector_load %arg14[%swap3A_347] {strides = array<i32>} : memref<48xi32, #tpu.memory_space<vmem>>, vector<16xi32>,
      %swap3A_349 = vector.shape_cast %swap3A_348 : vector<16xi32> to vector<16xi32>
      %swap3A_350 = vector.shape_cast %get3A_346 : vector<16xi32> to vector<16xi32>
      tpu.vector_store %arg14[%swap3A_347], %swap3A_350 {strides = array<i32>} : memref<48xi32, #tpu.memory_space<vmem>>, vector<16xi32>,
      %lt3A = arith.constant 207 : i32
      %lt3A_351 = arith.cmpi slt, %scan3A_255, %lt3A : i32
      %convert_element_type3A_352 = arith.extui %lt3A_351 : i1 to i32
      %cond3A_353 = arith.constant 0 : i32
      %cond3A_354 = arith.cmpi ne, %convert_element_type3A_352, %cond3A_353 : i32
      scf.if %cond3A_354 {
        %add3A_450 = arith.constant 2 : i32
        %add3A_451 = arith.addi %add3A_259, %add3A_450 : i32
        %mul3A_452 = arith.constant 48 : i32
        %mul3A_453 = arith.muli %add3A_451, %mul3A_452 : i32
        %add3A_454 = arith.addi %mul3A_4, %mul3A_453 : i32
        %dma_start3A_455 = tpu.memref_slice %arg5[%add3A_454] : memref<320000xi32, #tpu.memory_space<hbm>> -> memref<48xi32, #tpu.memory_space<hbm>>
        %dma_start3A_456 = tpu.memref_slice %arg5[%add3A_454] : memref<320000xi32, #tpu.memory_space<hbm>> -> memref<48xi32, #tpu.memory_space<hbm>>
        tpu.enqueue_dma source(%dma_start3A_456 : memref<48xi32, #tpu.memory_space<hbm>>) target(%arg10 : memref<48xi32, #tpu.memory_space<vmem>>) target_semaphore(%arg33 : memref<!tpu.dma_semaphore, #tpu.memory_space<semaphore_mem>>)
        %dma_start3A_457 = tpu.memref_slice %arg6[%add3A_454] : memref<320000xi32, #tpu.memory_space<hbm>> -> memref<48xi32, #tpu.memory_space<hbm>>
        %dma_start3A_458 = tpu.memref_slice %arg6[%add3A_454] : memref<320000xi32, #tpu.memory_space<hbm>> -> memref<48xi32, #tpu.memory_space<hbm>>
        tpu.enqueue_dma source(%dma_start3A_458 : memref<48xi32, #tpu.memory_space<hbm>>) target(%arg12 : memref<48xi32, #tpu.memory_space<vmem>>) target_semaphore(%arg33 : memref<!tpu.dma_semaphore, #tpu.memory_space<semaphore_mem>>)
      } else {
      }
      %ge3A_355 = arith.constant 1 : i32
      %ge3A_356 = arith.cmpi sge, %scan3A_255, %ge3A_355 : i32
      %convert_element_type3A_357 = arith.extui %ge3A_356 : i1 to i32
      %cond3A_358 = arith.constant 0 : i32
      %cond3A_359 = arith.cmpi ne, %convert_element_type3A_357, %cond3A_358 : i32
      scf.if %cond3A_359 {
        %dma_wait3A_450 = arith.constant 0 : i32
        %dma_wait3A_451 = arith.constant 0 : i32
        %dma_wait3A_452 = tpu.memref_slice %arg26[%dma_wait3A_450, %dma_wait3A_451] : memref<10000x128xf32, #tpu.memory_space<vmem_shared>> -> memref<10000x128xf32, #tpu.memory_space<vmem_shared>>
        tpu.wait_indirect_dma semaphore(%arg37 : memref<!tpu.dma_semaphore, #tpu.memory_space<semaphore_mem>>) src(%arg23 : memref<48x128xf32, #tpu.memory_space<vmem>>) dst(%dma_wait3A_452 : memref<10000x128xf32, #tpu.memory_space<vmem_shared>>)
      } else {
      }
      %scan3A_360 = arith.constant 0 : i32
      %scan3A_361 = arith.constant 0 : i32
      %scan3A_362 = arith.constant 48 : i32
      %scan3A_363 = arith.addi %scan3A_361, %scan3A_362 : i32
      %scan3A_364 = arith.constant 1 : i32
      scf.for %scan3A_450 = %scan3A_361 to %scan3A_363 step %scan3A_364  : i32 {
        %get3A_451 = arith.index_cast %scan3A_450 : i32 to index
        %get3A_452 = arith.constant 0 : index
        %get3A_453 = tpu.vector_load %arg17[%get3A_451, %get3A_452] {strides = array<i32>} : memref<48x128xf32, #tpu.memory_space<vmem>>, vector<1x16xf32>,
        %get3A_454 = vector.shape_cast %get3A_453 : vector<1x16xf32> to vector<16xf32>
        %add3A_455 = arith.constant 0 : i32
        %add3A_456 = arith.addi %mul3A_6, %add3A_455 : i32
        %get3A_457 = arith.index_cast %scan3A_450 : i32 to index
        %get3A_458 = arith.index_cast %add3A_456 : i32 to index
        %get3A_459 = tpu.vector_load %arg19[%get3A_457, %get3A_458] {strides = array<i32>} : memref<48x128xf32, #tpu.memory_space<vmem>>, vector<1x16xf32>,
        %get3A_460 = vector.shape_cast %get3A_459 : vector<1x16xf32> to vector<16xf32>
        %add3A_461 = arith.addf %get3A_454, %get3A_460 : vector<16xf32>
        %get3A_462 = arith.index_cast %scan3A_450 : i32 to index
        %get3A_463 = arith.constant 0 : index
        %get3A_464 = tpu.vector_load %arg21[%get3A_462, %get3A_463] {strides = array<i32>} : memref<48x64xf32, #tpu.memory_space<vmem>>, vector<1x16xf32>,
        %get3A_465 = vector.shape_cast %get3A_464 : vector<1x16xf32> to vector<16xf32>
        %add3A_466 = arith.addf %add3A_461, %get3A_465 : vector<16xf32>
        %get3A_467 = arith.index_cast %scan3A_450 : i32 to index
        %get3A_468 = arith.constant 16 : index
        %get3A_469 = tpu.vector_load %arg17[%get3A_467, %get3A_468] {strides = array<i32>} : memref<48x128xf32, #tpu.memory_space<vmem>>, vector<1x16xf32>,
        %get3A_470 = vector.shape_cast %get3A_469 : vector<1x16xf32> to vector<16xf32>
        %add3A_471 = arith.constant 16 : i32
        %add3A_472 = arith.addi %mul3A_6, %add3A_471 : i32
        %get3A_473 = arith.index_cast %scan3A_450 : i32 to index
        %get3A_474 = arith.index_cast %add3A_472 : i32 to index
        %get3A_475 = tpu.vector_load %arg19[%get3A_473, %get3A_474] {strides = array<i32>} : memref<48x128xf32, #tpu.memory_space<vmem>>, vector<1x16xf32>,
        %get3A_476 = vector.shape_cast %get3A_475 : vector<1x16xf32> to vector<16xf32>
        %add3A_477 = arith.addf %get3A_470, %get3A_476 : vector<16xf32>
        %get3A_478 = arith.index_cast %scan3A_450 : i32 to index
        %get3A_479 = arith.constant 16 : index
        %get3A_480 = tpu.vector_load %arg21[%get3A_478, %get3A_479] {strides = array<i32>} : memref<48x64xf32, #tpu.memory_space<vmem>>, vector<1x16xf32>,
        %get3A_481 = vector.shape_cast %get3A_480 : vector<1x16xf32> to vector<16xf32>
        %add3A_482 = arith.addf %add3A_477, %get3A_481 : vector<16xf32>
        %get3A_483 = arith.index_cast %scan3A_450 : i32 to index
        %get3A_484 = arith.constant 32 : index
        %get3A_485 = tpu.vector_load %arg17[%get3A_483, %get3A_484] {strides = array<i32>} : memref<48x128xf32, #tpu.memory_space<vmem>>, vector<1x16xf32>,
        %get3A_486 = vector.shape_cast %get3A_485 : vector<1x16xf32> to vector<16xf32>
        %add3A_487 = arith.constant 32 : i32
        %add3A_488 = arith.addi %mul3A_6, %add3A_487 : i32
        %get3A_489 = arith.index_cast %scan3A_450 : i32 to index
        %get3A_490 = arith.index_cast %add3A_488 : i32 to index
        %get3A_491 = tpu.vector_load %arg19[%get3A_489, %get3A_490] {strides = array<i32>} : memref<48x128xf32, #tpu.memory_space<vmem>>, vector<1x16xf32>,
        %get3A_492 = vector.shape_cast %get3A_491 : vector<1x16xf32> to vector<16xf32>
        %add3A_493 = arith.addf %get3A_486, %get3A_492 : vector<16xf32>
        %get3A_494 = arith.index_cast %scan3A_450 : i32 to index
        %get3A_495 = arith.constant 32 : index
        %get3A_496 = tpu.vector_load %arg21[%get3A_494, %get3A_495] {strides = array<i32>} : memref<48x64xf32, #tpu.memory_space<vmem>>, vector<1x16xf32>,
        %get3A_497 = vector.shape_cast %get3A_496 : vector<1x16xf32> to vector<16xf32>
        %add3A_498 = arith.addf %add3A_493, %get3A_497 : vector<16xf32>
        %get3A_499 = arith.index_cast %scan3A_450 : i32 to index
        %get3A_500 = arith.constant 48 : index
        %get3A_501 = tpu.vector_load %arg17[%get3A_499, %get3A_500] {strides = array<i32>} : memref<48x128xf32, #tpu.memory_space<vmem>>, vector<1x16xf32>,
        %get3A_502 = vector.shape_cast %get3A_501 : vector<1x16xf32> to vector<16xf32>
        %add3A_503 = arith.constant 48 : i32
        %add3A_504 = arith.addi %mul3A_6, %add3A_503 : i32
        %get3A_505 = arith.index_cast %scan3A_450 : i32 to index
        %get3A_506 = arith.index_cast %add3A_504 : i32 to index
        %get3A_507 = tpu.vector_load %arg19[%get3A_505, %get3A_506] {strides = array<i32>} : memref<48x128xf32, #tpu.memory_space<vmem>>, vector<1x16xf32>,
        %get3A_508 = vector.shape_cast %get3A_507 : vector<1x16xf32> to vector<16xf32>
        %add3A_509 = arith.addf %get3A_502, %get3A_508 : vector<16xf32>
        %get3A_510 = arith.index_cast %scan3A_450 : i32 to index
        %get3A_511 = arith.constant 48 : index
        %get3A_512 = tpu.vector_load %arg21[%get3A_510, %get3A_511] {strides = array<i32>} : memref<48x64xf32, #tpu.memory_space<vmem>>, vector<1x16xf32>,
        %get3A_513 = vector.shape_cast %get3A_512 : vector<1x16xf32> to vector<16xf32>
        %add3A_514 = arith.addf %add3A_509, %get3A_513 : vector<16xf32>
        %exp3A = math.exp %add3A_466 : vector<16xf32>
        %exp3A_515 = math.exp %add3A_482 : vector<16xf32>
        %exp3A_516 = math.exp %add3A_498 : vector<16xf32>
        %exp3A_517 = math.exp %add3A_514 : vector<16xf32>
        %add3A_518 = arith.constant 1.000000e+00 : f32
        %add3A_519 = vector.broadcast %add3A_518 : f32 to vector<16xf32>
        %add3A_520 = arith.addf %add3A_519, %exp3A : vector<16xf32>
        %div3A = arith.constant 1.000000e+00 : f32
        %div3A_521 = vector.broadcast %div3A : f32 to vector<16xf32>
        %div3A_522 = arith.divf %div3A_521, %add3A_520 : vector<16xf32>
        %add3A_523 = arith.constant 1.000000e+00 : f32
        %add3A_524 = vector.broadcast %add3A_523 : f32 to vector<16xf32>
        %add3A_525 = arith.addf %add3A_524, %exp3A_515 : vector<16xf32>
        %div3A_526 = arith.constant 1.000000e+00 : f32
        %div3A_527 = vector.broadcast %div3A_526 : f32 to vector<16xf32>
        %div3A_528 = arith.divf %div3A_527, %add3A_525 : vector<16xf32>
        %add3A_529 = arith.constant 1.000000e+00 : f32
        %add3A_530 = vector.broadcast %add3A_529 : f32 to vector<16xf32>
        %add3A_531 = arith.addf %add3A_530, %exp3A_516 : vector<16xf32>
        %div3A_532 = arith.constant 1.000000e+00 : f32
        %div3A_533 = vector.broadcast %div3A_532 : f32 to vector<16xf32>
        %div3A_534 = arith.divf %div3A_533, %add3A_531 : vector<16xf32>
        %add3A_535 = arith.constant 1.000000e+00 : f32
        %add3A_536 = vector.broadcast %add3A_535 : f32 to vector<16xf32>
        %add3A_537 = arith.addf %add3A_536, %exp3A_517 : vector<16xf32>
        %div3A_538 = arith.constant 1.000000e+00 : f32
        %div3A_539 = vector.broadcast %div3A_538 : f32 to vector<16xf32>
        %div3A_540 = arith.divf %div3A_539, %add3A_537 : vector<16xf32>
        %get3A_541 = arith.index_cast %scan3A_450 : i32 to index
        %get3A_542 = arith.constant 64 : index
        %get3A_543 = tpu.vector_load %arg17[%get3A_541, %get3A_542] {strides = array<i32>} : memref<48x128xf32, #tpu.memory_space<vmem>>, vector<1x16xf32>,
        %get3A_544 = vector.shape_cast %get3A_543 : vector<1x16xf32> to vector<16xf32>
        %swap3A_545 = arith.index_cast %scan3A_450 : i32 to index
        %swap3A_546 = arith.constant 0 : index
        %swap3A_547 = tpu.vector_load %arg21[%swap3A_545, %swap3A_546] {strides = array<i32>} : memref<48x64xf32, #tpu.memory_space<vmem>>, vector<1x16xf32>,
        %swap3A_548 = vector.shape_cast %swap3A_547 : vector<1x16xf32> to vector<16xf32>
        %swap3A_549 = vector.shape_cast %div3A_522 : vector<16xf32> to vector<1x16xf32>
        tpu.vector_store %arg21[%swap3A_545, %swap3A_546], %swap3A_549 {strides = array<i32>} : memref<48x64xf32, #tpu.memory_space<vmem>>, vector<1x16xf32>,
        %mul3A_550 = arith.mulf %div3A_522, %get3A_544 : vector<16xf32>
        %swap3A_551 = arith.index_cast %scan3A_450 : i32 to index
        %swap3A_552 = arith.constant 0 : index
        %swap3A_553 = tpu.vector_load %arg23[%swap3A_551, %swap3A_552] {strides = array<i32>} : memref<48x128xf32, #tpu.memory_space<vmem>>, vector<1x16xf32>,
        %swap3A_554 = vector.shape_cast %swap3A_553 : vector<1x16xf32> to vector<16xf32>
        %swap3A_555 = vector.shape_cast %mul3A_550 : vector<16xf32> to vector<1x16xf32>
        tpu.vector_store %arg23[%swap3A_551, %swap3A_552], %swap3A_555 {strides = array<i32>} : memref<48x128xf32, #tpu.memory_space<vmem>>, vector<1x16xf32>,
        %swap3A_556 = arith.index_cast %scan3A_450 : i32 to index
        %swap3A_557 = arith.constant 64 : index
        %swap3A_558 = tpu.vector_load %arg23[%swap3A_556, %swap3A_557] {strides = array<i32>} : memref<48x128xf32, #tpu.memory_space<vmem>>, vector<1x16xf32>,
        %swap3A_559 = vector.shape_cast %swap3A_558 : vector<1x16xf32> to vector<16xf32>
        %swap3A_560 = vector.shape_cast %div3A_522 : vector<16xf32> to vector<1x16xf32>
        tpu.vector_store %arg23[%swap3A_556, %swap3A_557], %swap3A_560 {strides = array<i32>} : memref<48x128xf32, #tpu.memory_space<vmem>>, vector<1x16xf32>,
        %mul3A_561 = arith.mulf %div3A_522, %div3A_522 : vector<16xf32>
        %swap3A_562 = arith.constant 0 : index
        %swap3A_563 = tpu.vector_load %arg25[%swap3A_562] {strides = array<i32>} : memref<64xf32, #tpu.memory_space<vmem>>, vector<16xf32>,
        %swap3A_564 = vector.shape_cast %swap3A_563 : vector<16xf32> to vector<16xf32>
        %swap3A_565 = vector.shape_cast %mul3A_561 : vector<16xf32> to vector<16xf32>
        tpu.vector_store %arg25[%swap3A_562], %swap3A_565 {add = true, strides = array<i32>} : memref<64xf32, #tpu.memory_space<vmem>>, vector<16xf32>,
        %get3A_566 = arith.index_cast %scan3A_450 : i32 to index
        %get3A_567 = arith.constant 80 : index
        %get3A_568 = tpu.vector_load %arg17[%get3A_566, %get3A_567] {strides = array<i32>} : memref<48x128xf32, #tpu.memory_space<vmem>>, vector<1x16xf32>,
        %get3A_569 = vector.shape_cast %get3A_568 : vector<1x16xf32> to vector<16xf32>
        %swap3A_570 = arith.index_cast %scan3A_450 : i32 to index
        %swap3A_571 = arith.constant 16 : index
        %swap3A_572 = tpu.vector_load %arg21[%swap3A_570, %swap3A_571] {strides = array<i32>} : memref<48x64xf32, #tpu.memory_space<vmem>>, vector<1x16xf32>,
        %swap3A_573 = vector.shape_cast %swap3A_572 : vector<1x16xf32> to vector<16xf32>
        %swap3A_574 = vector.shape_cast %div3A_528 : vector<16xf32> to vector<1x16xf32>
        tpu.vector_store %arg21[%swap3A_570, %swap3A_571], %swap3A_574 {strides = array<i32>} : memref<48x64xf32, #tpu.memory_space<vmem>>, vector<1x16xf32>,
        %mul3A_575 = arith.mulf %div3A_528, %get3A_569 : vector<16xf32>
        %swap3A_576 = arith.index_cast %scan3A_450 : i32 to index
        %swap3A_577 = arith.constant 16 : index
        %swap3A_578 = tpu.vector_load %arg23[%swap3A_576, %swap3A_577] {strides = array<i32>} : memref<48x128xf32, #tpu.memory_space<vmem>>, vector<1x16xf32>,
        %swap3A_579 = vector.shape_cast %swap3A_578 : vector<1x16xf32> to vector<16xf32>
        %swap3A_580 = vector.shape_cast %mul3A_575 : vector<16xf32> to vector<1x16xf32>
        tpu.vector_store %arg23[%swap3A_576, %swap3A_577], %swap3A_580 {strides = array<i32>} : memref<48x128xf32, #tpu.memory_space<vmem>>, vector<1x16xf32>,
        %swap3A_581 = arith.index_cast %scan3A_450 : i32 to index
        %swap3A_582 = arith.constant 80 : index
        %swap3A_583 = tpu.vector_load %arg23[%swap3A_581, %swap3A_582] {strides = array<i32>} : memref<48x128xf32, #tpu.memory_space<vmem>>, vector<1x16xf32>,
        %swap3A_584 = vector.shape_cast %swap3A_583 : vector<1x16xf32> to vector<16xf32>
        %swap3A_585 = vector.shape_cast %div3A_528 : vector<16xf32> to vector<1x16xf32>
        tpu.vector_store %arg23[%swap3A_581, %swap3A_582], %swap3A_585 {strides = array<i32>} : memref<48x128xf32, #tpu.memory_space<vmem>>, vector<1x16xf32>,
        %mul3A_586 = arith.mulf %div3A_528, %div3A_528 : vector<16xf32>
        %swap3A_587 = arith.constant 16 : index
        %swap3A_588 = tpu.vector_load %arg25[%swap3A_587] {strides = array<i32>} : memref<64xf32, #tpu.memory_space<vmem>>, vector<16xf32>,
        %swap3A_589 = vector.shape_cast %swap3A_588 : vector<16xf32> to vector<16xf32>
        %swap3A_590 = vector.shape_cast %mul3A_586 : vector<16xf32> to vector<16xf32>
        tpu.vector_store %arg25[%swap3A_587], %swap3A_590 {add = true, strides = array<i32>} : memref<64xf32, #tpu.memory_space<vmem>>, vector<16xf32>,
        %get3A_591 = arith.index_cast %scan3A_450 : i32 to index
        %get3A_592 = arith.constant 96 : index
        %get3A_593 = tpu.vector_load %arg17[%get3A_591, %get3A_592] {strides = array<i32>} : memref<48x128xf32, #tpu.memory_space<vmem>>, vector<1x16xf32>,
        %get3A_594 = vector.shape_cast %get3A_593 : vector<1x16xf32> to vector<16xf32>
        %swap3A_595 = arith.index_cast %scan3A_450 : i32 to index
        %swap3A_596 = arith.constant 32 : index
        %swap3A_597 = tpu.vector_load %arg21[%swap3A_595, %swap3A_596] {strides = array<i32>} : memref<48x64xf32, #tpu.memory_space<vmem>>, vector<1x16xf32>,
        %swap3A_598 = vector.shape_cast %swap3A_597 : vector<1x16xf32> to vector<16xf32>
        %swap3A_599 = vector.shape_cast %div3A_534 : vector<16xf32> to vector<1x16xf32>
        tpu.vector_store %arg21[%swap3A_595, %swap3A_596], %swap3A_599 {strides = array<i32>} : memref<48x64xf32, #tpu.memory_space<vmem>>, vector<1x16xf32>,
        %mul3A_600 = arith.mulf %div3A_534, %get3A_594 : vector<16xf32>
        %swap3A_601 = arith.index_cast %scan3A_450 : i32 to index
        %swap3A_602 = arith.constant 32 : index
        %swap3A_603 = tpu.vector_load %arg23[%swap3A_601, %swap3A_602] {strides = array<i32>} : memref<48x128xf32, #tpu.memory_space<vmem>>, vector<1x16xf32>,
        %swap3A_604 = vector.shape_cast %swap3A_603 : vector<1x16xf32> to vector<16xf32>
        %swap3A_605 = vector.shape_cast %mul3A_600 : vector<16xf32> to vector<1x16xf32>
        tpu.vector_store %arg23[%swap3A_601, %swap3A_602], %swap3A_605 {strides = array<i32>} : memref<48x128xf32, #tpu.memory_space<vmem>>, vector<1x16xf32>,
        %swap3A_606 = arith.index_cast %scan3A_450 : i32 to index
        %swap3A_607 = arith.constant 96 : index
        %swap3A_608 = tpu.vector_load %arg23[%swap3A_606, %swap3A_607] {strides = array<i32>} : memref<48x128xf32, #tpu.memory_space<vmem>>, vector<1x16xf32>,
        %swap3A_609 = vector.shape_cast %swap3A_608 : vector<1x16xf32> to vector<16xf32>
        %swap3A_610 = vector.shape_cast %div3A_534 : vector<16xf32> to vector<1x16xf32>
        tpu.vector_store %arg23[%swap3A_606, %swap3A_607], %swap3A_610 {strides = array<i32>} : memref<48x128xf32, #tpu.memory_space<vmem>>, vector<1x16xf32>,
        %mul3A_611 = arith.mulf %div3A_534, %div3A_534 : vector<16xf32>
        %swap3A_612 = arith.constant 32 : index
        %swap3A_613 = tpu.vector_load %arg25[%swap3A_612] {strides = array<i32>} : memref<64xf32, #tpu.memory_space<vmem>>, vector<16xf32>,
        %swap3A_614 = vector.shape_cast %swap3A_613 : vector<16xf32> to vector<16xf32>
        %swap3A_615 = vector.shape_cast %mul3A_611 : vector<16xf32> to vector<16xf32>
        tpu.vector_store %arg25[%swap3A_612], %swap3A_615 {add = true, strides = array<i32>} : memref<64xf32, #tpu.memory_space<vmem>>, vector<16xf32>,
        %get3A_616 = arith.index_cast %scan3A_450 : i32 to index
        %get3A_617 = arith.constant 112 : index
        %get3A_618 = tpu.vector_load %arg17[%get3A_616, %get3A_617] {strides = array<i32>} : memref<48x128xf32, #tpu.memory_space<vmem>>, vector<1x16xf32>,
        %get3A_619 = vector.shape_cast %get3A_618 : vector<1x16xf32> to vector<16xf32>
        %swap3A_620 = arith.index_cast %scan3A_450 : i32 to index
        %swap3A_621 = arith.constant 48 : index
        %swap3A_622 = tpu.vector_load %arg21[%swap3A_620, %swap3A_621] {strides = array<i32>} : memref<48x64xf32, #tpu.memory_space<vmem>>, vector<1x16xf32>,
        %swap3A_623 = vector.shape_cast %swap3A_622 : vector<1x16xf32> to vector<16xf32>
        %swap3A_624 = vector.shape_cast %div3A_540 : vector<16xf32> to vector<1x16xf32>
        tpu.vector_store %arg21[%swap3A_620, %swap3A_621], %swap3A_624 {strides = array<i32>} : memref<48x64xf32, #tpu.memory_space<vmem>>, vector<1x16xf32>,
        %mul3A_625 = arith.mulf %div3A_540, %get3A_619 : vector<16xf32>
        %swap3A_626 = arith.index_cast %scan3A_450 : i32 to index
        %swap3A_627 = arith.constant 48 : index
        %swap3A_628 = tpu.vector_load %arg23[%swap3A_626, %swap3A_627] {strides = array<i32>} : memref<48x128xf32, #tpu.memory_space<vmem>>, vector<1x16xf32>,
        %swap3A_629 = vector.shape_cast %swap3A_628 : vector<1x16xf32> to vector<16xf32>
        %swap3A_630 = vector.shape_cast %mul3A_625 : vector<16xf32> to vector<1x16xf32>
        tpu.vector_store %arg23[%swap3A_626, %swap3A_627], %swap3A_630 {strides = array<i32>} : memref<48x128xf32, #tpu.memory_space<vmem>>, vector<1x16xf32>,
        %swap3A_631 = arith.index_cast %scan3A_450 : i32 to index
        %swap3A_632 = arith.constant 112 : index
        %swap3A_633 = tpu.vector_load %arg23[%swap3A_631, %swap3A_632] {strides = array<i32>} : memref<48x128xf32, #tpu.memory_space<vmem>>, vector<1x16xf32>,
        %swap3A_634 = vector.shape_cast %swap3A_633 : vector<1x16xf32> to vector<16xf32>
        %swap3A_635 = vector.shape_cast %div3A_540 : vector<16xf32> to vector<1x16xf32>
        tpu.vector_store %arg23[%swap3A_631, %swap3A_632], %swap3A_635 {strides = array<i32>} : memref<48x128xf32, #tpu.memory_space<vmem>>, vector<1x16xf32>,
        %mul3A_636 = arith.mulf %div3A_540, %div3A_540 : vector<16xf32>
        %swap3A_637 = arith.constant 48 : index
        %swap3A_638 = tpu.vector_load %arg25[%swap3A_637] {strides = array<i32>} : memref<64xf32, #tpu.memory_space<vmem>>, vector<16xf32>,
        %swap3A_639 = vector.shape_cast %swap3A_638 : vector<16xf32> to vector<16xf32>
        %swap3A_640 = vector.shape_cast %mul3A_636 : vector<16xf32> to vector<16xf32>
        tpu.vector_store %arg25[%swap3A_637], %swap3A_640 {add = true, strides = array<i32>} : memref<64xf32, #tpu.memory_space<vmem>>, vector<16xf32>,
      }
      %scan3A_365 = arith.constant 48 : i32
      %mul3A_366 = arith.constant 48 : i32
      %mul3A_367 = arith.muli %add3A_259, %mul3A_366 : i32
      %add3A_368 = arith.addi %mul3A_4, %mul3A_367 : i32
      %dma_start3A_369 = arith.constant 0 : i32
      %dma_start3A_370 = tpu.memref_slice %arg7[%arg0, %add3A_368, %dma_start3A_369] : memref<2x320000x64xf32, #tpu.memory_space<hbm>> -> memref<1x48x64xf32, #tpu.memory_space<hbm>>
      %dma_start3A_371 = tpu.memref_squeeze %dma_start3A_370 : memref<1x48x64xf32, #tpu.memory_space<hbm>> -> memref<48x64xf32, #tpu.memory_space<hbm>>
      %dma_start3A_372 = arith.constant 0 : i32
      %dma_start3A_373 = tpu.memref_slice %arg7[%arg0, %add3A_368, %dma_start3A_372] : memref<2x320000x64xf32, #tpu.memory_space<hbm>> -> memref<1x48x64xf32, #tpu.memory_space<hbm>>
      %dma_start3A_374 = tpu.memref_squeeze %dma_start3A_373 : memref<1x48x64xf32, #tpu.memory_space<hbm>> -> memref<48x64xf32, #tpu.memory_space<hbm>>
      tpu.enqueue_dma source(%arg21 : memref<48x64xf32, #tpu.memory_space<vmem>>) target(%dma_start3A_374 : memref<48x64xf32, #tpu.memory_space<hbm>>) target_semaphore(%arg35 : memref<!tpu.dma_semaphore, #tpu.memory_space<semaphore_mem>>)
      %dma_start3A_375 = arith.constant 0 : i32
      %dma_start3A_376 = arith.constant 0 : i32
      %dma_start3A_377 = tpu.memref_slice %arg26[%dma_start3A_375, %dma_start3A_376] : memref<10000x128xf32, #tpu.memory_space<vmem_shared>> -> memref<10000x128xf32, #tpu.memory_space<vmem_shared>>
      tpu.enqueue_indirect_dma source(%arg23 : memref<48x128xf32, #tpu.memory_space<vmem>>) target(%dma_start3A_377 : memref<10000x128xf32, #tpu.memory_space<vmem_shared>>) offsets(%arg14 : memref<48xi32, #tpu.memory_space<vmem>>) semaphore(%arg37 : memref<!tpu.dma_semaphore, #tpu.memory_space<semaphore_mem>>) {add = true}
      %mul3A_378 = arith.constant 2 : i32
      %mul3A_379 = arith.muli %mul3A_378, %scan3A_255 : i32
      %add3A_380 = arith.constant 1 : i32
      %add3A_381 = arith.addi %mul3A_379, %add3A_380 : i32
      %lt3A_382 = arith.constant 207 : i32
      %lt3A_383 = arith.cmpi slt, %scan3A_255, %lt3A_382 : i32
      %convert_element_type3A_384 = arith.extui %lt3A_383 : i1 to i32
      %cond3A_385 = arith.constant 0 : i32
      %cond3A_386 = arith.cmpi ne, %convert_element_type3A_384, %cond3A_385 : i32
      scf.if %cond3A_386 {
        %dma_wait3A_450 = arith.constant 0 : i32
        %dma_wait3A_451 = tpu.memref_slice %arg5[%dma_wait3A_450] : memref<320000xi32, #tpu.memory_space<hbm>> -> memref<48xi32, #tpu.memory_space<hbm>>
        %dma_wait3A_452 = arith.constant 0 : i32
        %dma_wait3A_453 = tpu.memref_slice %arg5[%dma_wait3A_452] : memref<320000xi32, #tpu.memory_space<hbm>> -> memref<48xi32, #tpu.memory_space<hbm>>
        tpu.wait_dma2 semaphore(%arg33 : memref<!tpu.dma_semaphore, #tpu.memory_space<semaphore_mem>>) src(%dma_wait3A_453 : memref<48xi32, #tpu.memory_space<hbm>>) dst(%arg10 : memref<48xi32, #tpu.memory_space<vmem>>)
        %dma_wait3A_454 = arith.constant 0 : i32
        %dma_wait3A_455 = tpu.memref_slice %arg6[%dma_wait3A_454] : memref<320000xi32, #tpu.memory_space<hbm>> -> memref<48xi32, #tpu.memory_space<hbm>>
        %dma_wait3A_456 = arith.constant 0 : i32
        %dma_wait3A_457 = tpu.memref_slice %arg6[%dma_wait3A_456] : memref<320000xi32, #tpu.memory_space<hbm>> -> memref<48xi32, #tpu.memory_space<hbm>>
        tpu.wait_dma2 semaphore(%arg33 : memref<!tpu.dma_semaphore, #tpu.memory_space<semaphore_mem>>) src(%dma_wait3A_457 : memref<48xi32, #tpu.memory_space<hbm>>) dst(%arg12 : memref<48xi32, #tpu.memory_space<vmem>>)
        %dma_wait3A_458 = arith.constant 0 : i32
        %dma_wait3A_459 = arith.constant 0 : i32
        %dma_wait3A_460 = tpu.memref_slice %arg7[%arg0, %dma_wait3A_458, %dma_wait3A_459] : memref<2x320000x64xf32, #tpu.memory_space<hbm>> -> memref<1x48x64xf32, #tpu.memory_space<hbm>>
        %dma_wait3A_461 = tpu.memref_squeeze %dma_wait3A_460 : memref<1x48x64xf32, #tpu.memory_space<hbm>> -> memref<48x64xf32, #tpu.memory_space<hbm>>
        %dma_wait3A_462 = arith.constant 0 : i32
        %dma_wait3A_463 = arith.constant 0 : i32
        %dma_wait3A_464 = tpu.memref_slice %arg7[%arg0, %dma_wait3A_462, %dma_wait3A_463] : memref<2x320000x64xf32, #tpu.memory_space<hbm>> -> memref<1x48x64xf32, #tpu.memory_space<hbm>>
        %dma_wait3A_465 = tpu.memref_squeeze %dma_wait3A_464 : memref<1x48x64xf32, #tpu.memory_space<hbm>> -> memref<48x64xf32, #tpu.memory_space<hbm>>
        tpu.wait_dma2 semaphore(%arg35 : memref<!tpu.dma_semaphore, #tpu.memory_space<semaphore_mem>>) src(%arg21 : memref<48x64xf32, #tpu.memory_space<vmem>>) dst(%dma_wait3A_465 : memref<48x64xf32, #tpu.memory_space<hbm>>)
        %add3A_466 = arith.constant 1 : i32
        %add3A_467 = arith.addi %add3A_381, %add3A_466 : i32
        %mul3A_468 = arith.constant 48 : i32
        %mul3A_469 = arith.muli %add3A_467, %mul3A_468 : i32
        %add3A_470 = arith.addi %mul3A_4, %mul3A_469 : i32
        %get3A_471 = arith.constant 0 : index
        %get3A_472 = tpu.vector_load %arg10[%get3A_471] {strides = array<i32>} : memref<48xi32, #tpu.memory_space<vmem>>, vector<16xi32>,
        %get3A_473 = vector.shape_cast %get3A_472 : vector<16xi32> to vector<16xi32>
        %add3A_474 = vector.broadcast %mul3A_2 : i32 to vector<16xi32>
        %add3A_475 = arith.addi %get3A_473, %add3A_474 : vector<16xi32>
        %swap3A_476 = arith.constant 0 : index
        %swap3A_477 = tpu.vector_load %arg10[%swap3A_476] {strides = array<i32>} : memref<48xi32, #tpu.memory_space<vmem>>, vector<16xi32>,
        %swap3A_478 = vector.shape_cast %swap3A_477 : vector<16xi32> to vector<16xi32>
        %swap3A_479 = vector.shape_cast %add3A_475 : vector<16xi32> to vector<16xi32>
        tpu.vector_store %arg10[%swap3A_476], %swap3A_479 {strides = array<i32>} : memref<48xi32, #tpu.memory_space<vmem>>, vector<16xi32>,
        %get3A_480 = arith.constant 16 : index
        %get3A_481 = tpu.vector_load %arg10[%get3A_480] {strides = array<i32>} : memref<48xi32, #tpu.memory_space<vmem>>, vector<16xi32>,
        %get3A_482 = vector.shape_cast %get3A_481 : vector<16xi32> to vector<16xi32>
        %add3A_483 = vector.broadcast %mul3A_2 : i32 to vector<16xi32>
        %add3A_484 = arith.addi %get3A_482, %add3A_483 : vector<16xi32>
        %swap3A_485 = arith.constant 16 : index
        %swap3A_486 = tpu.vector_load %arg10[%swap3A_485] {strides = array<i32>} : memref<48xi32, #tpu.memory_space<vmem>>, vector<16xi32>,
        %swap3A_487 = vector.shape_cast %swap3A_486 : vector<16xi32> to vector<16xi32>
        %swap3A_488 = vector.shape_cast %add3A_484 : vector<16xi32> to vector<16xi32>
        tpu.vector_store %arg10[%swap3A_485], %swap3A_488 {strides = array<i32>} : memref<48xi32, #tpu.memory_space<vmem>>, vector<16xi32>,
        %get3A_489 = arith.constant 32 : index
        %get3A_490 = tpu.vector_load %arg10[%get3A_489] {strides = array<i32>} : memref<48xi32, #tpu.memory_space<vmem>>, vector<16xi32>,
        %get3A_491 = vector.shape_cast %get3A_490 : vector<16xi32> to vector<16xi32>
        %add3A_492 = vector.broadcast %mul3A_2 : i32 to vector<16xi32>
        %add3A_493 = arith.addi %get3A_491, %add3A_492 : vector<16xi32>
        %swap3A_494 = arith.constant 32 : index
        %swap3A_495 = tpu.vector_load %arg10[%swap3A_494] {strides = array<i32>} : memref<48xi32, #tpu.memory_space<vmem>>, vector<16xi32>,
        %swap3A_496 = vector.shape_cast %swap3A_495 : vector<16xi32> to vector<16xi32>
        %swap3A_497 = vector.shape_cast %add3A_493 : vector<16xi32> to vector<16xi32>
        tpu.vector_store %arg10[%swap3A_494], %swap3A_497 {strides = array<i32>} : memref<48xi32, #tpu.memory_space<vmem>>, vector<16xi32>,
        %dma_start3A_498 = arith.constant 0 : i32
        %dma_start3A_499 = arith.constant 0 : i32
        %dma_start3A_500 = tpu.memref_slice %arg2[%dma_start3A_498, %dma_start3A_499] : memref<20000x128xf32, #tpu.memory_space<hbm>> -> memref<20000x128xf32, #tpu.memory_space<hbm>>
        tpu.enqueue_indirect_dma source(%dma_start3A_500 : memref<20000x128xf32, #tpu.memory_space<hbm>>) target(%arg17 : memref<48x128xf32, #tpu.memory_space<vmem>>) offsets(%arg10 : memref<48xi32, #tpu.memory_space<vmem>>) semaphore(%arg27 : memref<!tpu.dma_semaphore, #tpu.memory_space<semaphore_mem>>)
        %dma_start3A_501 = arith.constant 0 : i32
        %dma_start3A_502 = arith.constant 0 : i32
        %dma_start3A_503 = tpu.memref_slice %arg3[%dma_start3A_501, %dma_start3A_502] : memref<10000x128xf32, #tpu.memory_space<hbm>> -> memref<10000x128xf32, #tpu.memory_space<hbm>>
        tpu.enqueue_indirect_dma source(%dma_start3A_503 : memref<10000x128xf32, #tpu.memory_space<hbm>>) target(%arg19 : memref<48x128xf32, #tpu.memory_space<vmem>>) offsets(%arg12 : memref<48xi32, #tpu.memory_space<vmem>>) semaphore(%arg29 : memref<!tpu.dma_semaphore, #tpu.memory_space<semaphore_mem>>)
        %dma_start3A_504 = arith.constant 0 : i32
        %dma_start3A_505 = tpu.memref_slice %arg4[%arg0, %add3A_470, %dma_start3A_504] : memref<2x320000x64xf32, #tpu.memory_space<hbm>> -> memref<1x48x64xf32, #tpu.memory_space<hbm>>
        %dma_start3A_506 = tpu.memref_squeeze %dma_start3A_505 : memref<1x48x64xf32, #tpu.memory_space<hbm>> -> memref<48x64xf32, #tpu.memory_space<hbm>>
        %dma_start3A_507 = arith.constant 0 : i32
        %dma_start3A_508 = tpu.memref_slice %arg4[%arg0, %add3A_470, %dma_start3A_507] : memref<2x320000x64xf32, #tpu.memory_space<hbm>> -> memref<1x48x64xf32, #tpu.memory_space<hbm>>
        %dma_start3A_509 = tpu.memref_squeeze %dma_start3A_508 : memref<1x48x64xf32, #tpu.memory_space<hbm>> -> memref<48x64xf32, #tpu.memory_space<hbm>>
        tpu.enqueue_dma source(%dma_start3A_509 : memref<48x64xf32, #tpu.memory_space<hbm>>) target(%arg21 : memref<48x64xf32, #tpu.memory_space<vmem>>) target_semaphore(%arg31 : memref<!tpu.dma_semaphore, #tpu.memory_space<semaphore_mem>>)
      } else {
      }
      %dma_wait3A_387 = arith.constant 0 : i32
      %dma_wait3A_388 = arith.constant 0 : i32
      %dma_wait3A_389 = tpu.memref_slice %arg2[%dma_wait3A_387, %dma_wait3A_388] : memref<20000x128xf32, #tpu.memory_space<hbm>> -> memref<20000x128xf32, #tpu.memory_space<hbm>>
      tpu.wait_indirect_dma semaphore(%arg28 : memref<!tpu.dma_semaphore, #tpu.memory_space<semaphore_mem>>) src(%dma_wait3A_389 : memref<20000x128xf32, #tpu.memory_space<hbm>>) dst(%arg18 : memref<48x128xf32, #tpu.memory_space<vmem>>)
      %dma_wait3A_390 = arith.constant 0 : i32
      %dma_wait3A_391 = arith.constant 0 : i32
      %dma_wait3A_392 = tpu.memref_slice %arg3[%dma_wait3A_390, %dma_wait3A_391] : memref<10000x128xf32, #tpu.memory_space<hbm>> -> memref<10000x128xf32, #tpu.memory_space<hbm>>
      tpu.wait_indirect_dma semaphore(%arg30 : memref<!tpu.dma_semaphore, #tpu.memory_space<semaphore_mem>>) src(%dma_wait3A_392 : memref<10000x128xf32, #tpu.memory_space<hbm>>) dst(%arg20 : memref<48x128xf32, #tpu.memory_space<vmem>>)
      %dma_wait3A_393 = arith.constant 0 : i32
      %dma_wait3A_394 = arith.constant 0 : i32
      %dma_wait3A_395 = tpu.memref_slice %arg4[%arg0, %dma_wait3A_393, %dma_wait3A_394] : memref<2x320000x64xf32, #tpu.memory_space<hbm>> -> memref<1x48x64xf32, #tpu.memory_space<hbm>>
      %dma_wait3A_396 = tpu.memref_squeeze %dma_wait3A_395 : memref<1x48x64xf32, #tpu.memory_space<hbm>> -> memref<48x64xf32, #tpu.memory_space<hbm>>
      %dma_wait3A_397 = arith.constant 0 : i32
      %dma_wait3A_398 = arith.constant 0 : i32
      %dma_wait3A_399 = tpu.memref_slice %arg4[%arg0, %dma_wait3A_397, %dma_wait3A_398] : memref<2x320000x64xf32, #tpu.memory_space<hbm>> -> memref<1x48x64xf32, #tpu.memory_space<hbm>>
      %dma_wait3A_400 = tpu.memref_squeeze %dma_wait3A_399 : memref<1x48x64xf32, #tpu.memory_space<hbm>> -> memref<48x64xf32, #tpu.memory_space<hbm>>
      tpu.wait_dma2 semaphore(%arg32 : memref<!tpu.dma_semaphore, #tpu.memory_space<semaphore_mem>>) src(%dma_wait3A_400 : memref<48x64xf32, #tpu.memory_space<hbm>>) dst(%arg22 : memref<48x64xf32, #tpu.memory_space<vmem>>)
      %get3A_401 = arith.constant 0 : index
      %get3A_402 = tpu.vector_load %arg13[%get3A_401] {strides = array<i32>} : memref<48xi32, #tpu.memory_space<vmem>>, vector<16xi32>,
      %get3A_403 = vector.shape_cast %get3A_402 : vector<16xi32> to vector<16xi32>
      %swap3A_404 = arith.constant 0 : index
      %swap3A_405 = tpu.vector_load %arg15[%swap3A_404] {strides = array<i32>} : memref<48xi32, #tpu.memory_space<vmem>>, vector<16xi32>,
      %swap3A_406 = vector.shape_cast %swap3A_405 : vector<16xi32> to vector<16xi32>
      %swap3A_407 = vector.shape_cast %get3A_403 : vector<16xi32> to vector<16xi32>
      tpu.vector_store %arg15[%swap3A_404], %swap3A_407 {strides = array<i32>} : memref<48xi32, #tpu.memory_space<vmem>>, vector<16xi32>,
      %get3A_408 = arith.constant 16 : index
      %get3A_409 = tpu.vector_load %arg13[%get3A_408] {strides = array<i32>} : memref<48xi32, #tpu.memory_space<vmem>>, vector<16xi32>,
      %get3A_410 = vector.shape_cast %get3A_409 : vector<16xi32> to vector<16xi32>
      %swap3A_411 = arith.constant 16 : index
      %swap3A_412 = tpu.vector_load %arg15[%swap3A_411] {strides = array<i32>} : memref<48xi32, #tpu.memory_space<vmem>>, vector<16xi32>,
      %swap3A_413 = vector.shape_cast %swap3A_412 : vector<16xi32> to vector<16xi32>
      %swap3A_414 = vector.shape_cast %get3A_410 : vector<16xi32> to vector<16xi32>
      tpu.vector_store %arg15[%swap3A_411], %swap3A_414 {strides = array<i32>} : memref<48xi32, #tpu.memory_space<vmem>>, vector<16xi32>,
      %get3A_415 = arith.constant 32 : index
      %get3A_416 = tpu.vector_load %arg13[%get3A_415] {strides = array<i32>} : memref<48xi32, #tpu.memory_space<vmem>>, vector<16xi32>,
      %get3A_417 = vector.shape_cast %get3A_416 : vector<16xi32> to vector<16xi32>
      %swap3A_418 = arith.constant 32 : index
      %swap3A_419 = tpu.vector_load %arg15[%swap3A_418] {strides = array<i32>} : memref<48xi32, #tpu.memory_space<vmem>>, vector<16xi32>,
      %swap3A_420 = vector.shape_cast %swap3A_419 : vector<16xi32> to vector<16xi32>
      %swap3A_421 = vector.shape_cast %get3A_417 : vector<16xi32> to vector<16xi32>
      tpu.vector_store %arg15[%swap3A_418], %swap3A_421 {strides = array<i32>} : memref<48xi32, #tpu.memory_space<vmem>>, vector<16xi32>,
      %lt3A_422 = arith.constant 207 : i32
      %lt3A_423 = arith.cmpi slt, %scan3A_255, %lt3A_422 : i32
      %convert_element_type3A_424 = arith.extui %lt3A_423 : i1 to i32
      %cond3A_425 = arith.constant 0 : i32
      %cond3A_426 = arith.cmpi ne, %convert_element_type3A_424, %cond3A_425 : i32
      scf.if %cond3A_426 {
        %add3A_450 = arith.constant 2 : i32
        %add3A_451 = arith.addi %add3A_381, %add3A_450 : i32
        %mul3A_452 = arith.constant 48 : i32
        %mul3A_453 = arith.muli %add3A_451, %mul3A_452 : i32
        %add3A_454 = arith.addi %mul3A_4, %mul3A_453 : i32
        %dma_start3A_455 = tpu.memref_slice %arg5[%add3A_454] : memref<320000xi32, #tpu.memory_space<hbm>> -> memref<48xi32, #tpu.memory_space<hbm>>
        %dma_start3A_456 = tpu.memref_slice %arg5[%add3A_454] : memref<320000xi32, #tpu.memory_space<hbm>> -> memref<48xi32, #tpu.memory_space<hbm>>
        tpu.enqueue_dma source(%dma_start3A_456 : memref<48xi32, #tpu.memory_space<hbm>>) target(%arg11 : memref<48xi32, #tpu.memory_space<vmem>>) target_semaphore(%arg34 : memref<!tpu.dma_semaphore, #tpu.memory_space<semaphore_mem>>)
        %dma_start3A_457 = tpu.memref_slice %arg6[%add3A_454] : memref<320000xi32, #tpu.memory_space<hbm>> -> memref<48xi32, #tpu.memory_space<hbm>>
        %dma_start3A_458 = tpu.memref_slice %arg6[%add3A_454] : memref<320000xi32, #tpu.memory_space<hbm>> -> memref<48xi32, #tpu.memory_space<hbm>>
        tpu.enqueue_dma source(%dma_start3A_458 : memref<48xi32, #tpu.memory_space<hbm>>) target(%arg13 : memref<48xi32, #tpu.memory_space<vmem>>) target_semaphore(%arg34 : memref<!tpu.dma_semaphore, #tpu.memory_space<semaphore_mem>>)
      } else {
      }
      %ge3A_427 = arith.constant 1 : i32
      %ge3A_428 = arith.cmpi sge, %scan3A_255, %ge3A_427 : i32
      %convert_element_type3A_429 = arith.extui %ge3A_428 : i1 to i32
      %cond3A_430 = arith.constant 0 : i32
      %cond3A_431 = arith.cmpi ne, %convert_element_type3A_429, %cond3A_430 : i32
      scf.if %cond3A_431 {
        %dma_wait3A_450 = arith.constant 0 : i32
        %dma_wait3A_451 = arith.constant 0 : i32
        %dma_wait3A_452 = tpu.memref_slice %arg26[%dma_wait3A_450, %dma_wait3A_451] : memref<10000x128xf32, #tpu.memory_space<vmem_shared>> -> memref<10000x128xf32, #tpu.memory_space<vmem_shared>>
        tpu.wait_indirect_dma semaphore(%arg38 : memref<!tpu.dma_semaphore, #tpu.memory_space<semaphore_mem>>) src(%arg24 : memref<48x128xf32, #tpu.memory_space<vmem>>) dst(%dma_wait3A_452 : memref<10000x128xf32, #tpu.memory_space<vmem_shared>>)
      } else {
      }
      %scan3A_432 = arith.constant 0 : i32
      %scan3A_433 = arith.constant 0 : i32
      %scan3A_434 = arith.constant 48 : i32
      %scan3A_435 = arith.addi %scan3A_433, %scan3A_434 : i32
      %scan3A_436 = arith.constant 1 : i32
      scf.for %scan3A_450 = %scan3A_433 to %scan3A_435 step %scan3A_436  : i32 {
        %get3A_451 = arith.index_cast %scan3A_450 : i32 to index
        %get3A_452 = arith.constant 0 : index
        %get3A_453 = tpu.vector_load %arg18[%get3A_451, %get3A_452] {strides = array<i32>} : memref<48x128xf32, #tpu.memory_space<vmem>>, vector<1x16xf32>,
        %get3A_454 = vector.shape_cast %get3A_453 : vector<1x16xf32> to vector<16xf32>
        %add3A_455 = arith.constant 0 : i32
        %add3A_456 = arith.addi %mul3A_6, %add3A_455 : i32
        %get3A_457 = arith.index_cast %scan3A_450 : i32 to index
        %get3A_458 = arith.index_cast %add3A_456 : i32 to index
        %get3A_459 = tpu.vector_load %arg20[%get3A_457, %get3A_458] {strides = array<i32>} : memref<48x128xf32, #tpu.memory_space<vmem>>, vector<1x16xf32>,
        %get3A_460 = vector.shape_cast %get3A_459 : vector<1x16xf32> to vector<16xf32>
        %add3A_461 = arith.addf %get3A_454, %get3A_460 : vector<16xf32>
        %get3A_462 = arith.index_cast %scan3A_450 : i32 to index
        %get3A_463 = arith.constant 0 : index
        %get3A_464 = tpu.vector_load %arg22[%get3A_462, %get3A_463] {strides = array<i32>} : memref<48x64xf32, #tpu.memory_space<vmem>>, vector<1x16xf32>,
        %get3A_465 = vector.shape_cast %get3A_464 : vector<1x16xf32> to vector<16xf32>
        %add3A_466 = arith.addf %add3A_461, %get3A_465 : vector<16xf32>
        %get3A_467 = arith.index_cast %scan3A_450 : i32 to index
        %get3A_468 = arith.constant 16 : index
        %get3A_469 = tpu.vector_load %arg18[%get3A_467, %get3A_468] {strides = array<i32>} : memref<48x128xf32, #tpu.memory_space<vmem>>, vector<1x16xf32>,
        %get3A_470 = vector.shape_cast %get3A_469 : vector<1x16xf32> to vector<16xf32>
        %add3A_471 = arith.constant 16 : i32
        %add3A_472 = arith.addi %mul3A_6, %add3A_471 : i32
        %get3A_473 = arith.index_cast %scan3A_450 : i32 to index
        %get3A_474 = arith.index_cast %add3A_472 : i32 to index
        %get3A_475 = tpu.vector_load %arg20[%get3A_473, %get3A_474] {strides = array<i32>} : memref<48x128xf32, #tpu.memory_space<vmem>>, vector<1x16xf32>,
        %get3A_476 = vector.shape_cast %get3A_475 : vector<1x16xf32> to vector<16xf32>
        %add3A_477 = arith.addf %get3A_470, %get3A_476 : vector<16xf32>
        %get3A_478 = arith.index_cast %scan3A_450 : i32 to index
        %get3A_479 = arith.constant 16 : index
        %get3A_480 = tpu.vector_load %arg22[%get3A_478, %get3A_479] {strides = array<i32>} : memref<48x64xf32, #tpu.memory_space<vmem>>, vector<1x16xf32>,
        %get3A_481 = vector.shape_cast %get3A_480 : vector<1x16xf32> to vector<16xf32>
        %add3A_482 = arith.addf %add3A_477, %get3A_481 : vector<16xf32>
        %get3A_483 = arith.index_cast %scan3A_450 : i32 to index
        %get3A_484 = arith.constant 32 : index
        %get3A_485 = tpu.vector_load %arg18[%get3A_483, %get3A_484] {strides = array<i32>} : memref<48x128xf32, #tpu.memory_space<vmem>>, vector<1x16xf32>,
        %get3A_486 = vector.shape_cast %get3A_485 : vector<1x16xf32> to vector<16xf32>
        %add3A_487 = arith.constant 32 : i32
        %add3A_488 = arith.addi %mul3A_6, %add3A_487 : i32
        %get3A_489 = arith.index_cast %scan3A_450 : i32 to index
        %get3A_490 = arith.index_cast %add3A_488 : i32 to index
        %get3A_491 = tpu.vector_load %arg20[%get3A_489, %get3A_490] {strides = array<i32>} : memref<48x128xf32, #tpu.memory_space<vmem>>, vector<1x16xf32>,
        %get3A_492 = vector.shape_cast %get3A_491 : vector<1x16xf32> to vector<16xf32>
        %add3A_493 = arith.addf %get3A_486, %get3A_492 : vector<16xf32>
        %get3A_494 = arith.index_cast %scan3A_450 : i32 to index
        %get3A_495 = arith.constant 32 : index
        %get3A_496 = tpu.vector_load %arg22[%get3A_494, %get3A_495] {strides = array<i32>} : memref<48x64xf32, #tpu.memory_space<vmem>>, vector<1x16xf32>,
        %get3A_497 = vector.shape_cast %get3A_496 : vector<1x16xf32> to vector<16xf32>
        %add3A_498 = arith.addf %add3A_493, %get3A_497 : vector<16xf32>
        %get3A_499 = arith.index_cast %scan3A_450 : i32 to index
        %get3A_500 = arith.constant 48 : index
        %get3A_501 = tpu.vector_load %arg18[%get3A_499, %get3A_500] {strides = array<i32>} : memref<48x128xf32, #tpu.memory_space<vmem>>, vector<1x16xf32>,
        %get3A_502 = vector.shape_cast %get3A_501 : vector<1x16xf32> to vector<16xf32>
        %add3A_503 = arith.constant 48 : i32
        %add3A_504 = arith.addi %mul3A_6, %add3A_503 : i32
        %get3A_505 = arith.index_cast %scan3A_450 : i32 to index
        %get3A_506 = arith.index_cast %add3A_504 : i32 to index
        %get3A_507 = tpu.vector_load %arg20[%get3A_505, %get3A_506] {strides = array<i32>} : memref<48x128xf32, #tpu.memory_space<vmem>>, vector<1x16xf32>,
        %get3A_508 = vector.shape_cast %get3A_507 : vector<1x16xf32> to vector<16xf32>
        %add3A_509 = arith.addf %get3A_502, %get3A_508 : vector<16xf32>
        %get3A_510 = arith.index_cast %scan3A_450 : i32 to index
        %get3A_511 = arith.constant 48 : index
        %get3A_512 = tpu.vector_load %arg22[%get3A_510, %get3A_511] {strides = array<i32>} : memref<48x64xf32, #tpu.memory_space<vmem>>, vector<1x16xf32>,
        %get3A_513 = vector.shape_cast %get3A_512 : vector<1x16xf32> to vector<16xf32>
        %add3A_514 = arith.addf %add3A_509, %get3A_513 : vector<16xf32>
        %exp3A = math.exp %add3A_466 : vector<16xf32>
        %exp3A_515 = math.exp %add3A_482 : vector<16xf32>
        %exp3A_516 = math.exp %add3A_498 : vector<16xf32>
        %exp3A_517 = math.exp %add3A_514 : vector<16xf32>
        %add3A_518 = arith.constant 1.000000e+00 : f32
        %add3A_519 = vector.broadcast %add3A_518 : f32 to vector<16xf32>
        %add3A_520 = arith.addf %add3A_519, %exp3A : vector<16xf32>
        %div3A = arith.constant 1.000000e+00 : f32
        %div3A_521 = vector.broadcast %div3A : f32 to vector<16xf32>
        %div3A_522 = arith.divf %div3A_521, %add3A_520 : vector<16xf32>
        %add3A_523 = arith.constant 1.000000e+00 : f32
        %add3A_524 = vector.broadcast %add3A_523 : f32 to vector<16xf32>
        %add3A_525 = arith.addf %add3A_524, %exp3A_515 : vector<16xf32>
        %div3A_526 = arith.constant 1.000000e+00 : f32
        %div3A_527 = vector.broadcast %div3A_526 : f32 to vector<16xf32>
        %div3A_528 = arith.divf %div3A_527, %add3A_525 : vector<16xf32>
        %add3A_529 = arith.constant 1.000000e+00 : f32
        %add3A_530 = vector.broadcast %add3A_529 : f32 to vector<16xf32>
        %add3A_531 = arith.addf %add3A_530, %exp3A_516 : vector<16xf32>
        %div3A_532 = arith.constant 1.000000e+00 : f32
        %div3A_533 = vector.broadcast %div3A_532 : f32 to vector<16xf32>
        %div3A_534 = arith.divf %div3A_533, %add3A_531 : vector<16xf32>
        %add3A_535 = arith.constant 1.000000e+00 : f32
        %add3A_536 = vector.broadcast %add3A_535 : f32 to vector<16xf32>
        %add3A_537 = arith.addf %add3A_536, %exp3A_517 : vector<16xf32>
        %div3A_538 = arith.constant 1.000000e+00 : f32
        %div3A_539 = vector.broadcast %div3A_538 : f32 to vector<16xf32>
        %div3A_540 = arith.divf %div3A_539, %add3A_537 : vector<16xf32>
        %get3A_541 = arith.index_cast %scan3A_450 : i32 to index
        %get3A_542 = arith.constant 64 : index
        %get3A_543 = tpu.vector_load %arg18[%get3A_541, %get3A_542] {strides = array<i32>} : memref<48x128xf32, #tpu.memory_space<vmem>>, vector<1x16xf32>,
        %get3A_544 = vector.shape_cast %get3A_543 : vector<1x16xf32> to vector<16xf32>
        %swap3A_545 = arith.index_cast %scan3A_450 : i32 to index
        %swap3A_546 = arith.constant 0 : index
        %swap3A_547 = tpu.vector_load %arg22[%swap3A_545, %swap3A_546] {strides = array<i32>} : memref<48x64xf32, #tpu.memory_space<vmem>>, vector<1x16xf32>,
        %swap3A_548 = vector.shape_cast %swap3A_547 : vector<1x16xf32> to vector<16xf32>
        %swap3A_549 = vector.shape_cast %div3A_522 : vector<16xf32> to vector<1x16xf32>
        tpu.vector_store %arg22[%swap3A_545, %swap3A_546], %swap3A_549 {strides = array<i32>} : memref<48x64xf32, #tpu.memory_space<vmem>>, vector<1x16xf32>,
        %mul3A_550 = arith.mulf %div3A_522, %get3A_544 : vector<16xf32>
        %swap3A_551 = arith.index_cast %scan3A_450 : i32 to index
        %swap3A_552 = arith.constant 0 : index
        %swap3A_553 = tpu.vector_load %arg24[%swap3A_551, %swap3A_552] {strides = array<i32>} : memref<48x128xf32, #tpu.memory_space<vmem>>, vector<1x16xf32>,
        %swap3A_554 = vector.shape_cast %swap3A_553 : vector<1x16xf32> to vector<16xf32>
        %swap3A_555 = vector.shape_cast %mul3A_550 : vector<16xf32> to vector<1x16xf32>
        tpu.vector_store %arg24[%swap3A_551, %swap3A_552], %swap3A_555 {strides = array<i32>} : memref<48x128xf32, #tpu.memory_space<vmem>>, vector<1x16xf32>,
        %swap3A_556 = arith.index_cast %scan3A_450 : i32 to index
        %swap3A_557 = arith.constant 64 : index
        %swap3A_558 = tpu.vector_load %arg24[%swap3A_556, %swap3A_557] {strides = array<i32>} : memref<48x128xf32, #tpu.memory_space<vmem>>, vector<1x16xf32>,
        %swap3A_559 = vector.shape_cast %swap3A_558 : vector<1x16xf32> to vector<16xf32>
        %swap3A_560 = vector.shape_cast %div3A_522 : vector<16xf32> to vector<1x16xf32>
        tpu.vector_store %arg24[%swap3A_556, %swap3A_557], %swap3A_560 {strides = array<i32>} : memref<48x128xf32, #tpu.memory_space<vmem>>, vector<1x16xf32>,
        %mul3A_561 = arith.mulf %div3A_522, %div3A_522 : vector<16xf32>
        %swap3A_562 = arith.constant 0 : index
        %swap3A_563 = tpu.vector_load %arg25[%swap3A_562] {strides = array<i32>} : memref<64xf32, #tpu.memory_space<vmem>>, vector<16xf32>,
        %swap3A_564 = vector.shape_cast %swap3A_563 : vector<16xf32> to vector<16xf32>
        %swap3A_565 = vector.shape_cast %mul3A_561 : vector<16xf32> to vector<16xf32>
        tpu.vector_store %arg25[%swap3A_562], %swap3A_565 {add = true, strides = array<i32>} : memref<64xf32, #tpu.memory_space<vmem>>, vector<16xf32>,
        %get3A_566 = arith.index_cast %scan3A_450 : i32 to index
        %get3A_567 = arith.constant 80 : index
        %get3A_568 = tpu.vector_load %arg18[%get3A_566, %get3A_567] {strides = array<i32>} : memref<48x128xf32, #tpu.memory_space<vmem>>, vector<1x16xf32>,
        %get3A_569 = vector.shape_cast %get3A_568 : vector<1x16xf32> to vector<16xf32>
        %swap3A_570 = arith.index_cast %scan3A_450 : i32 to index
        %swap3A_571 = arith.constant 16 : index
        %swap3A_572 = tpu.vector_load %arg22[%swap3A_570, %swap3A_571] {strides = array<i32>} : memref<48x64xf32, #tpu.memory_space<vmem>>, vector<1x16xf32>,
        %swap3A_573 = vector.shape_cast %swap3A_572 : vector<1x16xf32> to vector<16xf32>
        %swap3A_574 = vector.shape_cast %div3A_528 : vector<16xf32> to vector<1x16xf32>
        tpu.vector_store %arg22[%swap3A_570, %swap3A_571], %swap3A_574 {strides = array<i32>} : memref<48x64xf32, #tpu.memory_space<vmem>>, vector<1x16xf32>,
        %mul3A_575 = arith.mulf %div3A_528, %get3A_569 : vector<16xf32>
        %swap3A_576 = arith.index_cast %scan3A_450 : i32 to index
        %swap3A_577 = arith.constant 16 : index
        %swap3A_578 = tpu.vector_load %arg24[%swap3A_576, %swap3A_577] {strides = array<i32>} : memref<48x128xf32, #tpu.memory_space<vmem>>, vector<1x16xf32>,
        %swap3A_579 = vector.shape_cast %swap3A_578 : vector<1x16xf32> to vector<16xf32>
        %swap3A_580 = vector.shape_cast %mul3A_575 : vector<16xf32> to vector<1x16xf32>
        tpu.vector_store %arg24[%swap3A_576, %swap3A_577], %swap3A_580 {strides = array<i32>} : memref<48x128xf32, #tpu.memory_space<vmem>>, vector<1x16xf32>,
        %swap3A_581 = arith.index_cast %scan3A_450 : i32 to index
        %swap3A_582 = arith.constant 80 : index
        %swap3A_583 = tpu.vector_load %arg24[%swap3A_581, %swap3A_582] {strides = array<i32>} : memref<48x128xf32, #tpu.memory_space<vmem>>, vector<1x16xf32>,
        %swap3A_584 = vector.shape_cast %swap3A_583 : vector<1x16xf32> to vector<16xf32>
        %swap3A_585 = vector.shape_cast %div3A_528 : vector<16xf32> to vector<1x16xf32>
        tpu.vector_store %arg24[%swap3A_581, %swap3A_582], %swap3A_585 {strides = array<i32>} : memref<48x128xf32, #tpu.memory_space<vmem>>, vector<1x16xf32>,
        %mul3A_586 = arith.mulf %div3A_528, %div3A_528 : vector<16xf32>
        %swap3A_587 = arith.constant 16 : index
        %swap3A_588 = tpu.vector_load %arg25[%swap3A_587] {strides = array<i32>} : memref<64xf32, #tpu.memory_space<vmem>>, vector<16xf32>,
        %swap3A_589 = vector.shape_cast %swap3A_588 : vector<16xf32> to vector<16xf32>
        %swap3A_590 = vector.shape_cast %mul3A_586 : vector<16xf32> to vector<16xf32>
        tpu.vector_store %arg25[%swap3A_587], %swap3A_590 {add = true, strides = array<i32>} : memref<64xf32, #tpu.memory_space<vmem>>, vector<16xf32>,
        %get3A_591 = arith.index_cast %scan3A_450 : i32 to index
        %get3A_592 = arith.constant 96 : index
        %get3A_593 = tpu.vector_load %arg18[%get3A_591, %get3A_592] {strides = array<i32>} : memref<48x128xf32, #tpu.memory_space<vmem>>, vector<1x16xf32>,
        %get3A_594 = vector.shape_cast %get3A_593 : vector<1x16xf32> to vector<16xf32>
        %swap3A_595 = arith.index_cast %scan3A_450 : i32 to index
        %swap3A_596 = arith.constant 32 : index
        %swap3A_597 = tpu.vector_load %arg22[%swap3A_595, %swap3A_596] {strides = array<i32>} : memref<48x64xf32, #tpu.memory_space<vmem>>, vector<1x16xf32>,
        %swap3A_598 = vector.shape_cast %swap3A_597 : vector<1x16xf32> to vector<16xf32>
        %swap3A_599 = vector.shape_cast %div3A_534 : vector<16xf32> to vector<1x16xf32>
        tpu.vector_store %arg22[%swap3A_595, %swap3A_596], %swap3A_599 {strides = array<i32>} : memref<48x64xf32, #tpu.memory_space<vmem>>, vector<1x16xf32>,
        %mul3A_600 = arith.mulf %div3A_534, %get3A_594 : vector<16xf32>
        %swap3A_601 = arith.index_cast %scan3A_450 : i32 to index
        %swap3A_602 = arith.constant 32 : index
        %swap3A_603 = tpu.vector_load %arg24[%swap3A_601, %swap3A_602] {strides = array<i32>} : memref<48x128xf32, #tpu.memory_space<vmem>>, vector<1x16xf32>,
        %swap3A_604 = vector.shape_cast %swap3A_603 : vector<1x16xf32> to vector<16xf32>
        %swap3A_605 = vector.shape_cast %mul3A_600 : vector<16xf32> to vector<1x16xf32>
        tpu.vector_store %arg24[%swap3A_601, %swap3A_602], %swap3A_605 {strides = array<i32>} : memref<48x128xf32, #tpu.memory_space<vmem>>, vector<1x16xf32>,
        %swap3A_606 = arith.index_cast %scan3A_450 : i32 to index
        %swap3A_607 = arith.constant 96 : index
        %swap3A_608 = tpu.vector_load %arg24[%swap3A_606, %swap3A_607] {strides = array<i32>} : memref<48x128xf32, #tpu.memory_space<vmem>>, vector<1x16xf32>,
        %swap3A_609 = vector.shape_cast %swap3A_608 : vector<1x16xf32> to vector<16xf32>
        %swap3A_610 = vector.shape_cast %div3A_534 : vector<16xf32> to vector<1x16xf32>
        tpu.vector_store %arg24[%swap3A_606, %swap3A_607], %swap3A_610 {strides = array<i32>} : memref<48x128xf32, #tpu.memory_space<vmem>>, vector<1x16xf32>,
        %mul3A_611 = arith.mulf %div3A_534, %div3A_534 : vector<16xf32>
        %swap3A_612 = arith.constant 32 : index
        %swap3A_613 = tpu.vector_load %arg25[%swap3A_612] {strides = array<i32>} : memref<64xf32, #tpu.memory_space<vmem>>, vector<16xf32>,
        %swap3A_614 = vector.shape_cast %swap3A_613 : vector<16xf32> to vector<16xf32>
        %swap3A_615 = vector.shape_cast %mul3A_611 : vector<16xf32> to vector<16xf32>
        tpu.vector_store %arg25[%swap3A_612], %swap3A_615 {add = true, strides = array<i32>} : memref<64xf32, #tpu.memory_space<vmem>>, vector<16xf32>,
        %get3A_616 = arith.index_cast %scan3A_450 : i32 to index
        %get3A_617 = arith.constant 112 : index
        %get3A_618 = tpu.vector_load %arg18[%get3A_616, %get3A_617] {strides = array<i32>} : memref<48x128xf32, #tpu.memory_space<vmem>>, vector<1x16xf32>,
        %get3A_619 = vector.shape_cast %get3A_618 : vector<1x16xf32> to vector<16xf32>
        %swap3A_620 = arith.index_cast %scan3A_450 : i32 to index
        %swap3A_621 = arith.constant 48 : index
        %swap3A_622 = tpu.vector_load %arg22[%swap3A_620, %swap3A_621] {strides = array<i32>} : memref<48x64xf32, #tpu.memory_space<vmem>>, vector<1x16xf32>,
        %swap3A_623 = vector.shape_cast %swap3A_622 : vector<1x16xf32> to vector<16xf32>
        %swap3A_624 = vector.shape_cast %div3A_540 : vector<16xf32> to vector<1x16xf32>
        tpu.vector_store %arg22[%swap3A_620, %swap3A_621], %swap3A_624 {strides = array<i32>} : memref<48x64xf32, #tpu.memory_space<vmem>>, vector<1x16xf32>,
        %mul3A_625 = arith.mulf %div3A_540, %get3A_619 : vector<16xf32>
        %swap3A_626 = arith.index_cast %scan3A_450 : i32 to index
        %swap3A_627 = arith.constant 48 : index
        %swap3A_628 = tpu.vector_load %arg24[%swap3A_626, %swap3A_627] {strides = array<i32>} : memref<48x128xf32, #tpu.memory_space<vmem>>, vector<1x16xf32>,
        %swap3A_629 = vector.shape_cast %swap3A_628 : vector<1x16xf32> to vector<16xf32>
        %swap3A_630 = vector.shape_cast %mul3A_625 : vector<16xf32> to vector<1x16xf32>
        tpu.vector_store %arg24[%swap3A_626, %swap3A_627], %swap3A_630 {strides = array<i32>} : memref<48x128xf32, #tpu.memory_space<vmem>>, vector<1x16xf32>,
        %swap3A_631 = arith.index_cast %scan3A_450 : i32 to index
        %swap3A_632 = arith.constant 112 : index
        %swap3A_633 = tpu.vector_load %arg24[%swap3A_631, %swap3A_632] {strides = array<i32>} : memref<48x128xf32, #tpu.memory_space<vmem>>, vector<1x16xf32>,
        %swap3A_634 = vector.shape_cast %swap3A_633 : vector<1x16xf32> to vector<16xf32>
        %swap3A_635 = vector.shape_cast %div3A_540 : vector<16xf32> to vector<1x16xf32>
        tpu.vector_store %arg24[%swap3A_631, %swap3A_632], %swap3A_635 {strides = array<i32>} : memref<48x128xf32, #tpu.memory_space<vmem>>, vector<1x16xf32>,
        %mul3A_636 = arith.mulf %div3A_540, %div3A_540 : vector<16xf32>
        %swap3A_637 = arith.constant 48 : index
        %swap3A_638 = tpu.vector_load %arg25[%swap3A_637] {strides = array<i32>} : memref<64xf32, #tpu.memory_space<vmem>>, vector<16xf32>,
        %swap3A_639 = vector.shape_cast %swap3A_638 : vector<16xf32> to vector<16xf32>
        %swap3A_640 = vector.shape_cast %mul3A_636 : vector<16xf32> to vector<16xf32>
        tpu.vector_store %arg25[%swap3A_637], %swap3A_640 {add = true, strides = array<i32>} : memref<64xf32, #tpu.memory_space<vmem>>, vector<16xf32>,
      }
      %scan3A_437 = arith.constant 48 : i32
      %mul3A_438 = arith.constant 48 : i32
      %mul3A_439 = arith.muli %add3A_381, %mul3A_438 : i32
      %add3A_440 = arith.addi %mul3A_4, %mul3A_439 : i32
      %dma_start3A_441 = arith.constant 0 : i32
      %dma_start3A_442 = tpu.memref_slice %arg7[%arg0, %add3A_440, %dma_start3A_441] : memref<2x320000x64xf32, #tpu.memory_space<hbm>> -> memref<1x48x64xf32, #tpu.memory_space<hbm>>
      %dma_start3A_443 = tpu.memref_squeeze %dma_start3A_442 : memref<1x48x64xf32, #tpu.memory_space<hbm>> -> memref<48x64xf32, #tpu.memory_space<hbm>>
      %dma_start3A_444 = arith.constant 0 : i32
      %dma_start3A_445 = tpu.memref_slice %arg7[%arg0, %add3A_440, %dma_start3A_444] : memref<2x320000x64xf32, #tpu.memory_space<hbm>> -> memref<1x48x64xf32, #tpu.memory_space<hbm>>
      %dma_start3A_446 = tpu.memref_squeeze %dma_start3A_445 : memref<1x48x64xf32, #tpu.memory_space<hbm>> -> memref<48x64xf32, #tpu.memory_space<hbm>>
      tpu.enqueue_dma source(%arg22 : memref<48x64xf32, #tpu.memory_space<vmem>>) target(%dma_start3A_446 : memref<48x64xf32, #tpu.memory_space<hbm>>) target_semaphore(%arg36 : memref<!tpu.dma_semaphore, #tpu.memory_space<semaphore_mem>>)
      %dma_start3A_447 = arith.constant 0 : i32
      %dma_start3A_448 = arith.constant 0 : i32
      %dma_start3A_449 = tpu.memref_slice %arg26[%dma_start3A_447, %dma_start3A_448] : memref<10000x128xf32, #tpu.memory_space<vmem_shared>> -> memref<10000x128xf32, #tpu.memory_space<vmem_shared>>
      tpu.enqueue_indirect_dma source(%arg24 : memref<48x128xf32, #tpu.memory_space<vmem>>) target(%dma_start3A_449 : memref<10000x128xf32, #tpu.memory_space<vmem_shared>>) offsets(%arg15 : memref<48xi32, #tpu.memory_space<vmem>>) semaphore(%arg38 : memref<!tpu.dma_semaphore, #tpu.memory_space<semaphore_mem>>) {add = true}
    }
    %scan3A_106 = arith.constant 208 : i32
    %dma_wait3A = arith.constant 0 : i32
    %dma_wait3A_107 = arith.constant 0 : i32
    %dma_wait3A_108 = tpu.memref_slice %arg7[%arg0, %dma_wait3A, %dma_wait3A_107] : memref<2x320000x64xf32, #tpu.memory_space<hbm>> -> memref<1x48x64xf32, #tpu.memory_space<hbm>>
    %dma_wait3A_109 = tpu.memref_squeeze %dma_wait3A_108 : memref<1x48x64xf32, #tpu.memory_space<hbm>> -> memref<48x64xf32, #tpu.memory_space<hbm>>
    %dma_wait3A_110 = arith.constant 0 : i32
    %dma_wait3A_111 = arith.constant 0 : i32
    %dma_wait3A_112 = tpu.memref_slice %arg7[%arg0, %dma_wait3A_110, %dma_wait3A_111] : memref<2x320000x64xf32, #tpu.memory_space<hbm>> -> memref<1x48x64xf32, #tpu.memory_space<hbm>>
    %dma_wait3A_113 = tpu.memref_squeeze %dma_wait3A_112 : memref<1x48x64xf32, #tpu.memory_space<hbm>> -> memref<48x64xf32, #tpu.memory_space<hbm>>
    tpu.wait_dma2 semaphore(%arg35 : memref<!tpu.dma_semaphore, #tpu.memory_space<semaphore_mem>>) src(%arg21 : memref<48x64xf32, #tpu.memory_space<vmem>>) dst(%dma_wait3A_113 : memref<48x64xf32, #tpu.memory_space<hbm>>)
    %dma_wait3A_114 = arith.constant 0 : i32
    %dma_wait3A_115 = arith.constant 0 : i32
    %dma_wait3A_116 = tpu.memref_slice %arg7[%arg0, %dma_wait3A_114, %dma_wait3A_115] : memref<2x320000x64xf32, #tpu.memory_space<hbm>> -> memref<1x48x64xf32, #tpu.memory_space<hbm>>
    %dma_wait3A_117 = tpu.memref_squeeze %dma_wait3A_116 : memref<1x48x64xf32, #tpu.memory_space<hbm>> -> memref<48x64xf32, #tpu.memory_space<hbm>>
    %dma_wait3A_118 = arith.constant 0 : i32
    %dma_wait3A_119 = arith.constant 0 : i32
    %dma_wait3A_120 = tpu.memref_slice %arg7[%arg0, %dma_wait3A_118, %dma_wait3A_119] : memref<2x320000x64xf32, #tpu.memory_space<hbm>> -> memref<1x48x64xf32, #tpu.memory_space<hbm>>
    %dma_wait3A_121 = tpu.memref_squeeze %dma_wait3A_120 : memref<1x48x64xf32, #tpu.memory_space<hbm>> -> memref<48x64xf32, #tpu.memory_space<hbm>>
    tpu.wait_dma2 semaphore(%arg36 : memref<!tpu.dma_semaphore, #tpu.memory_space<semaphore_mem>>) src(%arg22 : memref<48x64xf32, #tpu.memory_space<vmem>>) dst(%dma_wait3A_121 : memref<48x64xf32, #tpu.memory_space<hbm>>)
    %dma_wait3A_122 = arith.constant 0 : i32
    %dma_wait3A_123 = arith.constant 0 : i32
    %dma_wait3A_124 = tpu.memref_slice %arg26[%dma_wait3A_122, %dma_wait3A_123] : memref<10000x128xf32, #tpu.memory_space<vmem_shared>> -> memref<10000x128xf32, #tpu.memory_space<vmem_shared>>
    tpu.wait_indirect_dma semaphore(%arg37 : memref<!tpu.dma_semaphore, #tpu.memory_space<semaphore_mem>>) src(%arg23 : memref<48x128xf32, #tpu.memory_space<vmem>>) dst(%dma_wait3A_124 : memref<10000x128xf32, #tpu.memory_space<vmem_shared>>)
    %dma_wait3A_125 = arith.constant 0 : i32
    %dma_wait3A_126 = arith.constant 0 : i32
    %dma_wait3A_127 = tpu.memref_slice %arg26[%dma_wait3A_125, %dma_wait3A_126] : memref<10000x128xf32, #tpu.memory_space<vmem_shared>> -> memref<10000x128xf32, #tpu.memory_space<vmem_shared>>
    tpu.wait_indirect_dma semaphore(%arg38 : memref<!tpu.dma_semaphore, #tpu.memory_space<semaphore_mem>>) src(%arg24 : memref<48x128xf32, #tpu.memory_space<vmem>>) dst(%dma_wait3A_127 : memref<10000x128xf32, #tpu.memory_space<vmem_shared>>)
    %add3A_128 = arith.constant 19968 : i32
    %add3A_129 = arith.addi %mul3A_4, %add3A_128 : i32
    "tpu.region"() ({
      %run_scoped3A = tpu.sem_alloc : memref<!tpu.dma_semaphore, #tpu.memory_space<semaphore_mem>>
      %dma_start3A_255 = arith.constant 0 : i32
      %dma_start3A_256 = tpu.memref_slice %arg10[%dma_start3A_255] : memref<48xi32, #tpu.memory_space<vmem>> -> memref<32xi32, #tpu.memory_space<vmem>>
      %dma_start3A_257 = tpu.memref_slice %arg5[%add3A_129] : memref<320000xi32, #tpu.memory_space<hbm>> -> memref<32xi32, #tpu.memory_space<hbm>>
      %dma_start3A_258 = arith.constant 0 : i32
      %dma_start3A_259 = tpu.memref_slice %arg10[%dma_start3A_258] : memref<48xi32, #tpu.memory_space<vmem>> -> memref<32xi32, #tpu.memory_space<vmem>>
      %dma_start3A_260 = tpu.memref_slice %arg5[%add3A_129] : memref<320000xi32, #tpu.memory_space<hbm>> -> memref<32xi32, #tpu.memory_space<hbm>>
      tpu.enqueue_dma source(%dma_start3A_260 : memref<32xi32, #tpu.memory_space<hbm>>) target(%dma_start3A_259 : memref<32xi32, #tpu.memory_space<vmem>>) target_semaphore(%run_scoped3A : memref<!tpu.dma_semaphore, #tpu.memory_space<semaphore_mem>>)
      %dma_wait3A_261 = arith.constant 0 : i32
      %dma_wait3A_262 = tpu.memref_slice %arg10[%dma_wait3A_261] : memref<48xi32, #tpu.memory_space<vmem>> -> memref<32xi32, #tpu.memory_space<vmem>>
      %dma_wait3A_263 = tpu.memref_slice %arg5[%add3A_129] : memref<320000xi32, #tpu.memory_space<hbm>> -> memref<32xi32, #tpu.memory_space<hbm>>
      %dma_wait3A_264 = arith.constant 0 : i32
      %dma_wait3A_265 = tpu.memref_slice %arg10[%dma_wait3A_264] : memref<48xi32, #tpu.memory_space<vmem>> -> memref<32xi32, #tpu.memory_space<vmem>>
      %dma_wait3A_266 = tpu.memref_slice %arg5[%add3A_129] : memref<320000xi32, #tpu.memory_space<hbm>> -> memref<32xi32, #tpu.memory_space<hbm>>
      tpu.wait_dma2 semaphore(%run_scoped3A : memref<!tpu.dma_semaphore, #tpu.memory_space<semaphore_mem>>) src(%dma_wait3A_266 : memref<32xi32, #tpu.memory_space<hbm>>) dst(%dma_wait3A_265 : memref<32xi32, #tpu.memory_space<vmem>>)
      tpu.yield
    }) : () -> ()
    "tpu.region"() ({
      %run_scoped3A = tpu.sem_alloc : memref<!tpu.dma_semaphore, #tpu.memory_space<semaphore_mem>>
      %dma_start3A_255 = tpu.memref_slice %arg6[%add3A_129] : memref<320000xi32, #tpu.memory_space<hbm>> -> memref<32xi32, #tpu.memory_space<hbm>>
      %dma_start3A_256 = tpu.memref_slice %arg6[%add3A_129] : memref<320000xi32, #tpu.memory_space<hbm>> -> memref<32xi32, #tpu.memory_space<hbm>>
      tpu.enqueue_dma source(%dma_start3A_256 : memref<32xi32, #tpu.memory_space<hbm>>) target(%arg16 : memref<32xi32, #tpu.memory_space<vmem>>) target_semaphore(%run_scoped3A : memref<!tpu.dma_semaphore, #tpu.memory_space<semaphore_mem>>)
      %dma_wait3A_257 = tpu.memref_slice %arg6[%add3A_129] : memref<320000xi32, #tpu.memory_space<hbm>> -> memref<32xi32, #tpu.memory_space<hbm>>
      %dma_wait3A_258 = tpu.memref_slice %arg6[%add3A_129] : memref<320000xi32, #tpu.memory_space<hbm>> -> memref<32xi32, #tpu.memory_space<hbm>>
      tpu.wait_dma2 semaphore(%run_scoped3A : memref<!tpu.dma_semaphore, #tpu.memory_space<semaphore_mem>>) src(%dma_wait3A_258 : memref<32xi32, #tpu.memory_space<hbm>>) dst(%arg16 : memref<32xi32, #tpu.memory_space<vmem>>)
      tpu.yield
    }) : () -> ()
    %get3A_130 = arith.constant 0 : index
    %get3A_131 = tpu.vector_load %arg10[%get3A_130] {strides = array<i32>} : memref<48xi32, #tpu.memory_space<vmem>>, vector<16xi32>,
    %get3A_132 = vector.shape_cast %get3A_131 : vector<16xi32> to vector<16xi32>
    %add3A_133 = vector.broadcast %mul3A_2 : i32 to vector<16xi32>
    %add3A_134 = arith.addi %get3A_132, %add3A_133 : vector<16xi32>
    %swap3A_135 = arith.constant 0 : index
    %swap3A_136 = tpu.vector_load %arg10[%swap3A_135] {strides = array<i32>} : memref<48xi32, #tpu.memory_space<vmem>>, vector<16xi32>,
    %swap3A_137 = vector.shape_cast %swap3A_136 : vector<16xi32> to vector<16xi32>
    %swap3A_138 = vector.shape_cast %add3A_134 : vector<16xi32> to vector<16xi32>
    tpu.vector_store %arg10[%swap3A_135], %swap3A_138 {strides = array<i32>} : memref<48xi32, #tpu.memory_space<vmem>>, vector<16xi32>,
    %get3A_139 = arith.constant 16 : index
    %get3A_140 = tpu.vector_load %arg10[%get3A_139] {strides = array<i32>} : memref<48xi32, #tpu.memory_space<vmem>>, vector<16xi32>,
    %get3A_141 = vector.shape_cast %get3A_140 : vector<16xi32> to vector<16xi32>
    %add3A_142 = vector.broadcast %mul3A_2 : i32 to vector<16xi32>
    %add3A_143 = arith.addi %get3A_141, %add3A_142 : vector<16xi32>
    %swap3A_144 = arith.constant 16 : index
    %swap3A_145 = tpu.vector_load %arg10[%swap3A_144] {strides = array<i32>} : memref<48xi32, #tpu.memory_space<vmem>>, vector<16xi32>,
    %swap3A_146 = vector.shape_cast %swap3A_145 : vector<16xi32> to vector<16xi32>
    %swap3A_147 = vector.shape_cast %add3A_143 : vector<16xi32> to vector<16xi32>
    tpu.vector_store %arg10[%swap3A_144], %swap3A_147 {strides = array<i32>} : memref<48xi32, #tpu.memory_space<vmem>>, vector<16xi32>,
    %dma_start3A_148 = arith.constant 0 : i32
    %dma_start3A_149 = arith.constant 0 : i32
    %dma_start3A_150 = tpu.memref_slice %arg17[%dma_start3A_148, %dma_start3A_149] : memref<48x128xf32, #tpu.memory_space<vmem>> -> memref<32x128xf32, #tpu.memory_space<vmem>>
    %dma_start3A_151 = arith.constant 0 : i32
    %dma_start3A_152 = tpu.memref_slice %arg10[%dma_start3A_151] : memref<48xi32, #tpu.memory_space<vmem>> -> memref<32xi32, #tpu.memory_space<vmem>>
    %dma_start3A_153 = arith.constant 0 : i32
    %dma_start3A_154 = arith.constant 0 : i32
    %dma_start3A_155 = tpu.memref_slice %arg2[%dma_start3A_153, %dma_start3A_154] : memref<20000x128xf32, #tpu.memory_space<hbm>> -> memref<20000x128xf32, #tpu.memory_space<hbm>>
    tpu.enqueue_indirect_dma source(%dma_start3A_155 : memref<20000x128xf32, #tpu.memory_space<hbm>>) target(%dma_start3A_150 : memref<32x128xf32, #tpu.memory_space<vmem>>) offsets(%dma_start3A_152 : memref<32xi32, #tpu.memory_space<vmem>>) semaphore(%arg27 : memref<!tpu.dma_semaphore, #tpu.memory_space<semaphore_mem>>)
    %dma_wait3A_156 = arith.constant 0 : i32
    %dma_wait3A_157 = arith.constant 0 : i32
    %dma_wait3A_158 = tpu.memref_slice %arg17[%dma_wait3A_156, %dma_wait3A_157] : memref<48x128xf32, #tpu.memory_space<vmem>> -> memref<32x128xf32, #tpu.memory_space<vmem>>
    %dma_wait3A_159 = arith.constant 0 : i32
    %dma_wait3A_160 = tpu.memref_slice %arg10[%dma_wait3A_159] : memref<48xi32, #tpu.memory_space<vmem>> -> memref<32xi32, #tpu.memory_space<vmem>>
    %dma_wait3A_161 = arith.constant 0 : i32
    %dma_wait3A_162 = arith.constant 0 : i32
    %dma_wait3A_163 = tpu.memref_slice %arg2[%dma_wait3A_161, %dma_wait3A_162] : memref<20000x128xf32, #tpu.memory_space<hbm>> -> memref<20000x128xf32, #tpu.memory_space<hbm>>
    tpu.wait_indirect_dma semaphore(%arg27 : memref<!tpu.dma_semaphore, #tpu.memory_space<semaphore_mem>>) src(%dma_wait3A_163 : memref<20000x128xf32, #tpu.memory_space<hbm>>) dst(%dma_wait3A_158 : memref<32x128xf32, #tpu.memory_space<vmem>>)
    %dma_start3A_164 = arith.constant 0 : i32
    %dma_start3A_165 = arith.constant 0 : i32
    %dma_start3A_166 = tpu.memref_slice %arg19[%dma_start3A_164, %dma_start3A_165] : memref<48x128xf32, #tpu.memory_space<vmem>> -> memref<32x128xf32, #tpu.memory_space<vmem>>
    %dma_start3A_167 = arith.constant 0 : i32
    %dma_start3A_168 = arith.constant 0 : i32
    %dma_start3A_169 = tpu.memref_slice %arg3[%dma_start3A_167, %dma_start3A_168] : memref<10000x128xf32, #tpu.memory_space<hbm>> -> memref<10000x128xf32, #tpu.memory_space<hbm>>
    tpu.enqueue_indirect_dma source(%dma_start3A_169 : memref<10000x128xf32, #tpu.memory_space<hbm>>) target(%dma_start3A_166 : memref<32x128xf32, #tpu.memory_space<vmem>>) offsets(%arg16 : memref<32xi32, #tpu.memory_space<vmem>>) semaphore(%arg29 : memref<!tpu.dma_semaphore, #tpu.memory_space<semaphore_mem>>)
    %dma_wait3A_170 = arith.constant 0 : i32
    %dma_wait3A_171 = arith.constant 0 : i32
    %dma_wait3A_172 = tpu.memref_slice %arg19[%dma_wait3A_170, %dma_wait3A_171] : memref<48x128xf32, #tpu.memory_space<vmem>> -> memref<32x128xf32, #tpu.memory_space<vmem>>
    %dma_wait3A_173 = arith.constant 0 : i32
    %dma_wait3A_174 = arith.constant 0 : i32
    %dma_wait3A_175 = tpu.memref_slice %arg3[%dma_wait3A_173, %dma_wait3A_174] : memref<10000x128xf32, #tpu.memory_space<hbm>> -> memref<10000x128xf32, #tpu.memory_space<hbm>>
    tpu.wait_indirect_dma semaphore(%arg29 : memref<!tpu.dma_semaphore, #tpu.memory_space<semaphore_mem>>) src(%dma_wait3A_175 : memref<10000x128xf32, #tpu.memory_space<hbm>>) dst(%dma_wait3A_172 : memref<32x128xf32, #tpu.memory_space<vmem>>)
    %dma_start3A_176 = arith.constant 0 : i32
    %dma_start3A_177 = arith.constant 0 : i32
    %dma_start3A_178 = tpu.memref_slice %arg21[%dma_start3A_176, %dma_start3A_177] : memref<48x64xf32, #tpu.memory_space<vmem>> -> memref<32x64xf32, #tpu.memory_space<vmem>>
    %dma_start3A_179 = arith.constant 0 : i32
    %dma_start3A_180 = tpu.memref_slice %arg4[%arg0, %add3A_129, %dma_start3A_179] : memref<2x320000x64xf32, #tpu.memory_space<hbm>> -> memref<1x32x64xf32, #tpu.memory_space<hbm>>
    %dma_start3A_181 = tpu.memref_squeeze %dma_start3A_180 : memref<1x32x64xf32, #tpu.memory_space<hbm>> -> memref<32x64xf32, #tpu.memory_space<hbm>>
    %dma_start3A_182 = arith.constant 0 : i32
    %dma_start3A_183 = arith.constant 0 : i32
    %dma_start3A_184 = tpu.memref_slice %arg21[%dma_start3A_182, %dma_start3A_183] : memref<48x64xf32, #tpu.memory_space<vmem>> -> memref<32x64xf32, #tpu.memory_space<vmem>>
    %dma_start3A_185 = arith.constant 0 : i32
    %dma_start3A_186 = tpu.memref_slice %arg4[%arg0, %add3A_129, %dma_start3A_185] : memref<2x320000x64xf32, #tpu.memory_space<hbm>> -> memref<1x32x64xf32, #tpu.memory_space<hbm>>
    %dma_start3A_187 = tpu.memref_squeeze %dma_start3A_186 : memref<1x32x64xf32, #tpu.memory_space<hbm>> -> memref<32x64xf32, #tpu.memory_space<hbm>>
    tpu.enqueue_dma source(%dma_start3A_187 : memref<32x64xf32, #tpu.memory_space<hbm>>) target(%dma_start3A_184 : memref<32x64xf32, #tpu.memory_space<vmem>>) target_semaphore(%arg31 : memref<!tpu.dma_semaphore, #tpu.memory_space<semaphore_mem>>)
    %dma_wait3A_188 = arith.constant 0 : i32
    %dma_wait3A_189 = arith.constant 0 : i32
    %dma_wait3A_190 = tpu.memref_slice %arg21[%dma_wait3A_188, %dma_wait3A_189] : memref<48x64xf32, #tpu.memory_space<vmem>> -> memref<32x64xf32, #tpu.memory_space<vmem>>
    %dma_wait3A_191 = arith.constant 0 : i32
    %dma_wait3A_192 = tpu.memref_slice %arg4[%arg0, %add3A_129, %dma_wait3A_191] : memref<2x320000x64xf32, #tpu.memory_space<hbm>> -> memref<1x32x64xf32, #tpu.memory_space<hbm>>
    %dma_wait3A_193 = tpu.memref_squeeze %dma_wait3A_192 : memref<1x32x64xf32, #tpu.memory_space<hbm>> -> memref<32x64xf32, #tpu.memory_space<hbm>>
    %dma_wait3A_194 = arith.constant 0 : i32
    %dma_wait3A_195 = arith.constant 0 : i32
    %dma_wait3A_196 = tpu.memref_slice %arg21[%dma_wait3A_194, %dma_wait3A_195] : memref<48x64xf32, #tpu.memory_space<vmem>> -> memref<32x64xf32, #tpu.memory_space<vmem>>
    %dma_wait3A_197 = arith.constant 0 : i32
    %dma_wait3A_198 = tpu.memref_slice %arg4[%arg0, %add3A_129, %dma_wait3A_197] : memref<2x320000x64xf32, #tpu.memory_space<hbm>> -> memref<1x32x64xf32, #tpu.memory_space<hbm>>
    %dma_wait3A_199 = tpu.memref_squeeze %dma_wait3A_198 : memref<1x32x64xf32, #tpu.memory_space<hbm>> -> memref<32x64xf32, #tpu.memory_space<hbm>>
    tpu.wait_dma2 semaphore(%arg31 : memref<!tpu.dma_semaphore, #tpu.memory_space<semaphore_mem>>) src(%dma_wait3A_199 : memref<32x64xf32, #tpu.memory_space<hbm>>) dst(%dma_wait3A_196 : memref<32x64xf32, #tpu.memory_space<vmem>>)
    %scan3A_200 = arith.constant 0 : i32
    %scan3A_201 = arith.constant 0 : i32
    %scan3A_202 = arith.constant 32 : i32
    %scan3A_203 = arith.addi %scan3A_201, %scan3A_202 : i32
    %scan3A_204 = arith.constant 1 : i32
    scf.for %scan3A_255 = %scan3A_201 to %scan3A_203 step %scan3A_204  : i32 {
      %get3A_256 = arith.index_cast %scan3A_255 : i32 to index
      %get3A_257 = arith.constant 0 : index
      %get3A_258 = tpu.vector_load %arg17[%get3A_256, %get3A_257] {strides = array<i32>} : memref<48x128xf32, #tpu.memory_space<vmem>>, vector<1x16xf32>,
      %get3A_259 = vector.shape_cast %get3A_258 : vector<1x16xf32> to vector<16xf32>
      %add3A_260 = arith.constant 0 : i32
      %add3A_261 = arith.addi %mul3A_6, %add3A_260 : i32
      %get3A_262 = arith.index_cast %scan3A_255 : i32 to index
      %get3A_263 = arith.index_cast %add3A_261 : i32 to index
      %get3A_264 = tpu.vector_load %arg19[%get3A_262, %get3A_263] {strides = array<i32>} : memref<48x128xf32, #tpu.memory_space<vmem>>, vector<1x16xf32>,
      %get3A_265 = vector.shape_cast %get3A_264 : vector<1x16xf32> to vector<16xf32>
      %add3A_266 = arith.addf %get3A_259, %get3A_265 : vector<16xf32>
      %get3A_267 = arith.index_cast %scan3A_255 : i32 to index
      %get3A_268 = arith.constant 0 : index
      %get3A_269 = tpu.vector_load %arg21[%get3A_267, %get3A_268] {strides = array<i32>} : memref<48x64xf32, #tpu.memory_space<vmem>>, vector<1x16xf32>,
      %get3A_270 = vector.shape_cast %get3A_269 : vector<1x16xf32> to vector<16xf32>
      %add3A_271 = arith.addf %add3A_266, %get3A_270 : vector<16xf32>
      %get3A_272 = arith.index_cast %scan3A_255 : i32 to index
      %get3A_273 = arith.constant 16 : index
      %get3A_274 = tpu.vector_load %arg17[%get3A_272, %get3A_273] {strides = array<i32>} : memref<48x128xf32, #tpu.memory_space<vmem>>, vector<1x16xf32>,
      %get3A_275 = vector.shape_cast %get3A_274 : vector<1x16xf32> to vector<16xf32>
      %add3A_276 = arith.constant 16 : i32
      %add3A_277 = arith.addi %mul3A_6, %add3A_276 : i32
      %get3A_278 = arith.index_cast %scan3A_255 : i32 to index
      %get3A_279 = arith.index_cast %add3A_277 : i32 to index
      %get3A_280 = tpu.vector_load %arg19[%get3A_278, %get3A_279] {strides = array<i32>} : memref<48x128xf32, #tpu.memory_space<vmem>>, vector<1x16xf32>,
      %get3A_281 = vector.shape_cast %get3A_280 : vector<1x16xf32> to vector<16xf32>
      %add3A_282 = arith.addf %get3A_275, %get3A_281 : vector<16xf32>
      %get3A_283 = arith.index_cast %scan3A_255 : i32 to index
      %get3A_284 = arith.constant 16 : index
      %get3A_285 = tpu.vector_load %arg21[%get3A_283, %get3A_284] {strides = array<i32>} : memref<48x64xf32, #tpu.memory_space<vmem>>, vector<1x16xf32>,
      %get3A_286 = vector.shape_cast %get3A_285 : vector<1x16xf32> to vector<16xf32>
      %add3A_287 = arith.addf %add3A_282, %get3A_286 : vector<16xf32>
      %get3A_288 = arith.index_cast %scan3A_255 : i32 to index
      %get3A_289 = arith.constant 32 : index
      %get3A_290 = tpu.vector_load %arg17[%get3A_288, %get3A_289] {strides = array<i32>} : memref<48x128xf32, #tpu.memory_space<vmem>>, vector<1x16xf32>,
      %get3A_291 = vector.shape_cast %get3A_290 : vector<1x16xf32> to vector<16xf32>
      %add3A_292 = arith.constant 32 : i32
      %add3A_293 = arith.addi %mul3A_6, %add3A_292 : i32
      %get3A_294 = arith.index_cast %scan3A_255 : i32 to index
      %get3A_295 = arith.index_cast %add3A_293 : i32 to index
      %get3A_296 = tpu.vector_load %arg19[%get3A_294, %get3A_295] {strides = array<i32>} : memref<48x128xf32, #tpu.memory_space<vmem>>, vector<1x16xf32>,
      %get3A_297 = vector.shape_cast %get3A_296 : vector<1x16xf32> to vector<16xf32>
      %add3A_298 = arith.addf %get3A_291, %get3A_297 : vector<16xf32>
      %get3A_299 = arith.index_cast %scan3A_255 : i32 to index
      %get3A_300 = arith.constant 32 : index
      %get3A_301 = tpu.vector_load %arg21[%get3A_299, %get3A_300] {strides = array<i32>} : memref<48x64xf32, #tpu.memory_space<vmem>>, vector<1x16xf32>,
      %get3A_302 = vector.shape_cast %get3A_301 : vector<1x16xf32> to vector<16xf32>
      %add3A_303 = arith.addf %add3A_298, %get3A_302 : vector<16xf32>
      %get3A_304 = arith.index_cast %scan3A_255 : i32 to index
      %get3A_305 = arith.constant 48 : index
      %get3A_306 = tpu.vector_load %arg17[%get3A_304, %get3A_305] {strides = array<i32>} : memref<48x128xf32, #tpu.memory_space<vmem>>, vector<1x16xf32>,
      %get3A_307 = vector.shape_cast %get3A_306 : vector<1x16xf32> to vector<16xf32>
      %add3A_308 = arith.constant 48 : i32
      %add3A_309 = arith.addi %mul3A_6, %add3A_308 : i32
      %get3A_310 = arith.index_cast %scan3A_255 : i32 to index
      %get3A_311 = arith.index_cast %add3A_309 : i32 to index
      %get3A_312 = tpu.vector_load %arg19[%get3A_310, %get3A_311] {strides = array<i32>} : memref<48x128xf32, #tpu.memory_space<vmem>>, vector<1x16xf32>,
      %get3A_313 = vector.shape_cast %get3A_312 : vector<1x16xf32> to vector<16xf32>
      %add3A_314 = arith.addf %get3A_307, %get3A_313 : vector<16xf32>
      %get3A_315 = arith.index_cast %scan3A_255 : i32 to index
      %get3A_316 = arith.constant 48 : index
      %get3A_317 = tpu.vector_load %arg21[%get3A_315, %get3A_316] {strides = array<i32>} : memref<48x64xf32, #tpu.memory_space<vmem>>, vector<1x16xf32>,
      %get3A_318 = vector.shape_cast %get3A_317 : vector<1x16xf32> to vector<16xf32>
      %add3A_319 = arith.addf %add3A_314, %get3A_318 : vector<16xf32>
      %exp3A = math.exp %add3A_271 : vector<16xf32>
      %exp3A_320 = math.exp %add3A_287 : vector<16xf32>
      %exp3A_321 = math.exp %add3A_303 : vector<16xf32>
      %exp3A_322 = math.exp %add3A_319 : vector<16xf32>
      %add3A_323 = arith.constant 1.000000e+00 : f32
      %add3A_324 = vector.broadcast %add3A_323 : f32 to vector<16xf32>
      %add3A_325 = arith.addf %add3A_324, %exp3A : vector<16xf32>
      %div3A = arith.constant 1.000000e+00 : f32
      %div3A_326 = vector.broadcast %div3A : f32 to vector<16xf32>
      %div3A_327 = arith.divf %div3A_326, %add3A_325 : vector<16xf32>
      %add3A_328 = arith.constant 1.000000e+00 : f32
      %add3A_329 = vector.broadcast %add3A_328 : f32 to vector<16xf32>
      %add3A_330 = arith.addf %add3A_329, %exp3A_320 : vector<16xf32>
      %div3A_331 = arith.constant 1.000000e+00 : f32
      %div3A_332 = vector.broadcast %div3A_331 : f32 to vector<16xf32>
      %div3A_333 = arith.divf %div3A_332, %add3A_330 : vector<16xf32>
      %add3A_334 = arith.constant 1.000000e+00 : f32
      %add3A_335 = vector.broadcast %add3A_334 : f32 to vector<16xf32>
      %add3A_336 = arith.addf %add3A_335, %exp3A_321 : vector<16xf32>
      %div3A_337 = arith.constant 1.000000e+00 : f32
      %div3A_338 = vector.broadcast %div3A_337 : f32 to vector<16xf32>
      %div3A_339 = arith.divf %div3A_338, %add3A_336 : vector<16xf32>
      %add3A_340 = arith.constant 1.000000e+00 : f32
      %add3A_341 = vector.broadcast %add3A_340 : f32 to vector<16xf32>
      %add3A_342 = arith.addf %add3A_341, %exp3A_322 : vector<16xf32>
      %div3A_343 = arith.constant 1.000000e+00 : f32
      %div3A_344 = vector.broadcast %div3A_343 : f32 to vector<16xf32>
      %div3A_345 = arith.divf %div3A_344, %add3A_342 : vector<16xf32>
      %get3A_346 = arith.index_cast %scan3A_255 : i32 to index
      %get3A_347 = arith.constant 64 : index
      %get3A_348 = tpu.vector_load %arg17[%get3A_346, %get3A_347] {strides = array<i32>} : memref<48x128xf32, #tpu.memory_space<vmem>>, vector<1x16xf32>,
      %get3A_349 = vector.shape_cast %get3A_348 : vector<1x16xf32> to vector<16xf32>
      %swap3A_350 = arith.index_cast %scan3A_255 : i32 to index
      %swap3A_351 = arith.constant 0 : index
      %swap3A_352 = tpu.vector_load %arg21[%swap3A_350, %swap3A_351] {strides = array<i32>} : memref<48x64xf32, #tpu.memory_space<vmem>>, vector<1x16xf32>,
      %swap3A_353 = vector.shape_cast %swap3A_352 : vector<1x16xf32> to vector<16xf32>
      %swap3A_354 = vector.shape_cast %div3A_327 : vector<16xf32> to vector<1x16xf32>
      tpu.vector_store %arg21[%swap3A_350, %swap3A_351], %swap3A_354 {strides = array<i32>} : memref<48x64xf32, #tpu.memory_space<vmem>>, vector<1x16xf32>,
      %mul3A_355 = arith.mulf %div3A_327, %get3A_349 : vector<16xf32>
      %swap3A_356 = arith.index_cast %scan3A_255 : i32 to index
      %swap3A_357 = arith.constant 0 : index
      %swap3A_358 = tpu.vector_load %arg23[%swap3A_356, %swap3A_357] {strides = array<i32>} : memref<48x128xf32, #tpu.memory_space<vmem>>, vector<1x16xf32>,
      %swap3A_359 = vector.shape_cast %swap3A_358 : vector<1x16xf32> to vector<16xf32>
      %swap3A_360 = vector.shape_cast %mul3A_355 : vector<16xf32> to vector<1x16xf32>
      tpu.vector_store %arg23[%swap3A_356, %swap3A_357], %swap3A_360 {strides = array<i32>} : memref<48x128xf32, #tpu.memory_space<vmem>>, vector<1x16xf32>,
      %swap3A_361 = arith.index_cast %scan3A_255 : i32 to index
      %swap3A_362 = arith.constant 64 : index
      %swap3A_363 = tpu.vector_load %arg23[%swap3A_361, %swap3A_362] {strides = array<i32>} : memref<48x128xf32, #tpu.memory_space<vmem>>, vector<1x16xf32>,
      %swap3A_364 = vector.shape_cast %swap3A_363 : vector<1x16xf32> to vector<16xf32>
      %swap3A_365 = vector.shape_cast %div3A_327 : vector<16xf32> to vector<1x16xf32>
      tpu.vector_store %arg23[%swap3A_361, %swap3A_362], %swap3A_365 {strides = array<i32>} : memref<48x128xf32, #tpu.memory_space<vmem>>, vector<1x16xf32>,
      %mul3A_366 = arith.mulf %div3A_327, %div3A_327 : vector<16xf32>
      %swap3A_367 = arith.constant 0 : index
      %swap3A_368 = tpu.vector_load %arg25[%swap3A_367] {strides = array<i32>} : memref<64xf32, #tpu.memory_space<vmem>>, vector<16xf32>,
      %swap3A_369 = vector.shape_cast %swap3A_368 : vector<16xf32> to vector<16xf32>
      %swap3A_370 = vector.shape_cast %mul3A_366 : vector<16xf32> to vector<16xf32>
      tpu.vector_store %arg25[%swap3A_367], %swap3A_370 {add = true, strides = array<i32>} : memref<64xf32, #tpu.memory_space<vmem>>, vector<16xf32>,
      %get3A_371 = arith.index_cast %scan3A_255 : i32 to index
      %get3A_372 = arith.constant 80 : index
      %get3A_373 = tpu.vector_load %arg17[%get3A_371, %get3A_372] {strides = array<i32>} : memref<48x128xf32, #tpu.memory_space<vmem>>, vector<1x16xf32>,
      %get3A_374 = vector.shape_cast %get3A_373 : vector<1x16xf32> to vector<16xf32>
      %swap3A_375 = arith.index_cast %scan3A_255 : i32 to index
      %swap3A_376 = arith.constant 16 : index
      %swap3A_377 = tpu.vector_load %arg21[%swap3A_375, %swap3A_376] {strides = array<i32>} : memref<48x64xf32, #tpu.memory_space<vmem>>, vector<1x16xf32>,
      %swap3A_378 = vector.shape_cast %swap3A_377 : vector<1x16xf32> to vector<16xf32>
      %swap3A_379 = vector.shape_cast %div3A_333 : vector<16xf32> to vector<1x16xf32>
      tpu.vector_store %arg21[%swap3A_375, %swap3A_376], %swap3A_379 {strides = array<i32>} : memref<48x64xf32, #tpu.memory_space<vmem>>, vector<1x16xf32>,
      %mul3A_380 = arith.mulf %div3A_333, %get3A_374 : vector<16xf32>
      %swap3A_381 = arith.index_cast %scan3A_255 : i32 to index
      %swap3A_382 = arith.constant 16 : index
      %swap3A_383 = tpu.vector_load %arg23[%swap3A_381, %swap3A_382] {strides = array<i32>} : memref<48x128xf32, #tpu.memory_space<vmem>>, vector<1x16xf32>,
      %swap3A_384 = vector.shape_cast %swap3A_383 : vector<1x16xf32> to vector<16xf32>
      %swap3A_385 = vector.shape_cast %mul3A_380 : vector<16xf32> to vector<1x16xf32>
      tpu.vector_store %arg23[%swap3A_381, %swap3A_382], %swap3A_385 {strides = array<i32>} : memref<48x128xf32, #tpu.memory_space<vmem>>, vector<1x16xf32>,
      %swap3A_386 = arith.index_cast %scan3A_255 : i32 to index
      %swap3A_387 = arith.constant 80 : index
      %swap3A_388 = tpu.vector_load %arg23[%swap3A_386, %swap3A_387] {strides = array<i32>} : memref<48x128xf32, #tpu.memory_space<vmem>>, vector<1x16xf32>,
      %swap3A_389 = vector.shape_cast %swap3A_388 : vector<1x16xf32> to vector<16xf32>
      %swap3A_390 = vector.shape_cast %div3A_333 : vector<16xf32> to vector<1x16xf32>
      tpu.vector_store %arg23[%swap3A_386, %swap3A_387], %swap3A_390 {strides = array<i32>} : memref<48x128xf32, #tpu.memory_space<vmem>>, vector<1x16xf32>,
      %mul3A_391 = arith.mulf %div3A_333, %div3A_333 : vector<16xf32>
      %swap3A_392 = arith.constant 16 : index
      %swap3A_393 = tpu.vector_load %arg25[%swap3A_392] {strides = array<i32>} : memref<64xf32, #tpu.memory_space<vmem>>, vector<16xf32>,
      %swap3A_394 = vector.shape_cast %swap3A_393 : vector<16xf32> to vector<16xf32>
      %swap3A_395 = vector.shape_cast %mul3A_391 : vector<16xf32> to vector<16xf32>
      tpu.vector_store %arg25[%swap3A_392], %swap3A_395 {add = true, strides = array<i32>} : memref<64xf32, #tpu.memory_space<vmem>>, vector<16xf32>,
      %get3A_396 = arith.index_cast %scan3A_255 : i32 to index
      %get3A_397 = arith.constant 96 : index
      %get3A_398 = tpu.vector_load %arg17[%get3A_396, %get3A_397] {strides = array<i32>} : memref<48x128xf32, #tpu.memory_space<vmem>>, vector<1x16xf32>,
      %get3A_399 = vector.shape_cast %get3A_398 : vector<1x16xf32> to vector<16xf32>
      %swap3A_400 = arith.index_cast %scan3A_255 : i32 to index
      %swap3A_401 = arith.constant 32 : index
      %swap3A_402 = tpu.vector_load %arg21[%swap3A_400, %swap3A_401] {strides = array<i32>} : memref<48x64xf32, #tpu.memory_space<vmem>>, vector<1x16xf32>,
      %swap3A_403 = vector.shape_cast %swap3A_402 : vector<1x16xf32> to vector<16xf32>
      %swap3A_404 = vector.shape_cast %div3A_339 : vector<16xf32> to vector<1x16xf32>
      tpu.vector_store %arg21[%swap3A_400, %swap3A_401], %swap3A_404 {strides = array<i32>} : memref<48x64xf32, #tpu.memory_space<vmem>>, vector<1x16xf32>,
      %mul3A_405 = arith.mulf %div3A_339, %get3A_399 : vector<16xf32>
      %swap3A_406 = arith.index_cast %scan3A_255 : i32 to index
      %swap3A_407 = arith.constant 32 : index
      %swap3A_408 = tpu.vector_load %arg23[%swap3A_406, %swap3A_407] {strides = array<i32>} : memref<48x128xf32, #tpu.memory_space<vmem>>, vector<1x16xf32>,
      %swap3A_409 = vector.shape_cast %swap3A_408 : vector<1x16xf32> to vector<16xf32>
      %swap3A_410 = vector.shape_cast %mul3A_405 : vector<16xf32> to vector<1x16xf32>
      tpu.vector_store %arg23[%swap3A_406, %swap3A_407], %swap3A_410 {strides = array<i32>} : memref<48x128xf32, #tpu.memory_space<vmem>>, vector<1x16xf32>,
      %swap3A_411 = arith.index_cast %scan3A_255 : i32 to index
      %swap3A_412 = arith.constant 96 : index
      %swap3A_413 = tpu.vector_load %arg23[%swap3A_411, %swap3A_412] {strides = array<i32>} : memref<48x128xf32, #tpu.memory_space<vmem>>, vector<1x16xf32>,
      %swap3A_414 = vector.shape_cast %swap3A_413 : vector<1x16xf32> to vector<16xf32>
      %swap3A_415 = vector.shape_cast %div3A_339 : vector<16xf32> to vector<1x16xf32>
      tpu.vector_store %arg23[%swap3A_411, %swap3A_412], %swap3A_415 {strides = array<i32>} : memref<48x128xf32, #tpu.memory_space<vmem>>, vector<1x16xf32>,
      %mul3A_416 = arith.mulf %div3A_339, %div3A_339 : vector<16xf32>
      %swap3A_417 = arith.constant 32 : index
      %swap3A_418 = tpu.vector_load %arg25[%swap3A_417] {strides = array<i32>} : memref<64xf32, #tpu.memory_space<vmem>>, vector<16xf32>,
      %swap3A_419 = vector.shape_cast %swap3A_418 : vector<16xf32> to vector<16xf32>
      %swap3A_420 = vector.shape_cast %mul3A_416 : vector<16xf32> to vector<16xf32>
      tpu.vector_store %arg25[%swap3A_417], %swap3A_420 {add = true, strides = array<i32>} : memref<64xf32, #tpu.memory_space<vmem>>, vector<16xf32>,
      %get3A_421 = arith.index_cast %scan3A_255 : i32 to index
      %get3A_422 = arith.constant 112 : index
      %get3A_423 = tpu.vector_load %arg17[%get3A_421, %get3A_422] {strides = array<i32>} : memref<48x128xf32, #tpu.memory_space<vmem>>, vector<1x16xf32>,
      %get3A_424 = vector.shape_cast %get3A_423 : vector<1x16xf32> to vector<16xf32>
      %swap3A_425 = arith.index_cast %scan3A_255 : i32 to index
      %swap3A_426 = arith.constant 48 : index
      %swap3A_427 = tpu.vector_load %arg21[%swap3A_425, %swap3A_426] {strides = array<i32>} : memref<48x64xf32, #tpu.memory_space<vmem>>, vector<1x16xf32>,
      %swap3A_428 = vector.shape_cast %swap3A_427 : vector<1x16xf32> to vector<16xf32>
      %swap3A_429 = vector.shape_cast %div3A_345 : vector<16xf32> to vector<1x16xf32>
      tpu.vector_store %arg21[%swap3A_425, %swap3A_426], %swap3A_429 {strides = array<i32>} : memref<48x64xf32, #tpu.memory_space<vmem>>, vector<1x16xf32>,
      %mul3A_430 = arith.mulf %div3A_345, %get3A_424 : vector<16xf32>
      %swap3A_431 = arith.index_cast %scan3A_255 : i32 to index
      %swap3A_432 = arith.constant 48 : index
      %swap3A_433 = tpu.vector_load %arg23[%swap3A_431, %swap3A_432] {strides = array<i32>} : memref<48x128xf32, #tpu.memory_space<vmem>>, vector<1x16xf32>,
      %swap3A_434 = vector.shape_cast %swap3A_433 : vector<1x16xf32> to vector<16xf32>
      %swap3A_435 = vector.shape_cast %mul3A_430 : vector<16xf32> to vector<1x16xf32>
      tpu.vector_store %arg23[%swap3A_431, %swap3A_432], %swap3A_435 {strides = array<i32>} : memref<48x128xf32, #tpu.memory_space<vmem>>, vector<1x16xf32>,
      %swap3A_436 = arith.index_cast %scan3A_255 : i32 to index
      %swap3A_437 = arith.constant 112 : index
      %swap3A_438 = tpu.vector_load %arg23[%swap3A_436, %swap3A_437] {strides = array<i32>} : memref<48x128xf32, #tpu.memory_space<vmem>>, vector<1x16xf32>,
      %swap3A_439 = vector.shape_cast %swap3A_438 : vector<1x16xf32> to vector<16xf32>
      %swap3A_440 = vector.shape_cast %div3A_345 : vector<16xf32> to vector<1x16xf32>
      tpu.vector_store %arg23[%swap3A_436, %swap3A_437], %swap3A_440 {strides = array<i32>} : memref<48x128xf32, #tpu.memory_space<vmem>>, vector<1x16xf32>,
      %mul3A_441 = arith.mulf %div3A_345, %div3A_345 : vector<16xf32>
      %swap3A_442 = arith.constant 48 : index
      %swap3A_443 = tpu.vector_load %arg25[%swap3A_442] {strides = array<i32>} : memref<64xf32, #tpu.memory_space<vmem>>, vector<16xf32>,
      %swap3A_444 = vector.shape_cast %swap3A_443 : vector<16xf32> to vector<16xf32>
      %swap3A_445 = vector.shape_cast %mul3A_441 : vector<16xf32> to vector<16xf32>
      tpu.vector_store %arg25[%swap3A_442], %swap3A_445 {add = true, strides = array<i32>} : memref<64xf32, #tpu.memory_space<vmem>>, vector<16xf32>,
    }
    %scan3A_205 = arith.constant 32 : i32
    "tpu.region"() ({
      %run_scoped3A = tpu.sem_alloc : memref<!tpu.dma_semaphore, #tpu.memory_space<semaphore_mem>>
      %dma_start3A_255 = arith.constant 0 : i32
      %dma_start3A_256 = arith.constant 0 : i32
      %dma_start3A_257 = tpu.memref_slice %arg21[%dma_start3A_255, %dma_start3A_256] : memref<48x64xf32, #tpu.memory_space<vmem>> -> memref<32x64xf32, #tpu.memory_space<vmem>>
      %dma_start3A_258 = arith.constant 0 : i32
      %dma_start3A_259 = tpu.memref_slice %arg7[%arg0, %add3A_129, %dma_start3A_258] : memref<2x320000x64xf32, #tpu.memory_space<hbm>> -> memref<1x32x64xf32, #tpu.memory_space<hbm>>
      %dma_start3A_260 = tpu.memref_squeeze %dma_start3A_259 : memref<1x32x64xf32, #tpu.memory_space<hbm>> -> memref<32x64xf32, #tpu.memory_space<hbm>>
      %dma_start3A_261 = arith.constant 0 : i32
      %dma_start3A_262 = tpu.memref_slice %arg7[%arg0, %add3A_129, %dma_start3A_261] : memref<2x320000x64xf32, #tpu.memory_space<hbm>> -> memref<1x32x64xf32, #tpu.memory_space<hbm>>
      %dma_start3A_263 = tpu.memref_squeeze %dma_start3A_262 : memref<1x32x64xf32, #tpu.memory_space<hbm>> -> memref<32x64xf32, #tpu.memory_space<hbm>>
      %dma_start3A_264 = arith.constant 0 : i32
      %dma_start3A_265 = arith.constant 0 : i32
      %dma_start3A_266 = tpu.memref_slice %arg21[%dma_start3A_264, %dma_start3A_265] : memref<48x64xf32, #tpu.memory_space<vmem>> -> memref<32x64xf32, #tpu.memory_space<vmem>>
      tpu.enqueue_dma source(%dma_start3A_266 : memref<32x64xf32, #tpu.memory_space<vmem>>) target(%dma_start3A_263 : memref<32x64xf32, #tpu.memory_space<hbm>>) target_semaphore(%run_scoped3A : memref<!tpu.dma_semaphore, #tpu.memory_space<semaphore_mem>>)
      %dma_wait3A_267 = arith.constant 0 : i32
      %dma_wait3A_268 = arith.constant 0 : i32
      %dma_wait3A_269 = tpu.memref_slice %arg21[%dma_wait3A_267, %dma_wait3A_268] : memref<48x64xf32, #tpu.memory_space<vmem>> -> memref<32x64xf32, #tpu.memory_space<vmem>>
      %dma_wait3A_270 = arith.constant 0 : i32
      %dma_wait3A_271 = tpu.memref_slice %arg7[%arg0, %add3A_129, %dma_wait3A_270] : memref<2x320000x64xf32, #tpu.memory_space<hbm>> -> memref<1x32x64xf32, #tpu.memory_space<hbm>>
      %dma_wait3A_272 = tpu.memref_squeeze %dma_wait3A_271 : memref<1x32x64xf32, #tpu.memory_space<hbm>> -> memref<32x64xf32, #tpu.memory_space<hbm>>
      %dma_wait3A_273 = arith.constant 0 : i32
      %dma_wait3A_274 = tpu.memref_slice %arg7[%arg0, %add3A_129, %dma_wait3A_273] : memref<2x320000x64xf32, #tpu.memory_space<hbm>> -> memref<1x32x64xf32, #tpu.memory_space<hbm>>
      %dma_wait3A_275 = tpu.memref_squeeze %dma_wait3A_274 : memref<1x32x64xf32, #tpu.memory_space<hbm>> -> memref<32x64xf32, #tpu.memory_space<hbm>>
      %dma_wait3A_276 = arith.constant 0 : i32
      %dma_wait3A_277 = arith.constant 0 : i32
      %dma_wait3A_278 = tpu.memref_slice %arg21[%dma_wait3A_276, %dma_wait3A_277] : memref<48x64xf32, #tpu.memory_space<vmem>> -> memref<32x64xf32, #tpu.memory_space<vmem>>
      tpu.wait_dma2 semaphore(%run_scoped3A : memref<!tpu.dma_semaphore, #tpu.memory_space<semaphore_mem>>) src(%dma_wait3A_278 : memref<32x64xf32, #tpu.memory_space<vmem>>) dst(%dma_wait3A_275 : memref<32x64xf32, #tpu.memory_space<hbm>>)
      tpu.yield
    }) : () -> ()
    %dma_start3A_206 = arith.constant 0 : i32
    %dma_start3A_207 = arith.constant 0 : i32
    %dma_start3A_208 = tpu.memref_slice %arg23[%dma_start3A_206, %dma_start3A_207] : memref<48x128xf32, #tpu.memory_space<vmem>> -> memref<32x128xf32, #tpu.memory_space<vmem>>
    %dma_start3A_209 = arith.constant 0 : i32
    %dma_start3A_210 = arith.constant 0 : i32
    %dma_start3A_211 = tpu.memref_slice %arg26[%dma_start3A_209, %dma_start3A_210] : memref<10000x128xf32, #tpu.memory_space<vmem_shared>> -> memref<10000x128xf32, #tpu.memory_space<vmem_shared>>
    tpu.enqueue_indirect_dma source(%dma_start3A_208 : memref<32x128xf32, #tpu.memory_space<vmem>>) target(%dma_start3A_211 : memref<10000x128xf32, #tpu.memory_space<vmem_shared>>) offsets(%arg16 : memref<32xi32, #tpu.memory_space<vmem>>) semaphore(%arg37 : memref<!tpu.dma_semaphore, #tpu.memory_space<semaphore_mem>>) {add = true}
    %dma_wait3A_212 = arith.constant 0 : i32
    %dma_wait3A_213 = arith.constant 0 : i32
    %dma_wait3A_214 = tpu.memref_slice %arg23[%dma_wait3A_212, %dma_wait3A_213] : memref<48x128xf32, #tpu.memory_space<vmem>> -> memref<32x128xf32, #tpu.memory_space<vmem>>
    %dma_wait3A_215 = arith.constant 0 : i32
    %dma_wait3A_216 = arith.constant 0 : i32
    %dma_wait3A_217 = tpu.memref_slice %arg26[%dma_wait3A_215, %dma_wait3A_216] : memref<10000x128xf32, #tpu.memory_space<vmem_shared>> -> memref<10000x128xf32, #tpu.memory_space<vmem_shared>>
    tpu.wait_indirect_dma semaphore(%arg37 : memref<!tpu.dma_semaphore, #tpu.memory_space<semaphore_mem>>) src(%dma_wait3A_214 : memref<32x128xf32, #tpu.memory_space<vmem>>) dst(%dma_wait3A_217 : memref<10000x128xf32, #tpu.memory_space<vmem_shared>>)
    %barrier3A_218 = arith.constant 0 : index
    tpu.barrier barrier_id(%barrier3A_218)
    %add3A_219 = arith.constant 0 : i32
    %add3A_220 = arith.addi %mul3A_0, %add3A_219 : i32
    "tpu.region"() ({
      %run_scoped3A = tpu.sem_alloc : memref<!tpu.dma_semaphore, #tpu.memory_space<semaphore_mem>>
      %dma_start3A_255 = arith.constant 0 : i32
      %dma_start3A_256 = tpu.memref_slice %arg26[%add3A_220, %dma_start3A_255] : memref<10000x128xf32, #tpu.memory_space<vmem_shared>> -> memref<48x128xf32, #tpu.memory_space<vmem_shared>>
      %dma_start3A_257 = arith.constant 0 : i32
      %dma_start3A_258 = tpu.memref_slice %arg26[%add3A_220, %dma_start3A_257] : memref<10000x128xf32, #tpu.memory_space<vmem_shared>> -> memref<48x128xf32, #tpu.memory_space<vmem_shared>>
      tpu.enqueue_dma source(%dma_start3A_258 : memref<48x128xf32, #tpu.memory_space<vmem_shared>>) target(%arg17 : memref<48x128xf32, #tpu.memory_space<vmem>>) target_semaphore(%run_scoped3A : memref<!tpu.dma_semaphore, #tpu.memory_space<semaphore_mem>>)
      %dma_wait3A_259 = arith.constant 0 : i32
      %dma_wait3A_260 = tpu.memref_slice %arg26[%add3A_220, %dma_wait3A_259] : memref<10000x128xf32, #tpu.memory_space<vmem_shared>> -> memref<48x128xf32, #tpu.memory_space<vmem_shared>>
      %dma_wait3A_261 = arith.constant 0 : i32
      %dma_wait3A_262 = tpu.memref_slice %arg26[%add3A_220, %dma_wait3A_261] : memref<10000x128xf32, #tpu.memory_space<vmem_shared>> -> memref<48x128xf32, #tpu.memory_space<vmem_shared>>
      tpu.wait_dma2 semaphore(%run_scoped3A : memref<!tpu.dma_semaphore, #tpu.memory_space<semaphore_mem>>) src(%dma_wait3A_262 : memref<48x128xf32, #tpu.memory_space<vmem_shared>>) dst(%arg17 : memref<48x128xf32, #tpu.memory_space<vmem>>)
      tpu.yield
    }) : () -> ()
    "tpu.region"() ({
      %run_scoped3A = tpu.sem_alloc : memref<!tpu.dma_semaphore, #tpu.memory_space<semaphore_mem>>
      %dma_start3A_255 = arith.constant 0 : i32
      %dma_start3A_256 = tpu.memref_slice %arg8[%arg0, %add3A_220, %dma_start3A_255] : memref<2x10000x128xf32, #tpu.memory_space<hbm>> -> memref<1x48x128xf32, #tpu.memory_space<hbm>>
      %dma_start3A_257 = tpu.memref_squeeze %dma_start3A_256 : memref<1x48x128xf32, #tpu.memory_space<hbm>> -> memref<48x128xf32, #tpu.memory_space<hbm>>
      %dma_start3A_258 = arith.constant 0 : i32
      %dma_start3A_259 = tpu.memref_slice %arg8[%arg0, %add3A_220, %dma_start3A_258] : memref<2x10000x128xf32, #tpu.memory_space<hbm>> -> memref<1x48x128xf32, #tpu.memory_space<hbm>>
      %dma_start3A_260 = tpu.memref_squeeze %dma_start3A_259 : memref<1x48x128xf32, #tpu.memory_space<hbm>> -> memref<48x128xf32, #tpu.memory_space<hbm>>
      tpu.enqueue_dma source(%arg17 : memref<48x128xf32, #tpu.memory_space<vmem>>) target(%dma_start3A_260 : memref<48x128xf32, #tpu.memory_space<hbm>>) target_semaphore(%run_scoped3A : memref<!tpu.dma_semaphore, #tpu.memory_space<semaphore_mem>>)
      %dma_wait3A_261 = arith.constant 0 : i32
      %dma_wait3A_262 = tpu.memref_slice %arg8[%arg0, %add3A_220, %dma_wait3A_261] : memref<2x10000x128xf32, #tpu.memory_space<hbm>> -> memref<1x48x128xf32, #tpu.memory_space<hbm>>
      %dma_wait3A_263 = tpu.memref_squeeze %dma_wait3A_262 : memref<1x48x128xf32, #tpu.memory_space<hbm>> -> memref<48x128xf32, #tpu.memory_space<hbm>>
      %dma_wait3A_264 = arith.constant 0 : i32
      %dma_wait3A_265 = tpu.memref_slice %arg8[%arg0, %add3A_220, %dma_wait3A_264] : memref<2x10000x128xf32, #tpu.memory_space<hbm>> -> memref<1x48x128xf32, #tpu.memory_space<hbm>>
      %dma_wait3A_266 = tpu.memref_squeeze %dma_wait3A_265 : memref<1x48x128xf32, #tpu.memory_space<hbm>> -> memref<48x128xf32, #tpu.memory_space<hbm>>
      tpu.wait_dma2 semaphore(%run_scoped3A : memref<!tpu.dma_semaphore, #tpu.memory_space<semaphore_mem>>) src(%arg17 : memref<48x128xf32, #tpu.memory_space<vmem>>) dst(%dma_wait3A_266 : memref<48x128xf32, #tpu.memory_space<hbm>>)
      tpu.yield
    }) : () -> ()
    %add3A_221 = arith.constant 48 : i32
    %add3A_222 = arith.addi %mul3A_0, %add3A_221 : i32
    "tpu.region"() ({
      %run_scoped3A = tpu.sem_alloc : memref<!tpu.dma_semaphore, #tpu.memory_space<semaphore_mem>>
      %dma_start3A_255 = arith.constant 0 : i32
      %dma_start3A_256 = tpu.memref_slice %arg26[%add3A_222, %dma_start3A_255] : memref<10000x128xf32, #tpu.memory_space<vmem_shared>> -> memref<48x128xf32, #tpu.memory_space<vmem_shared>>
      %dma_start3A_257 = arith.constant 0 : i32
      %dma_start3A_258 = tpu.memref_slice %arg26[%add3A_222, %dma_start3A_257] : memref<10000x128xf32, #tpu.memory_space<vmem_shared>> -> memref<48x128xf32, #tpu.memory_space<vmem_shared>>
      tpu.enqueue_dma source(%dma_start3A_258 : memref<48x128xf32, #tpu.memory_space<vmem_shared>>) target(%arg17 : memref<48x128xf32, #tpu.memory_space<vmem>>) target_semaphore(%run_scoped3A : memref<!tpu.dma_semaphore, #tpu.memory_space<semaphore_mem>>)
      %dma_wait3A_259 = arith.constant 0 : i32
      %dma_wait3A_260 = tpu.memref_slice %arg26[%add3A_222, %dma_wait3A_259] : memref<10000x128xf32, #tpu.memory_space<vmem_shared>> -> memref<48x128xf32, #tpu.memory_space<vmem_shared>>
      %dma_wait3A_261 = arith.constant 0 : i32
      %dma_wait3A_262 = tpu.memref_slice %arg26[%add3A_222, %dma_wait3A_261] : memref<10000x128xf32, #tpu.memory_space<vmem_shared>> -> memref<48x128xf32, #tpu.memory_space<vmem_shared>>
      tpu.wait_dma2 semaphore(%run_scoped3A : memref<!tpu.dma_semaphore, #tpu.memory_space<semaphore_mem>>) src(%dma_wait3A_262 : memref<48x128xf32, #tpu.memory_space<vmem_shared>>) dst(%arg17 : memref<48x128xf32, #tpu.memory_space<vmem>>)
      tpu.yield
    }) : () -> ()
    "tpu.region"() ({
      %run_scoped3A = tpu.sem_alloc : memref<!tpu.dma_semaphore, #tpu.memory_space<semaphore_mem>>
      %dma_start3A_255 = arith.constant 0 : i32
      %dma_start3A_256 = tpu.memref_slice %arg8[%arg0, %add3A_222, %dma_start3A_255] : memref<2x10000x128xf32, #tpu.memory_space<hbm>> -> memref<1x48x128xf32, #tpu.memory_space<hbm>>
      %dma_start3A_257 = tpu.memref_squeeze %dma_start3A_256 : memref<1x48x128xf32, #tpu.memory_space<hbm>> -> memref<48x128xf32, #tpu.memory_space<hbm>>
      %dma_start3A_258 = arith.constant 0 : i32
      %dma_start3A_259 = tpu.memref_slice %arg8[%arg0, %add3A_222, %dma_start3A_258] : memref<2x10000x128xf32, #tpu.memory_space<hbm>> -> memref<1x48x128xf32, #tpu.memory_space<hbm>>
      %dma_start3A_260 = tpu.memref_squeeze %dma_start3A_259 : memref<1x48x128xf32, #tpu.memory_space<hbm>> -> memref<48x128xf32, #tpu.memory_space<hbm>>
      tpu.enqueue_dma source(%arg17 : memref<48x128xf32, #tpu.memory_space<vmem>>) target(%dma_start3A_260 : memref<48x128xf32, #tpu.memory_space<hbm>>) target_semaphore(%run_scoped3A : memref<!tpu.dma_semaphore, #tpu.memory_space<semaphore_mem>>)
      %dma_wait3A_261 = arith.constant 0 : i32
      %dma_wait3A_262 = tpu.memref_slice %arg8[%arg0, %add3A_222, %dma_wait3A_261] : memref<2x10000x128xf32, #tpu.memory_space<hbm>> -> memref<1x48x128xf32, #tpu.memory_space<hbm>>
      %dma_wait3A_263 = tpu.memref_squeeze %dma_wait3A_262 : memref<1x48x128xf32, #tpu.memory_space<hbm>> -> memref<48x128xf32, #tpu.memory_space<hbm>>
      %dma_wait3A_264 = arith.constant 0 : i32
      %dma_wait3A_265 = tpu.memref_slice %arg8[%arg0, %add3A_222, %dma_wait3A_264] : memref<2x10000x128xf32, #tpu.memory_space<hbm>> -> memref<1x48x128xf32, #tpu.memory_space<hbm>>
      %dma_wait3A_266 = tpu.memref_squeeze %dma_wait3A_265 : memref<1x48x128xf32, #tpu.memory_space<hbm>> -> memref<48x128xf32, #tpu.memory_space<hbm>>
      tpu.wait_dma2 semaphore(%run_scoped3A : memref<!tpu.dma_semaphore, #tpu.memory_space<semaphore_mem>>) src(%arg17 : memref<48x128xf32, #tpu.memory_space<vmem>>) dst(%dma_wait3A_266 : memref<48x128xf32, #tpu.memory_space<hbm>>)
      tpu.yield
    }) : () -> ()
    %add3A_223 = arith.constant 96 : i32
    %add3A_224 = arith.addi %mul3A_0, %add3A_223 : i32
    "tpu.region"() ({
      %run_scoped3A = tpu.sem_alloc : memref<!tpu.dma_semaphore, #tpu.memory_space<semaphore_mem>>
      %dma_start3A_255 = arith.constant 0 : i32
      %dma_start3A_256 = tpu.memref_slice %arg26[%add3A_224, %dma_start3A_255] : memref<10000x128xf32, #tpu.memory_space<vmem_shared>> -> memref<48x128xf32, #tpu.memory_space<vmem_shared>>
      %dma_start3A_257 = arith.constant 0 : i32
      %dma_start3A_258 = tpu.memref_slice %arg26[%add3A_224, %dma_start3A_257] : memref<10000x128xf32, #tpu.memory_space<vmem_shared>> -> memref<48x128xf32, #tpu.memory_space<vmem_shared>>
      tpu.enqueue_dma source(%dma_start3A_258 : memref<48x128xf32, #tpu.memory_space<vmem_shared>>) target(%arg17 : memref<48x128xf32, #tpu.memory_space<vmem>>) target_semaphore(%run_scoped3A : memref<!tpu.dma_semaphore, #tpu.memory_space<semaphore_mem>>)
      %dma_wait3A_259 = arith.constant 0 : i32
      %dma_wait3A_260 = tpu.memref_slice %arg26[%add3A_224, %dma_wait3A_259] : memref<10000x128xf32, #tpu.memory_space<vmem_shared>> -> memref<48x128xf32, #tpu.memory_space<vmem_shared>>
      %dma_wait3A_261 = arith.constant 0 : i32
      %dma_wait3A_262 = tpu.memref_slice %arg26[%add3A_224, %dma_wait3A_261] : memref<10000x128xf32, #tpu.memory_space<vmem_shared>> -> memref<48x128xf32, #tpu.memory_space<vmem_shared>>
      tpu.wait_dma2 semaphore(%run_scoped3A : memref<!tpu.dma_semaphore, #tpu.memory_space<semaphore_mem>>) src(%dma_wait3A_262 : memref<48x128xf32, #tpu.memory_space<vmem_shared>>) dst(%arg17 : memref<48x128xf32, #tpu.memory_space<vmem>>)
      tpu.yield
    }) : () -> ()
    "tpu.region"() ({
      %run_scoped3A = tpu.sem_alloc : memref<!tpu.dma_semaphore, #tpu.memory_space<semaphore_mem>>
      %dma_start3A_255 = arith.constant 0 : i32
      %dma_start3A_256 = tpu.memref_slice %arg8[%arg0, %add3A_224, %dma_start3A_255] : memref<2x10000x128xf32, #tpu.memory_space<hbm>> -> memref<1x48x128xf32, #tpu.memory_space<hbm>>
      %dma_start3A_257 = tpu.memref_squeeze %dma_start3A_256 : memref<1x48x128xf32, #tpu.memory_space<hbm>> -> memref<48x128xf32, #tpu.memory_space<hbm>>
      %dma_start3A_258 = arith.constant 0 : i32
      %dma_start3A_259 = tpu.memref_slice %arg8[%arg0, %add3A_224, %dma_start3A_258] : memref<2x10000x128xf32, #tpu.memory_space<hbm>> -> memref<1x48x128xf32, #tpu.memory_space<hbm>>
      %dma_start3A_260 = tpu.memref_squeeze %dma_start3A_259 : memref<1x48x128xf32, #tpu.memory_space<hbm>> -> memref<48x128xf32, #tpu.memory_space<hbm>>
      tpu.enqueue_dma source(%arg17 : memref<48x128xf32, #tpu.memory_space<vmem>>) target(%dma_start3A_260 : memref<48x128xf32, #tpu.memory_space<hbm>>) target_semaphore(%run_scoped3A : memref<!tpu.dma_semaphore, #tpu.memory_space<semaphore_mem>>)
      %dma_wait3A_261 = arith.constant 0 : i32
      %dma_wait3A_262 = tpu.memref_slice %arg8[%arg0, %add3A_224, %dma_wait3A_261] : memref<2x10000x128xf32, #tpu.memory_space<hbm>> -> memref<1x48x128xf32, #tpu.memory_space<hbm>>
      %dma_wait3A_263 = tpu.memref_squeeze %dma_wait3A_262 : memref<1x48x128xf32, #tpu.memory_space<hbm>> -> memref<48x128xf32, #tpu.memory_space<hbm>>
      %dma_wait3A_264 = arith.constant 0 : i32
      %dma_wait3A_265 = tpu.memref_slice %arg8[%arg0, %add3A_224, %dma_wait3A_264] : memref<2x10000x128xf32, #tpu.memory_space<hbm>> -> memref<1x48x128xf32, #tpu.memory_space<hbm>>
      %dma_wait3A_266 = tpu.memref_squeeze %dma_wait3A_265 : memref<1x48x128xf32, #tpu.memory_space<hbm>> -> memref<48x128xf32, #tpu.memory_space<hbm>>
      tpu.wait_dma2 semaphore(%run_scoped3A : memref<!tpu.dma_semaphore, #tpu.memory_space<semaphore_mem>>) src(%arg17 : memref<48x128xf32, #tpu.memory_space<vmem>>) dst(%dma_wait3A_266 : memref<48x128xf32, #tpu.memory_space<hbm>>)
      tpu.yield
    }) : () -> ()
    %add3A_225 = arith.constant 144 : i32
    %add3A_226 = arith.addi %mul3A_0, %add3A_225 : i32
    "tpu.region"() ({
      %run_scoped3A = tpu.sem_alloc : memref<!tpu.dma_semaphore, #tpu.memory_space<semaphore_mem>>
      %dma_start3A_255 = arith.constant 0 : i32
      %dma_start3A_256 = tpu.memref_slice %arg26[%add3A_226, %dma_start3A_255] : memref<10000x128xf32, #tpu.memory_space<vmem_shared>> -> memref<48x128xf32, #tpu.memory_space<vmem_shared>>
      %dma_start3A_257 = arith.constant 0 : i32
      %dma_start3A_258 = tpu.memref_slice %arg26[%add3A_226, %dma_start3A_257] : memref<10000x128xf32, #tpu.memory_space<vmem_shared>> -> memref<48x128xf32, #tpu.memory_space<vmem_shared>>
      tpu.enqueue_dma source(%dma_start3A_258 : memref<48x128xf32, #tpu.memory_space<vmem_shared>>) target(%arg17 : memref<48x128xf32, #tpu.memory_space<vmem>>) target_semaphore(%run_scoped3A : memref<!tpu.dma_semaphore, #tpu.memory_space<semaphore_mem>>)
      %dma_wait3A_259 = arith.constant 0 : i32
      %dma_wait3A_260 = tpu.memref_slice %arg26[%add3A_226, %dma_wait3A_259] : memref<10000x128xf32, #tpu.memory_space<vmem_shared>> -> memref<48x128xf32, #tpu.memory_space<vmem_shared>>
      %dma_wait3A_261 = arith.constant 0 : i32
      %dma_wait3A_262 = tpu.memref_slice %arg26[%add3A_226, %dma_wait3A_261] : memref<10000x128xf32, #tpu.memory_space<vmem_shared>> -> memref<48x128xf32, #tpu.memory_space<vmem_shared>>
      tpu.wait_dma2 semaphore(%run_scoped3A : memref<!tpu.dma_semaphore, #tpu.memory_space<semaphore_mem>>) src(%dma_wait3A_262 : memref<48x128xf32, #tpu.memory_space<vmem_shared>>) dst(%arg17 : memref<48x128xf32, #tpu.memory_space<vmem>>)
      tpu.yield
    }) : () -> ()
    "tpu.region"() ({
      %run_scoped3A = tpu.sem_alloc : memref<!tpu.dma_semaphore, #tpu.memory_space<semaphore_mem>>
      %dma_start3A_255 = arith.constant 0 : i32
      %dma_start3A_256 = tpu.memref_slice %arg8[%arg0, %add3A_226, %dma_start3A_255] : memref<2x10000x128xf32, #tpu.memory_space<hbm>> -> memref<1x48x128xf32, #tpu.memory_space<hbm>>
      %dma_start3A_257 = tpu.memref_squeeze %dma_start3A_256 : memref<1x48x128xf32, #tpu.memory_space<hbm>> -> memref<48x128xf32, #tpu.memory_space<hbm>>
      %dma_start3A_258 = arith.constant 0 : i32
      %dma_start3A_259 = tpu.memref_slice %arg8[%arg0, %add3A_226, %dma_start3A_258] : memref<2x10000x128xf32, #tpu.memory_space<hbm>> -> memref<1x48x128xf32, #tpu.memory_space<hbm>>
      %dma_start3A_260 = tpu.memref_squeeze %dma_start3A_259 : memref<1x48x128xf32, #tpu.memory_space<hbm>> -> memref<48x128xf32, #tpu.memory_space<hbm>>
      tpu.enqueue_dma source(%arg17 : memref<48x128xf32, #tpu.memory_space<vmem>>) target(%dma_start3A_260 : memref<48x128xf32, #tpu.memory_space<hbm>>) target_semaphore(%run_scoped3A : memref<!tpu.dma_semaphore, #tpu.memory_space<semaphore_mem>>)
      %dma_wait3A_261 = arith.constant 0 : i32
      %dma_wait3A_262 = tpu.memref_slice %arg8[%arg0, %add3A_226, %dma_wait3A_261] : memref<2x10000x128xf32, #tpu.memory_space<hbm>> -> memref<1x48x128xf32, #tpu.memory_space<hbm>>
      %dma_wait3A_263 = tpu.memref_squeeze %dma_wait3A_262 : memref<1x48x128xf32, #tpu.memory_space<hbm>> -> memref<48x128xf32, #tpu.memory_space<hbm>>
      %dma_wait3A_264 = arith.constant 0 : i32
      %dma_wait3A_265 = tpu.memref_slice %arg8[%arg0, %add3A_226, %dma_wait3A_264] : memref<2x10000x128xf32, #tpu.memory_space<hbm>> -> memref<1x48x128xf32, #tpu.memory_space<hbm>>
      %dma_wait3A_266 = tpu.memref_squeeze %dma_wait3A_265 : memref<1x48x128xf32, #tpu.memory_space<hbm>> -> memref<48x128xf32, #tpu.memory_space<hbm>>
      tpu.wait_dma2 semaphore(%run_scoped3A : memref<!tpu.dma_semaphore, #tpu.memory_space<semaphore_mem>>) src(%arg17 : memref<48x128xf32, #tpu.memory_space<vmem>>) dst(%dma_wait3A_266 : memref<48x128xf32, #tpu.memory_space<hbm>>)
      tpu.yield
    }) : () -> ()
    %add3A_227 = arith.constant 192 : i32
    %add3A_228 = arith.addi %mul3A_0, %add3A_227 : i32
    "tpu.region"() ({
      %run_scoped3A = tpu.sem_alloc : memref<!tpu.dma_semaphore, #tpu.memory_space<semaphore_mem>>
      %dma_start3A_255 = arith.constant 0 : i32
      %dma_start3A_256 = tpu.memref_slice %arg26[%add3A_228, %dma_start3A_255] : memref<10000x128xf32, #tpu.memory_space<vmem_shared>> -> memref<48x128xf32, #tpu.memory_space<vmem_shared>>
      %dma_start3A_257 = arith.constant 0 : i32
      %dma_start3A_258 = tpu.memref_slice %arg26[%add3A_228, %dma_start3A_257] : memref<10000x128xf32, #tpu.memory_space<vmem_shared>> -> memref<48x128xf32, #tpu.memory_space<vmem_shared>>
      tpu.enqueue_dma source(%dma_start3A_258 : memref<48x128xf32, #tpu.memory_space<vmem_shared>>) target(%arg17 : memref<48x128xf32, #tpu.memory_space<vmem>>) target_semaphore(%run_scoped3A : memref<!tpu.dma_semaphore, #tpu.memory_space<semaphore_mem>>)
      %dma_wait3A_259 = arith.constant 0 : i32
      %dma_wait3A_260 = tpu.memref_slice %arg26[%add3A_228, %dma_wait3A_259] : memref<10000x128xf32, #tpu.memory_space<vmem_shared>> -> memref<48x128xf32, #tpu.memory_space<vmem_shared>>
      %dma_wait3A_261 = arith.constant 0 : i32
      %dma_wait3A_262 = tpu.memref_slice %arg26[%add3A_228, %dma_wait3A_261] : memref<10000x128xf32, #tpu.memory_space<vmem_shared>> -> memref<48x128xf32, #tpu.memory_space<vmem_shared>>
      tpu.wait_dma2 semaphore(%run_scoped3A : memref<!tpu.dma_semaphore, #tpu.memory_space<semaphore_mem>>) src(%dma_wait3A_262 : memref<48x128xf32, #tpu.memory_space<vmem_shared>>) dst(%arg17 : memref<48x128xf32, #tpu.memory_space<vmem>>)
      tpu.yield
    }) : () -> ()
    "tpu.region"() ({
      %run_scoped3A = tpu.sem_alloc : memref<!tpu.dma_semaphore, #tpu.memory_space<semaphore_mem>>
      %dma_start3A_255 = arith.constant 0 : i32
      %dma_start3A_256 = tpu.memref_slice %arg8[%arg0, %add3A_228, %dma_start3A_255] : memref<2x10000x128xf32, #tpu.memory_space<hbm>> -> memref<1x48x128xf32, #tpu.memory_space<hbm>>
      %dma_start3A_257 = tpu.memref_squeeze %dma_start3A_256 : memref<1x48x128xf32, #tpu.memory_space<hbm>> -> memref<48x128xf32, #tpu.memory_space<hbm>>
      %dma_start3A_258 = arith.constant 0 : i32
      %dma_start3A_259 = tpu.memref_slice %arg8[%arg0, %add3A_228, %dma_start3A_258] : memref<2x10000x128xf32, #tpu.memory_space<hbm>> -> memref<1x48x128xf32, #tpu.memory_space<hbm>>
      %dma_start3A_260 = tpu.memref_squeeze %dma_start3A_259 : memref<1x48x128xf32, #tpu.memory_space<hbm>> -> memref<48x128xf32, #tpu.memory_space<hbm>>
      tpu.enqueue_dma source(%arg17 : memref<48x128xf32, #tpu.memory_space<vmem>>) target(%dma_start3A_260 : memref<48x128xf32, #tpu.memory_space<hbm>>) target_semaphore(%run_scoped3A : memref<!tpu.dma_semaphore, #tpu.memory_space<semaphore_mem>>)
      %dma_wait3A_261 = arith.constant 0 : i32
      %dma_wait3A_262 = tpu.memref_slice %arg8[%arg0, %add3A_228, %dma_wait3A_261] : memref<2x10000x128xf32, #tpu.memory_space<hbm>> -> memref<1x48x128xf32, #tpu.memory_space<hbm>>
      %dma_wait3A_263 = tpu.memref_squeeze %dma_wait3A_262 : memref<1x48x128xf32, #tpu.memory_space<hbm>> -> memref<48x128xf32, #tpu.memory_space<hbm>>
      %dma_wait3A_264 = arith.constant 0 : i32
      %dma_wait3A_265 = tpu.memref_slice %arg8[%arg0, %add3A_228, %dma_wait3A_264] : memref<2x10000x128xf32, #tpu.memory_space<hbm>> -> memref<1x48x128xf32, #tpu.memory_space<hbm>>
      %dma_wait3A_266 = tpu.memref_squeeze %dma_wait3A_265 : memref<1x48x128xf32, #tpu.memory_space<hbm>> -> memref<48x128xf32, #tpu.memory_space<hbm>>
      tpu.wait_dma2 semaphore(%run_scoped3A : memref<!tpu.dma_semaphore, #tpu.memory_space<semaphore_mem>>) src(%arg17 : memref<48x128xf32, #tpu.memory_space<vmem>>) dst(%dma_wait3A_266 : memref<48x128xf32, #tpu.memory_space<hbm>>)
      tpu.yield
    }) : () -> ()
    %add3A_229 = arith.constant 240 : i32
    %add3A_230 = arith.addi %mul3A_0, %add3A_229 : i32
    "tpu.region"() ({
      %run_scoped3A = tpu.sem_alloc : memref<!tpu.dma_semaphore, #tpu.memory_space<semaphore_mem>>
      %dma_start3A_255 = arith.constant 0 : i32
      %dma_start3A_256 = tpu.memref_slice %arg26[%add3A_230, %dma_start3A_255] : memref<10000x128xf32, #tpu.memory_space<vmem_shared>> -> memref<48x128xf32, #tpu.memory_space<vmem_shared>>
      %dma_start3A_257 = arith.constant 0 : i32
      %dma_start3A_258 = tpu.memref_slice %arg26[%add3A_230, %dma_start3A_257] : memref<10000x128xf32, #tpu.memory_space<vmem_shared>> -> memref<48x128xf32, #tpu.memory_space<vmem_shared>>
      tpu.enqueue_dma source(%dma_start3A_258 : memref<48x128xf32, #tpu.memory_space<vmem_shared>>) target(%arg17 : memref<48x128xf32, #tpu.memory_space<vmem>>) target_semaphore(%run_scoped3A : memref<!tpu.dma_semaphore, #tpu.memory_space<semaphore_mem>>)
      %dma_wait3A_259 = arith.constant 0 : i32
      %dma_wait3A_260 = tpu.memref_slice %arg26[%add3A_230, %dma_wait3A_259] : memref<10000x128xf32, #tpu.memory_space<vmem_shared>> -> memref<48x128xf32, #tpu.memory_space<vmem_shared>>
      %dma_wait3A_261 = arith.constant 0 : i32
      %dma_wait3A_262 = tpu.memref_slice %arg26[%add3A_230, %dma_wait3A_261] : memref<10000x128xf32, #tpu.memory_space<vmem_shared>> -> memref<48x128xf32, #tpu.memory_space<vmem_shared>>
      tpu.wait_dma2 semaphore(%run_scoped3A : memref<!tpu.dma_semaphore, #tpu.memory_space<semaphore_mem>>) src(%dma_wait3A_262 : memref<48x128xf32, #tpu.memory_space<vmem_shared>>) dst(%arg17 : memref<48x128xf32, #tpu.memory_space<vmem>>)
      tpu.yield
    }) : () -> ()
    "tpu.region"() ({
      %run_scoped3A = tpu.sem_alloc : memref<!tpu.dma_semaphore, #tpu.memory_space<semaphore_mem>>
      %dma_start3A_255 = arith.constant 0 : i32
      %dma_start3A_256 = tpu.memref_slice %arg8[%arg0, %add3A_230, %dma_start3A_255] : memref<2x10000x128xf32, #tpu.memory_space<hbm>> -> memref<1x48x128xf32, #tpu.memory_space<hbm>>
      %dma_start3A_257 = tpu.memref_squeeze %dma_start3A_256 : memref<1x48x128xf32, #tpu.memory_space<hbm>> -> memref<48x128xf32, #tpu.memory_space<hbm>>
      %dma_start3A_258 = arith.constant 0 : i32
      %dma_start3A_259 = tpu.memref_slice %arg8[%arg0, %add3A_230, %dma_start3A_258] : memref<2x10000x128xf32, #tpu.memory_space<hbm>> -> memref<1x48x128xf32, #tpu.memory_space<hbm>>
      %dma_start3A_260 = tpu.memref_squeeze %dma_start3A_259 : memref<1x48x128xf32, #tpu.memory_space<hbm>> -> memref<48x128xf32, #tpu.memory_space<hbm>>
      tpu.enqueue_dma source(%arg17 : memref<48x128xf32, #tpu.memory_space<vmem>>) target(%dma_start3A_260 : memref<48x128xf32, #tpu.memory_space<hbm>>) target_semaphore(%run_scoped3A : memref<!tpu.dma_semaphore, #tpu.memory_space<semaphore_mem>>)
      %dma_wait3A_261 = arith.constant 0 : i32
      %dma_wait3A_262 = tpu.memref_slice %arg8[%arg0, %add3A_230, %dma_wait3A_261] : memref<2x10000x128xf32, #tpu.memory_space<hbm>> -> memref<1x48x128xf32, #tpu.memory_space<hbm>>
      %dma_wait3A_263 = tpu.memref_squeeze %dma_wait3A_262 : memref<1x48x128xf32, #tpu.memory_space<hbm>> -> memref<48x128xf32, #tpu.memory_space<hbm>>
      %dma_wait3A_264 = arith.constant 0 : i32
      %dma_wait3A_265 = tpu.memref_slice %arg8[%arg0, %add3A_230, %dma_wait3A_264] : memref<2x10000x128xf32, #tpu.memory_space<hbm>> -> memref<1x48x128xf32, #tpu.memory_space<hbm>>
      %dma_wait3A_266 = tpu.memref_squeeze %dma_wait3A_265 : memref<1x48x128xf32, #tpu.memory_space<hbm>> -> memref<48x128xf32, #tpu.memory_space<hbm>>
      tpu.wait_dma2 semaphore(%run_scoped3A : memref<!tpu.dma_semaphore, #tpu.memory_space<semaphore_mem>>) src(%arg17 : memref<48x128xf32, #tpu.memory_space<vmem>>) dst(%dma_wait3A_266 : memref<48x128xf32, #tpu.memory_space<hbm>>)
      tpu.yield
    }) : () -> ()
    %add3A_231 = arith.constant 288 : i32
    %add3A_232 = arith.addi %mul3A_0, %add3A_231 : i32
    "tpu.region"() ({
      %run_scoped3A = tpu.sem_alloc : memref<!tpu.dma_semaphore, #tpu.memory_space<semaphore_mem>>
      %dma_start3A_255 = arith.constant 0 : i32
      %dma_start3A_256 = tpu.memref_slice %arg26[%add3A_232, %dma_start3A_255] : memref<10000x128xf32, #tpu.memory_space<vmem_shared>> -> memref<48x128xf32, #tpu.memory_space<vmem_shared>>
      %dma_start3A_257 = arith.constant 0 : i32
      %dma_start3A_258 = tpu.memref_slice %arg26[%add3A_232, %dma_start3A_257] : memref<10000x128xf32, #tpu.memory_space<vmem_shared>> -> memref<48x128xf32, #tpu.memory_space<vmem_shared>>
      tpu.enqueue_dma source(%dma_start3A_258 : memref<48x128xf32, #tpu.memory_space<vmem_shared>>) target(%arg17 : memref<48x128xf32, #tpu.memory_space<vmem>>) target_semaphore(%run_scoped3A : memref<!tpu.dma_semaphore, #tpu.memory_space<semaphore_mem>>)
      %dma_wait3A_259 = arith.constant 0 : i32
      %dma_wait3A_260 = tpu.memref_slice %arg26[%add3A_232, %dma_wait3A_259] : memref<10000x128xf32, #tpu.memory_space<vmem_shared>> -> memref<48x128xf32, #tpu.memory_space<vmem_shared>>
      %dma_wait3A_261 = arith.constant 0 : i32
      %dma_wait3A_262 = tpu.memref_slice %arg26[%add3A_232, %dma_wait3A_261] : memref<10000x128xf32, #tpu.memory_space<vmem_shared>> -> memref<48x128xf32, #tpu.memory_space<vmem_shared>>
      tpu.wait_dma2 semaphore(%run_scoped3A : memref<!tpu.dma_semaphore, #tpu.memory_space<semaphore_mem>>) src(%dma_wait3A_262 : memref<48x128xf32, #tpu.memory_space<vmem_shared>>) dst(%arg17 : memref<48x128xf32, #tpu.memory_space<vmem>>)
      tpu.yield
    }) : () -> ()
    "tpu.region"() ({
      %run_scoped3A = tpu.sem_alloc : memref<!tpu.dma_semaphore, #tpu.memory_space<semaphore_mem>>
      %dma_start3A_255 = arith.constant 0 : i32
      %dma_start3A_256 = tpu.memref_slice %arg8[%arg0, %add3A_232, %dma_start3A_255] : memref<2x10000x128xf32, #tpu.memory_space<hbm>> -> memref<1x48x128xf32, #tpu.memory_space<hbm>>
      %dma_start3A_257 = tpu.memref_squeeze %dma_start3A_256 : memref<1x48x128xf32, #tpu.memory_space<hbm>> -> memref<48x128xf32, #tpu.memory_space<hbm>>
      %dma_start3A_258 = arith.constant 0 : i32
      %dma_start3A_259 = tpu.memref_slice %arg8[%arg0, %add3A_232, %dma_start3A_258] : memref<2x10000x128xf32, #tpu.memory_space<hbm>> -> memref<1x48x128xf32, #tpu.memory_space<hbm>>
      %dma_start3A_260 = tpu.memref_squeeze %dma_start3A_259 : memref<1x48x128xf32, #tpu.memory_space<hbm>> -> memref<48x128xf32, #tpu.memory_space<hbm>>
      tpu.enqueue_dma source(%arg17 : memref<48x128xf32, #tpu.memory_space<vmem>>) target(%dma_start3A_260 : memref<48x128xf32, #tpu.memory_space<hbm>>) target_semaphore(%run_scoped3A : memref<!tpu.dma_semaphore, #tpu.memory_space<semaphore_mem>>)
      %dma_wait3A_261 = arith.constant 0 : i32
      %dma_wait3A_262 = tpu.memref_slice %arg8[%arg0, %add3A_232, %dma_wait3A_261] : memref<2x10000x128xf32, #tpu.memory_space<hbm>> -> memref<1x48x128xf32, #tpu.memory_space<hbm>>
      %dma_wait3A_263 = tpu.memref_squeeze %dma_wait3A_262 : memref<1x48x128xf32, #tpu.memory_space<hbm>> -> memref<48x128xf32, #tpu.memory_space<hbm>>
      %dma_wait3A_264 = arith.constant 0 : i32
      %dma_wait3A_265 = tpu.memref_slice %arg8[%arg0, %add3A_232, %dma_wait3A_264] : memref<2x10000x128xf32, #tpu.memory_space<hbm>> -> memref<1x48x128xf32, #tpu.memory_space<hbm>>
      %dma_wait3A_266 = tpu.memref_squeeze %dma_wait3A_265 : memref<1x48x128xf32, #tpu.memory_space<hbm>> -> memref<48x128xf32, #tpu.memory_space<hbm>>
      tpu.wait_dma2 semaphore(%run_scoped3A : memref<!tpu.dma_semaphore, #tpu.memory_space<semaphore_mem>>) src(%arg17 : memref<48x128xf32, #tpu.memory_space<vmem>>) dst(%dma_wait3A_266 : memref<48x128xf32, #tpu.memory_space<hbm>>)
      tpu.yield
    }) : () -> ()
    %add3A_233 = arith.constant 336 : i32
    %add3A_234 = arith.addi %mul3A_0, %add3A_233 : i32
    "tpu.region"() ({
      %run_scoped3A = tpu.sem_alloc : memref<!tpu.dma_semaphore, #tpu.memory_space<semaphore_mem>>
      %dma_start3A_255 = arith.constant 0 : i32
      %dma_start3A_256 = tpu.memref_slice %arg26[%add3A_234, %dma_start3A_255] : memref<10000x128xf32, #tpu.memory_space<vmem_shared>> -> memref<48x128xf32, #tpu.memory_space<vmem_shared>>
      %dma_start3A_257 = arith.constant 0 : i32
      %dma_start3A_258 = tpu.memref_slice %arg26[%add3A_234, %dma_start3A_257] : memref<10000x128xf32, #tpu.memory_space<vmem_shared>> -> memref<48x128xf32, #tpu.memory_space<vmem_shared>>
      tpu.enqueue_dma source(%dma_start3A_258 : memref<48x128xf32, #tpu.memory_space<vmem_shared>>) target(%arg17 : memref<48x128xf32, #tpu.memory_space<vmem>>) target_semaphore(%run_scoped3A : memref<!tpu.dma_semaphore, #tpu.memory_space<semaphore_mem>>)
      %dma_wait3A_259 = arith.constant 0 : i32
      %dma_wait3A_260 = tpu.memref_slice %arg26[%add3A_234, %dma_wait3A_259] : memref<10000x128xf32, #tpu.memory_space<vmem_shared>> -> memref<48x128xf32, #tpu.memory_space<vmem_shared>>
      %dma_wait3A_261 = arith.constant 0 : i32
      %dma_wait3A_262 = tpu.memref_slice %arg26[%add3A_234, %dma_wait3A_261] : memref<10000x128xf32, #tpu.memory_space<vmem_shared>> -> memref<48x128xf32, #tpu.memory_space<vmem_shared>>
      tpu.wait_dma2 semaphore(%run_scoped3A : memref<!tpu.dma_semaphore, #tpu.memory_space<semaphore_mem>>) src(%dma_wait3A_262 : memref<48x128xf32, #tpu.memory_space<vmem_shared>>) dst(%arg17 : memref<48x128xf32, #tpu.memory_space<vmem>>)
      tpu.yield
    }) : () -> ()
    "tpu.region"() ({
      %run_scoped3A = tpu.sem_alloc : memref<!tpu.dma_semaphore, #tpu.memory_space<semaphore_mem>>
      %dma_start3A_255 = arith.constant 0 : i32
      %dma_start3A_256 = tpu.memref_slice %arg8[%arg0, %add3A_234, %dma_start3A_255] : memref<2x10000x128xf32, #tpu.memory_space<hbm>> -> memref<1x48x128xf32, #tpu.memory_space<hbm>>
      %dma_start3A_257 = tpu.memref_squeeze %dma_start3A_256 : memref<1x48x128xf32, #tpu.memory_space<hbm>> -> memref<48x128xf32, #tpu.memory_space<hbm>>
      %dma_start3A_258 = arith.constant 0 : i32
      %dma_start3A_259 = tpu.memref_slice %arg8[%arg0, %add3A_234, %dma_start3A_258] : memref<2x10000x128xf32, #tpu.memory_space<hbm>> -> memref<1x48x128xf32, #tpu.memory_space<hbm>>
      %dma_start3A_260 = tpu.memref_squeeze %dma_start3A_259 : memref<1x48x128xf32, #tpu.memory_space<hbm>> -> memref<48x128xf32, #tpu.memory_space<hbm>>
      tpu.enqueue_dma source(%arg17 : memref<48x128xf32, #tpu.memory_space<vmem>>) target(%dma_start3A_260 : memref<48x128xf32, #tpu.memory_space<hbm>>) target_semaphore(%run_scoped3A : memref<!tpu.dma_semaphore, #tpu.memory_space<semaphore_mem>>)
      %dma_wait3A_261 = arith.constant 0 : i32
      %dma_wait3A_262 = tpu.memref_slice %arg8[%arg0, %add3A_234, %dma_wait3A_261] : memref<2x10000x128xf32, #tpu.memory_space<hbm>> -> memref<1x48x128xf32, #tpu.memory_space<hbm>>
      %dma_wait3A_263 = tpu.memref_squeeze %dma_wait3A_262 : memref<1x48x128xf32, #tpu.memory_space<hbm>> -> memref<48x128xf32, #tpu.memory_space<hbm>>
      %dma_wait3A_264 = arith.constant 0 : i32
      %dma_wait3A_265 = tpu.memref_slice %arg8[%arg0, %add3A_234, %dma_wait3A_264] : memref<2x10000x128xf32, #tpu.memory_space<hbm>> -> memref<1x48x128xf32, #tpu.memory_space<hbm>>
      %dma_wait3A_266 = tpu.memref_squeeze %dma_wait3A_265 : memref<1x48x128xf32, #tpu.memory_space<hbm>> -> memref<48x128xf32, #tpu.memory_space<hbm>>
      tpu.wait_dma2 semaphore(%run_scoped3A : memref<!tpu.dma_semaphore, #tpu.memory_space<semaphore_mem>>) src(%arg17 : memref<48x128xf32, #tpu.memory_space<vmem>>) dst(%dma_wait3A_266 : memref<48x128xf32, #tpu.memory_space<hbm>>)
      tpu.yield
    }) : () -> ()
    %add3A_235 = arith.constant 384 : i32
    %add3A_236 = arith.addi %mul3A_0, %add3A_235 : i32
    "tpu.region"() ({
      %run_scoped3A = tpu.sem_alloc : memref<!tpu.dma_semaphore, #tpu.memory_space<semaphore_mem>>
      %dma_start3A_255 = arith.constant 0 : i32
      %dma_start3A_256 = tpu.memref_slice %arg26[%add3A_236, %dma_start3A_255] : memref<10000x128xf32, #tpu.memory_space<vmem_shared>> -> memref<48x128xf32, #tpu.memory_space<vmem_shared>>
      %dma_start3A_257 = arith.constant 0 : i32
      %dma_start3A_258 = tpu.memref_slice %arg26[%add3A_236, %dma_start3A_257] : memref<10000x128xf32, #tpu.memory_space<vmem_shared>> -> memref<48x128xf32, #tpu.memory_space<vmem_shared>>
      tpu.enqueue_dma source(%dma_start3A_258 : memref<48x128xf32, #tpu.memory_space<vmem_shared>>) target(%arg17 : memref<48x128xf32, #tpu.memory_space<vmem>>) target_semaphore(%run_scoped3A : memref<!tpu.dma_semaphore, #tpu.memory_space<semaphore_mem>>)
      %dma_wait3A_259 = arith.constant 0 : i32
      %dma_wait3A_260 = tpu.memref_slice %arg26[%add3A_236, %dma_wait3A_259] : memref<10000x128xf32, #tpu.memory_space<vmem_shared>> -> memref<48x128xf32, #tpu.memory_space<vmem_shared>>
      %dma_wait3A_261 = arith.constant 0 : i32
      %dma_wait3A_262 = tpu.memref_slice %arg26[%add3A_236, %dma_wait3A_261] : memref<10000x128xf32, #tpu.memory_space<vmem_shared>> -> memref<48x128xf32, #tpu.memory_space<vmem_shared>>
      tpu.wait_dma2 semaphore(%run_scoped3A : memref<!tpu.dma_semaphore, #tpu.memory_space<semaphore_mem>>) src(%dma_wait3A_262 : memref<48x128xf32, #tpu.memory_space<vmem_shared>>) dst(%arg17 : memref<48x128xf32, #tpu.memory_space<vmem>>)
      tpu.yield
    }) : () -> ()
    "tpu.region"() ({
      %run_scoped3A = tpu.sem_alloc : memref<!tpu.dma_semaphore, #tpu.memory_space<semaphore_mem>>
      %dma_start3A_255 = arith.constant 0 : i32
      %dma_start3A_256 = tpu.memref_slice %arg8[%arg0, %add3A_236, %dma_start3A_255] : memref<2x10000x128xf32, #tpu.memory_space<hbm>> -> memref<1x48x128xf32, #tpu.memory_space<hbm>>
      %dma_start3A_257 = tpu.memref_squeeze %dma_start3A_256 : memref<1x48x128xf32, #tpu.memory_space<hbm>> -> memref<48x128xf32, #tpu.memory_space<hbm>>
      %dma_start3A_258 = arith.constant 0 : i32
      %dma_start3A_259 = tpu.memref_slice %arg8[%arg0, %add3A_236, %dma_start3A_258] : memref<2x10000x128xf32, #tpu.memory_space<hbm>> -> memref<1x48x128xf32, #tpu.memory_space<hbm>>
      %dma_start3A_260 = tpu.memref_squeeze %dma_start3A_259 : memref<1x48x128xf32, #tpu.memory_space<hbm>> -> memref<48x128xf32, #tpu.memory_space<hbm>>
      tpu.enqueue_dma source(%arg17 : memref<48x128xf32, #tpu.memory_space<vmem>>) target(%dma_start3A_260 : memref<48x128xf32, #tpu.memory_space<hbm>>) target_semaphore(%run_scoped3A : memref<!tpu.dma_semaphore, #tpu.memory_space<semaphore_mem>>)
      %dma_wait3A_261 = arith.constant 0 : i32
      %dma_wait3A_262 = tpu.memref_slice %arg8[%arg0, %add3A_236, %dma_wait3A_261] : memref<2x10000x128xf32, #tpu.memory_space<hbm>> -> memref<1x48x128xf32, #tpu.memory_space<hbm>>
      %dma_wait3A_263 = tpu.memref_squeeze %dma_wait3A_262 : memref<1x48x128xf32, #tpu.memory_space<hbm>> -> memref<48x128xf32, #tpu.memory_space<hbm>>
      %dma_wait3A_264 = arith.constant 0 : i32
      %dma_wait3A_265 = tpu.memref_slice %arg8[%arg0, %add3A_236, %dma_wait3A_264] : memref<2x10000x128xf32, #tpu.memory_space<hbm>> -> memref<1x48x128xf32, #tpu.memory_space<hbm>>
      %dma_wait3A_266 = tpu.memref_squeeze %dma_wait3A_265 : memref<1x48x128xf32, #tpu.memory_space<hbm>> -> memref<48x128xf32, #tpu.memory_space<hbm>>
      tpu.wait_dma2 semaphore(%run_scoped3A : memref<!tpu.dma_semaphore, #tpu.memory_space<semaphore_mem>>) src(%arg17 : memref<48x128xf32, #tpu.memory_space<vmem>>) dst(%dma_wait3A_266 : memref<48x128xf32, #tpu.memory_space<hbm>>)
      tpu.yield
    }) : () -> ()
    %add3A_237 = arith.constant 432 : i32
    %add3A_238 = arith.addi %mul3A_0, %add3A_237 : i32
    "tpu.region"() ({
      %run_scoped3A = tpu.sem_alloc : memref<!tpu.dma_semaphore, #tpu.memory_space<semaphore_mem>>
      %dma_start3A_255 = arith.constant 0 : i32
      %dma_start3A_256 = tpu.memref_slice %arg26[%add3A_238, %dma_start3A_255] : memref<10000x128xf32, #tpu.memory_space<vmem_shared>> -> memref<48x128xf32, #tpu.memory_space<vmem_shared>>
      %dma_start3A_257 = arith.constant 0 : i32
      %dma_start3A_258 = tpu.memref_slice %arg26[%add3A_238, %dma_start3A_257] : memref<10000x128xf32, #tpu.memory_space<vmem_shared>> -> memref<48x128xf32, #tpu.memory_space<vmem_shared>>
      tpu.enqueue_dma source(%dma_start3A_258 : memref<48x128xf32, #tpu.memory_space<vmem_shared>>) target(%arg17 : memref<48x128xf32, #tpu.memory_space<vmem>>) target_semaphore(%run_scoped3A : memref<!tpu.dma_semaphore, #tpu.memory_space<semaphore_mem>>)
      %dma_wait3A_259 = arith.constant 0 : i32
      %dma_wait3A_260 = tpu.memref_slice %arg26[%add3A_238, %dma_wait3A_259] : memref<10000x128xf32, #tpu.memory_space<vmem_shared>> -> memref<48x128xf32, #tpu.memory_space<vmem_shared>>
      %dma_wait3A_261 = arith.constant 0 : i32
      %dma_wait3A_262 = tpu.memref_slice %arg26[%add3A_238, %dma_wait3A_261] : memref<10000x128xf32, #tpu.memory_space<vmem_shared>> -> memref<48x128xf32, #tpu.memory_space<vmem_shared>>
      tpu.wait_dma2 semaphore(%run_scoped3A : memref<!tpu.dma_semaphore, #tpu.memory_space<semaphore_mem>>) src(%dma_wait3A_262 : memref<48x128xf32, #tpu.memory_space<vmem_shared>>) dst(%arg17 : memref<48x128xf32, #tpu.memory_space<vmem>>)
      tpu.yield
    }) : () -> ()
    "tpu.region"() ({
      %run_scoped3A = tpu.sem_alloc : memref<!tpu.dma_semaphore, #tpu.memory_space<semaphore_mem>>
      %dma_start3A_255 = arith.constant 0 : i32
      %dma_start3A_256 = tpu.memref_slice %arg8[%arg0, %add3A_238, %dma_start3A_255] : memref<2x10000x128xf32, #tpu.memory_space<hbm>> -> memref<1x48x128xf32, #tpu.memory_space<hbm>>
      %dma_start3A_257 = tpu.memref_squeeze %dma_start3A_256 : memref<1x48x128xf32, #tpu.memory_space<hbm>> -> memref<48x128xf32, #tpu.memory_space<hbm>>
      %dma_start3A_258 = arith.constant 0 : i32
      %dma_start3A_259 = tpu.memref_slice %arg8[%arg0, %add3A_238, %dma_start3A_258] : memref<2x10000x128xf32, #tpu.memory_space<hbm>> -> memref<1x48x128xf32, #tpu.memory_space<hbm>>
      %dma_start3A_260 = tpu.memref_squeeze %dma_start3A_259 : memref<1x48x128xf32, #tpu.memory_space<hbm>> -> memref<48x128xf32, #tpu.memory_space<hbm>>
      tpu.enqueue_dma source(%arg17 : memref<48x128xf32, #tpu.memory_space<vmem>>) target(%dma_start3A_260 : memref<48x128xf32, #tpu.memory_space<hbm>>) target_semaphore(%run_scoped3A : memref<!tpu.dma_semaphore, #tpu.memory_space<semaphore_mem>>)
      %dma_wait3A_261 = arith.constant 0 : i32
      %dma_wait3A_262 = tpu.memref_slice %arg8[%arg0, %add3A_238, %dma_wait3A_261] : memref<2x10000x128xf32, #tpu.memory_space<hbm>> -> memref<1x48x128xf32, #tpu.memory_space<hbm>>
      %dma_wait3A_263 = tpu.memref_squeeze %dma_wait3A_262 : memref<1x48x128xf32, #tpu.memory_space<hbm>> -> memref<48x128xf32, #tpu.memory_space<hbm>>
      %dma_wait3A_264 = arith.constant 0 : i32
      %dma_wait3A_265 = tpu.memref_slice %arg8[%arg0, %add3A_238, %dma_wait3A_264] : memref<2x10000x128xf32, #tpu.memory_space<hbm>> -> memref<1x48x128xf32, #tpu.memory_space<hbm>>
      %dma_wait3A_266 = tpu.memref_squeeze %dma_wait3A_265 : memref<1x48x128xf32, #tpu.memory_space<hbm>> -> memref<48x128xf32, #tpu.memory_space<hbm>>
      tpu.wait_dma2 semaphore(%run_scoped3A : memref<!tpu.dma_semaphore, #tpu.memory_space<semaphore_mem>>) src(%arg17 : memref<48x128xf32, #tpu.memory_space<vmem>>) dst(%dma_wait3A_266 : memref<48x128xf32, #tpu.memory_space<hbm>>)
      tpu.yield
    }) : () -> ()
    %add3A_239 = arith.constant 480 : i32
    %add3A_240 = arith.addi %mul3A_0, %add3A_239 : i32
    "tpu.region"() ({
      %run_scoped3A = tpu.sem_alloc : memref<!tpu.dma_semaphore, #tpu.memory_space<semaphore_mem>>
      %dma_start3A_255 = arith.constant 0 : i32
      %dma_start3A_256 = tpu.memref_slice %arg26[%add3A_240, %dma_start3A_255] : memref<10000x128xf32, #tpu.memory_space<vmem_shared>> -> memref<48x128xf32, #tpu.memory_space<vmem_shared>>
      %dma_start3A_257 = arith.constant 0 : i32
      %dma_start3A_258 = tpu.memref_slice %arg26[%add3A_240, %dma_start3A_257] : memref<10000x128xf32, #tpu.memory_space<vmem_shared>> -> memref<48x128xf32, #tpu.memory_space<vmem_shared>>
      tpu.enqueue_dma source(%dma_start3A_258 : memref<48x128xf32, #tpu.memory_space<vmem_shared>>) target(%arg17 : memref<48x128xf32, #tpu.memory_space<vmem>>) target_semaphore(%run_scoped3A : memref<!tpu.dma_semaphore, #tpu.memory_space<semaphore_mem>>)
      %dma_wait3A_259 = arith.constant 0 : i32
      %dma_wait3A_260 = tpu.memref_slice %arg26[%add3A_240, %dma_wait3A_259] : memref<10000x128xf32, #tpu.memory_space<vmem_shared>> -> memref<48x128xf32, #tpu.memory_space<vmem_shared>>
      %dma_wait3A_261 = arith.constant 0 : i32
      %dma_wait3A_262 = tpu.memref_slice %arg26[%add3A_240, %dma_wait3A_261] : memref<10000x128xf32, #tpu.memory_space<vmem_shared>> -> memref<48x128xf32, #tpu.memory_space<vmem_shared>>
      tpu.wait_dma2 semaphore(%run_scoped3A : memref<!tpu.dma_semaphore, #tpu.memory_space<semaphore_mem>>) src(%dma_wait3A_262 : memref<48x128xf32, #tpu.memory_space<vmem_shared>>) dst(%arg17 : memref<48x128xf32, #tpu.memory_space<vmem>>)
      tpu.yield
    }) : () -> ()
    "tpu.region"() ({
      %run_scoped3A = tpu.sem_alloc : memref<!tpu.dma_semaphore, #tpu.memory_space<semaphore_mem>>
      %dma_start3A_255 = arith.constant 0 : i32
      %dma_start3A_256 = tpu.memref_slice %arg8[%arg0, %add3A_240, %dma_start3A_255] : memref<2x10000x128xf32, #tpu.memory_space<hbm>> -> memref<1x48x128xf32, #tpu.memory_space<hbm>>
      %dma_start3A_257 = tpu.memref_squeeze %dma_start3A_256 : memref<1x48x128xf32, #tpu.memory_space<hbm>> -> memref<48x128xf32, #tpu.memory_space<hbm>>
      %dma_start3A_258 = arith.constant 0 : i32
      %dma_start3A_259 = tpu.memref_slice %arg8[%arg0, %add3A_240, %dma_start3A_258] : memref<2x10000x128xf32, #tpu.memory_space<hbm>> -> memref<1x48x128xf32, #tpu.memory_space<hbm>>
      %dma_start3A_260 = tpu.memref_squeeze %dma_start3A_259 : memref<1x48x128xf32, #tpu.memory_space<hbm>> -> memref<48x128xf32, #tpu.memory_space<hbm>>
      tpu.enqueue_dma source(%arg17 : memref<48x128xf32, #tpu.memory_space<vmem>>) target(%dma_start3A_260 : memref<48x128xf32, #tpu.memory_space<hbm>>) target_semaphore(%run_scoped3A : memref<!tpu.dma_semaphore, #tpu.memory_space<semaphore_mem>>)
      %dma_wait3A_261 = arith.constant 0 : i32
      %dma_wait3A_262 = tpu.memref_slice %arg8[%arg0, %add3A_240, %dma_wait3A_261] : memref<2x10000x128xf32, #tpu.memory_space<hbm>> -> memref<1x48x128xf32, #tpu.memory_space<hbm>>
      %dma_wait3A_263 = tpu.memref_squeeze %dma_wait3A_262 : memref<1x48x128xf32, #tpu.memory_space<hbm>> -> memref<48x128xf32, #tpu.memory_space<hbm>>
      %dma_wait3A_264 = arith.constant 0 : i32
      %dma_wait3A_265 = tpu.memref_slice %arg8[%arg0, %add3A_240, %dma_wait3A_264] : memref<2x10000x128xf32, #tpu.memory_space<hbm>> -> memref<1x48x128xf32, #tpu.memory_space<hbm>>
      %dma_wait3A_266 = tpu.memref_squeeze %dma_wait3A_265 : memref<1x48x128xf32, #tpu.memory_space<hbm>> -> memref<48x128xf32, #tpu.memory_space<hbm>>
      tpu.wait_dma2 semaphore(%run_scoped3A : memref<!tpu.dma_semaphore, #tpu.memory_space<semaphore_mem>>) src(%arg17 : memref<48x128xf32, #tpu.memory_space<vmem>>) dst(%dma_wait3A_266 : memref<48x128xf32, #tpu.memory_space<hbm>>)
      tpu.yield
    }) : () -> ()
    %add3A_241 = arith.constant 528 : i32
    %add3A_242 = arith.addi %mul3A_0, %add3A_241 : i32
    "tpu.region"() ({
      %run_scoped3A = tpu.sem_alloc : memref<!tpu.dma_semaphore, #tpu.memory_space<semaphore_mem>>
      %dma_start3A_255 = arith.constant 0 : i32
      %dma_start3A_256 = tpu.memref_slice %arg26[%add3A_242, %dma_start3A_255] : memref<10000x128xf32, #tpu.memory_space<vmem_shared>> -> memref<48x128xf32, #tpu.memory_space<vmem_shared>>
      %dma_start3A_257 = arith.constant 0 : i32
      %dma_start3A_258 = tpu.memref_slice %arg26[%add3A_242, %dma_start3A_257] : memref<10000x128xf32, #tpu.memory_space<vmem_shared>> -> memref<48x128xf32, #tpu.memory_space<vmem_shared>>
      tpu.enqueue_dma source(%dma_start3A_258 : memref<48x128xf32, #tpu.memory_space<vmem_shared>>) target(%arg17 : memref<48x128xf32, #tpu.memory_space<vmem>>) target_semaphore(%run_scoped3A : memref<!tpu.dma_semaphore, #tpu.memory_space<semaphore_mem>>)
      %dma_wait3A_259 = arith.constant 0 : i32
      %dma_wait3A_260 = tpu.memref_slice %arg26[%add3A_242, %dma_wait3A_259] : memref<10000x128xf32, #tpu.memory_space<vmem_shared>> -> memref<48x128xf32, #tpu.memory_space<vmem_shared>>
      %dma_wait3A_261 = arith.constant 0 : i32
      %dma_wait3A_262 = tpu.memref_slice %arg26[%add3A_242, %dma_wait3A_261] : memref<10000x128xf32, #tpu.memory_space<vmem_shared>> -> memref<48x128xf32, #tpu.memory_space<vmem_shared>>
      tpu.wait_dma2 semaphore(%run_scoped3A : memref<!tpu.dma_semaphore, #tpu.memory_space<semaphore_mem>>) src(%dma_wait3A_262 : memref<48x128xf32, #tpu.memory_space<vmem_shared>>) dst(%arg17 : memref<48x128xf32, #tpu.memory_space<vmem>>)
      tpu.yield
    }) : () -> ()
    "tpu.region"() ({
      %run_scoped3A = tpu.sem_alloc : memref<!tpu.dma_semaphore, #tpu.memory_space<semaphore_mem>>
      %dma_start3A_255 = arith.constant 0 : i32
      %dma_start3A_256 = tpu.memref_slice %arg8[%arg0, %add3A_242, %dma_start3A_255] : memref<2x10000x128xf32, #tpu.memory_space<hbm>> -> memref<1x48x128xf32, #tpu.memory_space<hbm>>
      %dma_start3A_257 = tpu.memref_squeeze %dma_start3A_256 : memref<1x48x128xf32, #tpu.memory_space<hbm>> -> memref<48x128xf32, #tpu.memory_space<hbm>>
      %dma_start3A_258 = arith.constant 0 : i32
      %dma_start3A_259 = tpu.memref_slice %arg8[%arg0, %add3A_242, %dma_start3A_258] : memref<2x10000x128xf32, #tpu.memory_space<hbm>> -> memref<1x48x128xf32, #tpu.memory_space<hbm>>
      %dma_start3A_260 = tpu.memref_squeeze %dma_start3A_259 : memref<1x48x128xf32, #tpu.memory_space<hbm>> -> memref<48x128xf32, #tpu.memory_space<hbm>>
      tpu.enqueue_dma source(%arg17 : memref<48x128xf32, #tpu.memory_space<vmem>>) target(%dma_start3A_260 : memref<48x128xf32, #tpu.memory_space<hbm>>) target_semaphore(%run_scoped3A : memref<!tpu.dma_semaphore, #tpu.memory_space<semaphore_mem>>)
      %dma_wait3A_261 = arith.constant 0 : i32
      %dma_wait3A_262 = tpu.memref_slice %arg8[%arg0, %add3A_242, %dma_wait3A_261] : memref<2x10000x128xf32, #tpu.memory_space<hbm>> -> memref<1x48x128xf32, #tpu.memory_space<hbm>>
      %dma_wait3A_263 = tpu.memref_squeeze %dma_wait3A_262 : memref<1x48x128xf32, #tpu.memory_space<hbm>> -> memref<48x128xf32, #tpu.memory_space<hbm>>
      %dma_wait3A_264 = arith.constant 0 : i32
      %dma_wait3A_265 = tpu.memref_slice %arg8[%arg0, %add3A_242, %dma_wait3A_264] : memref<2x10000x128xf32, #tpu.memory_space<hbm>> -> memref<1x48x128xf32, #tpu.memory_space<hbm>>
      %dma_wait3A_266 = tpu.memref_squeeze %dma_wait3A_265 : memref<1x48x128xf32, #tpu.memory_space<hbm>> -> memref<48x128xf32, #tpu.memory_space<hbm>>
      tpu.wait_dma2 semaphore(%run_scoped3A : memref<!tpu.dma_semaphore, #tpu.memory_space<semaphore_mem>>) src(%arg17 : memref<48x128xf32, #tpu.memory_space<vmem>>) dst(%dma_wait3A_266 : memref<48x128xf32, #tpu.memory_space<hbm>>)
      tpu.yield
    }) : () -> ()
    %add3A_243 = arith.constant 576 : i32
    %add3A_244 = arith.addi %mul3A_0, %add3A_243 : i32
    "tpu.region"() ({
      %run_scoped3A = tpu.sem_alloc : memref<!tpu.dma_semaphore, #tpu.memory_space<semaphore_mem>>
      %dma_start3A_255 = arith.constant 0 : i32
      %dma_start3A_256 = tpu.memref_slice %arg26[%add3A_244, %dma_start3A_255] : memref<10000x128xf32, #tpu.memory_space<vmem_shared>> -> memref<48x128xf32, #tpu.memory_space<vmem_shared>>
      %dma_start3A_257 = arith.constant 0 : i32
      %dma_start3A_258 = tpu.memref_slice %arg26[%add3A_244, %dma_start3A_257] : memref<10000x128xf32, #tpu.memory_space<vmem_shared>> -> memref<48x128xf32, #tpu.memory_space<vmem_shared>>
      tpu.enqueue_dma source(%dma_start3A_258 : memref<48x128xf32, #tpu.memory_space<vmem_shared>>) target(%arg17 : memref<48x128xf32, #tpu.memory_space<vmem>>) target_semaphore(%run_scoped3A : memref<!tpu.dma_semaphore, #tpu.memory_space<semaphore_mem>>)
      %dma_wait3A_259 = arith.constant 0 : i32
      %dma_wait3A_260 = tpu.memref_slice %arg26[%add3A_244, %dma_wait3A_259] : memref<10000x128xf32, #tpu.memory_space<vmem_shared>> -> memref<48x128xf32, #tpu.memory_space<vmem_shared>>
      %dma_wait3A_261 = arith.constant 0 : i32
      %dma_wait3A_262 = tpu.memref_slice %arg26[%add3A_244, %dma_wait3A_261] : memref<10000x128xf32, #tpu.memory_space<vmem_shared>> -> memref<48x128xf32, #tpu.memory_space<vmem_shared>>
      tpu.wait_dma2 semaphore(%run_scoped3A : memref<!tpu.dma_semaphore, #tpu.memory_space<semaphore_mem>>) src(%dma_wait3A_262 : memref<48x128xf32, #tpu.memory_space<vmem_shared>>) dst(%arg17 : memref<48x128xf32, #tpu.memory_space<vmem>>)
      tpu.yield
    }) : () -> ()
    "tpu.region"() ({
      %run_scoped3A = tpu.sem_alloc : memref<!tpu.dma_semaphore, #tpu.memory_space<semaphore_mem>>
      %dma_start3A_255 = arith.constant 0 : i32
      %dma_start3A_256 = tpu.memref_slice %arg8[%arg0, %add3A_244, %dma_start3A_255] : memref<2x10000x128xf32, #tpu.memory_space<hbm>> -> memref<1x48x128xf32, #tpu.memory_space<hbm>>
      %dma_start3A_257 = tpu.memref_squeeze %dma_start3A_256 : memref<1x48x128xf32, #tpu.memory_space<hbm>> -> memref<48x128xf32, #tpu.memory_space<hbm>>
      %dma_start3A_258 = arith.constant 0 : i32
      %dma_start3A_259 = tpu.memref_slice %arg8[%arg0, %add3A_244, %dma_start3A_258] : memref<2x10000x128xf32, #tpu.memory_space<hbm>> -> memref<1x48x128xf32, #tpu.memory_space<hbm>>
      %dma_start3A_260 = tpu.memref_squeeze %dma_start3A_259 : memref<1x48x128xf32, #tpu.memory_space<hbm>> -> memref<48x128xf32, #tpu.memory_space<hbm>>
      tpu.enqueue_dma source(%arg17 : memref<48x128xf32, #tpu.memory_space<vmem>>) target(%dma_start3A_260 : memref<48x128xf32, #tpu.memory_space<hbm>>) target_semaphore(%run_scoped3A : memref<!tpu.dma_semaphore, #tpu.memory_space<semaphore_mem>>)
      %dma_wait3A_261 = arith.constant 0 : i32
      %dma_wait3A_262 = tpu.memref_slice %arg8[%arg0, %add3A_244, %dma_wait3A_261] : memref<2x10000x128xf32, #tpu.memory_space<hbm>> -> memref<1x48x128xf32, #tpu.memory_space<hbm>>
      %dma_wait3A_263 = tpu.memref_squeeze %dma_wait3A_262 : memref<1x48x128xf32, #tpu.memory_space<hbm>> -> memref<48x128xf32, #tpu.memory_space<hbm>>
      %dma_wait3A_264 = arith.constant 0 : i32
      %dma_wait3A_265 = tpu.memref_slice %arg8[%arg0, %add3A_244, %dma_wait3A_264] : memref<2x10000x128xf32, #tpu.memory_space<hbm>> -> memref<1x48x128xf32, #tpu.memory_space<hbm>>
      %dma_wait3A_266 = tpu.memref_squeeze %dma_wait3A_265 : memref<1x48x128xf32, #tpu.memory_space<hbm>> -> memref<48x128xf32, #tpu.memory_space<hbm>>
      tpu.wait_dma2 semaphore(%run_scoped3A : memref<!tpu.dma_semaphore, #tpu.memory_space<semaphore_mem>>) src(%arg17 : memref<48x128xf32, #tpu.memory_space<vmem>>) dst(%dma_wait3A_266 : memref<48x128xf32, #tpu.memory_space<hbm>>)
      tpu.yield
    }) : () -> ()
    %eq3A_245 = arith.constant 0 : i32
    %eq3A_246 = arith.cmpi eq, %arg1, %eq3A_245 : i32
    %convert_element_type3A_247 = arith.extui %eq3A_246 : i1 to i32
    %cond3A_248 = arith.constant 0 : i32
    %cond3A_249 = arith.cmpi ne, %convert_element_type3A_247, %cond3A_248 : i32
    scf.if %cond3A_249 {
      "tpu.region"() ({
        %run_scoped3A = tpu.sem_alloc : memref<!tpu.dma_semaphore, #tpu.memory_space<semaphore_mem>>
        %dma_start3A_255 = arith.constant 0 : i32
        %dma_start3A_256 = arith.constant 0 : i32
        %dma_start3A_257 = tpu.memref_slice %arg18[%dma_start3A_255, %dma_start3A_256] : memref<48x128xf32, #tpu.memory_space<vmem>> -> memref<16x128xf32, #tpu.memory_space<vmem>>
        %dma_start3A_258 = arith.constant 9984 : i32
        %dma_start3A_259 = arith.constant 0 : i32
        %dma_start3A_260 = tpu.memref_slice %arg26[%dma_start3A_258, %dma_start3A_259] : memref<10000x128xf32, #tpu.memory_space<vmem_shared>> -> memref<16x128xf32, #tpu.memory_space<vmem_shared>>
        %dma_start3A_261 = arith.constant 0 : i32
        %dma_start3A_262 = arith.constant 0 : i32
        %dma_start3A_263 = tpu.memref_slice %arg18[%dma_start3A_261, %dma_start3A_262] : memref<48x128xf32, #tpu.memory_space<vmem>> -> memref<16x128xf32, #tpu.memory_space<vmem>>
        %dma_start3A_264 = arith.constant 9984 : i32
        %dma_start3A_265 = arith.constant 0 : i32
        %dma_start3A_266 = tpu.memref_slice %arg26[%dma_start3A_264, %dma_start3A_265] : memref<10000x128xf32, #tpu.memory_space<vmem_shared>> -> memref<16x128xf32, #tpu.memory_space<vmem_shared>>
        tpu.enqueue_dma source(%dma_start3A_266 : memref<16x128xf32, #tpu.memory_space<vmem_shared>>) target(%dma_start3A_263 : memref<16x128xf32, #tpu.memory_space<vmem>>) target_semaphore(%run_scoped3A : memref<!tpu.dma_semaphore, #tpu.memory_space<semaphore_mem>>)
        %dma_wait3A_267 = arith.constant 0 : i32
        %dma_wait3A_268 = arith.constant 0 : i32
        %dma_wait3A_269 = tpu.memref_slice %arg18[%dma_wait3A_267, %dma_wait3A_268] : memref<48x128xf32, #tpu.memory_space<vmem>> -> memref<16x128xf32, #tpu.memory_space<vmem>>
        %dma_wait3A_270 = arith.constant 9984 : i32
        %dma_wait3A_271 = arith.constant 0 : i32
        %dma_wait3A_272 = tpu.memref_slice %arg26[%dma_wait3A_270, %dma_wait3A_271] : memref<10000x128xf32, #tpu.memory_space<vmem_shared>> -> memref<16x128xf32, #tpu.memory_space<vmem_shared>>
        %dma_wait3A_273 = arith.constant 0 : i32
        %dma_wait3A_274 = arith.constant 0 : i32
        %dma_wait3A_275 = tpu.memref_slice %arg18[%dma_wait3A_273, %dma_wait3A_274] : memref<48x128xf32, #tpu.memory_space<vmem>> -> memref<16x128xf32, #tpu.memory_space<vmem>>
        %dma_wait3A_276 = arith.constant 9984 : i32
        %dma_wait3A_277 = arith.constant 0 : i32
        %dma_wait3A_278 = tpu.memref_slice %arg26[%dma_wait3A_276, %dma_wait3A_277] : memref<10000x128xf32, #tpu.memory_space<vmem_shared>> -> memref<16x128xf32, #tpu.memory_space<vmem_shared>>
        tpu.wait_dma2 semaphore(%run_scoped3A : memref<!tpu.dma_semaphore, #tpu.memory_space<semaphore_mem>>) src(%dma_wait3A_278 : memref<16x128xf32, #tpu.memory_space<vmem_shared>>) dst(%dma_wait3A_275 : memref<16x128xf32, #tpu.memory_space<vmem>>)
        tpu.yield
      }) : () -> ()
      "tpu.region"() ({
        %run_scoped3A = tpu.sem_alloc : memref<!tpu.dma_semaphore, #tpu.memory_space<semaphore_mem>>
        %dma_start3A_255 = arith.constant 0 : i32
        %dma_start3A_256 = arith.constant 0 : i32
        %dma_start3A_257 = tpu.memref_slice %arg18[%dma_start3A_255, %dma_start3A_256] : memref<48x128xf32, #tpu.memory_space<vmem>> -> memref<16x128xf32, #tpu.memory_space<vmem>>
        %dma_start3A_258 = arith.constant 9984 : i32
        %dma_start3A_259 = arith.constant 0 : i32
        %dma_start3A_260 = tpu.memref_slice %arg8[%arg0, %dma_start3A_258, %dma_start3A_259] : memref<2x10000x128xf32, #tpu.memory_space<hbm>> -> memref<1x16x128xf32, #tpu.memory_space<hbm>>
        %dma_start3A_261 = tpu.memref_squeeze %dma_start3A_260 : memref<1x16x128xf32, #tpu.memory_space<hbm>> -> memref<16x128xf32, #tpu.memory_space<hbm>>
        %dma_start3A_262 = arith.constant 9984 : i32
        %dma_start3A_263 = arith.constant 0 : i32
        %dma_start3A_264 = tpu.memref_slice %arg8[%arg0, %dma_start3A_262, %dma_start3A_263] : memref<2x10000x128xf32, #tpu.memory_space<hbm>> -> memref<1x16x128xf32, #tpu.memory_space<hbm>>
        %dma_start3A_265 = tpu.memref_squeeze %dma_start3A_264 : memref<1x16x128xf32, #tpu.memory_space<hbm>> -> memref<16x128xf32, #tpu.memory_space<hbm>>
        %dma_start3A_266 = arith.constant 0 : i32
        %dma_start3A_267 = arith.constant 0 : i32
        %dma_start3A_268 = tpu.memref_slice %arg18[%dma_start3A_266, %dma_start3A_267] : memref<48x128xf32, #tpu.memory_space<vmem>> -> memref<16x128xf32, #tpu.memory_space<vmem>>
        tpu.enqueue_dma source(%dma_start3A_268 : memref<16x128xf32, #tpu.memory_space<vmem>>) target(%dma_start3A_265 : memref<16x128xf32, #tpu.memory_space<hbm>>) target_semaphore(%run_scoped3A : memref<!tpu.dma_semaphore, #tpu.memory_space<semaphore_mem>>)
        %dma_wait3A_269 = arith.constant 0 : i32
        %dma_wait3A_270 = arith.constant 0 : i32
        %dma_wait3A_271 = tpu.memref_slice %arg18[%dma_wait3A_269, %dma_wait3A_270] : memref<48x128xf32, #tpu.memory_space<vmem>> -> memref<16x128xf32, #tpu.memory_space<vmem>>
        %dma_wait3A_272 = arith.constant 9984 : i32
        %dma_wait3A_273 = arith.constant 0 : i32
        %dma_wait3A_274 = tpu.memref_slice %arg8[%arg0, %dma_wait3A_272, %dma_wait3A_273] : memref<2x10000x128xf32, #tpu.memory_space<hbm>> -> memref<1x16x128xf32, #tpu.memory_space<hbm>>
        %dma_wait3A_275 = tpu.memref_squeeze %dma_wait3A_274 : memref<1x16x128xf32, #tpu.memory_space<hbm>> -> memref<16x128xf32, #tpu.memory_space<hbm>>
        %dma_wait3A_276 = arith.constant 9984 : i32
        %dma_wait3A_277 = arith.constant 0 : i32
        %dma_wait3A_278 = tpu.memref_slice %arg8[%arg0, %dma_wait3A_276, %dma_wait3A_277] : memref<2x10000x128xf32, #tpu.memory_space<hbm>> -> memref<1x16x128xf32, #tpu.memory_space<hbm>>
        %dma_wait3A_279 = tpu.memref_squeeze %dma_wait3A_278 : memref<1x16x128xf32, #tpu.memory_space<hbm>> -> memref<16x128xf32, #tpu.memory_space<hbm>>
        %dma_wait3A_280 = arith.constant 0 : i32
        %dma_wait3A_281 = arith.constant 0 : i32
        %dma_wait3A_282 = tpu.memref_slice %arg18[%dma_wait3A_280, %dma_wait3A_281] : memref<48x128xf32, #tpu.memory_space<vmem>> -> memref<16x128xf32, #tpu.memory_space<vmem>>
        tpu.wait_dma2 semaphore(%run_scoped3A : memref<!tpu.dma_semaphore, #tpu.memory_space<semaphore_mem>>) src(%dma_wait3A_282 : memref<16x128xf32, #tpu.memory_space<vmem>>) dst(%dma_wait3A_279 : memref<16x128xf32, #tpu.memory_space<hbm>>)
        tpu.yield
      }) : () -> ()
    } else {
    }
    %mul3A_250 = arith.constant 16 : i32
    %mul3A_251 = arith.muli %arg0, %mul3A_250 : i32
    %add3A_252 = arith.addi %mul3A_251, %arg1 : i32
    %mul3A_253 = arith.constant 64 : i32
    %mul3A_254 = arith.muli %add3A_252, %mul3A_253 : i32
    "tpu.region"() ({
      %run_scoped3A = tpu.sem_alloc : memref<!tpu.dma_semaphore, #tpu.memory_space<semaphore_mem>>
      %dma_start3A_255 = tpu.memref_slice %arg9[%mul3A_254] : memref<2048xf32, #tpu.memory_space<hbm>> -> memref<64xf32, #tpu.memory_space<hbm>>
      %dma_start3A_256 = tpu.memref_slice %arg9[%mul3A_254] : memref<2048xf32, #tpu.memory_space<hbm>> -> memref<64xf32, #tpu.memory_space<hbm>>
      tpu.enqueue_dma source(%arg25 : memref<64xf32, #tpu.memory_space<vmem>>) target(%dma_start3A_256 : memref<64xf32, #tpu.memory_space<hbm>>) target_semaphore(%run_scoped3A : memref<!tpu.dma_semaphore, #tpu.memory_space<semaphore_mem>>)
      %dma_wait3A_257 = tpu.memref_slice %arg9[%mul3A_254] : memref<2048xf32, #tpu.memory_space<hbm>> -> memref<64xf32, #tpu.memory_space<hbm>>
      %dma_wait3A_258 = tpu.memref_slice %arg9[%mul3A_254] : memref<2048xf32, #tpu.memory_space<hbm>> -> memref<64xf32, #tpu.memory_space<hbm>>
      tpu.wait_dma2 semaphore(%run_scoped3A : memref<!tpu.dma_semaphore, #tpu.memory_space<semaphore_mem>>) src(%arg25 : memref<64xf32, #tpu.memory_space<vmem>>) dst(%dma_wait3A_258 : memref<64xf32, #tpu.memory_space<hbm>>)
      tpu.yield
    }) : () -> ()
    return
  }
}

module attributes {stable_mosaic.version = 14 : i64} {
  func.func @_xmm_body(%arg0: memref<10000x128xf32, #tpu.memory_space<vmem>>, %arg1: memref<128x512xf32, #tpu.memory_space<vmem>>, %arg2: memref<1x512xf32, #tpu.memory_space<vmem>>, %arg3: memref<10000x128xf32, #tpu.memory_space<vmem>>, %arg4: memref<20000x128xf32, #tpu.memory_space<vmem>>, %arg5: memref<10000x128xf32, #tpu.memory_space<vmem>>) attributes {dimension_semantics = [], scalar_prefetch = 0 : i64, scratch_operands = 0 : i64, tpu.core_type = #tpu.core_type<tc>} {
    %get3A = arith.constant 0 : index
    %get3A_0 = arith.constant 0 : index
    %get3A_1 = vector.load %arg0[%get3A, %get3A_0] : memref<10000x128xf32, #tpu.memory_space<vmem>>, vector<10000x128xf32>
    %get3A_2 = arith.constant 0 : index
    %get3A_3 = arith.constant 0 : index
    %get3A_4 = vector.load %arg1[%get3A_2, %get3A_3] : memref<128x512xf32, #tpu.memory_space<vmem>>, vector<128x512xf32>
    %dot_general3A = arith.constant dense<0.000000e+00> : vector<10000x512xf32>
    %dot_general3A_5 = tpu.matmul %get3A_1, %get3A_4, %dot_general3A {dimension_numbers = #tpu.dot_dimension_numbers<[1], [0], [0], [1], [0, 0, 1, 1], [], []>, transpose_lhs_hint = false} : vector<10000x128xf32>, vector<128x512xf32>, vector<10000x512xf32> -> vector<10000x512xf32>
    %get3A_6 = arith.constant 0 : index
    %get3A_7 = arith.constant 0 : index
    %get3A_8 = vector.load %arg2[%get3A_6, %get3A_7] : memref<1x512xf32, #tpu.memory_space<vmem>>, vector<1x512xf32>
    %add3A = vector.broadcast %get3A_8 : vector<1x512xf32> to vector<10000x512xf32>
    %add3A_9 = arith.addf %dot_general3A_5, %add3A : vector<10000x512xf32>
    %slice3A = vector.extract_strided_slice %add3A_9 {offsets = [0, 0], sizes = [10000, 128], strides = [1, 1]} : vector<10000x512xf32> to vector<10000x128xf32>
    %swap3A = arith.constant 0 : index
    %swap3A_10 = arith.constant 0 : index
    %swap3A_11 = vector.load %arg3[%swap3A, %swap3A_10] : memref<10000x128xf32, #tpu.memory_space<vmem>>, vector<10000x128xf32>
    tpu.vector_store %arg3[%swap3A, %swap3A_10], %slice3A {strides = array<i32>} : memref<10000x128xf32, #tpu.memory_space<vmem>>, vector<10000x128xf32>,
    %slice3A_12 = vector.extract_strided_slice %add3A_9 {offsets = [0, 256], sizes = [10000, 64], strides = [1, 1]} : vector<10000x512xf32> to vector<10000x64xf32>
    %neg3A = arith.constant 0.000000e+00 : f32
    %neg3A_13 = vector.broadcast %neg3A : f32 to vector<10000x64xf32>
    %neg3A_14 = arith.subf %neg3A_13, %slice3A_12 : vector<10000x64xf32>
    %slice3A_15 = vector.extract_strided_slice %add3A_9 {offsets = [0, 128], sizes = [10000, 64], strides = [1, 1]} : vector<10000x512xf32> to vector<10000x64xf32>
    %concatenate3A = tpu.concatenate %neg3A_14, %slice3A_15 in 1 : vector<10000x64xf32>, vector<10000x64xf32> -> vector<10000x128xf32>
    %swap3A_16 = arith.constant 0 : index
    %swap3A_17 = arith.constant 0 : index
    %swap3A_18 = vector.load %arg4[%swap3A_16, %swap3A_17] : memref<20000x128xf32, #tpu.memory_space<vmem>>, vector<10000x128xf32>
    tpu.vector_store %arg4[%swap3A_16, %swap3A_17], %concatenate3A {strides = array<i32>} : memref<20000x128xf32, #tpu.memory_space<vmem>>, vector<10000x128xf32>,
    %slice3A_19 = vector.extract_strided_slice %add3A_9 {offsets = [0, 320], sizes = [10000, 64], strides = [1, 1]} : vector<10000x512xf32> to vector<10000x64xf32>
    %neg3A_20 = arith.constant 0.000000e+00 : f32
    %neg3A_21 = vector.broadcast %neg3A_20 : f32 to vector<10000x64xf32>
    %neg3A_22 = arith.subf %neg3A_21, %slice3A_19 : vector<10000x64xf32>
    %slice3A_23 = vector.extract_strided_slice %add3A_9 {offsets = [0, 192], sizes = [10000, 64], strides = [1, 1]} : vector<10000x512xf32> to vector<10000x64xf32>
    %concatenate3A_24 = tpu.concatenate %neg3A_22, %slice3A_23 in 1 : vector<10000x64xf32>, vector<10000x64xf32> -> vector<10000x128xf32>
    %swap3A_25 = arith.constant 10000 : index
    %swap3A_26 = arith.constant 0 : index
    %swap3A_27 = vector.load %arg4[%swap3A_25, %swap3A_26] : memref<20000x128xf32, #tpu.memory_space<vmem>>, vector<10000x128xf32>
    tpu.vector_store %arg4[%swap3A_25, %swap3A_26], %concatenate3A_24 {strides = array<i32>} : memref<20000x128xf32, #tpu.memory_space<vmem>>, vector<10000x128xf32>,
    %slice3A_28 = vector.extract_strided_slice %add3A_9 {offsets = [0, 384], sizes = [10000, 128], strides = [1, 1]} : vector<10000x512xf32> to vector<10000x128xf32>
    %neg3A_29 = arith.constant 0.000000e+00 : f32
    %neg3A_30 = vector.broadcast %neg3A_29 : f32 to vector<10000x128xf32>
    %neg3A_31 = arith.subf %neg3A_30, %slice3A_28 : vector<10000x128xf32>
    %swap3A_32 = arith.constant 0 : index
    %swap3A_33 = arith.constant 0 : index
    %swap3A_34 = vector.load %arg5[%swap3A_32, %swap3A_33] : memref<10000x128xf32, #tpu.memory_space<vmem>>, vector<10000x128xf32>
    tpu.vector_store %arg5[%swap3A_32, %swap3A_33], %neg3A_31 {strides = array<i32>} : memref<10000x128xf32, #tpu.memory_space<vmem>>, vector<10000x128xf32>,
    return
  }
}

module attributes {stable_mosaic.version = 14 : i64} {
  func.func @_xfin_body(%arg0: memref<10000x128xf32, #tpu.memory_space<vmem>>, %arg1: memref<10000x128xf32, #tpu.memory_space<vmem>>, %arg2: memref<2x10000x128xf32, #tpu.memory_space<vmem>>, %arg3: memref<2x16x64xf32, #tpu.memory_space<vmem>>, %arg4: memref<1x128xf32, #tpu.memory_space<vmem>>, %arg5: memref<1x128xf32, #tpu.memory_space<vmem>>, %arg6: memref<1x128xf32, #tpu.memory_space<vmem>>, %arg7: memref<1x128xf32, #tpu.memory_space<vmem>>, %arg8: memref<10000x128xf32, #tpu.memory_space<vmem>>, %arg9: memref<1x128xf32, #tpu.memory_space<vmem>>, %arg10: memref<1x128xf32, #tpu.memory_space<vmem>>) attributes {dimension_semantics = [], scalar_prefetch = 0 : i64, scratch_operands = 0 : i64, tpu.core_type = #tpu.core_type<tc>} {
    %get3A = arith.constant 0 : index
    %get3A_0 = arith.constant 0 : index
    %get3A_1 = arith.constant 0 : index
    %get3A_2 = vector.load %arg2[%get3A, %get3A_0, %get3A_1] : memref<2x10000x128xf32, #tpu.memory_space<vmem>>, vector<1x10000x64xf32>
    %get3A_3 = vector.shape_cast %get3A_2 : vector<1x10000x64xf32> to vector<10000x64xf32>
    %get3A_4 = arith.constant 1 : index
    %get3A_5 = arith.constant 0 : index
    %get3A_6 = arith.constant 0 : index
    %get3A_7 = vector.load %arg2[%get3A_4, %get3A_5, %get3A_6] : memref<2x10000x128xf32, #tpu.memory_space<vmem>>, vector<1x10000x64xf32>
    %get3A_8 = vector.shape_cast %get3A_7 : vector<1x10000x64xf32> to vector<10000x64xf32>
    %concatenate3A = tpu.concatenate %get3A_3, %get3A_8 in 1 : vector<10000x64xf32>, vector<10000x64xf32> -> vector<10000x128xf32>
    %get3A_9 = arith.constant 0 : index
    %get3A_10 = arith.constant 0 : index
    %get3A_11 = arith.constant 64 : index
    %get3A_12 = vector.load %arg2[%get3A_9, %get3A_10, %get3A_11] : memref<2x10000x128xf32, #tpu.memory_space<vmem>>, vector<1x10000x64xf32>
    %get3A_13 = vector.shape_cast %get3A_12 : vector<1x10000x64xf32> to vector<10000x64xf32>
    %get3A_14 = arith.constant 1 : index
    %get3A_15 = arith.constant 0 : index
    %get3A_16 = arith.constant 64 : index
    %get3A_17 = vector.load %arg2[%get3A_14, %get3A_15, %get3A_16] : memref<2x10000x128xf32, #tpu.memory_space<vmem>>, vector<1x10000x64xf32>
    %get3A_18 = vector.shape_cast %get3A_17 : vector<1x10000x64xf32> to vector<10000x64xf32>
    %concatenate3A_19 = tpu.concatenate %get3A_13, %get3A_18 in 1 : vector<10000x64xf32>, vector<10000x64xf32> -> vector<10000x128xf32>
    %get3A_20 = arith.constant 0 : index
    %get3A_21 = arith.constant 0 : index
    %get3A_22 = vector.load %arg1[%get3A_20, %get3A_21] : memref<10000x128xf32, #tpu.memory_space<vmem>>, vector<10000x128xf32>
    %add3A = arith.constant 9.99999997E-7 : f32
    %add3A_23 = vector.broadcast %add3A : f32 to vector<10000x128xf32>
    %add3A_24 = arith.addf %concatenate3A_19, %add3A_23 : vector<10000x128xf32>
    %div3A = arith.divf %concatenate3A, %add3A_24 : vector<10000x128xf32>
    %add3A_25 = arith.addf %get3A_22, %div3A : vector<10000x128xf32>
    %reduce_sum3A = arith.constant dense<0.000000e+00> : vector<128xf32>
    %reduce_sum3A_26 = vector.multi_reduction <add>, %add3A_25, %reduce_sum3A [0] : vector<10000x128xf32> to vector<128xf32>
    %broadcast_in_dim3A = vector.shape_cast %reduce_sum3A_26 : vector<128xf32> to vector<1x128xf32>
    %div3A_27 = arith.constant 1.000000e+04 : f32
    %div3A_28 = vector.broadcast %div3A_27 : f32 to vector<1x128xf32>
    %div3A_29 = arith.divf %broadcast_in_dim3A, %div3A_28 : vector<1x128xf32>
    %sub3A = vector.broadcast %div3A_29 : vector<1x128xf32> to vector<10000x128xf32>
    %sub3A_30 = arith.subf %add3A_25, %sub3A : vector<10000x128xf32>
    %integer_pow3A = arith.mulf %sub3A_30, %sub3A_30 : vector<10000x128xf32>
    %reduce_sum3A_31 = arith.constant dense<0.000000e+00> : vector<128xf32>
    %reduce_sum3A_32 = vector.multi_reduction <add>, %integer_pow3A, %reduce_sum3A_31 [0] : vector<10000x128xf32> to vector<128xf32>
    %broadcast_in_dim3A_33 = vector.shape_cast %reduce_sum3A_32 : vector<128xf32> to vector<1x128xf32>
    %div3A_34 = arith.constant 1.000000e+04 : f32
    %div3A_35 = vector.broadcast %div3A_34 : f32 to vector<1x128xf32>
    %div3A_36 = arith.divf %broadcast_in_dim3A_33, %div3A_35 : vector<1x128xf32>
    %sub3A_37 = vector.broadcast %div3A_29 : vector<1x128xf32> to vector<10000x128xf32>
    %sub3A_38 = arith.subf %add3A_25, %sub3A_37 : vector<10000x128xf32>
    %add3A_39 = arith.constant 9.99999974E-6 : f32
    %add3A_40 = vector.broadcast %add3A_39 : f32 to vector<1x128xf32>
    %add3A_41 = arith.addf %div3A_36, %add3A_40 : vector<1x128xf32>
    %sqrt3A = math.sqrt %add3A_41 : vector<1x128xf32>
    %div3A_42 = vector.broadcast %sqrt3A : vector<1x128xf32> to vector<10000x128xf32>
    %div3A_43 = arith.divf %sub3A_38, %div3A_42 : vector<10000x128xf32>
    %get3A_44 = arith.constant 0 : index
    %get3A_45 = arith.constant 0 : index
    %get3A_46 = vector.load %arg4[%get3A_44, %get3A_45] : memref<1x128xf32, #tpu.memory_space<vmem>>, vector<1x128xf32>
    %mul3A = vector.broadcast %get3A_46 : vector<1x128xf32> to vector<10000x128xf32>
    %mul3A_47 = arith.mulf %div3A_43, %mul3A : vector<10000x128xf32>
    %get3A_48 = arith.constant 0 : index
    %get3A_49 = arith.constant 0 : index
    %get3A_50 = vector.load %arg5[%get3A_48, %get3A_49] : memref<1x128xf32, #tpu.memory_space<vmem>>, vector<1x128xf32>
    %add3A_51 = vector.broadcast %get3A_50 : vector<1x128xf32> to vector<10000x128xf32>
    %add3A_52 = arith.addf %mul3A_47, %add3A_51 : vector<10000x128xf32>
    %get3A_53 = arith.constant 0 : index
    %get3A_54 = arith.constant 0 : index
    %get3A_55 = vector.load %arg0[%get3A_53, %get3A_54] : memref<10000x128xf32, #tpu.memory_space<vmem>>, vector<10000x128xf32>
    %max3A = arith.constant 0.000000e+00 : f32
    %max3A_56 = vector.broadcast %max3A : f32 to vector<10000x128xf32>
    %max3A_57 = arith.maximumf %add3A_52, %max3A_56 : vector<10000x128xf32>
    %add3A_58 = arith.addf %get3A_55, %max3A_57 : vector<10000x128xf32>
    %swap3A = arith.constant 0 : index
    %swap3A_59 = arith.constant 0 : index
    %swap3A_60 = vector.load %arg8[%swap3A, %swap3A_59] : memref<10000x128xf32, #tpu.memory_space<vmem>>, vector<10000x128xf32>
    tpu.vector_store %arg8[%swap3A, %swap3A_59], %add3A_58 {strides = array<i32>} : memref<10000x128xf32, #tpu.memory_space<vmem>>, vector<10000x128xf32>,
    %reduce_sum3A_61 = arith.constant dense<0.000000e+00> : vector<128xf32>
    %reduce_sum3A_62 = vector.multi_reduction <add>, %concatenate3A_19, %reduce_sum3A_61 [0] : vector<10000x128xf32> to vector<128xf32>
    %broadcast_in_dim3A_63 = vector.shape_cast %reduce_sum3A_62 : vector<128xf32> to vector<1x128xf32>
    %get3A_64 = arith.constant 0 : index
    %get3A_65 = arith.constant 0 : index
    %get3A_66 = arith.constant 0 : index
    %get3A_67 = vector.load %arg3[%get3A_64, %get3A_65, %get3A_66] : memref<2x16x64xf32, #tpu.memory_space<vmem>>, vector<1x16x64xf32>
    %get3A_68 = vector.shape_cast %get3A_67 : vector<1x16x64xf32> to vector<16x64xf32>
    %reduce_sum3A_69 = arith.constant dense<0.000000e+00> : vector<64xf32>
    %reduce_sum3A_70 = vector.multi_reduction <add>, %get3A_68, %reduce_sum3A_69 [0] : vector<16x64xf32> to vector<64xf32>
    %broadcast_in_dim3A_71 = vector.shape_cast %reduce_sum3A_70 : vector<64xf32> to vector<1x64xf32>
    %get3A_72 = arith.constant 1 : index
    %get3A_73 = arith.constant 0 : index
    %get3A_74 = arith.constant 0 : index
    %get3A_75 = vector.load %arg3[%get3A_72, %get3A_73, %get3A_74] : memref<2x16x64xf32, #tpu.memory_space<vmem>>, vector<1x16x64xf32>
    %get3A_76 = vector.shape_cast %get3A_75 : vector<1x16x64xf32> to vector<16x64xf32>
    %reduce_sum3A_77 = arith.constant dense<0.000000e+00> : vector<64xf32>
    %reduce_sum3A_78 = vector.multi_reduction <add>, %get3A_76, %reduce_sum3A_77 [0] : vector<16x64xf32> to vector<64xf32>
    %broadcast_in_dim3A_79 = vector.shape_cast %reduce_sum3A_78 : vector<64xf32> to vector<1x64xf32>
    %concatenate3A_80 = tpu.concatenate %broadcast_in_dim3A_71, %broadcast_in_dim3A_79 in 1 : vector<1x64xf32>, vector<1x64xf32> -> vector<1x128xf32>
    %div3A_81 = arith.constant 3.200000e+05 : f32
    %div3A_82 = vector.broadcast %div3A_81 : f32 to vector<1x128xf32>
    %div3A_83 = arith.divf %broadcast_in_dim3A_63, %div3A_82 : vector<1x128xf32>
    %div3A_84 = arith.constant 3.200000e+05 : f32
    %div3A_85 = vector.broadcast %div3A_84 : f32 to vector<1x128xf32>
    %div3A_86 = arith.divf %concatenate3A_80, %div3A_85 : vector<1x128xf32>
    %mul3A_87 = arith.mulf %div3A_83, %div3A_83 : vector<1x128xf32>
    %sub3A_88 = arith.subf %div3A_86, %mul3A_87 : vector<1x128xf32>
    %get3A_89 = arith.constant 0 : index
    %get3A_90 = arith.constant 0 : index
    %get3A_91 = vector.load %arg6[%get3A_89, %get3A_90] : memref<1x128xf32, #tpu.memory_space<vmem>>, vector<1x128xf32>
    %add3A_92 = arith.constant 9.99999974E-6 : f32
    %add3A_93 = vector.broadcast %add3A_92 : f32 to vector<1x128xf32>
    %add3A_94 = arith.addf %sub3A_88, %add3A_93 : vector<1x128xf32>
    %sqrt3A_95 = math.sqrt %add3A_94 : vector<1x128xf32>
    %div3A_96 = arith.divf %get3A_91, %sqrt3A_95 : vector<1x128xf32>
    %swap3A_97 = arith.constant 0 : index
    %swap3A_98 = arith.constant 0 : index
    %swap3A_99 = vector.load %arg9[%swap3A_97, %swap3A_98] : memref<1x128xf32, #tpu.memory_space<vmem>>, vector<1x128xf32>
    tpu.vector_store %arg9[%swap3A_97, %swap3A_98], %div3A_96 {strides = array<i32>} : memref<1x128xf32, #tpu.memory_space<vmem>>, vector<1x128xf32>,
    %get3A_100 = arith.constant 0 : index
    %get3A_101 = arith.constant 0 : index
    %get3A_102 = vector.load %arg7[%get3A_100, %get3A_101] : memref<1x128xf32, #tpu.memory_space<vmem>>, vector<1x128xf32>
    %mul3A_103 = arith.mulf %div3A_83, %div3A_96 : vector<1x128xf32>
    %sub3A_104 = arith.subf %get3A_102, %mul3A_103 : vector<1x128xf32>
    %swap3A_105 = arith.constant 0 : index
    %swap3A_106 = arith.constant 0 : index
    %swap3A_107 = vector.load %arg10[%swap3A_105, %swap3A_106] : memref<1x128xf32, #tpu.memory_space<vmem>>, vector<1x128xf32>
    tpu.vector_store %arg10[%swap3A_105, %swap3A_106], %sub3A_104 {strides = array<i32>} : memref<1x128xf32, #tpu.memory_space<vmem>>, vector<1x128xf32>,
    return
  }
}

module attributes {stable_mosaic.version = 14 : i64} {
  func.func @_ce_body(%arg0: i32, %arg1: memref<8000x128xf32, #tpu.memory_space<vmem>>, %arg2: memref<128x128xf32, #tpu.memory_space<vmem>>, %arg3: memref<1x128xf32, #tpu.memory_space<vmem>>, %arg4: memref<2x8000x64xf32, #tpu.memory_space<vmem>>) attributes {dimension_semantics = [#tpu.dimension_semantics<arbitrary>], iteration_bounds = array<i64: 40>, scalar_prefetch = 0 : i64, scratch_operands = 0 : i64, tpu.core_type = #tpu.core_type<tc>, window_params = [{transform_indices = @transform_0, window_bounds = array<i64: 8000, 128>}, {pipeline_mode = #tpu.pipeline_mode<synchronous>, transform_indices = @transform_1, window_bounds = array<i64: 128, 128>}, {pipeline_mode = #tpu.pipeline_mode<synchronous>, transform_indices = @transform_2, window_bounds = array<i64: 1, 128>}, {transform_indices = @transform_3, window_bounds = array<i64: 2, 8000, 64>}]} {
    %get3A = arith.constant 0 : index
    %get3A_0 = arith.constant 0 : index
    %get3A_1 = vector.load %arg1[%get3A, %get3A_0] : memref<8000x128xf32, #tpu.memory_space<vmem>>, vector<8000x128xf32>
    %get3A_2 = arith.constant 0 : index
    %get3A_3 = arith.constant 0 : index
    %get3A_4 = vector.load %arg2[%get3A_2, %get3A_3] : memref<128x128xf32, #tpu.memory_space<vmem>>, vector<128x128xf32>
    %dot_general3A = arith.constant dense<0.000000e+00> : vector<8000x128xf32>
    %dot_general3A_5 = tpu.matmul %get3A_1, %get3A_4, %dot_general3A {dimension_numbers = #tpu.dot_dimension_numbers<[1], [0], [0], [1], [0, 0, 1, 1], [], []>, transpose_lhs_hint = false} : vector<8000x128xf32>, vector<128x128xf32>, vector<8000x128xf32> -> vector<8000x128xf32>
    %get3A_6 = arith.constant 0 : index
    %get3A_7 = arith.constant 0 : index
    %get3A_8 = vector.load %arg3[%get3A_6, %get3A_7] : memref<1x128xf32, #tpu.memory_space<vmem>>, vector<1x128xf32>
    %add3A = vector.broadcast %get3A_8 : vector<1x128xf32> to vector<8000x128xf32>
    %add3A_9 = arith.addf %dot_general3A_5, %add3A : vector<8000x128xf32>
    %neg3A = arith.constant 0.000000e+00 : f32
    %neg3A_10 = vector.broadcast %neg3A : f32 to vector<8000x128xf32>
    %neg3A_11 = arith.subf %neg3A_10, %add3A_9 : vector<8000x128xf32>
    %slice3A = vector.extract_strided_slice %neg3A_11 {offsets = [0, 0], sizes = [8000, 64], strides = [1, 1]} : vector<8000x128xf32> to vector<8000x64xf32>
    %swap3A = arith.constant 0 : index
    %swap3A_12 = arith.constant 0 : index
    %swap3A_13 = arith.constant 0 : index
    %swap3A_14 = vector.load %arg4[%swap3A, %swap3A_12, %swap3A_13] : memref<2x8000x64xf32, #tpu.memory_space<vmem>>, vector<1x8000x64xf32>
    %swap3A_15 = vector.shape_cast %swap3A_14 : vector<1x8000x64xf32> to vector<8000x64xf32>
    %swap3A_16 = vector.shape_cast %slice3A : vector<8000x64xf32> to vector<1x8000x64xf32>
    tpu.vector_store %arg4[%swap3A, %swap3A_12, %swap3A_13], %swap3A_16 {strides = array<i32>} : memref<2x8000x64xf32, #tpu.memory_space<vmem>>, vector<1x8000x64xf32>,
    %slice3A_17 = vector.extract_strided_slice %neg3A_11 {offsets = [0, 64], sizes = [8000, 64], strides = [1, 1]} : vector<8000x128xf32> to vector<8000x64xf32>
    %swap3A_18 = arith.constant 1 : index
    %swap3A_19 = arith.constant 0 : index
    %swap3A_20 = arith.constant 0 : index
    %swap3A_21 = vector.load %arg4[%swap3A_18, %swap3A_19, %swap3A_20] : memref<2x8000x64xf32, #tpu.memory_space<vmem>>, vector<1x8000x64xf32>
    %swap3A_22 = vector.shape_cast %swap3A_21 : vector<1x8000x64xf32> to vector<8000x64xf32>
    %swap3A_23 = vector.shape_cast %slice3A_17 : vector<8000x64xf32> to vector<1x8000x64xf32>
    tpu.vector_store %arg4[%swap3A_18, %swap3A_19, %swap3A_20], %swap3A_23 {strides = array<i32>} : memref<2x8000x64xf32, #tpu.memory_space<vmem>>, vector<1x8000x64xf32>,
    return
  }
  func.func @transform_0(%arg0: i32) -> (i32, i32) {
    %c0_i32 = arith.constant 0 : i32
    %c0_i32_0 = arith.constant 0 : i32
    return %arg0, %c0_i32 : i32, i32
  }
  func.func @transform_1(%arg0: i32) -> (i32, i32) {
    %c0_i32 = arith.constant 0 : i32
    %c0_i32_0 = arith.constant 0 : i32
    %c0_i32_1 = arith.constant 0 : i32
    return %c0_i32, %c0_i32_0 : i32, i32
  }
  func.func @transform_2(%arg0: i32) -> (i32, i32) {
    %c0_i32 = arith.constant 0 : i32
    %c0_i32_0 = arith.constant 0 : i32
    %c0_i32_1 = arith.constant 0 : i32
    return %c0_i32, %c0_i32_0 : i32, i32
  }
  func.func @transform_3(%arg0: i32) -> (i32, i32, i32) {
    %c0_i32 = arith.constant 0 : i32
    %c0_i32_0 = arith.constant 0 : i32
    %c0_i32_1 = arith.constant 0 : i32
    return %c0_i32, %arg0, %c0_i32_0 : i32, i32, i32
  }
}

module attributes {stable_mosaic.version = 14 : i64} {
  func.func @_efin_body(%arg0: i32, %arg1: memref<2x8000x64xf32, #tpu.memory_space<vmem>>, %arg2: memref<8000x128xf32, #tpu.memory_space<vmem>>, %arg3: memref<1x128xf32, #tpu.memory_space<vmem>>, %arg4: memref<1x128xf32, #tpu.memory_space<vmem>>, %arg5: memref<8000x128xf32, #tpu.memory_space<vmem>>) attributes {dimension_semantics = [#tpu.dimension_semantics<arbitrary>], iteration_bounds = array<i64: 40>, scalar_prefetch = 0 : i64, scratch_operands = 0 : i64, tpu.core_type = #tpu.core_type<tc>, window_params = [{transform_indices = @transform_0, window_bounds = array<i64: 2, 8000, 64>}, {transform_indices = @transform_1, window_bounds = array<i64: 8000, 128>}, {pipeline_mode = #tpu.pipeline_mode<synchronous>, transform_indices = @transform_2, window_bounds = array<i64: 1, 128>}, {pipeline_mode = #tpu.pipeline_mode<synchronous>, transform_indices = @transform_3, window_bounds = array<i64: 1, 128>}, {transform_indices = @transform_4, window_bounds = array<i64: 8000, 128>}]} {
    %get3A = arith.constant 0 : index
    %get3A_0 = arith.constant 0 : index
    %get3A_1 = arith.constant 0 : index
    %get3A_2 = vector.load %arg1[%get3A, %get3A_0, %get3A_1] : memref<2x8000x64xf32, #tpu.memory_space<vmem>>, vector<1x8000x64xf32>
    %get3A_3 = vector.shape_cast %get3A_2 : vector<1x8000x64xf32> to vector<8000x64xf32>
    %get3A_4 = arith.constant 1 : index
    %get3A_5 = arith.constant 0 : index
    %get3A_6 = arith.constant 0 : index
    %get3A_7 = vector.load %arg1[%get3A_4, %get3A_5, %get3A_6] : memref<2x8000x64xf32, #tpu.memory_space<vmem>>, vector<1x8000x64xf32>
    %get3A_8 = vector.shape_cast %get3A_7 : vector<1x8000x64xf32> to vector<8000x64xf32>
    %concatenate3A = tpu.concatenate %get3A_3, %get3A_8 in 1 : vector<8000x64xf32>, vector<8000x64xf32> -> vector<8000x128xf32>
    %get3A_9 = arith.constant 0 : index
    %get3A_10 = arith.constant 0 : index
    %get3A_11 = vector.load %arg3[%get3A_9, %get3A_10] : memref<1x128xf32, #tpu.memory_space<vmem>>, vector<1x128xf32>
    %mul3A = vector.broadcast %get3A_11 : vector<1x128xf32> to vector<8000x128xf32>
    %mul3A_12 = arith.mulf %concatenate3A, %mul3A : vector<8000x128xf32>
    %get3A_13 = arith.constant 0 : index
    %get3A_14 = arith.constant 0 : index
    %get3A_15 = vector.load %arg4[%get3A_13, %get3A_14] : memref<1x128xf32, #tpu.memory_space<vmem>>, vector<1x128xf32>
    %add3A = vector.broadcast %get3A_15 : vector<1x128xf32> to vector<8000x128xf32>
    %add3A_16 = arith.addf %mul3A_12, %add3A : vector<8000x128xf32>
    %get3A_17 = arith.constant 0 : index
    %get3A_18 = arith.constant 0 : index
    %get3A_19 = vector.load %arg2[%get3A_17, %get3A_18] : memref<8000x128xf32, #tpu.memory_space<vmem>>, vector<8000x128xf32>
    %max3A = arith.constant 0.000000e+00 : f32
    %max3A_20 = vector.broadcast %max3A : f32 to vector<8000x128xf32>
    %max3A_21 = arith.maximumf %add3A_16, %max3A_20 : vector<8000x128xf32>
    %add3A_22 = arith.addf %get3A_19, %max3A_21 : vector<8000x128xf32>
    %swap3A = arith.constant 0 : index
    %swap3A_23 = arith.constant 0 : index
    %swap3A_24 = vector.load %arg5[%swap3A, %swap3A_23] : memref<8000x128xf32, #tpu.memory_space<vmem>>, vector<8000x128xf32>
    tpu.vector_store %arg5[%swap3A, %swap3A_23], %add3A_22 {strides = array<i32>} : memref<8000x128xf32, #tpu.memory_space<vmem>>, vector<8000x128xf32>,
    return
  }
  func.func @transform_0(%arg0: i32) -> (i32, i32, i32) {
    %c0_i32 = arith.constant 0 : i32
    %c0_i32_0 = arith.constant 0 : i32
    %c0_i32_1 = arith.constant 0 : i32
    return %c0_i32, %arg0, %c0_i32_0 : i32, i32, i32
  }
  func.func @transform_1(%arg0: i32) -> (i32, i32) {
    %c0_i32 = arith.constant 0 : i32
    %c0_i32_0 = arith.constant 0 : i32
    return %arg0, %c0_i32 : i32, i32
  }
  func.func @transform_2(%arg0: i32) -> (i32, i32) {
    %c0_i32 = arith.constant 0 : i32
    %c0_i32_0 = arith.constant 0 : i32
    %c0_i32_1 = arith.constant 0 : i32
    return %c0_i32, %c0_i32_0 : i32, i32
  }
  func.func @transform_3(%arg0: i32) -> (i32, i32) {
    %c0_i32 = arith.constant 0 : i32
    %c0_i32_0 = arith.constant 0 : i32
    %c0_i32_1 = arith.constant 0 : i32
    return %c0_i32, %c0_i32_0 : i32, i32
  }
  func.func @transform_4(%arg0: i32) -> (i32, i32) {
    %c0_i32 = arith.constant 0 : i32
    %c0_i32_0 = arith.constant 0 : i32
    return %arg0, %c0_i32 : i32, i32
  }
}

</mosaic_0001>

<sc_bundles>
// kernel: kernel.7.cloned.1.call-start
scs
__scs_entry_jumppad:
0x0: {  	(pc) =	sbr.rel $0x88, $3  }
0x1: {  	(tag) =	ssettag $0x0;
	lr =	simm.s32 $0x1  }
0x2: {  	[smem:$0x3F90] =	sst lr;
	_ =	strace $0xD0000000  }
0x3: {  	_ = 	snop  }
0x4: {  	_ = 	snop  }
0x5: {  	_ = 	snop  }
0x6: {  	_ = 	snop  }
0x7: {  	_ = 	snop  }
__scs_overlays_trampoline_lowered:
0x8: {  	[smem:$0x3F9F] =	sst s0  }
0x9: {  	[smem:$0x3FA0] =	sst s1  }
0xa: {  	[smem:$0x3FA1] =	sst s2  }
0xb: {  	[smem:$0x3FA2] =	sst s3  }
0xc: {  	[smem:$0x3FA3] =	sst s4  }
0xd: {  	[smem:$0x3FA4] =	sst s5  }
0xe: {  	[smem:$0x3FA5] =	sst s6  }
0xf: {  	[smem:$0x3FA6] =	sst s7  }
0x10: {  	[smem:$0x3FA7] =	sst s8  }
0x11: {  	[smem:$0x3FA8] =	sst s9;
	s0 =	simm.s32 @!p0 $0x0  }
0x12: {  	s1 =	sld [smem:$0x3F8E];
	s0 =	simm.s32 @p0 $0x1  }
0x13: {  	[smem:$0x3FA9] =	sst s0;
	s0 =	simm.s32 @!p1 $0x0  }
0x14: {  	s2 =	sld [smem:$0x3F8D];
	s0 =	simm.s32 @p1 $0x1  }
0x15: {  	[smem:$0x3FAA] =	sst s0;
	s0 =	simm.s32 @!p2 $0x0  }
0x16: {  	s3 =	sld [smem:$0x3FDB];
	s0 =	simm.s32 @p2 $0x1  }
0x17: {  	s4 =	simm.s32 $0x1BF5;
	[smem:$0x3FAC] =	sst s0  }
0x18: {  	s0 =	sld [smem:$0x3F8F];
	_ =	swait.ge [sflag:s4], $0x0  }
0x19: {  	s7 =	sld [smem:$0x3F90]  }
0x1a: {  	s8 =	sadd.s32 $0xFFFFE003, lr  }
0x1b: {  	s9 =	sadd.s32 $0xFFFFFEF7, lr;
	s5 =	simm.s32 $0xFFFFFFFF;
	p2 =	slt.u32 s8, $0xFFFFF086  }
0x1c: {  	p1 =	slt.u32 s9, $0xF7A;
	s5 =	simm.s32 @!p2 $0x0  }
0x1d: {  	s5 =	simm.s32 @p1 $0x1;
	p0 =	seq.s32 s7, s2  }
0x1e: {  	s7 =	smul.u32 @!p0 $0xF7A, s2;
	p2 =	seq.s32 @!p0 s5, $0x0  }
0x1f: {  	s9 =	smul.u32 $0xF7A, s1;
	s8 =	simm.s32 @!p0 $0x1BF5;
	p2 =	por !p2, p0  }
0x20: {  	[sflag:s8] =	ssyncset.s32 @!p0 $0xFFFFF086;
	s6 =	sadd.s32 @!p0 s3, s7;
	s7 =	simm.s32 @!p0 $0x108  }
0x21: {  	s3 =	sadd.s32 s3, s9;
	s6 =	sadd.s32 @!p0 $0x88, s6;
	s7 =	simm.s32 @p2 $0x1082  }
0x22: {  	[simem:s7], [sflag:s8] =	dma.local @!p0 [hbm:s6], $0xF7A  }
0x23: {  	s9 =	sor.u32 $0xD0000000, s2;
	s6 =	simm.s32 $0x108;
	_ =	swait.ge @!p0 [sflag:s8], $0x0  }
0x24: {  	s3 =	sadd.s32 $0x88, s3;
	s6 =	simm.s32 @!p1 $0x1082;
	[sflag:s4] =	ssyncset.s32 $0xFFFFF086  }
0x25: {  	[simem:s6], [sflag:s4] =	dma.local [hbm:s3], $0xF7A  }
0x26: {  	[smem:$0x3F90] =	sst s1;
	(tag) =	ssettag s2;
	_ =	strace s9  }
0x27: {  	s1 =	sld [smem:$0x3FA0]  }
0x28: {  	s2 =	sld [smem:$0x3FA1]  }
0x29: {  	s4 =	sld [smem:$0x3FA3]  }
0x2a: {  	p0 =	seq.s32 s5, $0x0;
	s5 =	sld [smem:$0x3FA4]  }
0x2b: {  	s6 =	sld [smem:$0x3FA5]  }
0x2c: {  	s7 =	sld [smem:$0x3FA6]  }
0x2d: {  	s3 =	simm.s32 $0x108;
	s8 =	sld [smem:$0x3FA7]  }
0x2e: {  	s3 =	simm.s32 @!p0 $0x1082;
	s9 =	sld [smem:$0x3FA8]  }
0x2f: {  	lr =	sadd.s32 s0, s3;
	s0 =	sld [smem:$0x3F9F]  }
0x30: {  	s3 =	sld [smem:$0x3FA2]  }
0x31: {  	[smem:$0x3FAB] =	sst s10  }
0x32: {  	s10 =	sld [smem:$0x3FA9];
	_ =	sdelay $0x3  }
0x33: {  	p0 =	seq.s32 s10, $0x1;
	s10 =	sld [smem:$0x3FAB];
	_ =	sdelay $0x3  }
0x34: {  	[smem:$0x3FAB] =	sst s10  }
0x35: {  	s10 =	sld [smem:$0x3FAA];
	_ =	sdelay $0x3  }
0x36: {  	p1 =	seq.s32 s10, $0x1;
	s10 =	sld [smem:$0x3FAB];
	_ =	sdelay $0x3  }
0x37: {  	[smem:$0x3FAB] =	sst s10  }
0x38: {  	s10 =	sld [smem:$0x3FAC]  }
0x39: {  	_ = 	snop;
	(pc) =	sbr.ind lr, $3  }
0x3a: {  	_ = 	snop  }
0x3b: {  	_ = 	snop  }
0x3c: {  	p2 =	seq.s32 s10, $0x1;
	s10 =	sld [smem:$0x3FAB]  }
0x3d: {  	_ =	shalt  }
0x3e: {  	_ =	shalt  }
0x3f: {  	_ =	shalt  }
0x40: {  	_ =	shalt  }
0x41: {  	_ =	shalt  }
0x42: {  	_ =	shalt  }
0x43: {  	_ =	shalt  }
0x44: {  	_ =	shalt  }
0x45: {  	_ =	shalt  }
0x46: {  	_ =	shalt  }
0x47: {  	_ =	shalt  }
0x48: {  	_ =	shalt  }
0x49: {  	_ =	shalt  }
0x4a: {  	_ =	shalt  }
0x4b: {  	_ =	shalt  }
0x4c: {  	_ =	shalt  }
0x4d: {  	_ =	shalt  }
0x4e: {  	_ =	shalt  }
0x4f: {  	_ =	shalt  }
0x50: {  	_ =	shalt  }
0x51: {  	_ =	shalt  }
0x52: {  	_ =	shalt  }
0x53: {  	_ =	shalt  }
0x54: {  	_ =	shalt  }
0x55: {  	_ =	shalt  }
0x56: {  	_ =	shalt  }
0x57: {  	_ =	shalt  }
0x58: {  	_ =	shalt  }
0x59: {  	_ =	shalt  }
0x5a: {  	_ =	shalt  }
0x5b: {  	_ =	shalt  }
0x5c: {  	_ =	shalt  }
0x5d: {  	_ =	shalt  }
0x5e: {  	_ =	shalt  }
0x5f: {  	_ =	shalt  }
0x60: {  	_ =	shalt  }
0x61: {  	_ =	shalt  }
0x62: {  	_ =	shalt  }
0x63: {  	_ =	shalt  }
0x64: {  	_ =	shalt  }
0x65: {  	_ =	shalt  }
0x66: {  	_ =	shalt  }
0x67: {  	_ =	shalt  }
0x68: {  	_ =	shalt  }
0x69: {  	_ =	shalt  }
0x6a: {  	_ =	shalt  }
0x6b: {  	_ =	shalt  }
0x6c: {  	_ =	shalt  }
0x6d: {  	_ =	shalt  }
0x6e: {  	_ =	shalt  }
0x6f: {  	_ =	shalt  }
0x70: {  	_ =	shalt  }
0x71: {  	_ =	shalt  }
0x72: {  	_ =	shalt  }
0x73: {  	_ =	shalt  }
0x74: {  	_ =	shalt  }
0x75: {  	_ =	shalt  }
0x76: {  	_ =	shalt  }
0x77: {  	_ =	shalt  }
0x78: {  	_ =	shalt  }
0x79: {  	_ =	shalt  }
0x7a: {  	_ =	shalt  }
0x7b: {  	_ =	shalt  }
0x7c: {  	_ =	shalt  }
0x7d: {  	_ =	shalt  }
0x7e: {  	_ =	shalt  }
0x7f: {  	_ =	shalt  }
0x80: {  	_ =	shalt  }
0x81: {  	_ =	shalt  }
0x82: {  	_ =	shalt  }
0x83: {  	_ =	shalt  }
0x84: {  	_ =	shalt  }
0x85: {  	_ =	shalt  }
0x86: {  	_ =	shalt  }
0x87: {  	_ =	shalt  }
.Lfunc_end0:
.L_simem_size_0:
called_computation_lowered:
.L_overlay_start_0:
0x88: {  	s2 =	sld [smem:$0x3FD9]  }
0x89: {  	s3 =	sld [smem:$0x3FFE];
	_ =	sdelay $0x1  }
0x8a: {  	s1 =	srdreg.scid  }
0x8b: {  	s0 =	sand.u32 $0x1, s1  }
0x8c: {  	s14 =	sshll.u32 s0, $0xA;
	s2 =	sadd.s32 s3, s2  }
0x8d: {  	s2 =	sadd.s32 s2, s14  }
0x8e: {  	[smem:$0x3FB7] =	sst s2  }
0x8f: {  	_ = 	snop  }
0x90: {  	s2 =	sld [smem:$0x3FD0];
	_ =	sdelay $0x2  }
0x91: {  	s15 =	simm.s32 $0xA;
	s4 =	simm.s32 $0x10  }
0x92: {  	[smem:s4], [sflag:s15] =	dma.local [hbm:s2], $0x1  }
0x93: {  	_ =	swait.eq [sflag:s15], $0x1  }
0x94: {  	[sflag:s15] =	ssyncset.done $0x0  }
0x95: {  	[sflag:s15] =	ssyncadd.s32 $0xFFFFFFFF  }
0x96: {  	s16 =	sld [smem:$0x11];
	(tm) =	ssettm $0x1  }
0x97: {  	s17 =	sld [smem:$0x3FFB];
	_ =	sdelay $0x3  }
0x98: {  	_ =	strace s17  }
0x99: {  	s3 =	sld [smem:$0x3FFC];
	_ =	sdelay $0x3  }
0x9a: {  	_ =	strace s3  }
0x9b: {  	s3 =	sld [smem:$0x3FFD];
	_ =	sdelay $0x3  }
0x9c: {  	_ =	strace s3  }
0x9d: {  	_ =	strace $0x8FFFFFFF  }
0x9e: {  	s18 =	sld [smem:$0x3FDB];
	_ =	sdelay $0x1  }
0x9f: {  	s19 =	simm.s32 $_scs_section_size  }
0xa0: {  	s5 =	simm.s32 $_size__tile_overlayer_lowered;
	s6 =	simm.s32 $_tile_overlayer_lowered  }
0xa1: {  	s22 =	simm.s32 $0x1BFF;
	s21 =	sshll.u32 s6, $0x1;
	s3 =	sadd.s32 s19, s18  }
0xa2: {  	s7 =	simm.s32 $0x0;
	s20 =	sshll.u32 s5, $0x1;
	s5 =	sadd.s32 s21, s3  }
0xa3: {  	[timem:s7], [sflag:s22] =	dma.local [hbm:s5], s20  }
0xa4: {  	_ =	swait.ge [sflag:s22], s20  }
0xa5: {  	s4 =	ssub.s32 $0x0, s20;
	[sflag:s22] =	ssyncset.done $0x0  }
0xa6: {  	[sflag:s22] =	ssyncadd.s32 s4;
	_ =	sdelay $0x1  }
0xa7: {  	s23 =	simm.s32 $0x1B8B  }
0xa8: {  	_ =	swait.ge [sflag:s23], $0x1  }
0xa9: {  	[sflag:s23] =	ssyncset.done $0x0  }
0xaa: {  	s25 =	simm.s32 $0x1B8E;
	s24 =	sld [smem:$0x3FFE];
	[sflag:s23] =	ssyncadd.s32 $0xFFFFFFFF  }
0xab: {  	s26 =	simm.s32 $execute0_lowered;
	[smem:$0x3FD2] =	sst s25  }
0xac: {  	s5 =	sshll.u32 s26, $0x1;
	_ =	strace $0x80000046;
	[dreg:$0x1] =	wrdreg $0xFFFFFFFF  }
0xad: {  	s28 =	simm.s32 $_size_execute0_lowered;
	s3 =	sadd.s32 s3, s5;
	[dreg:$0x0] =	wrdreg $0x0  }
0xae: {  	s5 =	sshll.u32 s28, $0x1;
	[dreg:$0x2] =	wrdreg s3  }
0xaf: {  	[dreg:$0x3] =	wrdreg s5  }
0xb0: {  	[dreg:$0x4] =	wrdreg $0xC0  }
0xb1: {  	_ =	task [dreg:s7], $0x5FFFF  }
0xb2: {  	[dreg:$0x1] =	wrdreg $0xFFFFFFFF  }
0xb3: {  	[dreg:$0x0] =	wrdreg $0x60  }
0xb4: {  	[dreg:$0x2] =	wrdreg s16  }
0xb5: {  	[dreg:$0x3] =	wrdreg s24  }
0xb6: {  	[dreg:$0x4] =	wrdreg $0xC4000  }
0xb7: {  	[dreg:$0x5] =	wrdreg $0x9  }
0xb8: {  	_ =	task.clear_ibuf [dreg:s7], $0x6FFFF;
	_ =	strace $0x90000046  }
0xb9: {  	s29 =	simm.s32 $0x9;
	_ =	strace $0x80000048  }
0xba: {  	_ =	swait.ge [sflag:s29], $0x1  }
0xbb: {  	[sflag:s29] =	ssyncadd.s32 $0xFFFFFFFF  }
0xbc: {  	_ =	strace $0x90000048  }
0xbd: {  	_ =	sfence  }
0xbe: {  	s30 =	sld [smem:$0x0];
	_ =	sdelay $0x2  }
0xbf: {  	s31 =	sshll.u32 s1, $0xD;
	s1 =	sshrl.u32 s1, $0x2  }
0xc0: {  	s3 =	sand.u32 $0x4000, s31;
	s1 =	sadd.s32 s1, s30  }
0xc1: {  	s0 =	sor.u32 s3, s0;
	s1 =	sshll.u32 s1, $0x11  }
0xc2: {  	s0 =	sor.u32 s1, s0  }
0xc3: {  	s0 =	sadd.s32 $0x8F2B, s0  }
0xc4: {  	[sflag:s0] =	ssyncadd.remote.s32 $0x1  }
0xc5: {  	_ =	sfence.sel $0xFFFF  }
0xc6: {  	[dreg:$0x0] =	wrdreg $0xFFFFFFFF;
	(pc) =	sbr.abs _section_cstart, $3  }
0xc7: {  	[dreg:$0x1] =	wrdreg $0xFFFFFFFF  }
0xc8: {  	_ =	task.clear_ibuf [dreg:s7], $0x2FFFF;
	_ =	strace $0x9FFFFFFF  }
0xc9: {  	(tm) =	ssettm $0x7FFFFFFF  }
tec
execute0_lowered:
.L_overlay_start_1:
0x0: {  	(tag) =	ssettag $0x1  }
0x1: {  	s0 =	srdreg.scid  }
0x2: {  	s4 =	rddreg [dreg:$0x1];
	s3 =	stileid.u32;
	s29 =	simm.s32 $0x1  }
0x3: {  	s30 =	simm.s32 $0x3;
	s31 =	simm.s32 $0x5;
	s1 =	sand.u32 $0x1, s0  }
0x4: {  	s0 =	simm.s32 $0x0;
	s6 =	smul.u32 $0x13800, s3;
	s17 =	sadd.s32 $0xA01C00, s4  }
0x5: {  	s2 =	ssub.s32 $0x2, s1;
	[smem:$0x7FF] =	sst s0;
	s18 =	smul.u32 $0x138800, s1  }
0x6: {  	s5 =	sshrl.u32 s2, $0x1;
	s8 =	sadd.s32 $0x1800, s6;
	s9 =	sadd.s32 $0x3000, s6  }
0x7: {  	s10 =	sadd.s32 $0x4800, s6;
	s11 =	sadd.s32 $0x6000, s6;
	s12 =	sadd.s32 $0x7800, s6  }
0x8: {  	s13 =	sadd.s32 $0x9000, s6;
	s15 =	sadd.s32 $0xA800, s6;
	s16 =	sadd.s32 $0xC000, s6  }
0x9: {  	s14 =	sadd.s32 $0xD800, s6;
	s7 =	sadd.s32 $0xF000, s6;
	s2 =	ssub.s32 s2, s5  }
0xa: {  	s5 =	sadd.s32 $0x10800, s6;
	s19 =	sadd.s32 s6, s18;
	s6 =	sadd.s32 $0x12000, s6  }
0xb: {  	s20 =	sadd.s32 s18, s8;
	s24 =	sadd.s32 s18, s9;
	s26 =	sadd.s32 s18, s10  }
0xc: {  	s22 =	sadd.s32 s18, s11;
	s19 =	sshrl.u32 s19, $0x3;
	s23 =	sshrl.u32 s20, $0x3  }
0xd: {  	s25 =	sshrl.u32 s24, $0x3;
	s21 =	sshrl.u32 s26, $0x3;
	s19 =	sadd.s32 s17, s19  }
0xe: {  	s24 =	sadd.s32 s18, s12;
	s26 =	sadd.s32 s18, s13;
	[dreg:$0x4] =	wrdreg s19  }
0xf: {  	s19 =	sadd.s32 s17, s23;
	s23 =	sshrl.u32 s22, $0x3;
	s22 =	sadd.s32 s18, s15  }
0x10: {  	[dreg:$0x5] =	wrdreg s19;
	s19 =	sadd.s32 s17, s25;
	s25 =	sshrl.u32 s24, $0x3  }
0x11: {  	s24 =	sadd.s32 s18, s16;
	[dreg:$0x6] =	wrdreg s19;
	s19 =	sadd.s32 s17, s21  }
0x12: {  	s21 =	sshrl.u32 s26, $0x3;
	s26 =	sadd.s32 s18, s14;
	[dreg:$0x7] =	wrdreg s19  }
0x13: {  	s19 =	sadd.s32 s17, s23;
	s23 =	sshrl.u32 s22, $0x3;
	s20 =	sshrl.u32 s26, $0x3  }
0x14: {  	[dreg:$0x8] =	wrdreg s19;
	s19 =	sadd.s32 s17, s25;
	s25 =	sshrl.u32 s24, $0x3  }
0x15: {  	[dreg:$0x9] =	wrdreg s19;
	s19 =	sadd.s32 s17, s21;
	s21 =	sadd.s32 s18, s7  }
0x16: {  	[dreg:$0xa] =	wrdreg s19;
	s19 =	sadd.s32 s17, s23;
	s22 =	sshrl.u32 s21, $0x3  }
0x17: {  	s23 =	sadd.s32 s18, s5;
	[dreg:$0xb] =	wrdreg s19;
	s19 =	sadd.s32 s17, s25  }
0x18: {  	s21 =	smul.u32 $0x4E000, s3;
	[dreg:$0xc] =	wrdreg s19;
	s19 =	sadd.s32 s17, s20  }
0x19: {  	s24 =	sshrl.u32 s23, $0x3;
	[dreg:$0xd] =	wrdreg s19;
	s19 =	sadd.s32 s17, s22  }
0x1a: {  	s25 =	sadd.s32 s18, s6;
	[dreg:$0xe] =	wrdreg s19;
	s19 =	sadd.s32 s17, s24  }
0x1b: {  	p0 =	sne.s32 s3, $0x0;
	s26 =	sshrl.u32 s25, $0x3;
	[dreg:$0xf] =	wrdreg s19  }
0x1c: {  	s24 =	sshrl.u32 s21, $0x2;
	s19 =	sadd.s32 s17, s26;
	s26 =	rddreg [dreg:$0x2]  }
0x1d: {  	s2 =	smax.u32 s2, $0x1;
	[dreg:$0x10] =	wrdreg s19;
	s24 =	sadd.s32 s24, s26  }
0x1e: {  	s25 =	sadd.s32 s8, s26;
	_ =	strace $0x80000047;
	[dreg:$0x11] =	wrdreg s24  }
0x1f: {  	s18 =	sshrl.u32 s18, $0x3;
	s8 =	sadd.s32 s9, s26;
	[dreg:$0x12] =	wrdreg s25  }
0x20: {  	s23 =	sshll.u32 s1, $0x7;
	s9 =	sadd.s32 s10, s26;
	[dreg:$0x13] =	wrdreg s8  }
0x21: {  	s20 =	sshll.u32 s3, $0x3;
	s10 =	sadd.s32 s11, s26;
	[dreg:$0x14] =	wrdreg s9  }
0x22: {  	s22 =	sadd.s32 s17, s18;
	s11 =	sadd.s32 s12, s26;
	[dreg:$0x15] =	wrdreg s10  }
0x23: {  	s18 =	sadd.s32 $0x3DA00, s4;
	s12 =	sadd.s32 s15, s26;
	[dreg:$0x16] =	wrdreg s11  }
0x24: {  	s21 =	sadd.s32 $0xA4FE00, s4;
	s15 =	sadd.s32 s16, s26;
	[dreg:$0x18] =	wrdreg s12  }
0x25: {  	s17 =	sadd.s32 s20, s4;
	s5 =	sadd.s32 s5, s26;
	[dreg:$0x19] =	wrdreg s15  }
0x26: {  	s20 =	sadd.s32 $0x2C00, s4;
	s6 =	sadd.s32 s6, s26;
	[dreg:$0x1c] =	wrdreg s5  }
0x27: {  	s23 =	sadd.s32 s23, s17;
	s17 =	sadd.s32 $0x16800, s4;
	[dreg:$0x1d] =	wrdreg s6  }
0x28: {  	s19 =	sadd.s32 $0xCA00, s4;
	s13 =	sadd.s32 s13, s26;
	[smem:$0x7FA] =	sst s2  }
0x29: {  	s14 =	sadd.s32 s14, s26;
	s16 =	smul.u32 $0x271000, s3;
	[dreg:$0x17] =	wrdreg s13  }
0x2a: {  	s9 =	smul.u32 $0x4E20, s3;
	s24 =	sadd.s32 s7, s26;
	[dreg:$0x1a] =	wrdreg s14  }
0x2b: {  	s3 =	smul.u32 $0x2710000, s1;
	s7 =	sadd.s32 $0xA01A00, s23;
	[dreg:$0x1b] =	wrdreg s24  }
0x2c: {  	s23 =	sadd.s32 $0x138000, s26;
	s2 =	simm.s32 $0xC390;
	[smem:$0x7F9] =	sst s7  }
0x2d: {  	[smem:$0x7FB] =	sst s23;
	s23 =	simm.s32 $0xB;
	s7 =	simm.s32 $0x0  }
0x2e: {  	s25 =	sshrl.u32 s9, $0x3;
	s4 =	sadd.s32 s16, s3;
	s11 =	sadd.s32 $0x30, s9  }
0x2f: {  	s12 =	sadd.s32 $0x4E00, s9;
	s28 =	smov.u32 s9;
	s8 =	sadd.s32 s19, s25  }
0x30: {  	s10 =	sadd.s32 s20, s25;
	s4 =	sshrl.u32 s4, $0x3;
	[smem:$0x7F0] =	sst s11  }
0x31: {  	s5 =	sshrl.u32 s11, $0x3;
	s16 =	sshll.u32 s12, $0x7;
	[dreg:$0x1e] =	wrdreg s8  }
0x32: {  	s24 =	sshrl.u32 s12, $0x3;
	[dreg:$0x1f] =	wrdreg s10;
	s4 =	sadd.s32 s18, s4  }
0x33: {  	s12 =	simm.s32 $0x4;
	s15 =	sadd.s32 s19, s5;
	[smem:$0x7F1] =	sst s4  }
0x34: {  	s5 =	sadd.s32 s20, s5;
	s6 =	sadd.s32 s19, s24;
	[smem:$0x7F2] =	sst s15  }
0x35: {  	s8 =	smul.u32 $0x2710, s1;
	s1 =	sshll.u32 s1, $0x6;
	[smem:$0x7F3] =	sst s5  }
0x36: {  	s10 =	simm.s32 $0x30;
	s4 =	sadd.s32 s3, s16;
	[smem:$0x7F4] =	sst s6  }
0x37: {  	s5 =	sadd.s32 s20, s24;
	s6 =	sadd.s32 $0x27000, s22;
	s11 =	sor.u32 $0x33B0, s1  }
0x38: {  	s16 =	sor.u32 $0x4BB0, s1;
	s24 =	sadd.s32 $0x60, s9;
	[smem:$0x7F5] =	sst s5  }
0x39: {  	s15 =	simm.s32 $0x7B80;
	s4 =	sshrl.u32 s4, $0x3;
	[smem:$0x7F8] =	sst s6  }
0x3a: {  	s1 =	simm.s32 $0xC380;
	[smem:$0x7FC] =	sst s24;
	s25 =	sadd.s32 s18, s4  }
0x3b: {  	s22 =	simm.s32 $0x6;
	s4 =	sadd.s32 s21, s4;
	[smem:$0x7F6] =	sst s25  }
0x3c: {  	s24 =	simm.s32 $0x8;
	s5 =	simm.s32 $0xC3B0;
	v1 =	vmov s11;
	v2 =	vmov s16;
	[smem:$0x7F7] =	sst s4  }
0x3d: {  	s25 =	smov.u32 s26;
	s26 =	sadd.s32 $0x90, s9;
	s9 =	simm.s32 $0xD  }
0x3e: {  	v3 =	vimm.f32 $0.0e+00;
	v0 =	vmov s8;
	s4 =	simm.s32 $0xC3A0;
	[smem:$0x7FD] =	sst s26;
	s26 =	simm.s32 $0x2  }
.LBB2_1:
0x3f: {  	[tilespmem:$0xC380] =	vst v3  }
0x40: {  	[tilespmem:$0xC390] =	vst v3  }
0x41: {  	[tilespmem:$0xC3A0] =	vst v3  }
0x42: {  	[smem:$0x7EF] =	sst s7;
	[tilespmem:$0xC3B0] =	vst v3;
	s7 =	simm.s32 $0x0;
	s8 =	simm.s32 $0x200  }
.LBB2_2:
0x43: {  	p1 =	sne.s32 s8, $0x5E00;
	[tilespmem:s7+$0x3F0] =	vst v3  }
0x44: {  	[tilespmem:s7+$0x380] =	vst v3  }
0x45: {  	[tilespmem:s7+$0x390] =	vst v3  }
.Ltmp0:
0x46: {  	[tilespmem:s7+$0x3A0] =	vst v3;
	(pc) =	sbr.rel @p1 .LBB2_2-.Ltmp0, $4  }
0x47: {  	[tilespmem:s7+$0x3B0] =	vst v3  }
0x48: {  	[tilespmem:s7+$0x3C0] =	vst v3  }
0x49: {  	[tilespmem:s7+$0x3D0] =	vst v3  }
0x4a: {  	[tilespmem:s7+$0x3E0] =	vst v3;
	s7 =	sshra.s32 s8, $0x2;
	s8 =	sadd.s32 $0x200, s8  }
0x4b: {  	[tilespmem:s7+$0x3F0] =	vst v3  }
0x4c: {  	[tilespmem:s7+$0x380] =	vst v3  }
0x4d: {  	[tilespmem:s7+$0x390] =	vst v3  }
0x4e: {  	[tilespmem:s7+$0x3A0] =	vst v3  }
0x4f: {  	[tilespmem:s7+$0x3B0] =	vst v3  }
0x50: {  	[tilespmem:s7+$0x3C0] =	vst v3  }
0x51: {  	[tilespmem:s7+$0x3D0] =	vst v3  }
0x52: {  	[tilespmem:s7+$0x3E0] =	vst v3;
	s6 =	rddreg [dreg:$0x11];
	s8 =	simm.s32 $0x380  }
0x53: {  	[spmem:s6] =	stream.linear.scatter [tilespmem:s8], [sflag:$0xD], $0x1800, $0x38;
	[tilespmem:$0x1FC80] =	vst v63  }
0x54: {  	_ =	swait.ge [sflag:s9], $0x1800  }
0x55: {  	[sflag:s9] =	ssyncset.done $0x0  }
0x56: {  	s11 =	rddreg [dreg:$0x12];
	[sflag:s9] =	ssyncadd.s32 $0xFFFFE800  }
0x57: {  	[spmem:s11] =	stream.linear.scatter [tilespmem:s8], [sflag:$0xD], $0x1800, $0x38;
	[tilespmem:$0x1FC80] =	vst v63  }
0x58: {  	_ =	swait.ge [sflag:s9], $0x1800  }
0x59: {  	[sflag:s9] =	ssyncset.done $0x0  }
0x5a: {  	s16 =	rddreg [dreg:$0x13];
	[sflag:s9] =	ssyncadd.s32 $0xFFFFE800  }
0x5b: {  	[spmem:s16] =	stream.linear.scatter [tilespmem:s8], [sflag:$0xD], $0x1800, $0x38;
	[tilespmem:$0x1FC80] =	vst v63  }
0x5c: {  	_ =	swait.ge [sflag:s9], $0x1800  }
0x5d: {  	[sflag:s9] =	ssyncset.done $0x0  }
0x5e: {  	s7 =	rddreg [dreg:$0x14];
	[sflag:s9] =	ssyncadd.s32 $0xFFFFE800  }
0x5f: {  	[spmem:s7] =	stream.linear.scatter [tilespmem:s8], [sflag:$0xD], $0x1800, $0x38;
	[tilespmem:$0x1FC80] =	vst v63  }
0x60: {  	_ =	swait.ge [sflag:s9], $0x1800  }
0x61: {  	[sflag:s9] =	ssyncset.done $0x0  }
0x62: {  	s11 =	rddreg [dreg:$0x15];
	[sflag:s9] =	ssyncadd.s32 $0xFFFFE800  }
0x63: {  	[spmem:s11] =	stream.linear.scatter [tilespmem:s8], [sflag:$0xD], $0x1800, $0x38;
	[tilespmem:$0x1FC80] =	vst v63  }
0x64: {  	_ =	swait.ge [sflag:s9], $0x1800  }
0x65: {  	[sflag:s9] =	ssyncset.done $0x0  }
0x66: {  	s16 =	rddreg [dreg:$0x16];
	[sflag:s9] =	ssyncadd.s32 $0xFFFFE800  }
0x67: {  	[spmem:s16] =	stream.linear.scatter [tilespmem:s8], [sflag:$0xD], $0x1800, $0x38;
	[tilespmem:$0x1FC80] =	vst v63  }
0x68: {  	_ =	swait.ge [sflag:s9], $0x1800  }
0x69: {  	[sflag:s9] =	ssyncset.done $0x0  }
0x6a: {  	[sflag:s9] =	ssyncadd.s32 $0xFFFFE800  }
0x6b: {  	[spmem:s13] =	stream.linear.scatter [tilespmem:s8], [sflag:$0xD], $0x1800, $0x38;
	[tilespmem:$0x1FC80] =	vst v63  }
0x6c: {  	_ =	swait.ge [sflag:s9], $0x1800  }
0x6d: {  	[sflag:s9] =	ssyncset.done $0x0  }
0x6e: {  	s7 =	rddreg [dreg:$0x18];
	[sflag:s9] =	ssyncadd.s32 $0xFFFFE800  }
0x6f: {  	[spmem:s7] =	stream.linear.scatter [tilespmem:s8], [sflag:$0xD], $0x1800, $0x38;
	[tilespmem:$0x1FC80] =	vst v63  }
0x70: {  	_ =	swait.ge [sflag:s9], $0x1800  }
0x71: {  	[sflag:s9] =	ssyncset.done $0x0  }
0x72: {  	s11 =	rddreg [dreg:$0x19];
	[sflag:s9] =	ssyncadd.s32 $0xFFFFE800  }
0x73: {  	[spmem:s11] =	stream.linear.scatter [tilespmem:s8], [sflag:$0xD], $0x1800, $0x38;
	[tilespmem:$0x1FC80] =	vst v63  }
0x74: {  	_ =	swait.ge [sflag:s9], $0x1800  }
0x75: {  	[sflag:s9] =	ssyncset.done $0x0  }
0x76: {  	[sflag:s9] =	ssyncadd.s32 $0xFFFFE800  }
0x77: {  	[spmem:s14] =	stream.linear.scatter [tilespmem:s8], [sflag:$0xD], $0x1800, $0x38;
	[tilespmem:$0x1FC80] =	vst v63  }
0x78: {  	_ =	swait.ge [sflag:s9], $0x1800  }
0x79: {  	[sflag:s9] =	ssyncset.done $0x0  }
0x7a: {  	s13 =	rddreg [dreg:$0x1b];
	[sflag:s9] =	ssyncadd.s32 $0xFFFFE800  }
0x7b: {  	[spmem:s13] =	stream.linear.scatter [tilespmem:s8], [sflag:$0xD], $0x1800, $0x38;
	[tilespmem:$0x1FC80] =	vst v63  }
0x7c: {  	_ =	swait.ge [sflag:s9], $0x1800  }
0x7d: {  	[sflag:s9] =	ssyncset.done $0x0  }
0x7e: {  	s14 =	rddreg [dreg:$0x1c];
	[sflag:s9] =	ssyncadd.s32 $0xFFFFE800  }
0x7f: {  	[spmem:s14] =	stream.linear.scatter [tilespmem:s8], [sflag:$0xD], $0x1800, $0x38;
	[tilespmem:$0x1FC80] =	vst v63  }
0x80: {  	_ =	swait.ge [sflag:s9], $0x1800  }
0x81: {  	[sflag:s9] =	ssyncset.done $0x0  }
0x82: {  	s16 =	rddreg [dreg:$0x1d];
	[sflag:s9] =	ssyncadd.s32 $0xFFFFE800  }
0x83: {  	[spmem:s16] =	stream.linear.scatter [tilespmem:s8], [sflag:$0xD], $0x1800, $0x38;
	[tilespmem:$0x1FC80] =	vst v63  }
0x84: {  	_ =	swait.ge [sflag:s9], $0x1800  }
0x85: {  	s6 =	sld [smem:$0x7FB]  }
0x86: {  	[sflag:s9] =	ssyncset.done $0x0  }
0x87: {  	s7 =	simm.s32 @!p0 $0x380;
	[sflag:s9] =	ssyncadd.s32 $0xFFFFE800  }
0x88: {  	[spmem:s6] =	stream.linear.scatter @!p0 [tilespmem:s7], [sflag:$0xD], $0x800, $0x38;
	[tilespmem:$0x1FC80] =	vst v63  }
0x89: {  	s7 =	simm.s32 @!p0 $0xD  }
0x8a: {  	_ =	swait.ge @!p0 [sflag:s7], $0x800  }
0x8b: {  	[sflag:s7] =	ssyncset.done @!p0 $0x0  }
0x8c: {  	[sflag:s7] =	ssyncadd.s32 @!p0 $0xFFFFF800  }
0x8d: {  	[bflag:$0x0] =	sbarrier.arrive $0xFFFF  }
0x8e: {  	s11 =	simm.s32 $0x0;
	s7 =	rddreg [dreg:$0x1e]  }
0x8f: {  	[tilespmem:s11], [sflag:$0xD] =	stream.linear.gather [hbm4b:s7+s11], $0x30, $0x38;
	[tilespmem:$0x1FC80] =	vst v63  }
0x90: {  	_ =	swait.ge [sflag:s9], $0x30  }
0x91: {  	[sflag:s9] =	ssyncset.done $0x0  }
0x92: {  	s14 =	simm.s32 $0x100;
	s13 =	rddreg [dreg:$0x1f];
	[sflag:s9] =	ssyncadd.s32 $0xFFFFFFD0  }
0x93: {  	[tilespmem:s14], [sflag:$0xD] =	stream.linear.gather [hbm4b:s13+s11], $0x30, $0x38;
	[tilespmem:$0x1FC80] =	vst v63  }
0x94: {  	_ =	swait.ge [sflag:s9], $0x30  }
0x95: {  	[sflag:s9] =	ssyncset.done $0x0  }
0x96: {  	[sflag:s9] =	ssyncadd.s32 $0xFFFFFFD0  }
0x97: {  	v4 =	vld [tilespmem:$0x0]  }
0x98: {  	v5 =	vld [tilespmem:$0x10]  }
0x99: {  	v6 =	vld [tilespmem:$0x20];
	_ =	sdelay $0x2  }
0x9a: {  	v4 =	vadd.s32 v0, v4  }
0x9b: {  	[tilespmem:$0x0] =	vst v4;
	v4 =	vadd.s32 v0, v5  }
0x9c: {  	[tilespmem:$0x10] =	vst v4;
	v4 =	vadd.s32 v0, v6  }
0x9d: {  	s16 =	rddreg [dreg:$0x0];
	[tilespmem:$0x20] =	vst v4  }
0x9e: {  	[tilespmem:s8], [sflag:$0x1] =	stream.indirect.gather [hbm4b:s16+s10], $0x80, s11, s10, $0xb8;
	[tilespmem:$0x1FC80] =	vst v63  }
0x9f: {  	s13 =	simm.s32 $0x3380  }
0xa0: {  	[tilespmem:s13], [sflag:$0x3] =	stream.indirect.gather [hbm4b:s17+s10], $0x80, s14, s10, $0xb8;
	[tilespmem:$0x1FC80] =	vst v63  }
0xa1: {  	s14 =	sld [smem:$0x7F1];
	_ =	sdelay $0x1  }
0xa2: {  	s16 =	simm.s32 $0x6380;
	s8 =	sld [smem:$0x7F2]  }
0xa3: {  	[tilespmem:s16], [sflag:$0x5] =	stream.linear.gather [hbm4b:s14+s11], $0x1800, $0x38;
	[tilespmem:$0x1FC80] =	vst v63  }
0xa4: {  	s13 =	simm.s32 $0x80;
	s14 =	sld [smem:$0x7F3]  }
0xa5: {  	[tilespmem:s13], [sflag:$0x8] =	stream.linear.gather [hbm4b:s8+s11], $0x30, $0x38;
	[tilespmem:$0x1FC80] =	vst v63  }
0xa6: {  	s16 =	simm.s32 $0x180  }
0xa7: {  	[tilespmem:s16], [sflag:$0x8] =	stream.linear.gather [hbm4b:s14+s11], $0x30, $0x38;
	[tilespmem:$0x1FC80] =	vst v63  }
.LBB2_4:
0xa8: {  	_ =	swait.ge [sflag:s24], $0x30  }
0xa9: {  	[sflag:s24] =	ssyncset.done $0x0  }
0xaa: {  	[sflag:s24] =	ssyncadd.s32 $0xFFFFFFD0  }
0xab: {  	_ =	swait.ge [sflag:s24], $0x30  }
0xac: {  	p1 =	seq.s32 s11, $0x0;
	[sflag:s24] =	ssyncset.done $0x0  }
0xad: {  	s7 =	simm.s32 @!p1 $0xA;
	[sflag:s24] =	ssyncadd.s32 $0xFFFFFFD0  }
0xae: {  	_ =	swait.ge @!p1 [sflag:s7], $0x1800  }
0xaf: {  	[sflag:s7] =	ssyncset.done @!p1 $0x0  }
0xb0: {  	[sflag:s7] =	ssyncadd.s32 @!p1 $0xFFFFE800  }
0xb1: {  	v4 =	vld [tilespmem:$0x80]  }
0xb2: {  	v5 =	vld [tilespmem:$0x90]  }
0xb3: {  	v6 =	vld [tilespmem:$0xA0];
	_ =	sdelay $0x2  }
0xb4: {  	v4 =	vadd.s32 v0, v4  }
0xb5: {  	[tilespmem:$0x80] =	vst v4;
	v4 =	vadd.s32 v0, v5  }
0xb6: {  	[tilespmem:$0x90] =	vst v4;
	v4 =	vadd.s32 v0, v6  }
0xb7: {  	s16 =	simm.s32 $0x80;
	s8 =	simm.s32 $0x1B80;
	s6 =	rddreg [dreg:$0x0];
	[tilespmem:$0xA0] =	vst v4  }
0xb8: {  	[tilespmem:s8], [sflag:$0x2] =	stream.indirect.gather [hbm4b:s6+s10], $0x80, s16, s10, $0xb8;
	[tilespmem:$0x1FC80] =	vst v63  }
0xb9: {  	s8 =	sld [smem:$0x7F0]  }
0xba: {  	s14 =	smul.u32 $0x60, s11;
	s13 =	simm.s32 $0x180;
	s16 =	simm.s32 $0x4B80  }
0xbb: {  	[tilespmem:s16], [sflag:$0x4] =	stream.indirect.gather [hbm4b:s17+s10], $0x80, s13, s10, $0xb8;
	[tilespmem:$0x1FC80] =	vst v63  }
0xbc: {  	s13 =	sadd.s32 s14, s8  }
0xbd: {  	s7 =	sshll.u32 s13, $0x7  }
0xbe: {  	s7 =	sadd.s32 s3, s7  }
0xbf: {  	s7 =	sshrl.u32 s7, $0x3  }
0xc0: {  	s16 =	sadd.s32 s18, s7  }
0xc1: {  	[tilespmem:s15], [sflag:$0x6] =	stream.linear.gather [hbm4b:s16+s0], $0x1800, $0x38;
	[tilespmem:$0x1FC80] =	vst v63  }
0xc2: {  	_ =	swait.ge [sflag:s29], $0x1800  }
0xc3: {  	[sflag:s29] =	ssyncset.done $0x0  }
0xc4: {  	[sflag:s29] =	ssyncadd.s32 $0xFFFFE800  }
0xc5: {  	_ =	swait.ge [sflag:s30], $0x1800  }
0xc6: {  	[sflag:s30] =	ssyncset.done $0x0  }
0xc7: {  	[sflag:s30] =	ssyncadd.s32 $0xFFFFE800  }
0xc8: {  	_ =	swait.ge [sflag:s31], $0x1800  }
0xc9: {  	[sflag:s31] =	ssyncset.done $0x0  }
0xca: {  	[sflag:s31] =	ssyncadd.s32 $0xFFFFE800  }
0xcb: {  	v4 =	vld [tilespmem:$0x100]  }
0xcc: {  	v5 =	vld [tilespmem:$0x110]  }
0xcd: {  	s6 =	sld [smem:$0x7FC];
	v6 =	vld [tilespmem:$0x120];
	_ =	sdelay $0x1  }
0xce: {  	p1 =	seq.s32 s11, $0xCF  }
0xcf: {  	s16 =	sadd.s32 @!p1 s14, s6;
	[tilespmem:$0x200] =	vst v4  }
0xd0: {  	s8 =	sshrl.u32 @!p1 s16, $0x3;
	[tilespmem:$0x210] =	vst v5  }
0xd1: {  	p2 =	seq.s32 @!p1 s11, $0x0;
	s15 =	simm.s32 @!p1 $0x0;
	s13 =	sadd.s32 @!p1 s19, s8;
	[tilespmem:$0x220] =	vst v6  }
0xd2: {  	[tilespmem:s15], [sflag:$0x7] =	stream.linear.gather @!p1 [hbm4b:s13+s15], $0x30, $0x38;
	[tilespmem:$0x1FC80] =	vst v63  }
0xd3: {  	p2 =	por p1, !p2;
	s8 =	sadd.s32 @!p1 s20, s8;
	s13 =	simm.s32 @!p1 $0x100  }
0xd4: {  	[tilespmem:s13], [sflag:$0x7] =	stream.linear.gather @!p1 [hbm4b:s8+s15], $0x30, $0x38;
	[tilespmem:$0x1FC80] =	vst v63  }
0xd5: {  	_ =	swait.ge @p2 [sflag:s23], $0x1800  }
0xd6: {  	[sflag:s23] =	ssyncset.done @p2 $0x0  }
0xd7: {  	s6 =	simm.s32 $0x0;
	[sflag:s23] =	ssyncadd.s32 @p2 $0xFFFFE800  }
0xd8: {  	v4 =	vld.idx.msk [tilespmem:v1+s6+$0xFFFFFFD0 ss:$0x1], $0xffff  }
0xd9: {  	v5 =	vld [tilespmem:s6+$0x380];
	_ =	sdelay $0x1  }
0xda: {  	v6 =	vld [tilespmem:s6+$0x6380];
	_ =	sdelay $0x2  }
0xdb: {  	v4 =	vadd.f32 v4, v5;
	_ =	sdelay $0x1  }
0xdc: {  	v4 =	vadd.f32 v6, v4;
	_ =	sdelay $0x1  }
0xdd: {  	v5 =	vld.idx.msk [tilespmem:v1+s6+$0xFFFFFFE0 ss:$0x1], $0xffff;
	v4 =	vmul.f32 $1.442695020e+00, v4  }
0xde: {  	v6 =	vld [tilespmem:s6+$0x390]  }
0xdf: {  	(erf) = vpow2.f32 v4  }
0xe0: {  	v7 =	vld [tilespmem:s6+$0x6390];
	_ =	sdelay $0x2  }
0xe1: {  	v4 =	vadd.f32 v5, v6  }
0xe2: {  	v5 =	vld.idx.msk [tilespmem:v1+s6+$0xFFFFFFF0 ss:$0x1], $0xffff  }
0xe3: {  	v6 =	vld [tilespmem:s6+$0x3A0];
	v4 =	vadd.f32 v7, v4;
	_ =	sdelay $0x1  }
0xe4: {  	v7 =	vld [tilespmem:s6+$0x63A0];
	v4 =	vmul.f32 $1.442695020e+00, v4  }
0xe5: {  	v8 =	vpop (erf)  }
0xe6: {  	(erf) = vpow2.f32 v4;
	v4 =	vadd.f32 $1.000000000e+00, v8  }
0xe7: {  	v5 =	vadd.f32 v5, v6  }
0xe8: {  	(erf) = vrcp.f32 v4  }
0xe9: {  	v4 =	vadd.f32 v7, v5;
	_ =	sdelay $0x1  }
0xea: {  	v6 =	vld [tilespmem:s6+$0x3B0];
	v4 =	vmul.f32 $1.442695020e+00, v4  }
0xeb: {  	v5 =	vld.idx.msk [tilespmem:v1+s6+$0x0 ss:$0x1], $0xffff;
	_ =	sdelay $0x1  }
0xec: {  	v7 =	vld [tilespmem:s6+$0x3C0];
	(erf) = vpow2.f32 v4  }
0xed: {  	v63 =	vld [tilespmem:s6+$0x63B0];
	v4 =	vpop (erf)  }
0xee: {  	v4 =	vadd.f32 $1.000000000e+00, v4  }
0xef: {  	v5 =	vadd.f32 v5, v6;
	v6 =	vpop (erf)  }
0xf0: {  	(erf) = vrcp.f32 v4;
	[tilespmem:s6+$0x93C0] =	vst v6  }
0xf1: {  	v4 =	vmul.f32 v7, v6;
	[tilespmem:s6+$0x6380] =	vst v6;
	v6 =	vmul.f32 v6, v6  }
0xf2: {  	v5 =	vadd.f32 v63, v5;
	_ =	sdelay $0x1  }
0xf3: {  	[tilespmem:s6+$0x9380] =	vst v4;
	v4 =	vmul.f32 $1.442695020e+00, v5  }
0xf4: {  	[tilespmem:s1+$0x0] =	vst.add.f32.msk $0xffff, v6;
	v6 =	vpop (erf)  }
0xf5: {  	v5 =	vld [tilespmem:s6+$0x3D0];
	(erf) = vpow2.f32 v4;
	v4 =	vadd.f32 $1.000000000e+00, v6;
	_ =	sdelay $0x3  }
0xf6: {  	(erf) = vrcp.f32 v4;
	v4 =	vpop (erf)  }
0xf7: {  	v5 =	vmul.f32 v5, v4;
	[tilespmem:s6+$0x93D0] =	vst v4  }
0xf8: {  	[tilespmem:s6+$0x6390] =	vst v4;
	v4 =	vmul.f32 v4, v4  }
0xf9: {  	[tilespmem:s6+$0x9390] =	vst v5  }
0xfa: {  	[tilespmem:s2+$0x0] =	vst.add.f32.msk $0xffff, v4  }
0xfb: {  	v4 =	vld [tilespmem:s6+$0x3E0]  }
0xfc: {  	v5 =	vpop (erf)  }
0xfd: {  	v5 =	vadd.f32 $1.000000000e+00, v5;
	_ =	sdelay $0x1  }
0xfe: {  	v6 =	vpop (erf);
	(erf) = vrcp.f32 v5  }
0xff: {  	[tilespmem:s6+$0x63A0] =	vst v6;
	v4 =	vmul.f32 v4, v6  }
0x100: {  	[tilespmem:s6+$0x93E0] =	vst v6;
	v5 =	vmul.f32 v6, v6  }
0x101: {  	[tilespmem:s6+$0x93A0] =	vst v4  }
0x102: {  	[tilespmem:s4+$0x0] =	vst.add.f32.msk $0xffff, v5  }
0x103: {  	v4 =	vld [tilespmem:s6+$0x3F0];
	_ =	sdelay $0x3  }
0x104: {  	v5 =	vpop (erf)  }
0x105: {  	[tilespmem:s6+$0x63B0] =	vst v5;
	v6 =	vmul.f32 v4, v5  }
0x106: {  	[tilespmem:s6+$0x93F0] =	vst v5  }
0x107: {  	s8 =	simm.s32 $0x200;
	s15 =	simm.s32 $0x400;
	v4 =	vmul.f32 v5, v5;
	[tilespmem:s6+$0x93B0] =	vst v6  }
.LBB2_5:
0x108: {  	p3 =	sne.s32 s15, $0x5E00  }
0x109: {  	s13 =	sshra.s32 s8, $0x2;
	[tilespmem:s5+$0x0] =	vst.add.f32.msk $0xffff, v4;
	s8 =	smov.u32 s15;
	s15 =	sadd.s32 $0x200, s15  }
0x10a: {  	v4 =	vld.idx.msk [tilespmem:v1+s13+$0xFFFFFFD0 ss:$0x1], $0xffff  }
0x10b: {  	v5 =	vld [tilespmem:s13+$0x380];
	_ =	sdelay $0x1  }
0x10c: {  	v6 =	vld [tilespmem:s13+$0x6380];
	_ =	sdelay $0x2  }
0x10d: {  	v4 =	vadd.f32 v4, v5;
	_ =	sdelay $0x1  }
0x10e: {  	v4 =	vadd.f32 v6, v4  }
0x10f: {  	v5 =	vld.idx.msk [tilespmem:v1+s13+$0xFFFFFFE0 ss:$0x1], $0xffff  }
0x110: {  	v6 =	vld [tilespmem:s13+$0x390];
	v4 =	vmul.f32 $1.442695020e+00, v4;
	_ =	sdelay $0x1  }
0x111: {  	v7 =	vld [tilespmem:s13+$0x6390];
	(erf) = vpow2.f32 v4  }
0x112: {  	v4 =	vld.idx.msk [tilespmem:v1+s13+$0xFFFFFFF0 ss:$0x1], $0xffff  }
0x113: {  	v8 =	vld [tilespmem:s13+$0x3A0]  }
0x114: {  	v5 =	vadd.f32 v5, v6  }
0x115: {  	v6 =	vld [tilespmem:s13+$0x63A0]  }
0x116: {  	v5 =	vadd.f32 v7, v5;
	_ =	sdelay $0x1  }
0x117: {  	v4 =	vadd.f32 v4, v8;
	v5 =	vmul.f32 $1.442695020e+00, v5;
	_ =	sdelay $0x1  }
0x118: {  	v4 =	vadd.f32 v6, v4;
	v6 =	vpop (erf);
	(erf) = vpow2.f32 v5  }
0x119: {  	v5 =	vld.idx.msk [tilespmem:v1+s13+$0x0 ss:$0x1], $0xffff;
	v6 =	vadd.f32 $1.000000000e+00, v6  }
0x11a: {  	v7 =	vld [tilespmem:s13+$0x3B0];
	v4 =	vmul.f32 $1.442695020e+00, v4  }
0x11b: {  	(erf) = vrcp.f32 v6  }
0x11c: {  	v6 =	vld [tilespmem:s13+$0x63B0];
	(erf) = vpow2.f32 v4;
	_ =	sdelay $0x2  }
0x11d: {  	v4 =	vadd.f32 v5, v7  }
0x11e: {  	v5 =	vld [tilespmem:s13+$0x3C0]  }
0x11f: {  	v4 =	vadd.f32 v6, v4;
	v6 =	vpop (erf)  }
0x120: {  	v8 =	vadd.f32 $1.000000000e+00, v6  }
0x121: {  	v4 =	vmul.f32 $1.442695020e+00, v4  }
0x122: {  	v7 =	vpop (erf);
	(erf) = vrcp.f32 v8  }
0x123: {  	v5 =	vmul.f32 v5, v7;
	[tilespmem:s13+$0x93C0] =	vst v7;
	v6 =	vpop (erf);
	(erf) = vpow2.f32 v4  }
0x124: {  	v4 =	vadd.f32 $1.000000000e+00, v6;
	[tilespmem:s13+$0x6380] =	vst v7;
	v6 =	vmul.f32 v7, v7  }
0x125: {  	[tilespmem:s13+$0x9380] =	vst v5  }
0x126: {  	[tilespmem:s1+$0x0] =	vst.add.f32.msk $0xffff, v6;
	(erf) = vrcp.f32 v4  }
0x127: {  	v4 =	vld [tilespmem:s13+$0x3D0];
	_ =	sdelay $0x3  }
0x128: {  	v5 =	vpop (erf)  }
0x129: {  	v7 =	vmul.f32 v4, v5;
	[tilespmem:s13+$0x93D0] =	vst v5;
	v6 =	vpop (erf)  }
0x12a: {  	v6 =	vadd.f32 $1.000000000e+00, v6;
	[tilespmem:s13+$0x6390] =	vst v5;
	v5 =	vmul.f32 v5, v5  }
0x12b: {  	[tilespmem:s13+$0x9390] =	vst v7  }
0x12c: {  	[tilespmem:s2+$0x0] =	vst.add.f32.msk $0xffff, v5;
	v4 =	vpop (erf);
	(erf) = vrcp.f32 v6  }
0x12d: {  	v5 =	vld [tilespmem:s13+$0x3E0];
	[tilespmem:s13+$0x63A0] =	vst v4  }
0x12e: {  	[tilespmem:s13+$0x93E0] =	vst v4;
	_ =	sdelay $0x3  }
0x12f: {  	v5 =	vmul.f32 v5, v4  }
0x130: {  	v6 =	vmul.f32 v4, v4  }
0x131: {  	[tilespmem:s13+$0x93A0] =	vst v5  }
0x132: {  	[tilespmem:s4+$0x0] =	vst.add.f32.msk $0xffff, v6;
	v4 =	vpop (erf)  }
0x133: {  	v5 =	vld [tilespmem:s13+$0x3F0];
	[tilespmem:s13+$0x63B0] =	vst v4  }
0x134: {  	[tilespmem:s13+$0x93F0] =	vst v4;
	_ =	sdelay $0x1  }
.Ltmp1:
0x135: {  	(pc) =	sbr.rel @p3 .LBB2_5-.Ltmp1, $4  }
0x136: {  	_ = 	snop  }
0x137: {  	v5 =	vmul.f32 v5, v4  }
0x138: {  	v4 =	vmul.f32 v4, v4  }
0x139: {  	[tilespmem:s13+$0x93B0] =	vst v5  }
0x13a: {  	_ =	sdelay $0x2  }
0x13b: {  	s8 =	sshra.s32 s8, $0x2;
	[tilespmem:s5+$0x0] =	vst.add.f32.msk $0xffff, v4  }
0x13c: {  	v4 =	vld.idx.msk [tilespmem:v1+s8+$0xFFFFFFD0 ss:$0x1], $0xffff  }
0x13d: {  	v5 =	vld [tilespmem:s8+$0x380];
	_ =	sdelay $0x1  }
0x13e: {  	v6 =	vld [tilespmem:s8+$0x6380];
	_ =	sdelay $0x2  }
0x13f: {  	v4 =	vadd.f32 v4, v5;
	_ =	sdelay $0x1  }
0x140: {  	v4 =	vadd.f32 v6, v4;
	_ =	sdelay $0x1  }
0x141: {  	v5 =	vld.idx.msk [tilespmem:v1+s8+$0xFFFFFFE0 ss:$0x1], $0xffff;
	v4 =	vmul.f32 $1.442695020e+00, v4  }
0x142: {  	v6 =	vld [tilespmem:s8+$0x390]  }
0x143: {  	(erf) = vpow2.f32 v4  }
0x144: {  	v7 =	vld [tilespmem:s8+$0x6390];
	_ =	sdelay $0x2  }
0x145: {  	v4 =	vadd.f32 v5, v6  }
0x146: {  	v5 =	vld.idx.msk [tilespmem:v1+s8+$0xFFFFFFF0 ss:$0x1], $0xffff  }
0x147: {  	v6 =	vld [tilespmem:s8+$0x3A0];
	v4 =	vadd.f32 v7, v4;
	_ =	sdelay $0x1  }
0x148: {  	v7 =	vld [tilespmem:s8+$0x63A0];
	v4 =	vmul.f32 $1.442695020e+00, v4  }
0x149: {  	v8 =	vpop (erf)  }
0x14a: {  	(erf) = vpow2.f32 v4;
	v4 =	vadd.f32 $1.000000000e+00, v8  }
0x14b: {  	v5 =	vadd.f32 v5, v6  }
0x14c: {  	(erf) = vrcp.f32 v4  }
0x14d: {  	v4 =	vadd.f32 v7, v5;
	_ =	sdelay $0x1  }
0x14e: {  	v6 =	vld [tilespmem:s8+$0x3B0];
	v4 =	vmul.f32 $1.442695020e+00, v4  }
0x14f: {  	v5 =	vld.idx.msk [tilespmem:v1+s8+$0x0 ss:$0x1], $0xffff;
	_ =	sdelay $0x1  }
0x150: {  	v7 =	vld [tilespmem:s8+$0x3C0];
	(erf) = vpow2.f32 v4  }
0x151: {  	v61 =	vld [tilespmem:s8+$0x63B0];
	v4 =	vpop (erf)  }
0x152: {  	v4 =	vadd.f32 $1.000000000e+00, v4  }
0x153: {  	v5 =	vadd.f32 v5, v6;
	v6 =	vpop (erf)  }
0x154: {  	(erf) = vrcp.f32 v4;
	[tilespmem:s8+$0x93C0] =	vst v6  }
0x155: {  	v4 =	vmul.f32 v7, v6;
	[tilespmem:s8+$0x6380] =	vst v6;
	v6 =	vmul.f32 v6, v6  }
0x156: {  	v5 =	vadd.f32 v61, v5;
	_ =	sdelay $0x1  }
0x157: {  	[tilespmem:s8+$0x9380] =	vst v4;
	v4 =	vmul.f32 $1.442695020e+00, v5  }
0x158: {  	[tilespmem:s1+$0x0] =	vst.add.f32.msk $0xffff, v6;
	v6 =	vpop (erf)  }
0x159: {  	v5 =	vld [tilespmem:s8+$0x3D0];
	(erf) = vpow2.f32 v4;
	v4 =	vadd.f32 $1.000000000e+00, v6;
	_ =	sdelay $0x3  }
0x15a: {  	(erf) = vrcp.f32 v4;
	v4 =	vpop (erf)  }
0x15b: {  	v5 =	vmul.f32 v5, v4;
	[tilespmem:s8+$0x93D0] =	vst v4  }
0x15c: {  	[tilespmem:s8+$0x6390] =	vst v4;
	v4 =	vmul.f32 v4, v4  }
0x15d: {  	[tilespmem:s8+$0x9390] =	vst v5  }
0x15e: {  	[tilespmem:s2+$0x0] =	vst.add.f32.msk $0xffff, v4  }
0x15f: {  	v4 =	vld [tilespmem:s8+$0x3E0]  }
0x160: {  	v5 =	vpop (erf)  }
0x161: {  	v5 =	vadd.f32 $1.000000000e+00, v5;
	_ =	sdelay $0x1  }
0x162: {  	v6 =	vpop (erf);
	(erf) = vrcp.f32 v5  }
0x163: {  	[tilespmem:s8+$0x63A0] =	vst v6;
	v4 =	vmul.f32 v4, v6  }
0x164: {  	[tilespmem:s8+$0x93E0] =	vst v6;
	v5 =	vmul.f32 v6, v6  }
0x165: {  	[tilespmem:s8+$0x93A0] =	vst v4  }
0x166: {  	[tilespmem:s4+$0x0] =	vst.add.f32.msk $0xffff, v5  }
0x167: {  	v4 =	vld [tilespmem:s8+$0x3F0];
	_ =	sdelay $0x3  }
0x168: {  	s13 =	sadd.s32 s28, s14;
	v5 =	vpop (erf)  }
0x169: {  	s13 =	sshll.u32 s13, $0x7;
	[tilespmem:s8+$0x63B0] =	vst v5;
	v4 =	vmul.f32 v4, v5  }
0x16a: {  	s13 =	sadd.s32 s3, s13;
	[tilespmem:s8+$0x93F0] =	vst v5;
	v5 =	vmul.f32 v5, v5  }
0x16b: {  	s6 =	sshrl.u32 s13, $0x3;
	[tilespmem:s8+$0x93B0] =	vst v4  }
0x16c: {  	s8 =	sadd.s32 s21, s6;
	s6 =	simm.s32 $0x6380;
	[tilespmem:s5+$0x0] =	vst.add.f32.msk $0xffff, v5  }
0x16d: {  	[hbm4b:s8+s0] =	stream.linear.scatter [tilespmem:s6], [sflag:$0x9], $0x1800, $0x38;
	[tilespmem:$0x1FC80] =	vst v63  }
0x16e: {  	s15 =	simm.s32 $0x9380;
	s13 =	simm.s32 $0x200;
	s8 =	simm.s32 @!p1 $0x7  }
0x16f: {  	[spmem:s25] =	stream.indirect.scatter.add.f32 [tilespmem:s15], [sflag:$0xB], $0x80, s13, s10, $0xb8;
	[tilespmem:$0x1FC80] =	vst v63  }
0x170: {  	_ =	swait.ge @!p1 [sflag:s8], $0x30  }
0x171: {  	[sflag:s8] =	ssyncset.done @!p1 $0x0  }
0x172: {  	[sflag:s8] =	ssyncadd.s32 @!p1 $0xFFFFFFD0  }
0x173: {  	_ =	swait.ge @!p1 [sflag:s8], $0x30  }
0x174: {  	[sflag:s8] =	ssyncset.done @!p1 $0x0  }
0x175: {  	[sflag:s8] =	ssyncadd.s32 @!p1 $0xFFFFFFD0;
	s8 =	simm.s32 @!p1 $0x9  }
0x176: {  	_ =	swait.ge @!p1 [sflag:s8], $0x1800  }
0x177: {  	[sflag:s8] =	ssyncset.done @!p1 $0x0  }
0x178: {  	[sflag:s8] =	ssyncadd.s32 @!p1 $0xFFFFE800  }
0x179: {  	v4 =	vld @!p1 [tilespmem:$0x0]  }
0x17a: {  	v5 =	vld @!p1 [tilespmem:$0x10]  }
0x17b: {  	v6 =	vld @!p1 [tilespmem:$0x20];
	_ =	sdelay $0x2  }
0x17c: {  	v4 =	vadd.s32 @!p1 v0, v4  }
0x17d: {  	[tilespmem:$0x0] =	vst @!p1 v4;
	v4 =	vadd.s32 @!p1 v0, v5  }
0x17e: {  	s13 =	simm.s32 @!p1 $0x0;
	[tilespmem:$0x10] =	vst @!p1 v4;
	v4 =	vadd.s32 @!p1 v0, v6  }
0x17f: {  	s15 =	simm.s32 @!p1 $0x380;
	s8 =	simm.s32 @!p1 $0x30;
	s6 =	rddreg [dreg:$0x0];
	[tilespmem:$0x20] =	vst @!p1 v4  }
0x180: {  	[tilespmem:s15], [sflag:$0x1] =	stream.indirect.gather @!p1 [hbm4b:s6+s8], $0x80, s13, s8, $0xb8;
	[tilespmem:$0x1FC80] =	vst v63  }
0x181: {  	s15 =	simm.s32 @!p1 $0x100;
	s6 =	simm.s32 @!p1 $0x3380  }
0x182: {  	[tilespmem:s6], [sflag:$0x3] =	stream.indirect.gather @!p1 [hbm4b:s17+s8], $0x80, s15, s8, $0xb8;
	[tilespmem:$0x1FC80] =	vst v63  }
0x183: {  	s6 =	sshll.u32 @!p1 s16, $0x7  }
0x184: {  	s6 =	sadd.s32 @!p1 s3, s6  }
0x185: {  	s6 =	sshrl.u32 @!p1 s6, $0x3  }
0x186: {  	s8 =	simm.s32 @!p1 $0x6380;
	s6 =	sadd.s32 @!p1 s18, s6  }
0x187: {  	[tilespmem:s8], [sflag:$0x5] =	stream.linear.gather @!p1 [hbm4b:s6+s13], $0x1800, $0x38;
	[tilespmem:$0x1FC80] =	vst v63  }
0x188: {  	_ =	swait.ge [sflag:s26], $0x1800  }
0x189: {  	[sflag:s26] =	ssyncset.done $0x0  }
0x18a: {  	[sflag:s26] =	ssyncadd.s32 $0xFFFFE800  }
0x18b: {  	_ =	swait.ge [sflag:s12], $0x1800  }
0x18c: {  	[sflag:s12] =	ssyncset.done $0x0  }
0x18d: {  	[sflag:s12] =	ssyncadd.s32 $0xFFFFE800  }
0x18e: {  	_ =	swait.ge [sflag:s22], $0x1800  }
0x18f: {  	[sflag:s22] =	ssyncset.done $0x0  }
0x190: {  	[sflag:s22] =	ssyncadd.s32 $0xFFFFE800  }
0x191: {  	v4 =	vld [tilespmem:$0x180]  }
0x192: {  	v5 =	vld [tilespmem:$0x190]  }
0x193: {  	s6 =	sld [smem:$0x7FD];
	v6 =	vld [tilespmem:$0x1A0];
	_ =	sdelay $0x2  }
0x194: {  	s6 =	sadd.s32 @!p1 s14, s6;
	[tilespmem:$0x280] =	vst v4  }
0x195: {  	s6 =	sshrl.u32 @!p1 s6, $0x3;
	[tilespmem:$0x290] =	vst v5  }
0x196: {  	s14 =	simm.s32 @!p1 $0x80;
	s8 =	sadd.s32 @!p1 s19, s6;
	[tilespmem:$0x2A0] =	vst v6  }
0x197: {  	[tilespmem:s14], [sflag:$0x8] =	stream.linear.gather @!p1 [hbm4b:s8+s13], $0x30, $0x38;
	[tilespmem:$0x1FC80] =	vst v63  }
0x198: {  	s6 =	sadd.s32 @!p1 s20, s6;
	s8 =	simm.s32 @!p1 $0x180  }
0x199: {  	[tilespmem:s8], [sflag:$0x8] =	stream.linear.gather @!p1 [hbm4b:s6+s13], $0x30, $0x38;
	[tilespmem:$0x1FC80] =	vst v63  }
0x19a: {  	s6 =	simm.s32 @p2 $0xC  }
0x19b: {  	_ =	swait.ge @p2 [sflag:s6], $0x1800  }
0x19c: {  	[sflag:s6] =	ssyncset.done @p2 $0x0  }
0x19d: {  	s16 =	simm.s32 $0x0;
	[sflag:s6] =	ssyncadd.s32 @p2 $0xFFFFE800  }
0x19e: {  	v4 =	vld.idx.msk [tilespmem:v2+s16+$0xFFFFFFD0 ss:$0x1], $0xffff  }
0x19f: {  	v5 =	vld [tilespmem:s16+$0x1B80];
	_ =	sdelay $0x1  }
0x1a0: {  	v6 =	vld [tilespmem:s16+$0x7B80];
	_ =	sdelay $0x2  }
0x1a1: {  	v4 =	vadd.f32 v4, v5;
	_ =	sdelay $0x1  }
0x1a2: {  	v4 =	vadd.f32 v6, v4;
	_ =	sdelay $0x1  }
0x1a3: {  	v5 =	vld.idx.msk [tilespmem:v2+s16+$0xFFFFFFE0 ss:$0x1], $0xffff;
	v4 =	vmul.f32 $1.442695020e+00, v4  }
0x1a4: {  	v6 =	vld [tilespmem:s16+$0x1B90]  }
0x1a5: {  	(erf) = vpow2.f32 v4  }
0x1a6: {  	v7 =	vld [tilespmem:s16+$0x7B90];
	_ =	sdelay $0x2  }
0x1a7: {  	v4 =	vadd.f32 v5, v6  }
0x1a8: {  	v5 =	vld.idx.msk [tilespmem:v2+s16+$0xFFFFFFF0 ss:$0x1], $0xffff  }
0x1a9: {  	v6 =	vld [tilespmem:s16+$0x1BA0];
	v4 =	vadd.f32 v7, v4;
	_ =	sdelay $0x1  }
0x1aa: {  	v7 =	vld [tilespmem:s16+$0x7BA0];
	v4 =	vmul.f32 $1.442695020e+00, v4  }
0x1ab: {  	v62 =	vpop (erf)  }
0x1ac: {  	(erf) = vpow2.f32 v4;
	v4 =	vadd.f32 $1.000000000e+00, v62  }
0x1ad: {  	v5 =	vadd.f32 v5, v6  }
0x1ae: {  	(erf) = vrcp.f32 v4  }
0x1af: {  	v4 =	vadd.f32 v7, v5;
	_ =	sdelay $0x1  }
0x1b0: {  	v6 =	vld [tilespmem:s16+$0x1BB0];
	v4 =	vmul.f32 $1.442695020e+00, v4  }
0x1b1: {  	v5 =	vld.idx.msk [tilespmem:v2+s16+$0x0 ss:$0x1], $0xffff;
	_ =	sdelay $0x1  }
0x1b2: {  	v7 =	vld [tilespmem:s16+$0x1BC0];
	(erf) = vpow2.f32 v4  }
0x1b3: {  	v63 =	vld [tilespmem:s16+$0x7BB0];
	v4 =	vpop (erf)  }
0x1b4: {  	v4 =	vadd.f32 $1.000000000e+00, v4  }
0x1b5: {  	v5 =	vadd.f32 v5, v6;
	v6 =	vpop (erf)  }
0x1b6: {  	(erf) = vrcp.f32 v4;
	[tilespmem:s16+$0xABC0] =	vst v6  }
0x1b7: {  	v4 =	vmul.f32 v7, v6;
	[tilespmem:s16+$0x7B80] =	vst v6;
	v6 =	vmul.f32 v6, v6  }
0x1b8: {  	v5 =	vadd.f32 v63, v5;
	_ =	sdelay $0x1  }
0x1b9: {  	[tilespmem:s16+$0xAB80] =	vst v4;
	v4 =	vmul.f32 $1.442695020e+00, v5  }
0x1ba: {  	[tilespmem:s1+$0x0] =	vst.add.f32.msk $0xffff, v6;
	v6 =	vpop (erf)  }
0x1bb: {  	v5 =	vld [tilespmem:s16+$0x1BD0];
	(erf) = vpow2.f32 v4;
	v4 =	vadd.f32 $1.000000000e+00, v6;
	_ =	sdelay $0x3  }
0x1bc: {  	(erf) = vrcp.f32 v4;
	v4 =	vpop (erf)  }
0x1bd: {  	v5 =	vmul.f32 v5, v4;
	[tilespmem:s16+$0xABD0] =	vst v4  }
0x1be: {  	[tilespmem:s16+$0x7B90] =	vst v4;
	v4 =	vmul.f32 v4, v4  }
0x1bf: {  	[tilespmem:s16+$0xAB90] =	vst v5  }
0x1c0: {  	[tilespmem:s2+$0x0] =	vst.add.f32.msk $0xffff, v4  }
0x1c1: {  	v4 =	vld [tilespmem:s16+$0x1BE0]  }
0x1c2: {  	v5 =	vpop (erf)  }
0x1c3: {  	v5 =	vadd.f32 $1.000000000e+00, v5;
	_ =	sdelay $0x1  }
0x1c4: {  	v6 =	vpop (erf);
	(erf) = vrcp.f32 v5  }
0x1c5: {  	[tilespmem:s16+$0x7BA0] =	vst v6;
	v4 =	vmul.f32 v4, v6  }
0x1c6: {  	[tilespmem:s16+$0xABE0] =	vst v6;
	v5 =	vmul.f32 v6, v6  }
0x1c7: {  	[tilespmem:s16+$0xABA0] =	vst v4  }
0x1c8: {  	[tilespmem:s4+$0x0] =	vst.add.f32.msk $0xffff, v5  }
0x1c9: {  	v4 =	vld [tilespmem:s16+$0x1BF0];
	_ =	sdelay $0x3  }
0x1ca: {  	v5 =	vpop (erf)  }
0x1cb: {  	[tilespmem:s16+$0x7BB0] =	vst v5;
	v6 =	vmul.f32 v4, v5  }
0x1cc: {  	[tilespmem:s16+$0xABF0] =	vst v5  }
0x1cd: {  	s15 =	simm.s32 $0x7B80;
	s14 =	simm.s32 $0x400;
	s8 =	simm.s32 $0x200;
	v4 =	vmul.f32 v5, v5;
	[tilespmem:s16+$0xABB0] =	vst v6  }
.LBB2_7:
0x1ce: {  	p1 =	sne.s32 s14, $0x5E00  }
0x1cf: {  	s13 =	sshra.s32 s8, $0x2;
	[tilespmem:s5+$0x0] =	vst.add.f32.msk $0xffff, v4;
	s8 =	smov.u32 s14;
	s14 =	sadd.s32 $0x200, s14  }
0x1d0: {  	v4 =	vld.idx.msk [tilespmem:v2+s13+$0xFFFFFFD0 ss:$0x1], $0xffff  }
0x1d1: {  	v5 =	vld [tilespmem:s13+$0x1B80];
	_ =	sdelay $0x1  }
0x1d2: {  	v6 =	vld [tilespmem:s13+$0x7B80];
	_ =	sdelay $0x2  }
0x1d3: {  	v4 =	vadd.f32 v4, v5;
	_ =	sdelay $0x1  }
0x1d4: {  	v4 =	vadd.f32 v6, v4  }
0x1d5: {  	v5 =	vld.idx.msk [tilespmem:v2+s13+$0xFFFFFFE0 ss:$0x1], $0xffff  }
0x1d6: {  	v6 =	vld [tilespmem:s13+$0x1B90];
	v4 =	vmul.f32 $1.442695020e+00, v4;
	_ =	sdelay $0x1  }
0x1d7: {  	v7 =	vld [tilespmem:s13+$0x7B90];
	(erf) = vpow2.f32 v4  }
0x1d8: {  	v4 =	vld.idx.msk [tilespmem:v2+s13+$0xFFFFFFF0 ss:$0x1], $0xffff  }
0x1d9: {  	v8 =	vld [tilespmem:s13+$0x1BA0]  }
0x1da: {  	v5 =	vadd.f32 v5, v6  }
0x1db: {  	v6 =	vld [tilespmem:s13+$0x7BA0]  }
0x1dc: {  	v5 =	vadd.f32 v7, v5;
	_ =	sdelay $0x1  }
0x1dd: {  	v4 =	vadd.f32 v4, v8;
	v5 =	vmul.f32 $1.442695020e+00, v5;
	_ =	sdelay $0x1  }
0x1de: {  	v4 =	vadd.f32 v6, v4;
	v6 =	vpop (erf);
	(erf) = vpow2.f32 v5  }
0x1df: {  	v5 =	vld.idx.msk [tilespmem:v2+s13+$0x0 ss:$0x1], $0xffff;
	v6 =	vadd.f32 $1.000000000e+00, v6  }
0x1e0: {  	v7 =	vld [tilespmem:s13+$0x1BB0];
	v4 =	vmul.f32 $1.442695020e+00, v4  }
0x1e1: {  	(erf) = vrcp.f32 v6  }
0x1e2: {  	v6 =	vld [tilespmem:s13+$0x7BB0];
	(erf) = vpow2.f32 v4;
	_ =	sdelay $0x2  }
0x1e3: {  	v4 =	vadd.f32 v5, v7  }
0x1e4: {  	v5 =	vld [tilespmem:s13+$0x1BC0]  }
0x1e5: {  	v4 =	vadd.f32 v6, v4;
	v6 =	vpop (erf)  }
0x1e6: {  	v8 =	vadd.f32 $1.000000000e+00, v6  }
0x1e7: {  	v4 =	vmul.f32 $1.442695020e+00, v4  }
0x1e8: {  	v7 =	vpop (erf);
	(erf) = vrcp.f32 v8  }
0x1e9: {  	v5 =	vmul.f32 v5, v7;
	[tilespmem:s13+$0xABC0] =	vst v7;
	v6 =	vpop (erf);
	(erf) = vpow2.f32 v4  }
0x1ea: {  	v4 =	vadd.f32 $1.000000000e+00, v6;
	[tilespmem:s13+$0x7B80] =	vst v7;
	v6 =	vmul.f32 v7, v7  }
0x1eb: {  	[tilespmem:s13+$0xAB80] =	vst v5  }
0x1ec: {  	[tilespmem:s1+$0x0] =	vst.add.f32.msk $0xffff, v6;
	(erf) = vrcp.f32 v4  }
0x1ed: {  	v4 =	vld [tilespmem:s13+$0x1BD0];
	_ =	sdelay $0x3  }
0x1ee: {  	v5 =	vpop (erf)  }
0x1ef: {  	v7 =	vmul.f32 v4, v5;
	[tilespmem:s13+$0xABD0] =	vst v5;
	v6 =	vpop (erf)  }
0x1f0: {  	v6 =	vadd.f32 $1.000000000e+00, v6;
	[tilespmem:s13+$0x7B90] =	vst v5;
	v5 =	vmul.f32 v5, v5  }
0x1f1: {  	[tilespmem:s13+$0xAB90] =	vst v7  }
0x1f2: {  	[tilespmem:s2+$0x0] =	vst.add.f32.msk $0xffff, v5;
	v4 =	vpop (erf);
	(erf) = vrcp.f32 v6  }
0x1f3: {  	v5 =	vld [tilespmem:s13+$0x1BE0];
	[tilespmem:s13+$0x7BA0] =	vst v4  }
0x1f4: {  	[tilespmem:s13+$0xABE0] =	vst v4;
	_ =	sdelay $0x3  }
0x1f5: {  	v5 =	vmul.f32 v5, v4  }
0x1f6: {  	v6 =	vmul.f32 v4, v4  }
0x1f7: {  	[tilespmem:s13+$0xABA0] =	vst v5  }
0x1f8: {  	[tilespmem:s4+$0x0] =	vst.add.f32.msk $0xffff, v6;
	v4 =	vpop (erf)  }
0x1f9: {  	v5 =	vld [tilespmem:s13+$0x1BF0];
	[tilespmem:s13+$0x7BB0] =	vst v4  }
0x1fa: {  	[tilespmem:s13+$0xABF0] =	vst v4;
	_ =	sdelay $0x1  }
.Ltmp2:
0x1fb: {  	(pc) =	sbr.rel @p1 .LBB2_7-.Ltmp2, $4  }
0x1fc: {  	_ = 	snop  }
0x1fd: {  	v5 =	vmul.f32 v5, v4  }
0x1fe: {  	v4 =	vmul.f32 v4, v4  }
0x1ff: {  	[tilespmem:s13+$0xABB0] =	vst v5  }
0x200: {  	_ =	sdelay $0x2  }
0x201: {  	s8 =	sshra.s32 s8, $0x2;
	[tilespmem:s5+$0x0] =	vst.add.f32.msk $0xffff, v4  }
0x202: {  	v4 =	vld.idx.msk [tilespmem:v2+s8+$0xFFFFFFD0 ss:$0x1], $0xffff  }
0x203: {  	v5 =	vld [tilespmem:s8+$0x1B80];
	_ =	sdelay $0x1  }
0x204: {  	v6 =	vld [tilespmem:s8+$0x7B80];
	_ =	sdelay $0x2  }
0x205: {  	v4 =	vadd.f32 v4, v5;
	_ =	sdelay $0x1  }
0x206: {  	v4 =	vadd.f32 v6, v4  }
0x207: {  	v55 =	vld [tilespmem:s8+$0x1B90]  }
0x208: {  	v5 =	vld.idx.msk [tilespmem:v2+s8+$0xFFFFFFE0 ss:$0x1], $0xffff;
	v4 =	vmul.f32 $1.442695020e+00, v4;
	_ =	sdelay $0x1  }
0x209: {  	v7 =	vld [tilespmem:s8+$0x7B90];
	(erf) = vpow2.f32 v4;
	_ =	sdelay $0x2  }
0x20a: {  	v4 =	vadd.f32 v5, v55  }
0x20b: {  	v56 =	vld [tilespmem:s8+$0x1BA0]  }
0x20c: {  	v5 =	vld.idx.msk [tilespmem:v2+s8+$0xFFFFFFF0 ss:$0x1], $0xffff;
	v4 =	vadd.f32 v7, v4;
	_ =	sdelay $0x1  }
0x20d: {  	v57 =	vld [tilespmem:s8+$0x7BA0];
	v4 =	vmul.f32 $1.442695020e+00, v4;
	_ =	sdelay $0x1  }
0x20e: {  	v8 =	vpop (erf);
	(erf) = vpow2.f32 v4  }
0x20f: {  	v5 =	vadd.f32 v5, v56;
	v4 =	vadd.f32 $1.000000000e+00, v8;
	_ =	sdelay $0x1  }
0x210: {  	(erf) = vrcp.f32 v4;
	v4 =	vadd.f32 v57, v5;
	_ =	sdelay $0x1  }
0x211: {  	v58 =	vld [tilespmem:s8+$0x1BB0];
	v4 =	vmul.f32 $1.442695020e+00, v4  }
0x212: {  	v5 =	vld.idx.msk [tilespmem:v2+s8+$0x0 ss:$0x1], $0xffff  }
0x213: {  	v59 =	vld [tilespmem:s8+$0x1BC0];
	(erf) = vpow2.f32 v4  }
0x214: {  	v60 =	vld [tilespmem:s8+$0x7BB0]  }
0x215: {  	v4 =	vpop (erf)  }
0x216: {  	v4 =	vadd.f32 $1.000000000e+00, v4  }
0x217: {  	v5 =	vadd.f32 v5, v58  }
0x218: {  	v61 =	vpop (erf);
	(erf) = vrcp.f32 v4  }
0x219: {  	v5 =	vadd.f32 v60, v5;
	v4 =	vmul.f32 v59, v61;
	[tilespmem:s8+$0xABC0] =	vst v61  }
0x21a: {  	[tilespmem:s8+$0x7B80] =	vst v61;
	v6 =	vmul.f32 v61, v61  }
0x21b: {  	[tilespmem:s8+$0xAB80] =	vst v4;
	v4 =	vmul.f32 $1.442695020e+00, v5  }
0x21c: {  	[tilespmem:s1+$0x0] =	vst.add.f32.msk $0xffff, v6;
	v62 =	vpop (erf)  }
0x21d: {  	v5 =	vld [tilespmem:s8+$0x1BD0];
	(erf) = vpow2.f32 v4;
	v4 =	vadd.f32 $1.000000000e+00, v62;
	_ =	sdelay $0x3  }
0x21e: {  	(erf) = vrcp.f32 v4;
	v4 =	vpop (erf)  }
0x21f: {  	v5 =	vmul.f32 v5, v4;
	[tilespmem:s8+$0xABD0] =	vst v4  }
0x220: {  	[tilespmem:s8+$0x7B90] =	vst v4;
	v4 =	vmul.f32 v4, v4  }
0x221: {  	[tilespmem:s8+$0xAB90] =	vst v5  }
0x222: {  	[tilespmem:s2+$0x0] =	vst.add.f32.msk $0xffff, v4  }
0x223: {  	v4 =	vld [tilespmem:s8+$0x1BE0]  }
0x224: {  	v5 =	vpop (erf)  }
0x225: {  	v5 =	vadd.f32 $1.000000000e+00, v5;
	_ =	sdelay $0x1  }
0x226: {  	v63 =	vpop (erf);
	(erf) = vrcp.f32 v5  }
0x227: {  	[tilespmem:s8+$0x7BA0] =	vst v63;
	v4 =	vmul.f32 v4, v63  }
0x228: {  	[tilespmem:s8+$0xABE0] =	vst v63;
	v5 =	vmul.f32 v63, v63  }
0x229: {  	[tilespmem:s8+$0xABA0] =	vst v4  }
0x22a: {  	[tilespmem:s4+$0x0] =	vst.add.f32.msk $0xffff, v5  }
0x22b: {  	v4 =	vld [tilespmem:s8+$0x1BF0];
	_ =	sdelay $0x3  }
0x22c: {  	v5 =	vpop (erf)  }
0x22d: {  	s11 =	sadd.s32 $0x1, s11;
	[tilespmem:s8+$0x7BB0] =	vst v5;
	v4 =	vmul.f32 v4, v5  }
0x22e: {  	p1 =	sne.s32 s11, $0xD0;
	[tilespmem:s8+$0xABF0] =	vst v5;
	v5 =	vmul.f32 v5, v5  }
.Ltmp3:
0x22f: {  	[tilespmem:s8+$0xABB0] =	vst v4;
	(pc) =	sbr.rel @p1 .LBB2_4-.Ltmp3, $4  }
0x230: {  	s6 =	sadd.s32 s21, s7;
	[tilespmem:s5+$0x0] =	vst.add.f32.msk $0xffff, v5  }
0x231: {  	[hbm4b:s6+s0] =	stream.linear.scatter [tilespmem:s15], [sflag:$0xA], $0x1800, $0x38;
	[tilespmem:$0x1FC80] =	vst v63  }
0x232: {  	s14 =	simm.s32 $0x280;
	s16 =	simm.s32 $0xAB80  }
0x233: {  	[spmem:s25] =	stream.indirect.scatter.add.f32 [tilespmem:s16], [sflag:$0xC], $0x80, s14, s10, $0xb8;
	[tilespmem:$0x1FC80] =	vst v63  }
0x234: {  	s6 =	simm.s32 $0x9  }
0x235: {  	_ =	swait.ge [sflag:s6], $0x1800  }
0x236: {  	[sflag:s6] =	ssyncset.done $0x0  }
0x237: {  	s8 =	simm.s32 $0xA;
	[sflag:s6] =	ssyncadd.s32 $0xFFFFE800  }
0x238: {  	_ =	swait.ge [sflag:s8], $0x1800  }
0x239: {  	[sflag:s8] =	ssyncset.done $0x0  }
0x23a: {  	[sflag:s8] =	ssyncadd.s32 $0xFFFFE800  }
0x23b: {  	_ =	swait.ge [sflag:s23], $0x1800  }
0x23c: {  	[sflag:s23] =	ssyncset.done $0x0  }
0x23d: {  	s11 =	simm.s32 $0xC;
	[sflag:s23] =	ssyncadd.s32 $0xFFFFE800  }
0x23e: {  	_ =	swait.ge [sflag:s11], $0x1800  }
0x23f: {  	s7 =	sld [smem:$0x7F4]  }
0x240: {  	[sflag:s11] =	ssyncset.done $0x0  }
0x241: {  	s6 =	simm.s32 $0x0;
	[sflag:s11] =	ssyncadd.s32 $0xFFFFE800  }
0x242: {  	[tilespmem:s6], [sflag:$0xD] =	stream.linear.gather [hbm4b:s7+s6], $0x20, $0x38;
	[tilespmem:$0x1FC80] =	vst v63  }
0x243: {  	_ =	swait.ge [sflag:s9], $0x20  }
0x244: {  	s13 =	sld [smem:$0x7F5]  }
0x245: {  	[sflag:s9] =	ssyncset.done $0x0  }
0x246: {  	s11 =	simm.s32 $0x300;
	[sflag:s9] =	ssyncadd.s32 $0xFFFFFFE0  }
0x247: {  	[tilespmem:s11], [sflag:$0xD] =	stream.linear.gather [hbm4b:s13+s6], $0x20, $0x38;
	[tilespmem:$0x1FC80] =	vst v63  }
0x248: {  	_ =	swait.ge [sflag:s9], $0x20  }
0x249: {  	[sflag:s9] =	ssyncset.done $0x0  }
0x24a: {  	[sflag:s9] =	ssyncadd.s32 $0xFFFFFFE0  }
0x24b: {  	v4 =	vld [tilespmem:$0x0]  }
0x24c: {  	v5 =	vld [tilespmem:$0x10];
	_ =	sdelay $0x3  }
0x24d: {  	v4 =	vadd.s32 v0, v4  }
0x24e: {  	[tilespmem:$0x0] =	vst v4;
	v4 =	vadd.s32 v0, v5  }
0x24f: {  	s16 =	simm.s32 $0x20;
	s8 =	simm.s32 $0x380;
	s14 =	rddreg [dreg:$0x0];
	[tilespmem:$0x10] =	vst v4  }
0x250: {  	[tilespmem:s8], [sflag:$0x1] =	stream.indirect.gather [hbm4b:s14+s16], $0x80, s6, s16, $0xb8;
	[tilespmem:$0x1FC80] =	vst v63  }
0x251: {  	_ =	swait.ge [sflag:s29], $0x1000  }
0x252: {  	[sflag:s29] =	ssyncset.done $0x0  }
0x253: {  	s8 =	simm.s32 $0x3380;
	[sflag:s29] =	ssyncadd.s32 $0xFFFFF000  }
0x254: {  	[tilespmem:s8], [sflag:$0x3] =	stream.indirect.gather [hbm4b:s17+s16], $0x80, s11, s16, $0xb8;
	[tilespmem:$0x1FC80] =	vst v63  }
0x255: {  	_ =	swait.ge [sflag:s30], $0x1000  }
0x256: {  	s8 =	sld [smem:$0x7F6]  }
0x257: {  	[sflag:s30] =	ssyncset.done $0x0  }
0x258: {  	s11 =	simm.s32 $0x6380;
	[sflag:s30] =	ssyncadd.s32 $0xFFFFF000  }
0x259: {  	[tilespmem:s11], [sflag:$0x5] =	stream.linear.gather [hbm4b:s8+s6], $0x1000, $0x38;
	[tilespmem:$0x1FC80] =	vst v63  }
0x25a: {  	_ =	swait.ge [sflag:s31], $0x1000  }
0x25b: {  	[sflag:s31] =	ssyncset.done $0x0  }
0x25c: {  	s16 =	simm.s32 $0x0;
	[sflag:s31] =	ssyncadd.s32 $0xFFFFF000  }
0x25d: {  	v4 =	vld.idx.msk [tilespmem:v1+s16+$0xFFFFFFD0 ss:$0x1], $0xffff  }
0x25e: {  	v5 =	vld [tilespmem:s16+$0x380];
	_ =	sdelay $0x1  }
0x25f: {  	v6 =	vld [tilespmem:s16+$0x6380];
	_ =	sdelay $0x2  }
0x260: {  	v4 =	vadd.f32 v4, v5;
	_ =	sdelay $0x1  }
0x261: {  	v4 =	vadd.f32 v6, v4;
	_ =	sdelay $0x1  }
0x262: {  	v5 =	vld.idx.msk [tilespmem:v1+s16+$0xFFFFFFE0 ss:$0x1], $0xffff;
	v4 =	vmul.f32 $1.442695020e+00, v4  }
0x263: {  	v6 =	vld [tilespmem:s16+$0x390]  }
0x264: {  	(erf) = vpow2.f32 v4  }
0x265: {  	v7 =	vld [tilespmem:s16+$0x6390];
	_ =	sdelay $0x2  }
0x266: {  	v4 =	vadd.f32 v5, v6  }
0x267: {  	v5 =	vld.idx.msk [tilespmem:v1+s16+$0xFFFFFFF0 ss:$0x1], $0xffff  }
0x268: {  	v6 =	vld [tilespmem:s16+$0x3A0];
	v4 =	vadd.f32 v7, v4;
	_ =	sdelay $0x1  }
0x269: {  	v7 =	vld [tilespmem:s16+$0x63A0];
	v4 =	vmul.f32 $1.442695020e+00, v4  }
0x26a: {  	v8 =	vpop (erf)  }
0x26b: {  	(erf) = vpow2.f32 v4;
	v4 =	vadd.f32 $1.000000000e+00, v8  }
0x26c: {  	v5 =	vadd.f32 v5, v6  }
0x26d: {  	(erf) = vrcp.f32 v4  }
0x26e: {  	v4 =	vadd.f32 v7, v5;
	_ =	sdelay $0x1  }
0x26f: {  	v6 =	vld [tilespmem:s16+$0x3B0];
	v4 =	vmul.f32 $1.442695020e+00, v4  }
0x270: {  	v5 =	vld.idx.msk [tilespmem:v1+s16+$0x0 ss:$0x1], $0xffff;
	_ =	sdelay $0x1  }
0x271: {  	v7 =	vld [tilespmem:s16+$0x3C0];
	(erf) = vpow2.f32 v4  }
0x272: {  	v63 =	vld [tilespmem:s16+$0x63B0];
	v4 =	vpop (erf)  }
0x273: {  	v4 =	vadd.f32 $1.000000000e+00, v4  }
0x274: {  	v5 =	vadd.f32 v5, v6;
	v6 =	vpop (erf)  }
0x275: {  	(erf) = vrcp.f32 v4;
	[tilespmem:s16+$0x93C0] =	vst v6  }
0x276: {  	v4 =	vmul.f32 v7, v6;
	[tilespmem:s16+$0x6380] =	vst v6;
	v6 =	vmul.f32 v6, v6  }
0x277: {  	v5 =	vadd.f32 v63, v5;
	_ =	sdelay $0x1  }
0x278: {  	[tilespmem:s16+$0x9380] =	vst v4;
	v4 =	vmul.f32 $1.442695020e+00, v5  }
0x279: {  	[tilespmem:s1+$0x0] =	vst.add.f32.msk $0xffff, v6;
	v6 =	vpop (erf)  }
0x27a: {  	v5 =	vld [tilespmem:s16+$0x3D0];
	(erf) = vpow2.f32 v4;
	v4 =	vadd.f32 $1.000000000e+00, v6;
	_ =	sdelay $0x3  }
0x27b: {  	(erf) = vrcp.f32 v4;
	v4 =	vpop (erf)  }
0x27c: {  	v5 =	vmul.f32 v5, v4;
	[tilespmem:s16+$0x93D0] =	vst v4  }
0x27d: {  	[tilespmem:s16+$0x6390] =	vst v4;
	v4 =	vmul.f32 v4, v4  }
0x27e: {  	[tilespmem:s16+$0x9390] =	vst v5  }
0x27f: {  	[tilespmem:s2+$0x0] =	vst.add.f32.msk $0xffff, v4  }
0x280: {  	v4 =	vld [tilespmem:s16+$0x3E0]  }
0x281: {  	v5 =	vpop (erf)  }
0x282: {  	v5 =	vadd.f32 $1.000000000e+00, v5;
	_ =	sdelay $0x1  }
0x283: {  	v6 =	vpop (erf);
	(erf) = vrcp.f32 v5  }
0x284: {  	[tilespmem:s16+$0x63A0] =	vst v6;
	v4 =	vmul.f32 v4, v6  }
0x285: {  	[tilespmem:s16+$0x93E0] =	vst v6;
	v5 =	vmul.f32 v6, v6  }
0x286: {  	[tilespmem:s16+$0x93A0] =	vst v4  }
0x287: {  	[tilespmem:s4+$0x0] =	vst.add.f32.msk $0xffff, v5  }
0x288: {  	v4 =	vld [tilespmem:s16+$0x3F0];
	_ =	sdelay $0x3  }
0x289: {  	v5 =	vpop (erf)  }
0x28a: {  	[tilespmem:s16+$0x63B0] =	vst v5;
	v6 =	vmul.f32 v4, v5  }
0x28b: {  	s7 =	simm.s32 $0x200;
	[tilespmem:s16+$0x93F0] =	vst v5  }
0x28c: {  	s13 =	simm.s32 $0x300;
	s14 =	simm.s32 $0x20;
	s8 =	simm.s32 $0x400;
	v4 =	vmul.f32 v5, v5;
	[tilespmem:s16+$0x93B0] =	vst v6  }
.LBB2_10:
0x28d: {  	p1 =	sne.s32 s8, $0x3E00  }
0x28e: {  	s11 =	sshra.s32 s7, $0x2;
	[tilespmem:s5+$0x0] =	vst.add.f32.msk $0xffff, v4;
	s7 =	smov.u32 s8;
	s8 =	sadd.s32 $0x200, s8  }
0x28f: {  	v4 =	vld.idx.msk [tilespmem:v1+s11+$0xFFFFFFD0 ss:$0x1], $0xffff  }
0x290: {  	v5 =	vld [tilespmem:s11+$0x380];
	_ =	sdelay $0x1  }
0x291: {  	v6 =	vld [tilespmem:s11+$0x6380];
	_ =	sdelay $0x2  }
0x292: {  	v4 =	vadd.f32 v4, v5;
	_ =	sdelay $0x1  }
0x293: {  	v4 =	vadd.f32 v6, v4  }
0x294: {  	v5 =	vld.idx.msk [tilespmem:v1+s11+$0xFFFFFFE0 ss:$0x1], $0xffff  }
0x295: {  	v6 =	vld [tilespmem:s11+$0x390];
	v4 =	vmul.f32 $1.442695020e+00, v4;
	_ =	sdelay $0x1  }
0x296: {  	v7 =	vld [tilespmem:s11+$0x6390];
	(erf) = vpow2.f32 v4  }
0x297: {  	v4 =	vld.idx.msk [tilespmem:v1+s11+$0xFFFFFFF0 ss:$0x1], $0xffff  }
0x298: {  	v8 =	vld [tilespmem:s11+$0x3A0]  }
0x299: {  	v5 =	vadd.f32 v5, v6  }
0x29a: {  	v6 =	vld [tilespmem:s11+$0x63A0]  }
0x29b: {  	v5 =	vadd.f32 v7, v5;
	_ =	sdelay $0x1  }
0x29c: {  	v4 =	vadd.f32 v4, v8;
	v5 =	vmul.f32 $1.442695020e+00, v5;
	_ =	sdelay $0x1  }
0x29d: {  	v4 =	vadd.f32 v6, v4;
	v6 =	vpop (erf);
	(erf) = vpow2.f32 v5  }
0x29e: {  	v5 =	vld.idx.msk [tilespmem:v1+s11+$0x0 ss:$0x1], $0xffff;
	v6 =	vadd.f32 $1.000000000e+00, v6  }
0x29f: {  	v7 =	vld [tilespmem:s11+$0x3B0];
	v4 =	vmul.f32 $1.442695020e+00, v4  }
0x2a0: {  	(erf) = vrcp.f32 v6  }
0x2a1: {  	v6 =	vld [tilespmem:s11+$0x63B0];
	(erf) = vpow2.f32 v4;
	_ =	sdelay $0x2  }
0x2a2: {  	v4 =	vadd.f32 v5, v7  }
0x2a3: {  	v5 =	vld [tilespmem:s11+$0x3C0]  }
0x2a4: {  	v4 =	vadd.f32 v6, v4;
	v6 =	vpop (erf)  }
0x2a5: {  	v8 =	vadd.f32 $1.000000000e+00, v6  }
0x2a6: {  	v4 =	vmul.f32 $1.442695020e+00, v4  }
0x2a7: {  	v7 =	vpop (erf);
	(erf) = vrcp.f32 v8  }
0x2a8: {  	v5 =	vmul.f32 v5, v7;
	[tilespmem:s11+$0x93C0] =	vst v7;
	v6 =	vpop (erf);
	(erf) = vpow2.f32 v4  }
0x2a9: {  	v4 =	vadd.f32 $1.000000000e+00, v6;
	[tilespmem:s11+$0x6380] =	vst v7;
	v6 =	vmul.f32 v7, v7  }
0x2aa: {  	[tilespmem:s11+$0x9380] =	vst v5  }
0x2ab: {  	[tilespmem:s1+$0x0] =	vst.add.f32.msk $0xffff, v6;
	(erf) = vrcp.f32 v4  }
0x2ac: {  	v4 =	vld [tilespmem:s11+$0x3D0];
	_ =	sdelay $0x3  }
0x2ad: {  	v5 =	vpop (erf)  }
0x2ae: {  	v7 =	vmul.f32 v4, v5;
	[tilespmem:s11+$0x93D0] =	vst v5;
	v6 =	vpop (erf)  }
0x2af: {  	v6 =	vadd.f32 $1.000000000e+00, v6;
	[tilespmem:s11+$0x6390] =	vst v5;
	v5 =	vmul.f32 v5, v5  }
0x2b0: {  	[tilespmem:s11+$0x9390] =	vst v7  }
0x2b1: {  	[tilespmem:s2+$0x0] =	vst.add.f32.msk $0xffff, v5;
	v4 =	vpop (erf);
	(erf) = vrcp.f32 v6  }
0x2b2: {  	v5 =	vld [tilespmem:s11+$0x3E0];
	[tilespmem:s11+$0x63A0] =	vst v4  }
0x2b3: {  	[tilespmem:s11+$0x93E0] =	vst v4;
	_ =	sdelay $0x3  }
0x2b4: {  	v5 =	vmul.f32 v5, v4  }
0x2b5: {  	v6 =	vmul.f32 v4, v4  }
0x2b6: {  	[tilespmem:s11+$0x93A0] =	vst v5  }
0x2b7: {  	[tilespmem:s4+$0x0] =	vst.add.f32.msk $0xffff, v6;
	v4 =	vpop (erf)  }
0x2b8: {  	v5 =	vld [tilespmem:s11+$0x3F0];
	[tilespmem:s11+$0x63B0] =	vst v4  }
0x2b9: {  	[tilespmem:s11+$0x93F0] =	vst v4;
	_ =	sdelay $0x1  }
.Ltmp4:
0x2ba: {  	(pc) =	sbr.rel @p1 .LBB2_10-.Ltmp4, $4  }
0x2bb: {  	_ = 	snop  }
0x2bc: {  	v5 =	vmul.f32 v5, v4  }
0x2bd: {  	v4 =	vmul.f32 v4, v4  }
0x2be: {  	[tilespmem:s11+$0x93B0] =	vst v5  }
0x2bf: {  	_ =	sdelay $0x2  }
0x2c0: {  	s7 =	sshra.s32 s7, $0x2;
	[tilespmem:s5+$0x0] =	vst.add.f32.msk $0xffff, v4  }
0x2c1: {  	v4 =	vld.idx.msk [tilespmem:v1+s7+$0xFFFFFFD0 ss:$0x1], $0xffff  }
0x2c2: {  	v5 =	vld [tilespmem:s7+$0x380];
	_ =	sdelay $0x1  }
0x2c3: {  	v6 =	vld [tilespmem:s7+$0x6380];
	_ =	sdelay $0x2  }
0x2c4: {  	v4 =	vadd.f32 v4, v5;
	_ =	sdelay $0x1  }
0x2c5: {  	v4 =	vadd.f32 v6, v4  }
0x2c6: {  	v55 =	vld [tilespmem:s7+$0x390]  }
0x2c7: {  	v5 =	vld.idx.msk [tilespmem:v1+s7+$0xFFFFFFE0 ss:$0x1], $0xffff;
	v4 =	vmul.f32 $1.442695020e+00, v4;
	_ =	sdelay $0x1  }
0x2c8: {  	v7 =	vld [tilespmem:s7+$0x6390];
	(erf) = vpow2.f32 v4;
	_ =	sdelay $0x2  }
0x2c9: {  	v4 =	vadd.f32 v5, v55  }
0x2ca: {  	v56 =	vld [tilespmem:s7+$0x3A0]  }
0x2cb: {  	v5 =	vld.idx.msk [tilespmem:v1+s7+$0xFFFFFFF0 ss:$0x1], $0xffff;
	v4 =	vadd.f32 v7, v4;
	_ =	sdelay $0x1  }
0x2cc: {  	v57 =	vld [tilespmem:s7+$0x63A0];
	v4 =	vmul.f32 $1.442695020e+00, v4;
	_ =	sdelay $0x1  }
0x2cd: {  	v8 =	vpop (erf);
	(erf) = vpow2.f32 v4  }
0x2ce: {  	v5 =	vadd.f32 v5, v56;
	v4 =	vadd.f32 $1.000000000e+00, v8;
	_ =	sdelay $0x1  }
0x2cf: {  	(erf) = vrcp.f32 v4;
	v4 =	vadd.f32 v57, v5;
	_ =	sdelay $0x1  }
0x2d0: {  	v58 =	vld [tilespmem:s7+$0x3B0];
	v4 =	vmul.f32 $1.442695020e+00, v4  }
0x2d1: {  	v5 =	vld.idx.msk [tilespmem:v1+s7+$0x0 ss:$0x1], $0xffff  }
0x2d2: {  	v59 =	vld [tilespmem:s7+$0x3C0];
	(erf) = vpow2.f32 v4  }
0x2d3: {  	v60 =	vld [tilespmem:s7+$0x63B0]  }
0x2d4: {  	v4 =	vpop (erf)  }
0x2d5: {  	v4 =	vadd.f32 $1.000000000e+00, v4  }
0x2d6: {  	v5 =	vadd.f32 v5, v58  }
0x2d7: {  	v61 =	vpop (erf);
	(erf) = vrcp.f32 v4  }
0x2d8: {  	v5 =	vadd.f32 v60, v5;
	v4 =	vmul.f32 v59, v61;
	[tilespmem:s7+$0x93C0] =	vst v61  }
0x2d9: {  	[tilespmem:s7+$0x6380] =	vst v61;
	v6 =	vmul.f32 v61, v61  }
0x2da: {  	[tilespmem:s7+$0x9380] =	vst v4;
	v4 =	vmul.f32 $1.442695020e+00, v5  }
0x2db: {  	[tilespmem:s1+$0x0] =	vst.add.f32.msk $0xffff, v6;
	v62 =	vpop (erf)  }
0x2dc: {  	v5 =	vld [tilespmem:s7+$0x3D0];
	(erf) = vpow2.f32 v4;
	v4 =	vadd.f32 $1.000000000e+00, v62;
	_ =	sdelay $0x3  }
0x2dd: {  	(erf) = vrcp.f32 v4;
	v4 =	vpop (erf)  }
0x2de: {  	v5 =	vmul.f32 v5, v4;
	[tilespmem:s7+$0x93D0] =	vst v4  }
0x2df: {  	[tilespmem:s7+$0x6390] =	vst v4;
	v4 =	vmul.f32 v4, v4  }
0x2e0: {  	[tilespmem:s7+$0x9390] =	vst v5  }
0x2e1: {  	[tilespmem:s2+$0x0] =	vst.add.f32.msk $0xffff, v4  }
0x2e2: {  	v4 =	vld [tilespmem:s7+$0x3E0]  }
0x2e3: {  	v5 =	vpop (erf)  }
0x2e4: {  	v5 =	vadd.f32 $1.000000000e+00, v5;
	_ =	sdelay $0x1  }
0x2e5: {  	v63 =	vpop (erf);
	(erf) = vrcp.f32 v5  }
0x2e6: {  	[tilespmem:s7+$0x63A0] =	vst v63;
	v4 =	vmul.f32 v4, v63  }
0x2e7: {  	[tilespmem:s7+$0x93E0] =	vst v63;
	v5 =	vmul.f32 v63, v63  }
0x2e8: {  	[tilespmem:s7+$0x93A0] =	vst v4  }
0x2e9: {  	[tilespmem:s4+$0x0] =	vst.add.f32.msk $0xffff, v5  }
0x2ea: {  	v4 =	vld [tilespmem:s7+$0x3F0];
	_ =	sdelay $0x3  }
0x2eb: {  	v5 =	vpop (erf)  }
0x2ec: {  	[tilespmem:s7+$0x63B0] =	vst v5;
	v4 =	vmul.f32 v4, v5  }
0x2ed: {  	s6 =	sld [smem:$0x7F7];
	[tilespmem:s7+$0x93F0] =	vst v5;
	v5 =	vmul.f32 v5, v5  }
0x2ee: {  	[tilespmem:s7+$0x93B0] =	vst v4  }
0x2ef: {  	s16 =	simm.s32 $0x6380;
	[tilespmem:s5+$0x0] =	vst.add.f32.msk $0xffff, v5  }
0x2f0: {  	[hbm4b:s6+s0] =	stream.linear.scatter [tilespmem:s16], [sflag:$0xD], $0x1000, $0x38;
	[tilespmem:$0x1FC80] =	vst v63  }
0x2f1: {  	_ =	swait.ge [sflag:s9], $0x1000  }
0x2f2: {  	[sflag:s9] =	ssyncset.done $0x0  }
0x2f3: {  	s8 =	simm.s32 $0x9380;
	[sflag:s9] =	ssyncadd.s32 $0xFFFFF000  }
0x2f4: {  	[spmem:s25] =	stream.indirect.scatter.add.f32 [tilespmem:s8], [sflag:$0xB], $0x80, s13, s14, $0xb8;
	[tilespmem:$0x1FC80] =	vst v63  }
0x2f5: {  	_ =	swait.ge [sflag:s23], $0x1000  }
0x2f6: {  	[sflag:s23] =	ssyncset.done $0x0  }
0x2f7: {  	[sflag:s23] =	ssyncadd.s32 $0xFFFFF000  }
0x2f8: {  	[bflag:$0x0] =	sbarrier.arrive $0xFFFF  }
0x2f9: {  	s7 =	simm.s32 $0x380;
	s11 =	rddreg [dreg:$0x11]  }
0x2fa: {  	[tilespmem:s7], [sflag:$0xD] =	stream.linear.gather [spmem:s11], $0x1800, $0x38;
	[tilespmem:$0x1FC80] =	vst v63  }
0x2fb: {  	_ =	swait.ge [sflag:s9], $0x1800  }
0x2fc: {  	[sflag:s9] =	ssyncset.done $0x0  }
0x2fd: {  	s13 =	rddreg [dreg:$0x4];
	[sflag:s9] =	ssyncadd.s32 $0xFFFFE800  }
0x2fe: {  	[hbm4b:s13+s0] =	stream.linear.scatter [tilespmem:s7], [sflag:$0xD], $0x1800, $0x38;
	[tilespmem:$0x1FC80] =	vst v63  }
0x2ff: {  	_ =	swait.ge [sflag:s9], $0x1800  }
0x300: {  	[sflag:s9] =	ssyncset.done $0x0  }
0x301: {  	s14 =	rddreg [dreg:$0x12];
	[sflag:s9] =	ssyncadd.s32 $0xFFFFE800  }
0x302: {  	[tilespmem:s7], [sflag:$0xD] =	stream.linear.gather [spmem:s14], $0x1800, $0x38;
	[tilespmem:$0x1FC80] =	vst v63  }
0x303: {  	_ =	swait.ge [sflag:s9], $0x1800  }
0x304: {  	[sflag:s9] =	ssyncset.done $0x0  }
0x305: {  	s16 =	rddreg [dreg:$0x5];
	[sflag:s9] =	ssyncadd.s32 $0xFFFFE800  }
0x306: {  	[hbm4b:s16+s0] =	stream.linear.scatter [tilespmem:s7], [sflag:$0xD], $0x1800, $0x38;
	[tilespmem:$0x1FC80] =	vst v63  }
0x307: {  	_ =	swait.ge [sflag:s9], $0x1800  }
0x308: {  	[sflag:s9] =	ssyncset.done $0x0  }
0x309: {  	s8 =	rddreg [dreg:$0x13];
	[sflag:s9] =	ssyncadd.s32 $0xFFFFE800  }
0x30a: {  	[tilespmem:s7], [sflag:$0xD] =	stream.linear.gather [spmem:s8], $0x1800, $0x38;
	[tilespmem:$0x1FC80] =	vst v63  }
0x30b: {  	_ =	swait.ge [sflag:s9], $0x1800  }
0x30c: {  	[sflag:s9] =	ssyncset.done $0x0  }
0x30d: {  	s11 =	rddreg [dreg:$0x6];
	[sflag:s9] =	ssyncadd.s32 $0xFFFFE800  }
0x30e: {  	[hbm4b:s11+s0] =	stream.linear.scatter [tilespmem:s7], [sflag:$0xD], $0x1800, $0x38;
	[tilespmem:$0x1FC80] =	vst v63  }
0x30f: {  	_ =	swait.ge [sflag:s9], $0x1800  }
0x310: {  	[sflag:s9] =	ssyncset.done $0x0  }
0x311: {  	s13 =	rddreg [dreg:$0x14];
	[sflag:s9] =	ssyncadd.s32 $0xFFFFE800  }
0x312: {  	[tilespmem:s7], [sflag:$0xD] =	stream.linear.gather [spmem:s13], $0x1800, $0x38;
	[tilespmem:$0x1FC80] =	vst v63  }
0x313: {  	_ =	swait.ge [sflag:s9], $0x1800  }
0x314: {  	[sflag:s9] =	ssyncset.done $0x0  }
0x315: {  	s14 =	rddreg [dreg:$0x7];
	[sflag:s9] =	ssyncadd.s32 $0xFFFFE800  }
0x316: {  	[hbm4b:s14+s0] =	stream.linear.scatter [tilespmem:s7], [sflag:$0xD], $0x1800, $0x38;
	[tilespmem:$0x1FC80] =	vst v63  }
0x317: {  	_ =	swait.ge [sflag:s9], $0x1800  }
0x318: {  	[sflag:s9] =	ssyncset.done $0x0  }
0x319: {  	s16 =	rddreg [dreg:$0x15];
	[sflag:s9] =	ssyncadd.s32 $0xFFFFE800  }
0x31a: {  	[tilespmem:s7], [sflag:$0xD] =	stream.linear.gather [spmem:s16], $0x1800, $0x38;
	[tilespmem:$0x1FC80] =	vst v63  }
0x31b: {  	_ =	swait.ge [sflag:s9], $0x1800  }
0x31c: {  	[sflag:s9] =	ssyncset.done $0x0  }
0x31d: {  	s8 =	rddreg [dreg:$0x8];
	[sflag:s9] =	ssyncadd.s32 $0xFFFFE800  }
0x31e: {  	[hbm4b:s8+s0] =	stream.linear.scatter [tilespmem:s7], [sflag:$0xD], $0x1800, $0x38;
	[tilespmem:$0x1FC80] =	vst v63  }
0x31f: {  	_ =	swait.ge [sflag:s9], $0x1800  }
0x320: {  	[sflag:s9] =	ssyncset.done $0x0  }
0x321: {  	s11 =	rddreg [dreg:$0x16];
	[sflag:s9] =	ssyncadd.s32 $0xFFFFE800  }
0x322: {  	[tilespmem:s7], [sflag:$0xD] =	stream.linear.gather [spmem:s11], $0x1800, $0x38;
	[tilespmem:$0x1FC80] =	vst v63  }
0x323: {  	_ =	swait.ge [sflag:s9], $0x1800  }
0x324: {  	[sflag:s9] =	ssyncset.done $0x0  }
0x325: {  	s13 =	rddreg [dreg:$0x9];
	[sflag:s9] =	ssyncadd.s32 $0xFFFFE800  }
0x326: {  	[hbm4b:s13+s0] =	stream.linear.scatter [tilespmem:s7], [sflag:$0xD], $0x1800, $0x38;
	[tilespmem:$0x1FC80] =	vst v63  }
0x327: {  	_ =	swait.ge [sflag:s9], $0x1800  }
0x328: {  	[sflag:s9] =	ssyncset.done $0x0  }
0x329: {  	s13 =	rddreg [dreg:$0x17];
	[sflag:s9] =	ssyncadd.s32 $0xFFFFE800  }
0x32a: {  	[tilespmem:s7], [sflag:$0xD] =	stream.linear.gather [spmem:s13], $0x1800, $0x38;
	[tilespmem:$0x1FC80] =	vst v63  }
0x32b: {  	_ =	swait.ge [sflag:s9], $0x1800  }
0x32c: {  	[sflag:s9] =	ssyncset.done $0x0  }
0x32d: {  	s14 =	rddreg [dreg:$0xa];
	[sflag:s9] =	ssyncadd.s32 $0xFFFFE800  }
0x32e: {  	[hbm4b:s14+s0] =	stream.linear.scatter [tilespmem:s7], [sflag:$0xD], $0x1800, $0x38;
	[tilespmem:$0x1FC80] =	vst v63  }
0x32f: {  	_ =	swait.ge [sflag:s9], $0x1800  }
0x330: {  	[sflag:s9] =	ssyncset.done $0x0  }
0x331: {  	s16 =	rddreg [dreg:$0x18];
	[sflag:s9] =	ssyncadd.s32 $0xFFFFE800  }
0x332: {  	[tilespmem:s7], [sflag:$0xD] =	stream.linear.gather [spmem:s16], $0x1800, $0x38;
	[tilespmem:$0x1FC80] =	vst v63  }
0x333: {  	_ =	swait.ge [sflag:s9], $0x1800  }
0x334: {  	[sflag:s9] =	ssyncset.done $0x0  }
0x335: {  	s8 =	rddreg [dreg:$0xb];
	[sflag:s9] =	ssyncadd.s32 $0xFFFFE800  }
0x336: {  	[hbm4b:s8+s0] =	stream.linear.scatter [tilespmem:s7], [sflag:$0xD], $0x1800, $0x38;
	[tilespmem:$0x1FC80] =	vst v63  }
0x337: {  	_ =	swait.ge [sflag:s9], $0x1800  }
0x338: {  	[sflag:s9] =	ssyncset.done $0x0  }
0x339: {  	s11 =	rddreg [dreg:$0x19];
	[sflag:s9] =	ssyncadd.s32 $0xFFFFE800  }
0x33a: {  	[tilespmem:s7], [sflag:$0xD] =	stream.linear.gather [spmem:s11], $0x1800, $0x38;
	[tilespmem:$0x1FC80] =	vst v63  }
0x33b: {  	_ =	swait.ge [sflag:s9], $0x1800  }
0x33c: {  	[sflag:s9] =	ssyncset.done $0x0  }
0x33d: {  	s14 =	rddreg [dreg:$0xc];
	[sflag:s9] =	ssyncadd.s32 $0xFFFFE800  }
0x33e: {  	[hbm4b:s14+s0] =	stream.linear.scatter [tilespmem:s7], [sflag:$0xD], $0x1800, $0x38;
	[tilespmem:$0x1FC80] =	vst v63  }
0x33f: {  	_ =	swait.ge [sflag:s9], $0x1800  }
0x340: {  	[sflag:s9] =	ssyncset.done $0x0  }
0x341: {  	s14 =	rddreg [dreg:$0x1a];
	[sflag:s9] =	ssyncadd.s32 $0xFFFFE800  }
0x342: {  	[tilespmem:s7], [sflag:$0xD] =	stream.linear.gather [spmem:s14], $0x1800, $0x38;
	[tilespmem:$0x1FC80] =	vst v63  }
0x343: {  	_ =	swait.ge [sflag:s9], $0x1800  }
0x344: {  	[sflag:s9] =	ssyncset.done $0x0  }
0x345: {  	s16 =	rddreg [dreg:$0xd];
	[sflag:s9] =	ssyncadd.s32 $0xFFFFE800  }
0x346: {  	[hbm4b:s16+s0] =	stream.linear.scatter [tilespmem:s7], [sflag:$0xD], $0x1800, $0x38;
	[tilespmem:$0x1FC80] =	vst v63  }
0x347: {  	_ =	swait.ge [sflag:s9], $0x1800  }
0x348: {  	[sflag:s9] =	ssyncset.done $0x0  }
0x349: {  	s8 =	rddreg [dreg:$0x1b];
	[sflag:s9] =	ssyncadd.s32 $0xFFFFE800  }
0x34a: {  	[tilespmem:s7], [sflag:$0xD] =	stream.linear.gather [spmem:s8], $0x1800, $0x38;
	[tilespmem:$0x1FC80] =	vst v63  }
0x34b: {  	_ =	swait.ge [sflag:s9], $0x1800  }
0x34c: {  	[sflag:s9] =	ssyncset.done $0x0  }
0x34d: {  	s11 =	rddreg [dreg:$0xe];
	[sflag:s9] =	ssyncadd.s32 $0xFFFFE800  }
0x34e: {  	[hbm4b:s11+s0] =	stream.linear.scatter [tilespmem:s7], [sflag:$0xD], $0x1800, $0x38;
	[tilespmem:$0x1FC80] =	vst v63  }
0x34f: {  	_ =	swait.ge [sflag:s9], $0x1800  }
0x350: {  	[sflag:s9] =	ssyncset.done $0x0  }
0x351: {  	s16 =	rddreg [dreg:$0x1c];
	[sflag:s9] =	ssyncadd.s32 $0xFFFFE800  }
0x352: {  	[tilespmem:s7], [sflag:$0xD] =	stream.linear.gather [spmem:s16], $0x1800, $0x38;
	[tilespmem:$0x1FC80] =	vst v63  }
0x353: {  	_ =	swait.ge [sflag:s9], $0x1800  }
0x354: {  	[sflag:s9] =	ssyncset.done $0x0  }
0x355: {  	s8 =	rddreg [dreg:$0xf];
	[sflag:s9] =	ssyncadd.s32 $0xFFFFE800  }
0x356: {  	[hbm4b:s8+s0] =	stream.linear.scatter [tilespmem:s7], [sflag:$0xD], $0x1800, $0x38;
	[tilespmem:$0x1FC80] =	vst v63  }
0x357: {  	_ =	swait.ge [sflag:s9], $0x1800  }
0x358: {  	[sflag:s9] =	ssyncset.done $0x0  }
0x359: {  	s11 =	rddreg [dreg:$0x1d];
	[sflag:s9] =	ssyncadd.s32 $0xFFFFE800  }
0x35a: {  	[tilespmem:s7], [sflag:$0xD] =	stream.linear.gather [spmem:s11], $0x1800, $0x38;
	[tilespmem:$0x1FC80] =	vst v63  }
0x35b: {  	_ =	swait.ge [sflag:s9], $0x1800  }
0x35c: {  	[sflag:s9] =	ssyncset.done $0x0  }
0x35d: {  	s16 =	rddreg [dreg:$0x10];
	[sflag:s9] =	ssyncadd.s32 $0xFFFFE800  }
0x35e: {  	[hbm4b:s16+s0] =	stream.linear.scatter [tilespmem:s7], [sflag:$0xD], $0x1800, $0x38;
	[tilespmem:$0x1FC80] =	vst v63  }
0x35f: {  	_ =	swait.ge [sflag:s9], $0x1800  }
0x360: {  	s7 =	sld [smem:$0x7FB]  }
0x361: {  	[sflag:s9] =	ssyncset.done $0x0  }
0x362: {  	s6 =	simm.s32 @!p0 $0x1B80;
	[sflag:s9] =	ssyncadd.s32 $0xFFFFE800  }
0x363: {  	[tilespmem:s6], [sflag:$0xD] =	stream.linear.gather @!p0 [spmem:s7], $0x800, $0x38;
	[tilespmem:$0x1FC80] =	vst v63  }
0x364: {  	s7 =	simm.s32 @!p0 $0xD  }
0x365: {  	_ =	swait.ge @!p0 [sflag:s7], $0x800  }
0x366: {  	s11 =	sld [smem:$0x7F8]  }
0x367: {  	[sflag:s7] =	ssyncset.done @!p0 $0x0  }
0x368: {  	s8 =	simm.s32 @!p0 $0x0;
	[sflag:s7] =	ssyncadd.s32 @!p0 $0xFFFFF800  }
0x369: {  	[hbm4b:s11+s8] =	stream.linear.scatter @!p0 [tilespmem:s6], [sflag:$0xD], $0x800, $0x38;
	[tilespmem:$0x1FC80] =	vst v63  }
0x36a: {  	_ =	swait.ge @!p0 [sflag:s7], $0x800  }
0x36b: {  	s8 =	sld [smem:$0x7F9]  }
0x36c: {  	[sflag:s7] =	ssyncset.done @!p0 $0x0  }
0x36d: {  	[sflag:s7] =	ssyncadd.s32 @!p0 $0xFFFFF800  }
0x36e: {  	[hbm4b:s8+s0] =	stream.linear.scatter [tilespmem:s1], [sflag:$0xD], $0x40, $0x38;
	[tilespmem:$0x1FC80] =	vst v63  }
0x36f: {  	_ =	swait.ge [sflag:s9], $0x40  }
0x370: {  	s11 =	sld [smem:$0x7EF]  }
0x371: {  	s16 =	sld [smem:$0x7FA];
	_ =	sdelay $0x1  }
0x372: {  	s7 =	sadd.s32 $0x1, s11  }
0x373: {  	p1 =	sne.s32 s7, s16  }
.Ltmp5:
0x374: {  	_ = 	snop;
	(pc) =	sbr.rel @p1 .LBB2_1-.Ltmp5, $3  }
0x375: {  	_ =	sdelay $0x1  }
0x376: {  	[sflag:s9] =	ssyncset.done $0x0  }
0x377: {  	[sflag:s9] =	ssyncadd.s32 $0xFFFFFFC0  }
0x378: {  	_ =	sfence.sel $0x180000  }
0x379: {  	[bflag:$0x0] =	sbarrier.arrive $0xFFFF  }
0x37a: {  	_ =	strace $0x90000047  }
0x37b: {  	[bflag:$0x2] =	sbarrier.arrive $0xFFFF  }
0x37c: {  	s0 =	rddreg [dreg:$0x3]  }
0x37d: {  	s0 =	sadd.s32 @!p0 $0x100000, s0  }
0x37e: {  	[sflag:s0] =	ssyncadd.tile.s32 @!p0 $0x1;
	_ =	shalt  }
.Lfunc_end2:
_tile_overlayer_lowered:
.L_overlay_start_2:
0x37f: {  	(tag) =	ssettag $0x2  }
0x380: {  	s0 =	rddreg [dreg:$0x0];
	s2 =	stileid.u32  }
0x381: {  	s1 =	rddreg [dreg:$0x1];
	p0 =	sne.s32 s2, $0x0  }
0x382: {  	s3 =	rddreg [dreg:$0x2];
	[bflag:$0x3] =	sbarrier.arrive $0xFFFF;
	s2 =	simm.s32 @!p0 $0x1C0D  }
0x383: {  	[timem:s3], [sflag:s2] =	dma.local @!p0 [hbm:s0], s1  }
0x384: {  	s0 =	simm.s32 @!p0 $0xD  }
0x385: {  	_ =	swait.ge @!p0 [sflag:s0], s1  }
0x386: {  	s1 =	ssub.s32 @!p0 $0x0, s1;
	[sflag:s0] =	ssyncset.done @!p0 $0x0  }
0x387: {  	[sflag:s0] =	ssyncadd.s32 @!p0 s1  }
0x388: {  	[bflag:$0x3] =	sbarrier.arrive $0xFFFF  }
0x389: {  	_ =	shalt  }

</sc_bundles>
